<compile_context>
chip_gen: v7x
topology: tpu7x:2x2x1
jax: 0.10.2.dev20260603
libtpu: 0.0.44.dev20260713+nightly
codegen_flags: <defaults>
</compile_context>

<pallas_src>
import functools

import jax
import jax.numpy as jnp
from jax import lax
from jax.experimental import pallas as pl
from jax.experimental.pallas import tpu as pltpu
from jax.experimental.pallas import tpu_sc as plsc

NC, NS, L = 2, 16, 16
NW = NC * NS

ROI = 5
TAPS = ROI * ROI
D_LO = (0, 1, 2, 2, 3)
D_HI = (1, 2, 2, 3, 4)
WA = (0.6, 0.8, 1.0, 0.2, 0.4)
WB = (0.4, 0.2, 0.0, 0.8, 0.6)

PWMAX = 128
HB = 2
TPH = HB * TAPS
NHBMAX = PWMAX // HB
IGRP = (TPH + L - 1) // L
PD = 4
GW = 2 * HB


@functools.lru_cache(maxsize=None)
def _build(B, C, H, W, N):
    BN = B * N
    assert BN % GW == 0 and BN <= NW * PWMAX and C % L == 0
    CCH = C // L
    mesh = plsc.VectorSubcoreMesh(core_axis_name="c", subcore_axis_name="s")

    @functools.partial(
        pl.kernel,
        out_type=jax.ShapeDtypeStruct((BN, C * TAPS), jnp.float32),
        mesh=mesh,
        compiler_params=pltpu.CompilerParams(
            use_tc_tiling_on_sc=False, needs_layout_passes=False),
        scratch_types=[
            pltpu.VMEM((PWMAX,), jnp.int32),
            pltpu.VMEM((PWMAX,), jnp.int32),
            pltpu.VMEM((NHBMAX, TPH), jnp.int32),
            pltpu.VMEM((PD, TPH, C), jnp.float32),
            pltpu.VMEM((2, GW, C * TAPS), jnp.float32),
            pltpu.SemaphoreType.DMA((PD,)),
            pltpu.SemaphoreType.DMA((2,)),
        ],
    )
    def sc_kernel(table, cx1, cy1, out, cx_v, cy_v, idx_v, patch, outb,
                  gsem, wsem):
        wid = lax.axis_index("c") * NS + lax.axis_index("s")
        m0 = wid * PWMAX
        pw = jnp.clip(BN - m0, 0, PWMAX)
        nhb = pw // HB

        pltpu.sync_copy(cx1.at[pl.ds(m0, PWMAX)], cx_v)
        pltpu.sync_copy(cy1.at[pl.ds(m0, PWMAX)], cy_v)

        lanes = jax.lax.broadcasted_iota(jnp.int32, (L,), 0)

        def build_group(q, carry):
            hb = q // IGRP
            pos = jnp.minimum((q % IGRP) * L + lanes, TPH - 1)
            gl = pos // TAPS
            k = pos - gl * TAPS
            dy = k // ROI
            dx = k - dy * ROI
            ci = hb * HB + gl
            cyv = plsc.load_gather(cy_v, [ci])
            cxv = plsc.load_gather(cx_v, [ci])
            y = jnp.clip(cyv + dy - 2, 0, H - 1)
            x = jnp.clip(cxv + dx - 2, 0, W - 1)
            r = ((m0 + ci) // N) * (H * W) + y * W + x
            plsc.store_scatter(idx_v, [jnp.full((L,), hb, jnp.int32), pos], r)
            return carry

        lax.fori_loop(0, nhb * IGRP, build_group, 0)

        def start_gather(hb):
            pb = hb % PD
            pltpu.async_copy(table.at[idx_v.at[hb]], patch.at[pb], gsem.at[pb])

        def wait_gather(hb):
            pb = hb % PD
            pltpu.make_async_copy(
                table.at[idx_v.at[hb]], patch.at[pb], gsem.at[pb]).wait()

        def write_group(r):
            return (outb.at[r % 2], out.at[pl.ds(m0 + r * GW, GW)],
                    wsem.at[r % 2])

        def start_write(r):
            src, dst, sem = write_group(r)
            pltpu.async_copy(src, dst, sem)

        def wait_write(r):
            src, dst, sem = write_group(r)
            pltpu.make_async_copy(src, dst, sem).wait()

        def prime(i):
            @pl.when(nhb > i)
            def _():
                start_gather(i)

        for i in range(PD):
            prime(i)

        col_scale = lanes * TAPS

        def hb_body(hb, carry):
            wait_gather(hb)
            pb = hb % PD
            wb = (hb // 2) % 2

            @pl.when((hb % 2 == 0) & (hb >= 4))
            def _():
                wait_write(hb // 2 - 2)

            def cand_body(g, carry2):
                ci = hb * HB + g
                ci_v = jnp.full((L,), ci, jnp.int32)
                cyg = plsc.load_gather(cy_v, [ci_v])
                cxg = plsc.load_gather(cx_v, [ci_v])
                myf = jnp.where(cyg == 0, 0.0, 1.0).astype(jnp.float32)
                mxf = jnp.where(cxg == 0, 0.0, 1.0).astype(jnp.float32)
                wya0 = myf * WA[0]
                wyb0 = myf * WB[0]
                wxa0 = mxf * WA[0]
                wxb0 = mxf * WB[0]
                row0 = g * TAPS
                orow = (hb % 2) * HB + g
                orow_v = jnp.full((L,), orow, jnp.int32)

                def chunk_body(cc, carry3):
                    c0 = cc * L
                    tmp = [[None] * ROI for _ in range(ROI)]
                    for dx in range(ROI):
                        col = [patch[pb, row0 + d * ROI + dx, pl.ds(c0, L)]
                               for d in range(ROI)]
                        tmp[0][dx] = col[D_LO[0]] * wya0 + col[D_HI[0]] * wyb0
                        for iy in range(1, ROI):
                            if WB[iy] == 0.0:
                                tmp[iy][dx] = col[D_LO[iy]]
                            else:
                                tmp[iy][dx] = (col[D_LO[iy]] * WA[iy]
                                               + col[D_HI[iy]] * WB[iy])
                    cbase = col_scale + c0 * TAPS
                    for iy in range(ROI):
                        for ix in range(ROI):
                            if ix == 0:
                                o = (tmp[iy][D_LO[0]] * wxa0
                                     + tmp[iy][D_HI[0]] * wxb0)
                            elif WB[ix] == 0.0:
                                o = tmp[iy][D_LO[ix]]
                            else:
                                o = (tmp[iy][D_LO[ix]] * WA[ix]
                                     + tmp[iy][D_HI[ix]] * WB[ix])
                            j = iy * ROI + ix
                            plsc.store_scatter(outb.at[wb],
                                               [orow_v, cbase + j], o)
                    return carry3

                lax.fori_loop(0, CCH, chunk_body, 0)
                return carry2

            lax.fori_loop(0, HB, cand_body, 0)

            @pl.when(hb % 2 == 1)
            def _():
                start_write(hb // 2)

            @pl.when(hb + PD < nhb)
            def _():
                start_gather(hb + PD)

            return carry

        lax.fori_loop(0, nhb, hb_body, 0)

        @pl.when(nhb > 0)
        def _():
            wait_write(nhb // 2 - 1)

        @pl.when(nhb > 2)
        def _():
            wait_write(nhb // 2 - 2)

    return sc_kernel


def kernel(feature_map, candidates):
    B, C, H, W = feature_map.shape
    N = candidates.shape[1]
    BN = B * N
    table = jnp.transpose(feature_map, (0, 2, 3, 1)).reshape(B * H * W, C)
    cf = candidates.reshape(BN, 2)
    pad = NW * PWMAX - BN
    cx1 = jnp.pad(cf[:, 0], (0, pad))
    cy1 = jnp.pad(cf[:, 1], (0, pad))
    out = _build(B, C, H, W, N)(table, cx1, cy1)
    return out.reshape(B, N, C * TAPS)

# --- scband reference (transcript-rebuilt; emitter-appended) ---
"""Pipeline reference for scband-feature-encoding-53979148976774 (READ-ONLY COPY).

The authoritative reference and input builder live on the scoring server;
editing this copy changes nothing except your own understanding.
"""

import jax, jax.numpy as jnp
import numpy as np

ROI_SIZE = 5
BOX_SIZE = 4.0


def _bilinear(fm, y, x):
    # fm: [C, H, W]; y, x: [M] float sample coords. torchvision roi_align bilinear semantics.
    C, H, W = fm.shape
    valid = (y > -1.0) & (y < H) & (x > -1.0) & (x < W)
    y = jnp.where(y < 0.0, 0.0, y)
    x = jnp.where(x < 0.0, 0.0, x)
    y_low = jnp.minimum(jnp.floor(y).astype(jnp.int32), H - 1)
    x_low = jnp.minimum(jnp.floor(x).astype(jnp.int32), W - 1)
    y = jnp.where(y_low >= H - 1, y_low.astype(y.dtype), y)
    x = jnp.where(x_low >= W - 1, x_low.astype(x.dtype), x)
    y_high = jnp.minimum(y_low + 1, H - 1)
    x_high = jnp.minimum(x_low + 1, W - 1)
    ly = y - y_low.astype(y.dtype)
    lx = x - x_low.astype(x.dtype)
    hy = 1.0 - ly
    hx = 1.0 - lx
    v1 = fm[:, y_low, x_low]
    v2 = fm[:, y_low, x_high]
    v3 = fm[:, y_high, x_low]
    v4 = fm[:, y_high, x_high]
    out = v1 * (hy * hx)[None, :] + v2 * (hy * lx)[None, :] + v3 * (ly * hx)[None, :] + v4 * (ly * lx)[None, :]
    return jnp.where(valid[None, :], out, 0.0)


def _roi_align_one_image(fm_b, cand_b):
    # fm_b: [C, H, W]; cand_b: [N, 2] (x, y) centers. Boxes are BOX_SIZE square centered at each point.
    # spatial_scale=1.0; roi_w=roi_h=4 -> sampling_ratio=ceil(4/5)=1 sample per bin (torchvision default -1).
    C, H, W = fm_b.shape
    N = cand_b.shape[0]
    cx = cand_b[:, 0].astype(jnp.float32)
    cy = cand_b[:, 1].astype(jnp.float32)
    bin_sz = BOX_SIZE / ROI_SIZE
    offs = (jnp.arange(ROI_SIZE, dtype=jnp.float32) + 0.5) * bin_sz - BOX_SIZE / 2.0
    sy = jnp.broadcast_to(cy[:, None, None] + offs[None, :, None], (N, ROI_SIZE, ROI_SIZE)).reshape(-1)
    sx = jnp.broadcast_to(cx[:, None, None] + offs[None, None, :], (N, ROI_SIZE, ROI_SIZE)).reshape(-1)
    vals = _bilinear(fm_b, sy, sx)  # [C, N*ROI*ROI]
    vals = vals.reshape(C, N, ROI_SIZE, ROI_SIZE).transpose(1, 0, 2, 3)
    return vals.reshape(N, C * ROI_SIZE * ROI_SIZE)


def _forward(feature_map, candidates):
    return jax.vmap(_roi_align_one_image)(feature_map, candidates)


def setup_inputs(seed: int = 0):
    key = jax.random.key(seed)
    k1, k2 = jax.random.split(key)
    feature_map = jax.random.normal(k1, (2, 256, 128, 128), dtype=jnp.float32)
    candidates = jax.random.randint(k2, (2, 2000, 2), 0, 124, dtype=jnp.int32)
    return {"feature_map": feature_map, "candidates": candidates}


def reference(feature_map, candidates):
    return _forward(feature_map, candidates)

if __name__ == "__main__":
    import jax
    _d = setup_inputs()
    print(jax.jit(kernel)(*tuple(_d.values())))

</pallas_src>

<mosaic_0001>
#map = affine_map<(d0, d1) -> (0, 0)>
#map1 = affine_map<(d0, d1) -> (0)>
module attributes {stable_mosaic.version = 14 : i64} {
  func.func @sc_kernel(%arg0: i32, %arg1: i32, %arg2: memref<32768x256xf32, #tpu.memory_space<hbm>>, %arg3: memref<4096xi32, #tpu.memory_space<hbm>>, %arg4: memref<4096xi32, #tpu.memory_space<hbm>>, %arg5: memref<4000x6400xf32, #tpu.memory_space<hbm>>, %arg6: memref<128xi32, #tpu.memory_space<vmem>>, %arg7: memref<128xi32, #tpu.memory_space<vmem>>, %arg8: memref<64x50xi32, #tpu.memory_space<vmem>>, %arg9: memref<4x50x256xf32, #tpu.memory_space<vmem>>, %arg10: memref<2x4x6400xf32, #tpu.memory_space<vmem>>, %arg11: memref<4x!tpu.dma_semaphore, #tpu.memory_space<semaphore_mem>>, %arg12: memref<2x!tpu.dma_semaphore, #tpu.memory_space<semaphore_mem>>) attributes {dimension_semantics = [#tpu.dimension_semantics<core_parallel>, #tpu.dimension_semantics<subcore_parallel>], iteration_bounds = array<i64: 2, 16>, scalar_prefetch = 0 : i64, scratch_operands = 7 : i64, tpu.core_type = #tpu.core_type<sc_vector_subcore>, window_params = [{transform_indices = #map}, {transform_indices = #map1}, {transform_indices = #map1}, {transform_indices = #map}]} {
    %mul3A = arith.constant 16 : i32
    %mul3A_0 = arith.muli %arg0, %mul3A : i32
    %add3A = arith.addi %mul3A_0, %arg1 : i32
    %mul3A_1 = arith.constant 128 : i32
    %mul3A_2 = arith.muli %add3A, %mul3A_1 : i32
    %sub3A = arith.constant 4000 : i32
    %sub3A_3 = arith.subi %sub3A, %mul3A_2 : i32
    %jit3A = arith.constant 0 : i32
    %jit3A_4 = arith.constant 128 : i32
    %max3A = arith.maxsi %jit3A, %sub3A_3 : i32
    %min3A = arith.minsi %jit3A_4, %max3A : i32
    %jit3A_5 = arith.constant 2 : i32
    %div3A = arith.divsi %min3A, %jit3A_5 : i32
    %sign3A = arith.constant 0 : i32
    %sign3A_6 = arith.cmpi sgt, %min3A, %sign3A : i32
    %sign3A_7 = arith.extui %sign3A_6 : i1 to i32
    %sign3A_8 = arith.constant 0 : i32
    %sign3A_9 = arith.cmpi slt, %min3A, %sign3A_8 : i32
    %sign3A_10 = arith.extui %sign3A_9 : i1 to i32
    %sign3A_11 = arith.subi %sign3A_7, %sign3A_10 : i32
    %sign3A_12 = arith.constant 0 : i32
    %sign3A_13 = arith.cmpi sgt, %jit3A_5, %sign3A_12 : i32
    %sign3A_14 = arith.extui %sign3A_13 : i1 to i32
    %sign3A_15 = arith.constant 0 : i32
    %sign3A_16 = arith.cmpi slt, %jit3A_5, %sign3A_15 : i32
    %sign3A_17 = arith.extui %sign3A_16 : i1 to i32
    %sign3A_18 = arith.subi %sign3A_14, %sign3A_17 : i32
    %ne3A = arith.cmpi ne, %sign3A_11, %sign3A_18 : i32
    %rem3A = arith.remsi %min3A, %jit3A_5 : i32
    %ne3A_19 = arith.constant 0 : i32
    %ne3A_20 = arith.cmpi ne, %rem3A, %ne3A_19 : i32
    %and3A = arith.andi %ne3A, %ne3A_20 : i1
    %sub3A_21 = arith.constant 1 : i32
    %sub3A_22 = arith.subi %div3A, %sub3A_21 : i32
    %select_n3A = arith.select %and3A, %sub3A_22, %div3A : i32
    "tpu.region"() ({
      %run_scoped3A = tpu.sem_alloc : memref<!tpu.dma_semaphore, #tpu.memory_space<semaphore_mem>>
      %dma_start3A = tpu.memref_slice %arg3[%mul3A_2] : memref<4096xi32, #tpu.memory_space<hbm>> -> memref<128xi32, #tpu.memory_space<hbm>>
      %dma_start3A_74 = tpu.memref_slice %arg3[%mul3A_2] : memref<4096xi32, #tpu.memory_space<hbm>> -> memref<128xi32, #tpu.memory_space<hbm>>
      tpu.enqueue_dma source(%dma_start3A_74 : memref<128xi32, #tpu.memory_space<hbm>>) target(%arg6 : memref<128xi32, #tpu.memory_space<vmem>>) target_semaphore(%run_scoped3A : memref<!tpu.dma_semaphore, #tpu.memory_space<semaphore_mem>>)
      %dma_wait3A = tpu.memref_slice %arg3[%mul3A_2] : memref<4096xi32, #tpu.memory_space<hbm>> -> memref<128xi32, #tpu.memory_space<hbm>>
      %dma_wait3A_75 = tpu.memref_slice %arg3[%mul3A_2] : memref<4096xi32, #tpu.memory_space<hbm>> -> memref<128xi32, #tpu.memory_space<hbm>>
      tpu.wait_dma2 semaphore(%run_scoped3A : memref<!tpu.dma_semaphore, #tpu.memory_space<semaphore_mem>>) src(%dma_wait3A_75 : memref<128xi32, #tpu.memory_space<hbm>>) dst(%arg6 : memref<128xi32, #tpu.memory_space<vmem>>)
      tpu.yield
    }) : () -> ()
    "tpu.region"() ({
      %run_scoped3A = tpu.sem_alloc : memref<!tpu.dma_semaphore, #tpu.memory_space<semaphore_mem>>
      %dma_start3A = tpu.memref_slice %arg4[%mul3A_2] : memref<4096xi32, #tpu.memory_space<hbm>> -> memref<128xi32, #tpu.memory_space<hbm>>
      %dma_start3A_74 = tpu.memref_slice %arg4[%mul3A_2] : memref<4096xi32, #tpu.memory_space<hbm>> -> memref<128xi32, #tpu.memory_space<hbm>>
      tpu.enqueue_dma source(%dma_start3A_74 : memref<128xi32, #tpu.memory_space<hbm>>) target(%arg7 : memref<128xi32, #tpu.memory_space<vmem>>) target_semaphore(%run_scoped3A : memref<!tpu.dma_semaphore, #tpu.memory_space<semaphore_mem>>)
      %dma_wait3A = tpu.memref_slice %arg4[%mul3A_2] : memref<4096xi32, #tpu.memory_space<hbm>> -> memref<128xi32, #tpu.memory_space<hbm>>
      %dma_wait3A_75 = tpu.memref_slice %arg4[%mul3A_2] : memref<4096xi32, #tpu.memory_space<hbm>> -> memref<128xi32, #tpu.memory_space<hbm>>
      tpu.wait_dma2 semaphore(%run_scoped3A : memref<!tpu.dma_semaphore, #tpu.memory_space<semaphore_mem>>) src(%dma_wait3A_75 : memref<128xi32, #tpu.memory_space<hbm>>) dst(%arg7 : memref<128xi32, #tpu.memory_space<vmem>>)
      tpu.yield
    }) : () -> ()
    %iota3A = tpu.iota {dimensions = array<i32: 0>} : vector<16xi32>
    %mul3A_23 = arith.constant 4 : i32
    %mul3A_24 = arith.muli %select_n3A, %mul3A_23 : i32
    %while3A = arith.constant 0 : i32
    %while3A_25 = arith.constant 0 : i32
    %while3A_26 = arith.subi %mul3A_24, %while3A_25 : i32
    %while3A_27 = arith.addi %while3A_25, %while3A_26 : i32
    %while3A_28 = arith.constant 1 : i32
    %while3A_29 = arith.divsi %while3A_26, %while3A_28 : i32
    %while3A_30 = arith.muli %while3A_29, %while3A_28 : i32
    %while3A_31 = arith.addi %while3A_25, %while3A_30 : i32
    %while3A_32 = arith.constant 1 : i32
    scf.for %while3A_74 = %while3A_25 to %while3A_31 step %while3A_32  : i32 {
      %jit3A_75 = arith.constant 4 : i32
      %div3A_76 = arith.divsi %while3A_74, %jit3A_75 : i32
      %sign3A_77 = arith.constant 0 : i32
      %sign3A_78 = arith.cmpi sgt, %while3A_74, %sign3A_77 : i32
      %sign3A_79 = arith.extui %sign3A_78 : i1 to i32
      %sign3A_80 = arith.constant 0 : i32
      %sign3A_81 = arith.cmpi slt, %while3A_74, %sign3A_80 : i32
      %sign3A_82 = arith.extui %sign3A_81 : i1 to i32
      %sign3A_83 = arith.subi %sign3A_79, %sign3A_82 : i32
      %sign3A_84 = arith.constant 0 : i32
      %sign3A_85 = arith.cmpi sgt, %jit3A_75, %sign3A_84 : i32
      %sign3A_86 = arith.extui %sign3A_85 : i1 to i32
      %sign3A_87 = arith.constant 0 : i32
      %sign3A_88 = arith.cmpi slt, %jit3A_75, %sign3A_87 : i32
      %sign3A_89 = arith.extui %sign3A_88 : i1 to i32
      %sign3A_90 = arith.subi %sign3A_86, %sign3A_89 : i32
      %ne3A_91 = arith.cmpi ne, %sign3A_83, %sign3A_90 : i32
      %rem3A_92 = arith.remsi %while3A_74, %jit3A_75 : i32
      %ne3A_93 = arith.constant 0 : i32
      %ne3A_94 = arith.cmpi ne, %rem3A_92, %ne3A_93 : i32
      %and3A_95 = arith.andi %ne3A_91, %ne3A_94 : i1
      %sub3A_96 = arith.constant 1 : i32
      %sub3A_97 = arith.subi %div3A_76, %sub3A_96 : i32
      %select_n3A_98 = arith.select %and3A_95, %sub3A_97, %div3A_76 : i32
      %jit3A_99 = arith.constant 4 : i32
      %eq3A = arith.constant 0 : i32
      %eq3A_100 = arith.cmpi eq, %jit3A_99, %eq3A : i32
      %jit3A_101 = arith.constant 1 : i32
      %select_n3A_102 = arith.select %eq3A_100, %jit3A_101, %jit3A_99 : i32
      %rem3A_103 = arith.remsi %while3A_74, %select_n3A_102 : i32
      %ne3A_104 = arith.constant 0 : i32
      %ne3A_105 = arith.cmpi ne, %rem3A_103, %ne3A_104 : i32
      %lt3A = arith.constant 0 : i32
      %lt3A_106 = arith.cmpi slt, %rem3A_103, %lt3A : i32
      %lt3A_107 = arith.constant 0 : i32
      %lt3A_108 = arith.cmpi slt, %select_n3A_102, %lt3A_107 : i32
      %ne3A_109 = arith.xori %lt3A_106, %lt3A_108 : i1
      %and3A_110 = arith.andi %ne3A_109, %ne3A_105 : i1
      %add3A_111 = arith.addi %rem3A_103, %select_n3A_102 : i32
      %select_n3A_112 = arith.select %and3A_110, %add3A_111, %rem3A_103 : i32
      %mul3A_113 = arith.constant 16 : i32
      %mul3A_114 = arith.muli %select_n3A_112, %mul3A_113 : i32
      %add3A_115 = vector.broadcast %mul3A_114 : i32 to vector<16xi32>
      %add3A_116 = arith.addi %add3A_115, %iota3A : vector<16xi32>
      %min3A_117 = arith.constant 49 : i32
      %min3A_118 = vector.broadcast %min3A_117 : i32 to vector<16xi32>
      %min3A_119 = arith.minsi %add3A_116, %min3A_118 : vector<16xi32>
      %jit3A_120 = arith.constant 25 : i32
      %div3A_121 = vector.broadcast %jit3A_120 : i32 to vector<16xi32>
      %div3A_122 = arith.divsi %min3A_119, %div3A_121 : vector<16xi32>
      %sign3A_123 = arith.constant 0 : i32
      %sign3A_124 = vector.broadcast %sign3A_123 : i32 to vector<16xi32>
      %sign3A_125 = arith.cmpi sgt, %min3A_119, %sign3A_124 : vector<16xi32>
      %sign3A_126 = arith.extui %sign3A_125 : vector<16xi1> to vector<16xi32>
      %sign3A_127 = arith.constant 0 : i32
      %sign3A_128 = vector.broadcast %sign3A_127 : i32 to vector<16xi32>
      %sign3A_129 = arith.cmpi slt, %min3A_119, %sign3A_128 : vector<16xi32>
      %sign3A_130 = arith.extui %sign3A_129 : vector<16xi1> to vector<16xi32>
      %sign3A_131 = arith.subi %sign3A_126, %sign3A_130 : vector<16xi32>
      %sign3A_132 = arith.constant 0 : i32
      %sign3A_133 = arith.cmpi sgt, %jit3A_120, %sign3A_132 : i32
      %sign3A_134 = arith.extui %sign3A_133 : i1 to i32
      %sign3A_135 = arith.constant 0 : i32
      %sign3A_136 = arith.cmpi slt, %jit3A_120, %sign3A_135 : i32
      %sign3A_137 = arith.extui %sign3A_136 : i1 to i32
      %sign3A_138 = arith.subi %sign3A_134, %sign3A_137 : i32
      %ne3A_139 = vector.broadcast %sign3A_138 : i32 to vector<16xi32>
      %ne3A_140 = arith.cmpi ne, %sign3A_131, %ne3A_139 : vector<16xi32>
      %rem3A_141 = vector.broadcast %jit3A_120 : i32 to vector<16xi32>
      %rem3A_142 = arith.remsi %min3A_119, %rem3A_141 : vector<16xi32>
      %ne3A_143 = arith.constant 0 : i32
      %ne3A_144 = vector.broadcast %ne3A_143 : i32 to vector<16xi32>
      %ne3A_145 = arith.cmpi ne, %rem3A_142, %ne3A_144 : vector<16xi32>
      %and3A_146 = arith.andi %ne3A_140, %ne3A_145 : vector<16xi1>
      %sub3A_147 = arith.constant 1 : i32
      %sub3A_148 = vector.broadcast %sub3A_147 : i32 to vector<16xi32>
      %sub3A_149 = arith.subi %div3A_122, %sub3A_148 : vector<16xi32>
      %select_n3A_150 = arith.select %and3A_146, %sub3A_149, %div3A_122 : vector<16xi1>, vector<16xi32>
      %mul3A_151 = arith.constant 25 : i32
      %mul3A_152 = vector.broadcast %mul3A_151 : i32 to vector<16xi32>
      %mul3A_153 = arith.muli %select_n3A_150, %mul3A_152 : vector<16xi32>
      %sub3A_154 = arith.subi %min3A_119, %mul3A_153 : vector<16xi32>
      %jit3A_155 = arith.constant 5 : i32
      %div3A_156 = vector.broadcast %jit3A_155 : i32 to vector<16xi32>
      %div3A_157 = arith.divsi %sub3A_154, %div3A_156 : vector<16xi32>
      %sign3A_158 = arith.constant 0 : i32
      %sign3A_159 = vector.broadcast %sign3A_158 : i32 to vector<16xi32>
      %sign3A_160 = arith.cmpi sgt, %sub3A_154, %sign3A_159 : vector<16xi32>
      %sign3A_161 = arith.extui %sign3A_160 : vector<16xi1> to vector<16xi32>
      %sign3A_162 = arith.constant 0 : i32
      %sign3A_163 = vector.broadcast %sign3A_162 : i32 to vector<16xi32>
      %sign3A_164 = arith.cmpi slt, %sub3A_154, %sign3A_163 : vector<16xi32>
      %sign3A_165 = arith.extui %sign3A_164 : vector<16xi1> to vector<16xi32>
      %sign3A_166 = arith.subi %sign3A_161, %sign3A_165 : vector<16xi32>
      %sign3A_167 = arith.constant 0 : i32
      %sign3A_168 = arith.cmpi sgt, %jit3A_155, %sign3A_167 : i32
      %sign3A_169 = arith.extui %sign3A_168 : i1 to i32
      %sign3A_170 = arith.constant 0 : i32
      %sign3A_171 = arith.cmpi slt, %jit3A_155, %sign3A_170 : i32
      %sign3A_172 = arith.extui %sign3A_171 : i1 to i32
      %sign3A_173 = arith.subi %sign3A_169, %sign3A_172 : i32
      %ne3A_174 = vector.broadcast %sign3A_173 : i32 to vector<16xi32>
      %ne3A_175 = arith.cmpi ne, %sign3A_166, %ne3A_174 : vector<16xi32>
      %rem3A_176 = vector.broadcast %jit3A_155 : i32 to vector<16xi32>
      %rem3A_177 = arith.remsi %sub3A_154, %rem3A_176 : vector<16xi32>
      %ne3A_178 = arith.constant 0 : i32
      %ne3A_179 = vector.broadcast %ne3A_178 : i32 to vector<16xi32>
      %ne3A_180 = arith.cmpi ne, %rem3A_177, %ne3A_179 : vector<16xi32>
      %and3A_181 = arith.andi %ne3A_175, %ne3A_180 : vector<16xi1>
      %sub3A_182 = arith.constant 1 : i32
      %sub3A_183 = vector.broadcast %sub3A_182 : i32 to vector<16xi32>
      %sub3A_184 = arith.subi %div3A_157, %sub3A_183 : vector<16xi32>
      %select_n3A_185 = arith.select %and3A_181, %sub3A_184, %div3A_157 : vector<16xi1>, vector<16xi32>
      %mul3A_186 = arith.constant 5 : i32
      %mul3A_187 = vector.broadcast %mul3A_186 : i32 to vector<16xi32>
      %mul3A_188 = arith.muli %select_n3A_185, %mul3A_187 : vector<16xi32>
      %sub3A_189 = arith.subi %sub3A_154, %mul3A_188 : vector<16xi32>
      %mul3A_190 = arith.constant 2 : i32
      %mul3A_191 = arith.muli %select_n3A_98, %mul3A_190 : i32
      %add3A_192 = vector.broadcast %mul3A_191 : i32 to vector<16xi32>
      %add3A_193 = arith.addi %add3A_192, %select_n3A_150 : vector<16xi32>
      %gather3A = tpu.vector_load_idx %arg7[%add3A_193] : memref<128xi32, #tpu.memory_space<vmem>>[vector<16xi32>], vector<16xi32>,
      %gather3A_194 = tpu.vector_load_idx %arg6[%add3A_193] : memref<128xi32, #tpu.memory_space<vmem>>[vector<16xi32>], vector<16xi32>,
      %add3A_195 = arith.addi %gather3A, %select_n3A_185 : vector<16xi32>
      %sub3A_196 = arith.constant 2 : i32
      %sub3A_197 = vector.broadcast %sub3A_196 : i32 to vector<16xi32>
      %sub3A_198 = arith.subi %add3A_195, %sub3A_197 : vector<16xi32>
      %jit3A_199 = arith.constant 0 : i32
      %jit3A_200 = arith.constant 127 : i32
      %max3A_201 = vector.broadcast %jit3A_199 : i32 to vector<16xi32>
      %max3A_202 = arith.maxsi %max3A_201, %sub3A_198 : vector<16xi32>
      %min3A_203 = vector.broadcast %jit3A_200 : i32 to vector<16xi32>
      %min3A_204 = arith.minsi %min3A_203, %max3A_202 : vector<16xi32>
      %add3A_205 = arith.addi %gather3A_194, %sub3A_189 : vector<16xi32>
      %sub3A_206 = arith.constant 2 : i32
      %sub3A_207 = vector.broadcast %sub3A_206 : i32 to vector<16xi32>
      %sub3A_208 = arith.subi %add3A_205, %sub3A_207 : vector<16xi32>
      %jit3A_209 = arith.constant 0 : i32
      %jit3A_210 = arith.constant 127 : i32
      %max3A_211 = vector.broadcast %jit3A_209 : i32 to vector<16xi32>
      %max3A_212 = arith.maxsi %max3A_211, %sub3A_208 : vector<16xi32>
      %min3A_213 = vector.broadcast %jit3A_210 : i32 to vector<16xi32>
      %min3A_214 = arith.minsi %min3A_213, %max3A_212 : vector<16xi32>
      %add3A_215 = vector.broadcast %mul3A_2 : i32 to vector<16xi32>
      %add3A_216 = arith.addi %add3A_215, %add3A_193 : vector<16xi32>
      %jit3A_217 = arith.constant 2000 : i32
      %div3A_218 = vector.broadcast %jit3A_217 : i32 to vector<16xi32>
      %div3A_219 = arith.divsi %add3A_216, %div3A_218 : vector<16xi32>
      %sign3A_220 = arith.constant 0 : i32
      %sign3A_221 = vector.broadcast %sign3A_220 : i32 to vector<16xi32>
      %sign3A_222 = arith.cmpi sgt, %add3A_216, %sign3A_221 : vector<16xi32>
      %sign3A_223 = arith.extui %sign3A_222 : vector<16xi1> to vector<16xi32>
      %sign3A_224 = arith.constant 0 : i32
      %sign3A_225 = vector.broadcast %sign3A_224 : i32 to vector<16xi32>
      %sign3A_226 = arith.cmpi slt, %add3A_216, %sign3A_225 : vector<16xi32>
      %sign3A_227 = arith.extui %sign3A_226 : vector<16xi1> to vector<16xi32>
      %sign3A_228 = arith.subi %sign3A_223, %sign3A_227 : vector<16xi32>
      %sign3A_229 = arith.constant 0 : i32
      %sign3A_230 = arith.cmpi sgt, %jit3A_217, %sign3A_229 : i32
      %sign3A_231 = arith.extui %sign3A_230 : i1 to i32
      %sign3A_232 = arith.constant 0 : i32
      %sign3A_233 = arith.cmpi slt, %jit3A_217, %sign3A_232 : i32
      %sign3A_234 = arith.extui %sign3A_233 : i1 to i32
      %sign3A_235 = arith.subi %sign3A_231, %sign3A_234 : i32
      %ne3A_236 = vector.broadcast %sign3A_235 : i32 to vector<16xi32>
      %ne3A_237 = arith.cmpi ne, %sign3A_228, %ne3A_236 : vector<16xi32>
      %rem3A_238 = vector.broadcast %jit3A_217 : i32 to vector<16xi32>
      %rem3A_239 = arith.remsi %add3A_216, %rem3A_238 : vector<16xi32>
      %ne3A_240 = arith.constant 0 : i32
      %ne3A_241 = vector.broadcast %ne3A_240 : i32 to vector<16xi32>
      %ne3A_242 = arith.cmpi ne, %rem3A_239, %ne3A_241 : vector<16xi32>
      %and3A_243 = arith.andi %ne3A_237, %ne3A_242 : vector<16xi1>
      %sub3A_244 = arith.constant 1 : i32
      %sub3A_245 = vector.broadcast %sub3A_244 : i32 to vector<16xi32>
      %sub3A_246 = arith.subi %div3A_219, %sub3A_245 : vector<16xi32>
      %select_n3A_247 = arith.select %and3A_243, %sub3A_246, %div3A_219 : vector<16xi1>, vector<16xi32>
      %mul3A_248 = arith.constant 16384 : i32
      %mul3A_249 = vector.broadcast %mul3A_248 : i32 to vector<16xi32>
      %mul3A_250 = arith.muli %select_n3A_247, %mul3A_249 : vector<16xi32>
      %mul3A_251 = arith.constant 128 : i32
      %mul3A_252 = vector.broadcast %mul3A_251 : i32 to vector<16xi32>
      %mul3A_253 = arith.muli %min3A_204, %mul3A_252 : vector<16xi32>
      %add3A_254 = arith.addi %mul3A_250, %mul3A_253 : vector<16xi32>
      %add3A_255 = arith.addi %add3A_254, %min3A_214 : vector<16xi32>
      %broadcast_in_dim3A = vector.broadcast %select_n3A_98 : i32 to vector<16xi32>
      tpu.vector_store_idx %arg8[%broadcast_in_dim3A, %min3A_119], %add3A_255 : memref<64x50xi32, #tpu.memory_space<vmem>>[vector<16xi32>, vector<16xi32>], vector<16xi32>,
    }
    %while3A_33 = arith.constant 1 : i32
    scf.for %while3A_74 = %while3A_31 to %while3A_27 step %while3A_33  : i32 {
      %jit3A_75 = arith.constant 4 : i32
      %div3A_76 = arith.divsi %while3A_74, %jit3A_75 : i32
      %sign3A_77 = arith.constant 0 : i32
      %sign3A_78 = arith.cmpi sgt, %while3A_74, %sign3A_77 : i32
      %sign3A_79 = arith.extui %sign3A_78 : i1 to i32
      %sign3A_80 = arith.constant 0 : i32
      %sign3A_81 = arith.cmpi slt, %while3A_74, %sign3A_80 : i32
      %sign3A_82 = arith.extui %sign3A_81 : i1 to i32
      %sign3A_83 = arith.subi %sign3A_79, %sign3A_82 : i32
      %sign3A_84 = arith.constant 0 : i32
      %sign3A_85 = arith.cmpi sgt, %jit3A_75, %sign3A_84 : i32
      %sign3A_86 = arith.extui %sign3A_85 : i1 to i32
      %sign3A_87 = arith.constant 0 : i32
      %sign3A_88 = arith.cmpi slt, %jit3A_75, %sign3A_87 : i32
      %sign3A_89 = arith.extui %sign3A_88 : i1 to i32
      %sign3A_90 = arith.subi %sign3A_86, %sign3A_89 : i32
      %ne3A_91 = arith.cmpi ne, %sign3A_83, %sign3A_90 : i32
      %rem3A_92 = arith.remsi %while3A_74, %jit3A_75 : i32
      %ne3A_93 = arith.constant 0 : i32
      %ne3A_94 = arith.cmpi ne, %rem3A_92, %ne3A_93 : i32
      %and3A_95 = arith.andi %ne3A_91, %ne3A_94 : i1
      %sub3A_96 = arith.constant 1 : i32
      %sub3A_97 = arith.subi %div3A_76, %sub3A_96 : i32
      %select_n3A_98 = arith.select %and3A_95, %sub3A_97, %div3A_76 : i32
      %jit3A_99 = arith.constant 4 : i32
      %eq3A = arith.constant 0 : i32
      %eq3A_100 = arith.cmpi eq, %jit3A_99, %eq3A : i32
      %jit3A_101 = arith.constant 1 : i32
      %select_n3A_102 = arith.select %eq3A_100, %jit3A_101, %jit3A_99 : i32
      %rem3A_103 = arith.remsi %while3A_74, %select_n3A_102 : i32
      %ne3A_104 = arith.constant 0 : i32
      %ne3A_105 = arith.cmpi ne, %rem3A_103, %ne3A_104 : i32
      %lt3A = arith.constant 0 : i32
      %lt3A_106 = arith.cmpi slt, %rem3A_103, %lt3A : i32
      %lt3A_107 = arith.constant 0 : i32
      %lt3A_108 = arith.cmpi slt, %select_n3A_102, %lt3A_107 : i32
      %ne3A_109 = arith.xori %lt3A_106, %lt3A_108 : i1
      %and3A_110 = arith.andi %ne3A_109, %ne3A_105 : i1
      %add3A_111 = arith.addi %rem3A_103, %select_n3A_102 : i32
      %select_n3A_112 = arith.select %and3A_110, %add3A_111, %rem3A_103 : i32
      %mul3A_113 = arith.constant 16 : i32
      %mul3A_114 = arith.muli %select_n3A_112, %mul3A_113 : i32
      %add3A_115 = vector.broadcast %mul3A_114 : i32 to vector<16xi32>
      %add3A_116 = arith.addi %add3A_115, %iota3A : vector<16xi32>
      %min3A_117 = arith.constant 49 : i32
      %min3A_118 = vector.broadcast %min3A_117 : i32 to vector<16xi32>
      %min3A_119 = arith.minsi %add3A_116, %min3A_118 : vector<16xi32>
      %jit3A_120 = arith.constant 25 : i32
      %div3A_121 = vector.broadcast %jit3A_120 : i32 to vector<16xi32>
      %div3A_122 = arith.divsi %min3A_119, %div3A_121 : vector<16xi32>
      %sign3A_123 = arith.constant 0 : i32
      %sign3A_124 = vector.broadcast %sign3A_123 : i32 to vector<16xi32>
      %sign3A_125 = arith.cmpi sgt, %min3A_119, %sign3A_124 : vector<16xi32>
      %sign3A_126 = arith.extui %sign3A_125 : vector<16xi1> to vector<16xi32>
      %sign3A_127 = arith.constant 0 : i32
      %sign3A_128 = vector.broadcast %sign3A_127 : i32 to vector<16xi32>
      %sign3A_129 = arith.cmpi slt, %min3A_119, %sign3A_128 : vector<16xi32>
      %sign3A_130 = arith.extui %sign3A_129 : vector<16xi1> to vector<16xi32>
      %sign3A_131 = arith.subi %sign3A_126, %sign3A_130 : vector<16xi32>
      %sign3A_132 = arith.constant 0 : i32
      %sign3A_133 = arith.cmpi sgt, %jit3A_120, %sign3A_132 : i32
      %sign3A_134 = arith.extui %sign3A_133 : i1 to i32
      %sign3A_135 = arith.constant 0 : i32
      %sign3A_136 = arith.cmpi slt, %jit3A_120, %sign3A_135 : i32
      %sign3A_137 = arith.extui %sign3A_136 : i1 to i32
      %sign3A_138 = arith.subi %sign3A_134, %sign3A_137 : i32
      %ne3A_139 = vector.broadcast %sign3A_138 : i32 to vector<16xi32>
      %ne3A_140 = arith.cmpi ne, %sign3A_131, %ne3A_139 : vector<16xi32>
      %rem3A_141 = vector.broadcast %jit3A_120 : i32 to vector<16xi32>
      %rem3A_142 = arith.remsi %min3A_119, %rem3A_141 : vector<16xi32>
      %ne3A_143 = arith.constant 0 : i32
      %ne3A_144 = vector.broadcast %ne3A_143 : i32 to vector<16xi32>
      %ne3A_145 = arith.cmpi ne, %rem3A_142, %ne3A_144 : vector<16xi32>
      %and3A_146 = arith.andi %ne3A_140, %ne3A_145 : vector<16xi1>
      %sub3A_147 = arith.constant 1 : i32
      %sub3A_148 = vector.broadcast %sub3A_147 : i32 to vector<16xi32>
      %sub3A_149 = arith.subi %div3A_122, %sub3A_148 : vector<16xi32>
      %select_n3A_150 = arith.select %and3A_146, %sub3A_149, %div3A_122 : vector<16xi1>, vector<16xi32>
      %mul3A_151 = arith.constant 25 : i32
      %mul3A_152 = vector.broadcast %mul3A_151 : i32 to vector<16xi32>
      %mul3A_153 = arith.muli %select_n3A_150, %mul3A_152 : vector<16xi32>
      %sub3A_154 = arith.subi %min3A_119, %mul3A_153 : vector<16xi32>
      %jit3A_155 = arith.constant 5 : i32
      %div3A_156 = vector.broadcast %jit3A_155 : i32 to vector<16xi32>
      %div3A_157 = arith.divsi %sub3A_154, %div3A_156 : vector<16xi32>
      %sign3A_158 = arith.constant 0 : i32
      %sign3A_159 = vector.broadcast %sign3A_158 : i32 to vector<16xi32>
      %sign3A_160 = arith.cmpi sgt, %sub3A_154, %sign3A_159 : vector<16xi32>
      %sign3A_161 = arith.extui %sign3A_160 : vector<16xi1> to vector<16xi32>
      %sign3A_162 = arith.constant 0 : i32
      %sign3A_163 = vector.broadcast %sign3A_162 : i32 to vector<16xi32>
      %sign3A_164 = arith.cmpi slt, %sub3A_154, %sign3A_163 : vector<16xi32>
      %sign3A_165 = arith.extui %sign3A_164 : vector<16xi1> to vector<16xi32>
      %sign3A_166 = arith.subi %sign3A_161, %sign3A_165 : vector<16xi32>
      %sign3A_167 = arith.constant 0 : i32
      %sign3A_168 = arith.cmpi sgt, %jit3A_155, %sign3A_167 : i32
      %sign3A_169 = arith.extui %sign3A_168 : i1 to i32
      %sign3A_170 = arith.constant 0 : i32
      %sign3A_171 = arith.cmpi slt, %jit3A_155, %sign3A_170 : i32
      %sign3A_172 = arith.extui %sign3A_171 : i1 to i32
      %sign3A_173 = arith.subi %sign3A_169, %sign3A_172 : i32
      %ne3A_174 = vector.broadcast %sign3A_173 : i32 to vector<16xi32>
      %ne3A_175 = arith.cmpi ne, %sign3A_166, %ne3A_174 : vector<16xi32>
      %rem3A_176 = vector.broadcast %jit3A_155 : i32 to vector<16xi32>
      %rem3A_177 = arith.remsi %sub3A_154, %rem3A_176 : vector<16xi32>
      %ne3A_178 = arith.constant 0 : i32
      %ne3A_179 = vector.broadcast %ne3A_178 : i32 to vector<16xi32>
      %ne3A_180 = arith.cmpi ne, %rem3A_177, %ne3A_179 : vector<16xi32>
      %and3A_181 = arith.andi %ne3A_175, %ne3A_180 : vector<16xi1>
      %sub3A_182 = arith.constant 1 : i32
      %sub3A_183 = vector.broadcast %sub3A_182 : i32 to vector<16xi32>
      %sub3A_184 = arith.subi %div3A_157, %sub3A_183 : vector<16xi32>
      %select_n3A_185 = arith.select %and3A_181, %sub3A_184, %div3A_157 : vector<16xi1>, vector<16xi32>
      %mul3A_186 = arith.constant 5 : i32
      %mul3A_187 = vector.broadcast %mul3A_186 : i32 to vector<16xi32>
      %mul3A_188 = arith.muli %select_n3A_185, %mul3A_187 : vector<16xi32>
      %sub3A_189 = arith.subi %sub3A_154, %mul3A_188 : vector<16xi32>
      %mul3A_190 = arith.constant 2 : i32
      %mul3A_191 = arith.muli %select_n3A_98, %mul3A_190 : i32
      %add3A_192 = vector.broadcast %mul3A_191 : i32 to vector<16xi32>
      %add3A_193 = arith.addi %add3A_192, %select_n3A_150 : vector<16xi32>
      %gather3A = tpu.vector_load_idx %arg7[%add3A_193] : memref<128xi32, #tpu.memory_space<vmem>>[vector<16xi32>], vector<16xi32>,
      %gather3A_194 = tpu.vector_load_idx %arg6[%add3A_193] : memref<128xi32, #tpu.memory_space<vmem>>[vector<16xi32>], vector<16xi32>,
      %add3A_195 = arith.addi %gather3A, %select_n3A_185 : vector<16xi32>
      %sub3A_196 = arith.constant 2 : i32
      %sub3A_197 = vector.broadcast %sub3A_196 : i32 to vector<16xi32>
      %sub3A_198 = arith.subi %add3A_195, %sub3A_197 : vector<16xi32>
      %jit3A_199 = arith.constant 0 : i32
      %jit3A_200 = arith.constant 127 : i32
      %max3A_201 = vector.broadcast %jit3A_199 : i32 to vector<16xi32>
      %max3A_202 = arith.maxsi %max3A_201, %sub3A_198 : vector<16xi32>
      %min3A_203 = vector.broadcast %jit3A_200 : i32 to vector<16xi32>
      %min3A_204 = arith.minsi %min3A_203, %max3A_202 : vector<16xi32>
      %add3A_205 = arith.addi %gather3A_194, %sub3A_189 : vector<16xi32>
      %sub3A_206 = arith.constant 2 : i32
      %sub3A_207 = vector.broadcast %sub3A_206 : i32 to vector<16xi32>
      %sub3A_208 = arith.subi %add3A_205, %sub3A_207 : vector<16xi32>
      %jit3A_209 = arith.constant 0 : i32
      %jit3A_210 = arith.constant 127 : i32
      %max3A_211 = vector.broadcast %jit3A_209 : i32 to vector<16xi32>
      %max3A_212 = arith.maxsi %max3A_211, %sub3A_208 : vector<16xi32>
      %min3A_213 = vector.broadcast %jit3A_210 : i32 to vector<16xi32>
      %min3A_214 = arith.minsi %min3A_213, %max3A_212 : vector<16xi32>
      %add3A_215 = vector.broadcast %mul3A_2 : i32 to vector<16xi32>
      %add3A_216 = arith.addi %add3A_215, %add3A_193 : vector<16xi32>
      %jit3A_217 = arith.constant 2000 : i32
      %div3A_218 = vector.broadcast %jit3A_217 : i32 to vector<16xi32>
      %div3A_219 = arith.divsi %add3A_216, %div3A_218 : vector<16xi32>
      %sign3A_220 = arith.constant 0 : i32
      %sign3A_221 = vector.broadcast %sign3A_220 : i32 to vector<16xi32>
      %sign3A_222 = arith.cmpi sgt, %add3A_216, %sign3A_221 : vector<16xi32>
      %sign3A_223 = arith.extui %sign3A_222 : vector<16xi1> to vector<16xi32>
      %sign3A_224 = arith.constant 0 : i32
      %sign3A_225 = vector.broadcast %sign3A_224 : i32 to vector<16xi32>
      %sign3A_226 = arith.cmpi slt, %add3A_216, %sign3A_225 : vector<16xi32>
      %sign3A_227 = arith.extui %sign3A_226 : vector<16xi1> to vector<16xi32>
      %sign3A_228 = arith.subi %sign3A_223, %sign3A_227 : vector<16xi32>
      %sign3A_229 = arith.constant 0 : i32
      %sign3A_230 = arith.cmpi sgt, %jit3A_217, %sign3A_229 : i32
      %sign3A_231 = arith.extui %sign3A_230 : i1 to i32
      %sign3A_232 = arith.constant 0 : i32
      %sign3A_233 = arith.cmpi slt, %jit3A_217, %sign3A_232 : i32
      %sign3A_234 = arith.extui %sign3A_233 : i1 to i32
      %sign3A_235 = arith.subi %sign3A_231, %sign3A_234 : i32
      %ne3A_236 = vector.broadcast %sign3A_235 : i32 to vector<16xi32>
      %ne3A_237 = arith.cmpi ne, %sign3A_228, %ne3A_236 : vector<16xi32>
      %rem3A_238 = vector.broadcast %jit3A_217 : i32 to vector<16xi32>
      %rem3A_239 = arith.remsi %add3A_216, %rem3A_238 : vector<16xi32>
      %ne3A_240 = arith.constant 0 : i32
      %ne3A_241 = vector.broadcast %ne3A_240 : i32 to vector<16xi32>
      %ne3A_242 = arith.cmpi ne, %rem3A_239, %ne3A_241 : vector<16xi32>
      %and3A_243 = arith.andi %ne3A_237, %ne3A_242 : vector<16xi1>
      %sub3A_244 = arith.constant 1 : i32
      %sub3A_245 = vector.broadcast %sub3A_244 : i32 to vector<16xi32>
      %sub3A_246 = arith.subi %div3A_219, %sub3A_245 : vector<16xi32>
      %select_n3A_247 = arith.select %and3A_243, %sub3A_246, %div3A_219 : vector<16xi1>, vector<16xi32>
      %mul3A_248 = arith.constant 16384 : i32
      %mul3A_249 = vector.broadcast %mul3A_248 : i32 to vector<16xi32>
      %mul3A_250 = arith.muli %select_n3A_247, %mul3A_249 : vector<16xi32>
      %mul3A_251 = arith.constant 128 : i32
      %mul3A_252 = vector.broadcast %mul3A_251 : i32 to vector<16xi32>
      %mul3A_253 = arith.muli %min3A_204, %mul3A_252 : vector<16xi32>
      %add3A_254 = arith.addi %mul3A_250, %mul3A_253 : vector<16xi32>
      %add3A_255 = arith.addi %add3A_254, %min3A_214 : vector<16xi32>
      %broadcast_in_dim3A = vector.broadcast %select_n3A_98 : i32 to vector<16xi32>
      tpu.vector_store_idx %arg8[%broadcast_in_dim3A, %min3A_119], %add3A_255 : memref<64x50xi32, #tpu.memory_space<vmem>>[vector<16xi32>, vector<16xi32>], vector<16xi32>,
    }
    %gt3A = arith.constant 0 : i32
    %gt3A_34 = arith.cmpi sgt, %select_n3A, %gt3A : i32
    %convert_element_type3A = arith.extui %gt3A_34 : i1 to i32
    %cond3A = arith.constant 0 : i32
    %cond3A_35 = arith.cmpi ne, %convert_element_type3A, %cond3A : i32
    scf.if %cond3A_35 {
      %dma_start3A = arith.constant 0 : i32
      %dma_start3A_74 = arith.constant 0 : i32
      %dma_start3A_75 = arith.constant 0 : i32
      %dma_start3A_76 = arith.constant 0 : i32
      %dma_start3A_77 = arith.constant 0 : i32
      %dma_start3A_78 = tpu.memref_slice %arg9[%dma_start3A_74, %dma_start3A_76, %dma_start3A_77] : memref<4x50x256xf32, #tpu.memory_space<vmem>> -> memref<1x50x256xf32, #tpu.memory_space<vmem>>
      %dma_start3A_79 = tpu.memref_squeeze %dma_start3A_78 : memref<1x50x256xf32, #tpu.memory_space<vmem>> -> memref<50x256xf32, #tpu.memory_space<vmem>>
      %dma_start3A_80 = arith.constant 0 : i32
      %dma_start3A_81 = tpu.memref_slice %arg8[%dma_start3A, %dma_start3A_80] : memref<64x50xi32, #tpu.memory_space<vmem>> -> memref<1x50xi32, #tpu.memory_space<vmem>>
      %dma_start3A_82 = tpu.memref_squeeze %dma_start3A_81 : memref<1x50xi32, #tpu.memory_space<vmem>> -> memref<50xi32, #tpu.memory_space<vmem>>
      %dma_start3A_83 = arith.constant 0 : i32
      %dma_start3A_84 = arith.constant 0 : i32
      %dma_start3A_85 = tpu.memref_slice %arg2[%dma_start3A_83, %dma_start3A_84] : memref<32768x256xf32, #tpu.memory_space<hbm>> -> memref<32768x256xf32, #tpu.memory_space<hbm>>
      %dma_start3A_86 = tpu.memref_slice %arg11[%dma_start3A_75] : memref<4x!tpu.dma_semaphore, #tpu.memory_space<semaphore_mem>> -> memref<1x!tpu.dma_semaphore, #tpu.memory_space<semaphore_mem>>
      %dma_start3A_87 = tpu.memref_squeeze %dma_start3A_86 : memref<1x!tpu.dma_semaphore, #tpu.memory_space<semaphore_mem>> -> memref<!tpu.dma_semaphore, #tpu.memory_space<semaphore_mem>>
      tpu.enqueue_indirect_dma source(%dma_start3A_85 : memref<32768x256xf32, #tpu.memory_space<hbm>>) target(%dma_start3A_79 : memref<50x256xf32, #tpu.memory_space<vmem>>) offsets(%dma_start3A_82 : memref<50xi32, #tpu.memory_space<vmem>>) semaphore(%dma_start3A_87 : memref<!tpu.dma_semaphore, #tpu.memory_space<semaphore_mem>>)
    } else {
    }
    %gt3A_36 = arith.constant 1 : i32
    %gt3A_37 = arith.cmpi sgt, %select_n3A, %gt3A_36 : i32
    %convert_element_type3A_38 = arith.extui %gt3A_37 : i1 to i32
    %cond3A_39 = arith.constant 0 : i32
    %cond3A_40 = arith.cmpi ne, %convert_element_type3A_38, %cond3A_39 : i32
    scf.if %cond3A_40 {
      %dma_start3A = arith.constant 1 : i32
      %dma_start3A_74 = arith.constant 1 : i32
      %dma_start3A_75 = arith.constant 1 : i32
      %dma_start3A_76 = arith.constant 0 : i32
      %dma_start3A_77 = arith.constant 0 : i32
      %dma_start3A_78 = tpu.memref_slice %arg9[%dma_start3A_74, %dma_start3A_76, %dma_start3A_77] : memref<4x50x256xf32, #tpu.memory_space<vmem>> -> memref<1x50x256xf32, #tpu.memory_space<vmem>>
      %dma_start3A_79 = tpu.memref_squeeze %dma_start3A_78 : memref<1x50x256xf32, #tpu.memory_space<vmem>> -> memref<50x256xf32, #tpu.memory_space<vmem>>
      %dma_start3A_80 = arith.constant 0 : i32
      %dma_start3A_81 = tpu.memref_slice %arg8[%dma_start3A, %dma_start3A_80] : memref<64x50xi32, #tpu.memory_space<vmem>> -> memref<1x50xi32, #tpu.memory_space<vmem>>
      %dma_start3A_82 = tpu.memref_squeeze %dma_start3A_81 : memref<1x50xi32, #tpu.memory_space<vmem>> -> memref<50xi32, #tpu.memory_space<vmem>>
      %dma_start3A_83 = arith.constant 0 : i32
      %dma_start3A_84 = arith.constant 0 : i32
      %dma_start3A_85 = tpu.memref_slice %arg2[%dma_start3A_83, %dma_start3A_84] : memref<32768x256xf32, #tpu.memory_space<hbm>> -> memref<32768x256xf32, #tpu.memory_space<hbm>>
      %dma_start3A_86 = tpu.memref_slice %arg11[%dma_start3A_75] : memref<4x!tpu.dma_semaphore, #tpu.memory_space<semaphore_mem>> -> memref<1x!tpu.dma_semaphore, #tpu.memory_space<semaphore_mem>>
      %dma_start3A_87 = tpu.memref_squeeze %dma_start3A_86 : memref<1x!tpu.dma_semaphore, #tpu.memory_space<semaphore_mem>> -> memref<!tpu.dma_semaphore, #tpu.memory_space<semaphore_mem>>
      tpu.enqueue_indirect_dma source(%dma_start3A_85 : memref<32768x256xf32, #tpu.memory_space<hbm>>) target(%dma_start3A_79 : memref<50x256xf32, #tpu.memory_space<vmem>>) offsets(%dma_start3A_82 : memref<50xi32, #tpu.memory_space<vmem>>) semaphore(%dma_start3A_87 : memref<!tpu.dma_semaphore, #tpu.memory_space<semaphore_mem>>)
    } else {
    }
    %gt3A_41 = arith.constant 2 : i32
    %gt3A_42 = arith.cmpi sgt, %select_n3A, %gt3A_41 : i32
    %convert_element_type3A_43 = arith.extui %gt3A_42 : i1 to i32
    %cond3A_44 = arith.constant 0 : i32
    %cond3A_45 = arith.cmpi ne, %convert_element_type3A_43, %cond3A_44 : i32
    scf.if %cond3A_45 {
      %dma_start3A = arith.constant 2 : i32
      %dma_start3A_74 = arith.constant 2 : i32
      %dma_start3A_75 = arith.constant 2 : i32
      %dma_start3A_76 = arith.constant 0 : i32
      %dma_start3A_77 = arith.constant 0 : i32
      %dma_start3A_78 = tpu.memref_slice %arg9[%dma_start3A_74, %dma_start3A_76, %dma_start3A_77] : memref<4x50x256xf32, #tpu.memory_space<vmem>> -> memref<1x50x256xf32, #tpu.memory_space<vmem>>
      %dma_start3A_79 = tpu.memref_squeeze %dma_start3A_78 : memref<1x50x256xf32, #tpu.memory_space<vmem>> -> memref<50x256xf32, #tpu.memory_space<vmem>>
      %dma_start3A_80 = arith.constant 0 : i32
      %dma_start3A_81 = tpu.memref_slice %arg8[%dma_start3A, %dma_start3A_80] : memref<64x50xi32, #tpu.memory_space<vmem>> -> memref<1x50xi32, #tpu.memory_space<vmem>>
      %dma_start3A_82 = tpu.memref_squeeze %dma_start3A_81 : memref<1x50xi32, #tpu.memory_space<vmem>> -> memref<50xi32, #tpu.memory_space<vmem>>
      %dma_start3A_83 = arith.constant 0 : i32
      %dma_start3A_84 = arith.constant 0 : i32
      %dma_start3A_85 = tpu.memref_slice %arg2[%dma_start3A_83, %dma_start3A_84] : memref<32768x256xf32, #tpu.memory_space<hbm>> -> memref<32768x256xf32, #tpu.memory_space<hbm>>
      %dma_start3A_86 = tpu.memref_slice %arg11[%dma_start3A_75] : memref<4x!tpu.dma_semaphore, #tpu.memory_space<semaphore_mem>> -> memref<1x!tpu.dma_semaphore, #tpu.memory_space<semaphore_mem>>
      %dma_start3A_87 = tpu.memref_squeeze %dma_start3A_86 : memref<1x!tpu.dma_semaphore, #tpu.memory_space<semaphore_mem>> -> memref<!tpu.dma_semaphore, #tpu.memory_space<semaphore_mem>>
      tpu.enqueue_indirect_dma source(%dma_start3A_85 : memref<32768x256xf32, #tpu.memory_space<hbm>>) target(%dma_start3A_79 : memref<50x256xf32, #tpu.memory_space<vmem>>) offsets(%dma_start3A_82 : memref<50xi32, #tpu.memory_space<vmem>>) semaphore(%dma_start3A_87 : memref<!tpu.dma_semaphore, #tpu.memory_space<semaphore_mem>>)
    } else {
    }
    %gt3A_46 = arith.constant 3 : i32
    %gt3A_47 = arith.cmpi sgt, %select_n3A, %gt3A_46 : i32
    %convert_element_type3A_48 = arith.extui %gt3A_47 : i1 to i32
    %cond3A_49 = arith.constant 0 : i32
    %cond3A_50 = arith.cmpi ne, %convert_element_type3A_48, %cond3A_49 : i32
    scf.if %cond3A_50 {
      %dma_start3A = arith.constant 3 : i32
      %dma_start3A_74 = arith.constant 3 : i32
      %dma_start3A_75 = arith.constant 3 : i32
      %dma_start3A_76 = arith.constant 0 : i32
      %dma_start3A_77 = arith.constant 0 : i32
      %dma_start3A_78 = tpu.memref_slice %arg9[%dma_start3A_74, %dma_start3A_76, %dma_start3A_77] : memref<4x50x256xf32, #tpu.memory_space<vmem>> -> memref<1x50x256xf32, #tpu.memory_space<vmem>>
      %dma_start3A_79 = tpu.memref_squeeze %dma_start3A_78 : memref<1x50x256xf32, #tpu.memory_space<vmem>> -> memref<50x256xf32, #tpu.memory_space<vmem>>
      %dma_start3A_80 = arith.constant 0 : i32
      %dma_start3A_81 = tpu.memref_slice %arg8[%dma_start3A, %dma_start3A_80] : memref<64x50xi32, #tpu.memory_space<vmem>> -> memref<1x50xi32, #tpu.memory_space<vmem>>
      %dma_start3A_82 = tpu.memref_squeeze %dma_start3A_81 : memref<1x50xi32, #tpu.memory_space<vmem>> -> memref<50xi32, #tpu.memory_space<vmem>>
      %dma_start3A_83 = arith.constant 0 : i32
      %dma_start3A_84 = arith.constant 0 : i32
      %dma_start3A_85 = tpu.memref_slice %arg2[%dma_start3A_83, %dma_start3A_84] : memref<32768x256xf32, #tpu.memory_space<hbm>> -> memref<32768x256xf32, #tpu.memory_space<hbm>>
      %dma_start3A_86 = tpu.memref_slice %arg11[%dma_start3A_75] : memref<4x!tpu.dma_semaphore, #tpu.memory_space<semaphore_mem>> -> memref<1x!tpu.dma_semaphore, #tpu.memory_space<semaphore_mem>>
      %dma_start3A_87 = tpu.memref_squeeze %dma_start3A_86 : memref<1x!tpu.dma_semaphore, #tpu.memory_space<semaphore_mem>> -> memref<!tpu.dma_semaphore, #tpu.memory_space<semaphore_mem>>
      tpu.enqueue_indirect_dma source(%dma_start3A_85 : memref<32768x256xf32, #tpu.memory_space<hbm>>) target(%dma_start3A_79 : memref<50x256xf32, #tpu.memory_space<vmem>>) offsets(%dma_start3A_82 : memref<50xi32, #tpu.memory_space<vmem>>) semaphore(%dma_start3A_87 : memref<!tpu.dma_semaphore, #tpu.memory_space<semaphore_mem>>)
    } else {
    }
    %mul3A_51 = arith.constant 25 : i32
    %mul3A_52 = vector.broadcast %mul3A_51 : i32 to vector<16xi32>
    %mul3A_53 = arith.muli %iota3A, %mul3A_52 : vector<16xi32>
    %while3A_54 = arith.constant 0 : i32
    %while3A_55 = arith.constant 0 : i32
    %while3A_56 = arith.subi %select_n3A, %while3A_55 : i32
    %while3A_57 = arith.addi %while3A_55, %while3A_56 : i32
    %while3A_58 = arith.constant 1 : i32
    %while3A_59 = arith.divsi %while3A_56, %while3A_58 : i32
    %while3A_60 = arith.muli %while3A_59, %while3A_58 : i32
    %while3A_61 = arith.addi %while3A_55, %while3A_60 : i32
    %while3A_62 = arith.constant 1 : i32
    scf.for %while3A_74 = %while3A_55 to %while3A_61 step %while3A_62  : i32 {
      %jit3A_75 = arith.constant 4 : i32
      %eq3A = arith.constant 0 : i32
      %eq3A_76 = arith.cmpi eq, %jit3A_75, %eq3A : i32
      %jit3A_77 = arith.constant 1 : i32
      %select_n3A_78 = arith.select %eq3A_76, %jit3A_77, %jit3A_75 : i32
      %rem3A_79 = arith.remsi %while3A_74, %select_n3A_78 : i32
      %ne3A_80 = arith.constant 0 : i32
      %ne3A_81 = arith.cmpi ne, %rem3A_79, %ne3A_80 : i32
      %lt3A = arith.constant 0 : i32
      %lt3A_82 = arith.cmpi slt, %rem3A_79, %lt3A : i32
      %lt3A_83 = arith.constant 0 : i32
      %lt3A_84 = arith.cmpi slt, %select_n3A_78, %lt3A_83 : i32
      %ne3A_85 = arith.xori %lt3A_82, %lt3A_84 : i1
      %and3A_86 = arith.andi %ne3A_85, %ne3A_81 : i1
      %add3A_87 = arith.addi %rem3A_79, %select_n3A_78 : i32
      %select_n3A_88 = arith.select %and3A_86, %add3A_87, %rem3A_79 : i32
      %dma_wait3A = arith.constant 0 : i32
      %dma_wait3A_89 = arith.constant 0 : i32
      %dma_wait3A_90 = tpu.memref_slice %arg9[%select_n3A_88, %dma_wait3A, %dma_wait3A_89] : memref<4x50x256xf32, #tpu.memory_space<vmem>> -> memref<1x50x256xf32, #tpu.memory_space<vmem>>
      %dma_wait3A_91 = tpu.memref_squeeze %dma_wait3A_90 : memref<1x50x256xf32, #tpu.memory_space<vmem>> -> memref<50x256xf32, #tpu.memory_space<vmem>>
      %dma_wait3A_92 = arith.constant 0 : i32
      %dma_wait3A_93 = tpu.memref_slice %arg8[%while3A_74, %dma_wait3A_92] : memref<64x50xi32, #tpu.memory_space<vmem>> -> memref<1x50xi32, #tpu.memory_space<vmem>>
      %dma_wait3A_94 = tpu.memref_squeeze %dma_wait3A_93 : memref<1x50xi32, #tpu.memory_space<vmem>> -> memref<50xi32, #tpu.memory_space<vmem>>
      %dma_wait3A_95 = arith.constant 0 : i32
      %dma_wait3A_96 = arith.constant 0 : i32
      %dma_wait3A_97 = tpu.memref_slice %arg2[%dma_wait3A_95, %dma_wait3A_96] : memref<32768x256xf32, #tpu.memory_space<hbm>> -> memref<32768x256xf32, #tpu.memory_space<hbm>>
      %dma_wait3A_98 = tpu.memref_slice %arg11[%select_n3A_88] : memref<4x!tpu.dma_semaphore, #tpu.memory_space<semaphore_mem>> -> memref<1x!tpu.dma_semaphore, #tpu.memory_space<semaphore_mem>>
      %dma_wait3A_99 = tpu.memref_squeeze %dma_wait3A_98 : memref<1x!tpu.dma_semaphore, #tpu.memory_space<semaphore_mem>> -> memref<!tpu.dma_semaphore, #tpu.memory_space<semaphore_mem>>
      tpu.wait_indirect_dma semaphore(%dma_wait3A_99 : memref<!tpu.dma_semaphore, #tpu.memory_space<semaphore_mem>>) src(%dma_wait3A_97 : memref<32768x256xf32, #tpu.memory_space<hbm>>) dst(%dma_wait3A_91 : memref<50x256xf32, #tpu.memory_space<vmem>>)
      %jit3A_100 = arith.constant 4 : i32
      %eq3A_101 = arith.constant 0 : i32
      %eq3A_102 = arith.cmpi eq, %jit3A_100, %eq3A_101 : i32
      %jit3A_103 = arith.constant 1 : i32
      %select_n3A_104 = arith.select %eq3A_102, %jit3A_103, %jit3A_100 : i32
      %rem3A_105 = arith.remsi %while3A_74, %select_n3A_104 : i32
      %ne3A_106 = arith.constant 0 : i32
      %ne3A_107 = arith.cmpi ne, %rem3A_105, %ne3A_106 : i32
      %lt3A_108 = arith.constant 0 : i32
      %lt3A_109 = arith.cmpi slt, %rem3A_105, %lt3A_108 : i32
      %lt3A_110 = arith.constant 0 : i32
      %lt3A_111 = arith.cmpi slt, %select_n3A_104, %lt3A_110 : i32
      %ne3A_112 = arith.xori %lt3A_109, %lt3A_111 : i1
      %and3A_113 = arith.andi %ne3A_112, %ne3A_107 : i1
      %add3A_114 = arith.addi %rem3A_105, %select_n3A_104 : i32
      %select_n3A_115 = arith.select %and3A_113, %add3A_114, %rem3A_105 : i32
      %jit3A_116 = arith.constant 2 : i32
      %div3A_117 = arith.divsi %while3A_74, %jit3A_116 : i32
      %sign3A_118 = arith.constant 0 : i32
      %sign3A_119 = arith.cmpi sgt, %while3A_74, %sign3A_118 : i32
      %sign3A_120 = arith.extui %sign3A_119 : i1 to i32
      %sign3A_121 = arith.constant 0 : i32
      %sign3A_122 = arith.cmpi slt, %while3A_74, %sign3A_121 : i32
      %sign3A_123 = arith.extui %sign3A_122 : i1 to i32
      %sign3A_124 = arith.subi %sign3A_120, %sign3A_123 : i32
      %sign3A_125 = arith.constant 0 : i32
      %sign3A_126 = arith.cmpi sgt, %jit3A_116, %sign3A_125 : i32
      %sign3A_127 = arith.extui %sign3A_126 : i1 to i32
      %sign3A_128 = arith.constant 0 : i32
      %sign3A_129 = arith.cmpi slt, %jit3A_116, %sign3A_128 : i32
      %sign3A_130 = arith.extui %sign3A_129 : i1 to i32
      %sign3A_131 = arith.subi %sign3A_127, %sign3A_130 : i32
      %ne3A_132 = arith.cmpi ne, %sign3A_124, %sign3A_131 : i32
      %rem3A_133 = arith.remsi %while3A_74, %jit3A_116 : i32
      %ne3A_134 = arith.constant 0 : i32
      %ne3A_135 = arith.cmpi ne, %rem3A_133, %ne3A_134 : i32
      %and3A_136 = arith.andi %ne3A_132, %ne3A_135 : i1
      %sub3A_137 = arith.constant 1 : i32
      %sub3A_138 = arith.subi %div3A_117, %sub3A_137 : i32
      %select_n3A_139 = arith.select %and3A_136, %sub3A_138, %div3A_117 : i32
      %jit3A_140 = arith.constant 2 : i32
      %eq3A_141 = arith.constant 0 : i32
      %eq3A_142 = arith.cmpi eq, %jit3A_140, %eq3A_141 : i32
      %jit3A_143 = arith.constant 1 : i32
      %select_n3A_144 = arith.select %eq3A_142, %jit3A_143, %jit3A_140 : i32
      %rem3A_145 = arith.remsi %select_n3A_139, %select_n3A_144 : i32
      %ne3A_146 = arith.constant 0 : i32
      %ne3A_147 = arith.cmpi ne, %rem3A_145, %ne3A_146 : i32
      %lt3A_148 = arith.constant 0 : i32
      %lt3A_149 = arith.cmpi slt, %rem3A_145, %lt3A_148 : i32
      %lt3A_150 = arith.constant 0 : i32
      %lt3A_151 = arith.cmpi slt, %select_n3A_144, %lt3A_150 : i32
      %ne3A_152 = arith.xori %lt3A_149, %lt3A_151 : i1
      %and3A_153 = arith.andi %ne3A_152, %ne3A_147 : i1
      %add3A_154 = arith.addi %rem3A_145, %select_n3A_144 : i32
      %select_n3A_155 = arith.select %and3A_153, %add3A_154, %rem3A_145 : i32
      %jit3A_156 = arith.constant 2 : i32
      %eq3A_157 = arith.constant 0 : i32
      %eq3A_158 = arith.cmpi eq, %jit3A_156, %eq3A_157 : i32
      %jit3A_159 = arith.constant 1 : i32
      %select_n3A_160 = arith.select %eq3A_158, %jit3A_159, %jit3A_156 : i32
      %rem3A_161 = arith.remsi %while3A_74, %select_n3A_160 : i32
      %ne3A_162 = arith.constant 0 : i32
      %ne3A_163 = arith.cmpi ne, %rem3A_161, %ne3A_162 : i32
      %lt3A_164 = arith.constant 0 : i32
      %lt3A_165 = arith.cmpi slt, %rem3A_161, %lt3A_164 : i32
      %lt3A_166 = arith.constant 0 : i32
      %lt3A_167 = arith.cmpi slt, %select_n3A_160, %lt3A_166 : i32
      %ne3A_168 = arith.xori %lt3A_165, %lt3A_167 : i1
      %and3A_169 = arith.andi %ne3A_168, %ne3A_163 : i1
      %add3A_170 = arith.addi %rem3A_161, %select_n3A_160 : i32
      %select_n3A_171 = arith.select %and3A_169, %add3A_170, %rem3A_161 : i32
      %eq3A_172 = arith.constant 0 : i32
      %eq3A_173 = arith.cmpi eq, %select_n3A_171, %eq3A_172 : i32
      %ge3A = arith.constant 4 : i32
      %ge3A_174 = arith.cmpi sge, %while3A_74, %ge3A : i32
      %and3A_175 = arith.andi %eq3A_173, %ge3A_174 : i1
      %convert_element_type3A_176 = arith.extui %and3A_175 : i1 to i32
      %cond3A_177 = arith.constant 0 : i32
      %cond3A_178 = arith.cmpi ne, %convert_element_type3A_176, %cond3A_177 : i32
      scf.if %cond3A_178 {
        %jit3A_211 = arith.constant 2 : i32
        %div3A_212 = arith.divsi %while3A_74, %jit3A_211 : i32
        %sign3A_213 = arith.constant 0 : i32
        %sign3A_214 = arith.cmpi sgt, %while3A_74, %sign3A_213 : i32
        %sign3A_215 = arith.extui %sign3A_214 : i1 to i32
        %sign3A_216 = arith.constant 0 : i32
        %sign3A_217 = arith.cmpi slt, %while3A_74, %sign3A_216 : i32
        %sign3A_218 = arith.extui %sign3A_217 : i1 to i32
        %sign3A_219 = arith.subi %sign3A_215, %sign3A_218 : i32
        %sign3A_220 = arith.constant 0 : i32
        %sign3A_221 = arith.cmpi sgt, %jit3A_211, %sign3A_220 : i32
        %sign3A_222 = arith.extui %sign3A_221 : i1 to i32
        %sign3A_223 = arith.constant 0 : i32
        %sign3A_224 = arith.cmpi slt, %jit3A_211, %sign3A_223 : i32
        %sign3A_225 = arith.extui %sign3A_224 : i1 to i32
        %sign3A_226 = arith.subi %sign3A_222, %sign3A_225 : i32
        %ne3A_227 = arith.cmpi ne, %sign3A_219, %sign3A_226 : i32
        %rem3A_228 = arith.remsi %while3A_74, %jit3A_211 : i32
        %ne3A_229 = arith.constant 0 : i32
        %ne3A_230 = arith.cmpi ne, %rem3A_228, %ne3A_229 : i32
        %and3A_231 = arith.andi %ne3A_227, %ne3A_230 : i1
        %sub3A_232 = arith.constant 1 : i32
        %sub3A_233 = arith.subi %div3A_212, %sub3A_232 : i32
        %select_n3A_234 = arith.select %and3A_231, %sub3A_233, %div3A_212 : i32
        %sub3A_235 = arith.constant 2 : i32
        %sub3A_236 = arith.subi %select_n3A_234, %sub3A_235 : i32
        %jit3A_237 = arith.constant 2 : i32
        %eq3A_238 = arith.constant 0 : i32
        %eq3A_239 = arith.cmpi eq, %jit3A_237, %eq3A_238 : i32
        %jit3A_240 = arith.constant 1 : i32
        %select_n3A_241 = arith.select %eq3A_239, %jit3A_240, %jit3A_237 : i32
        %rem3A_242 = arith.remsi %sub3A_236, %select_n3A_241 : i32
        %ne3A_243 = arith.constant 0 : i32
        %ne3A_244 = arith.cmpi ne, %rem3A_242, %ne3A_243 : i32
        %lt3A_245 = arith.constant 0 : i32
        %lt3A_246 = arith.cmpi slt, %rem3A_242, %lt3A_245 : i32
        %lt3A_247 = arith.constant 0 : i32
        %lt3A_248 = arith.cmpi slt, %select_n3A_241, %lt3A_247 : i32
        %ne3A_249 = arith.xori %lt3A_246, %lt3A_248 : i1
        %and3A_250 = arith.andi %ne3A_249, %ne3A_244 : i1
        %add3A_251 = arith.addi %rem3A_242, %select_n3A_241 : i32
        %select_n3A_252 = arith.select %and3A_250, %add3A_251, %rem3A_242 : i32
        %mul3A_253 = arith.constant 4 : i32
        %mul3A_254 = arith.muli %sub3A_236, %mul3A_253 : i32
        %add3A_255 = arith.addi %mul3A_2, %mul3A_254 : i32
        %jit3A_256 = arith.constant 2 : i32
        %eq3A_257 = arith.constant 0 : i32
        %eq3A_258 = arith.cmpi eq, %jit3A_256, %eq3A_257 : i32
        %jit3A_259 = arith.constant 1 : i32
        %select_n3A_260 = arith.select %eq3A_258, %jit3A_259, %jit3A_256 : i32
        %rem3A_261 = arith.remsi %sub3A_236, %select_n3A_260 : i32
        %ne3A_262 = arith.constant 0 : i32
        %ne3A_263 = arith.cmpi ne, %rem3A_261, %ne3A_262 : i32
        %lt3A_264 = arith.constant 0 : i32
        %lt3A_265 = arith.cmpi slt, %rem3A_261, %lt3A_264 : i32
        %lt3A_266 = arith.constant 0 : i32
        %lt3A_267 = arith.cmpi slt, %select_n3A_260, %lt3A_266 : i32
        %ne3A_268 = arith.xori %lt3A_265, %lt3A_267 : i1
        %and3A_269 = arith.andi %ne3A_268, %ne3A_263 : i1
        %add3A_270 = arith.addi %rem3A_261, %select_n3A_260 : i32
        %select_n3A_271 = arith.select %and3A_269, %add3A_270, %rem3A_261 : i32
        %dma_wait3A_272 = arith.constant 0 : i32
        %dma_wait3A_273 = arith.constant 0 : i32
        %dma_wait3A_274 = tpu.memref_slice %arg10[%select_n3A_252, %dma_wait3A_272, %dma_wait3A_273] : memref<2x4x6400xf32, #tpu.memory_space<vmem>> -> memref<1x4x6400xf32, #tpu.memory_space<vmem>>
        %dma_wait3A_275 = tpu.memref_squeeze %dma_wait3A_274 : memref<1x4x6400xf32, #tpu.memory_space<vmem>> -> memref<4x6400xf32, #tpu.memory_space<vmem>>
        %dma_wait3A_276 = arith.constant 0 : i32
        %dma_wait3A_277 = tpu.memref_slice %arg5[%add3A_255, %dma_wait3A_276] : memref<4000x6400xf32, #tpu.memory_space<hbm>> -> memref<4x6400xf32, #tpu.memory_space<hbm>>
        %dma_wait3A_278 = tpu.memref_slice %arg12[%select_n3A_271] : memref<2x!tpu.dma_semaphore, #tpu.memory_space<semaphore_mem>> -> memref<1x!tpu.dma_semaphore, #tpu.memory_space<semaphore_mem>>
        %dma_wait3A_279 = tpu.memref_squeeze %dma_wait3A_278 : memref<1x!tpu.dma_semaphore, #tpu.memory_space<semaphore_mem>> -> memref<!tpu.dma_semaphore, #tpu.memory_space<semaphore_mem>>
        %dma_wait3A_280 = arith.constant 0 : i32
        %dma_wait3A_281 = tpu.memref_slice %arg5[%add3A_255, %dma_wait3A_280] : memref<4000x6400xf32, #tpu.memory_space<hbm>> -> memref<4x6400xf32, #tpu.memory_space<hbm>>
        %dma_wait3A_282 = arith.constant 0 : i32
        %dma_wait3A_283 = arith.constant 0 : i32
        %dma_wait3A_284 = tpu.memref_slice %arg10[%select_n3A_252, %dma_wait3A_282, %dma_wait3A_283] : memref<2x4x6400xf32, #tpu.memory_space<vmem>> -> memref<1x4x6400xf32, #tpu.memory_space<vmem>>
        %dma_wait3A_285 = tpu.memref_squeeze %dma_wait3A_284 : memref<1x4x6400xf32, #tpu.memory_space<vmem>> -> memref<4x6400xf32, #tpu.memory_space<vmem>>
        tpu.wait_dma2 semaphore(%dma_wait3A_279 : memref<!tpu.dma_semaphore, #tpu.memory_space<semaphore_mem>>) src(%dma_wait3A_285 : memref<4x6400xf32, #tpu.memory_space<vmem>>) dst(%dma_wait3A_281 : memref<4x6400xf32, #tpu.memory_space<hbm>>)
      } else {
      }
      %scan3A = arith.constant 0 : i32
      %scan3A_179 = arith.constant 0 : i32
      %scan3A_180 = arith.constant 2 : i32
      %scan3A_181 = arith.addi %scan3A_179, %scan3A_180 : i32
      %scan3A_182 = arith.constant 1 : i32
      scf.for %scan3A_211 = %scan3A_179 to %scan3A_181 step %scan3A_182  : i32 {
        %mul3A_212 = arith.constant 2 : i32
        %mul3A_213 = arith.muli %while3A_74, %mul3A_212 : i32
        %add3A_214 = arith.addi %mul3A_213, %scan3A_211 : i32
        %broadcast_in_dim3A = vector.broadcast %add3A_214 : i32 to vector<16xi32>
        %gather3A = tpu.vector_load_idx %arg7[%broadcast_in_dim3A] : memref<128xi32, #tpu.memory_space<vmem>>[vector<16xi32>], vector<16xi32>,
        %gather3A_215 = tpu.vector_load_idx %arg6[%broadcast_in_dim3A] : memref<128xi32, #tpu.memory_space<vmem>>[vector<16xi32>], vector<16xi32>,
        %eq3A_216 = arith.constant 0 : i32
        %eq3A_217 = vector.broadcast %eq3A_216 : i32 to vector<16xi32>
        %eq3A_218 = arith.cmpi eq, %gather3A, %eq3A_217 : vector<16xi32>
        %jit3A_219 = arith.constant 0.000000e+00 : f32
        %jit3A_220 = arith.constant 1.000000e+00 : f32
        %broadcast_in_dim3A_221 = vector.broadcast %jit3A_219 : f32 to vector<16xf32>
        %broadcast_in_dim3A_222 = vector.broadcast %jit3A_220 : f32 to vector<16xf32>
        %select_n3A_223 = arith.select %eq3A_218, %broadcast_in_dim3A_221, %broadcast_in_dim3A_222 : vector<16xi1>, vector<16xf32>
        %eq3A_224 = arith.constant 0 : i32
        %eq3A_225 = vector.broadcast %eq3A_224 : i32 to vector<16xi32>
        %eq3A_226 = arith.cmpi eq, %gather3A_215, %eq3A_225 : vector<16xi32>
        %jit3A_227 = arith.constant 0.000000e+00 : f32
        %jit3A_228 = arith.constant 1.000000e+00 : f32
        %broadcast_in_dim3A_229 = vector.broadcast %jit3A_227 : f32 to vector<16xf32>
        %broadcast_in_dim3A_230 = vector.broadcast %jit3A_228 : f32 to vector<16xf32>
        %select_n3A_231 = arith.select %eq3A_226, %broadcast_in_dim3A_229, %broadcast_in_dim3A_230 : vector<16xi1>, vector<16xf32>
        %mul3A_232 = arith.constant 6.000000e-01 : f32
        %mul3A_233 = vector.broadcast %mul3A_232 : f32 to vector<16xf32>
        %mul3A_234 = arith.mulf %select_n3A_223, %mul3A_233 : vector<16xf32>
        %mul3A_235 = arith.constant 4.000000e-01 : f32
        %mul3A_236 = vector.broadcast %mul3A_235 : f32 to vector<16xf32>
        %mul3A_237 = arith.mulf %select_n3A_223, %mul3A_236 : vector<16xf32>
        %mul3A_238 = arith.constant 6.000000e-01 : f32
        %mul3A_239 = vector.broadcast %mul3A_238 : f32 to vector<16xf32>
        %mul3A_240 = arith.mulf %select_n3A_231, %mul3A_239 : vector<16xf32>
        %mul3A_241 = arith.constant 4.000000e-01 : f32
        %mul3A_242 = vector.broadcast %mul3A_241 : f32 to vector<16xf32>
        %mul3A_243 = arith.mulf %select_n3A_231, %mul3A_242 : vector<16xf32>
        %mul3A_244 = arith.constant 25 : i32
        %mul3A_245 = arith.muli %scan3A_211, %mul3A_244 : i32
        %jit3A_246 = arith.constant 2 : i32
        %eq3A_247 = arith.constant 0 : i32
        %eq3A_248 = arith.cmpi eq, %jit3A_246, %eq3A_247 : i32
        %jit3A_249 = arith.constant 1 : i32
        %select_n3A_250 = arith.select %eq3A_248, %jit3A_249, %jit3A_246 : i32
        %rem3A_251 = arith.remsi %while3A_74, %select_n3A_250 : i32
        %ne3A_252 = arith.constant 0 : i32
        %ne3A_253 = arith.cmpi ne, %rem3A_251, %ne3A_252 : i32
        %lt3A_254 = arith.constant 0 : i32
        %lt3A_255 = arith.cmpi slt, %rem3A_251, %lt3A_254 : i32
        %lt3A_256 = arith.constant 0 : i32
        %lt3A_257 = arith.cmpi slt, %select_n3A_250, %lt3A_256 : i32
        %ne3A_258 = arith.xori %lt3A_255, %lt3A_257 : i1
        %and3A_259 = arith.andi %ne3A_258, %ne3A_253 : i1
        %add3A_260 = arith.addi %rem3A_251, %select_n3A_250 : i32
        %select_n3A_261 = arith.select %and3A_259, %add3A_260, %rem3A_251 : i32
        %mul3A_262 = arith.constant 2 : i32
        %mul3A_263 = arith.muli %select_n3A_261, %mul3A_262 : i32
        %add3A_264 = arith.addi %mul3A_263, %scan3A_211 : i32
        %broadcast_in_dim3A_265 = vector.broadcast %add3A_264 : i32 to vector<16xi32>
        %scan3A_266 = arith.constant 0 : i32
        %scan3A_267 = arith.constant 0 : i32
        %scan3A_268 = arith.constant 16 : i32
        %scan3A_269 = arith.addi %scan3A_267, %scan3A_268 : i32
        %scan3A_270 = arith.constant 1 : i32
        scf.for %scan3A_272 = %scan3A_267 to %scan3A_269 step %scan3A_270  : i32 {
          %mul3A_273 = arith.constant 16 : i32
          %mul3A_274 = arith.muli %scan3A_272, %mul3A_273 : i32
          %add3A_275 = arith.constant 0 : i32
          %add3A_276 = arith.addi %mul3A_245, %add3A_275 : i32
          %add3A_277 = arith.constant 0 : i32
          %add3A_278 = arith.addi %add3A_276, %add3A_277 : i32
          %get3A = arith.index_cast %select_n3A_115 : i32 to index
          %get3A_279 = arith.index_cast %add3A_278 : i32 to index
          %get3A_280 = arith.index_cast %mul3A_274 : i32 to index
          %get3A_281 = tpu.vector_load %arg9[%get3A, %get3A_279, %get3A_280] {strides = array<i32>} : memref<4x50x256xf32, #tpu.memory_space<vmem>>, vector<16xf32>,
          %add3A_282 = arith.constant 5 : i32
          %add3A_283 = arith.addi %mul3A_245, %add3A_282 : i32
          %add3A_284 = arith.constant 0 : i32
          %add3A_285 = arith.addi %add3A_283, %add3A_284 : i32
          %get3A_286 = arith.index_cast %select_n3A_115 : i32 to index
          %get3A_287 = arith.index_cast %add3A_285 : i32 to index
          %get3A_288 = arith.index_cast %mul3A_274 : i32 to index
          %get3A_289 = tpu.vector_load %arg9[%get3A_286, %get3A_287, %get3A_288] {strides = array<i32>} : memref<4x50x256xf32, #tpu.memory_space<vmem>>, vector<16xf32>,
          %add3A_290 = arith.constant 10 : i32
          %add3A_291 = arith.addi %mul3A_245, %add3A_290 : i32
          %add3A_292 = arith.constant 0 : i32
          %add3A_293 = arith.addi %add3A_291, %add3A_292 : i32
          %get3A_294 = arith.index_cast %select_n3A_115 : i32 to index
          %get3A_295 = arith.index_cast %add3A_293 : i32 to index
          %get3A_296 = arith.index_cast %mul3A_274 : i32 to index
          %get3A_297 = tpu.vector_load %arg9[%get3A_294, %get3A_295, %get3A_296] {strides = array<i32>} : memref<4x50x256xf32, #tpu.memory_space<vmem>>, vector<16xf32>,
          %add3A_298 = arith.constant 15 : i32
          %add3A_299 = arith.addi %mul3A_245, %add3A_298 : i32
          %add3A_300 = arith.constant 0 : i32
          %add3A_301 = arith.addi %add3A_299, %add3A_300 : i32
          %get3A_302 = arith.index_cast %select_n3A_115 : i32 to index
          %get3A_303 = arith.index_cast %add3A_301 : i32 to index
          %get3A_304 = arith.index_cast %mul3A_274 : i32 to index
          %get3A_305 = tpu.vector_load %arg9[%get3A_302, %get3A_303, %get3A_304] {strides = array<i32>} : memref<4x50x256xf32, #tpu.memory_space<vmem>>, vector<16xf32>,
          %add3A_306 = arith.constant 20 : i32
          %add3A_307 = arith.addi %mul3A_245, %add3A_306 : i32
          %add3A_308 = arith.constant 0 : i32
          %add3A_309 = arith.addi %add3A_307, %add3A_308 : i32
          %get3A_310 = arith.index_cast %select_n3A_115 : i32 to index
          %get3A_311 = arith.index_cast %add3A_309 : i32 to index
          %get3A_312 = arith.index_cast %mul3A_274 : i32 to index
          %get3A_313 = tpu.vector_load %arg9[%get3A_310, %get3A_311, %get3A_312] {strides = array<i32>} : memref<4x50x256xf32, #tpu.memory_space<vmem>>, vector<16xf32>,
          %mul3A_314 = arith.mulf %get3A_281, %mul3A_234 : vector<16xf32>
          %mul3A_315 = arith.mulf %get3A_289, %mul3A_237 : vector<16xf32>
          %add3A_316 = arith.addf %mul3A_314, %mul3A_315 : vector<16xf32>
          %mul3A_317 = arith.constant 8.000000e-01 : f32
          %mul3A_318 = vector.broadcast %mul3A_317 : f32 to vector<16xf32>
          %mul3A_319 = arith.mulf %get3A_289, %mul3A_318 : vector<16xf32>
          %mul3A_320 = arith.constant 2.000000e-01 : f32
          %mul3A_321 = vector.broadcast %mul3A_320 : f32 to vector<16xf32>
          %mul3A_322 = arith.mulf %get3A_297, %mul3A_321 : vector<16xf32>
          %add3A_323 = arith.addf %mul3A_319, %mul3A_322 : vector<16xf32>
          %mul3A_324 = arith.constant 2.000000e-01 : f32
          %mul3A_325 = vector.broadcast %mul3A_324 : f32 to vector<16xf32>
          %mul3A_326 = arith.mulf %get3A_297, %mul3A_325 : vector<16xf32>
          %mul3A_327 = arith.constant 8.000000e-01 : f32
          %mul3A_328 = vector.broadcast %mul3A_327 : f32 to vector<16xf32>
          %mul3A_329 = arith.mulf %get3A_305, %mul3A_328 : vector<16xf32>
          %add3A_330 = arith.addf %mul3A_326, %mul3A_329 : vector<16xf32>
          %mul3A_331 = arith.constant 4.000000e-01 : f32
          %mul3A_332 = vector.broadcast %mul3A_331 : f32 to vector<16xf32>
          %mul3A_333 = arith.mulf %get3A_305, %mul3A_332 : vector<16xf32>
          %mul3A_334 = arith.constant 6.000000e-01 : f32
          %mul3A_335 = vector.broadcast %mul3A_334 : f32 to vector<16xf32>
          %mul3A_336 = arith.mulf %get3A_313, %mul3A_335 : vector<16xf32>
          %add3A_337 = arith.addf %mul3A_333, %mul3A_336 : vector<16xf32>
          %add3A_338 = arith.constant 0 : i32
          %add3A_339 = arith.addi %mul3A_245, %add3A_338 : i32
          %add3A_340 = arith.constant 1 : i32
          %add3A_341 = arith.addi %add3A_339, %add3A_340 : i32
          %get3A_342 = arith.index_cast %select_n3A_115 : i32 to index
          %get3A_343 = arith.index_cast %add3A_341 : i32 to index
          %get3A_344 = arith.index_cast %mul3A_274 : i32 to index
          %get3A_345 = tpu.vector_load %arg9[%get3A_342, %get3A_343, %get3A_344] {strides = array<i32>} : memref<4x50x256xf32, #tpu.memory_space<vmem>>, vector<16xf32>,
          %add3A_346 = arith.constant 5 : i32
          %add3A_347 = arith.addi %mul3A_245, %add3A_346 : i32
          %add3A_348 = arith.constant 1 : i32
          %add3A_349 = arith.addi %add3A_347, %add3A_348 : i32
          %get3A_350 = arith.index_cast %select_n3A_115 : i32 to index
          %get3A_351 = arith.index_cast %add3A_349 : i32 to index
          %get3A_352 = arith.index_cast %mul3A_274 : i32 to index
          %get3A_353 = tpu.vector_load %arg9[%get3A_350, %get3A_351, %get3A_352] {strides = array<i32>} : memref<4x50x256xf32, #tpu.memory_space<vmem>>, vector<16xf32>,
          %add3A_354 = arith.constant 10 : i32
          %add3A_355 = arith.addi %mul3A_245, %add3A_354 : i32
          %add3A_356 = arith.constant 1 : i32
          %add3A_357 = arith.addi %add3A_355, %add3A_356 : i32
          %get3A_358 = arith.index_cast %select_n3A_115 : i32 to index
          %get3A_359 = arith.index_cast %add3A_357 : i32 to index
          %get3A_360 = arith.index_cast %mul3A_274 : i32 to index
          %get3A_361 = tpu.vector_load %arg9[%get3A_358, %get3A_359, %get3A_360] {strides = array<i32>} : memref<4x50x256xf32, #tpu.memory_space<vmem>>, vector<16xf32>,
          %add3A_362 = arith.constant 15 : i32
          %add3A_363 = arith.addi %mul3A_245, %add3A_362 : i32
          %add3A_364 = arith.constant 1 : i32
          %add3A_365 = arith.addi %add3A_363, %add3A_364 : i32
          %get3A_366 = arith.index_cast %select_n3A_115 : i32 to index
          %get3A_367 = arith.index_cast %add3A_365 : i32 to index
          %get3A_368 = arith.index_cast %mul3A_274 : i32 to index
          %get3A_369 = tpu.vector_load %arg9[%get3A_366, %get3A_367, %get3A_368] {strides = array<i32>} : memref<4x50x256xf32, #tpu.memory_space<vmem>>, vector<16xf32>,
          %add3A_370 = arith.constant 20 : i32
          %add3A_371 = arith.addi %mul3A_245, %add3A_370 : i32
          %add3A_372 = arith.constant 1 : i32
          %add3A_373 = arith.addi %add3A_371, %add3A_372 : i32
          %get3A_374 = arith.index_cast %select_n3A_115 : i32 to index
          %get3A_375 = arith.index_cast %add3A_373 : i32 to index
          %get3A_376 = arith.index_cast %mul3A_274 : i32 to index
          %get3A_377 = tpu.vector_load %arg9[%get3A_374, %get3A_375, %get3A_376] {strides = array<i32>} : memref<4x50x256xf32, #tpu.memory_space<vmem>>, vector<16xf32>,
          %mul3A_378 = arith.mulf %get3A_345, %mul3A_234 : vector<16xf32>
          %mul3A_379 = arith.mulf %get3A_353, %mul3A_237 : vector<16xf32>
          %add3A_380 = arith.addf %mul3A_378, %mul3A_379 : vector<16xf32>
          %mul3A_381 = arith.constant 8.000000e-01 : f32
          %mul3A_382 = vector.broadcast %mul3A_381 : f32 to vector<16xf32>
          %mul3A_383 = arith.mulf %get3A_353, %mul3A_382 : vector<16xf32>
          %mul3A_384 = arith.constant 2.000000e-01 : f32
          %mul3A_385 = vector.broadcast %mul3A_384 : f32 to vector<16xf32>
          %mul3A_386 = arith.mulf %get3A_361, %mul3A_385 : vector<16xf32>
          %add3A_387 = arith.addf %mul3A_383, %mul3A_386 : vector<16xf32>
          %mul3A_388 = arith.constant 2.000000e-01 : f32
          %mul3A_389 = vector.broadcast %mul3A_388 : f32 to vector<16xf32>
          %mul3A_390 = arith.mulf %get3A_361, %mul3A_389 : vector<16xf32>
          %mul3A_391 = arith.constant 8.000000e-01 : f32
          %mul3A_392 = vector.broadcast %mul3A_391 : f32 to vector<16xf32>
          %mul3A_393 = arith.mulf %get3A_369, %mul3A_392 : vector<16xf32>
          %add3A_394 = arith.addf %mul3A_390, %mul3A_393 : vector<16xf32>
          %mul3A_395 = arith.constant 4.000000e-01 : f32
          %mul3A_396 = vector.broadcast %mul3A_395 : f32 to vector<16xf32>
          %mul3A_397 = arith.mulf %get3A_369, %mul3A_396 : vector<16xf32>
          %mul3A_398 = arith.constant 6.000000e-01 : f32
          %mul3A_399 = vector.broadcast %mul3A_398 : f32 to vector<16xf32>
          %mul3A_400 = arith.mulf %get3A_377, %mul3A_399 : vector<16xf32>
          %add3A_401 = arith.addf %mul3A_397, %mul3A_400 : vector<16xf32>
          %add3A_402 = arith.constant 0 : i32
          %add3A_403 = arith.addi %mul3A_245, %add3A_402 : i32
          %add3A_404 = arith.constant 2 : i32
          %add3A_405 = arith.addi %add3A_403, %add3A_404 : i32
          %get3A_406 = arith.index_cast %select_n3A_115 : i32 to index
          %get3A_407 = arith.index_cast %add3A_405 : i32 to index
          %get3A_408 = arith.index_cast %mul3A_274 : i32 to index
          %get3A_409 = tpu.vector_load %arg9[%get3A_406, %get3A_407, %get3A_408] {strides = array<i32>} : memref<4x50x256xf32, #tpu.memory_space<vmem>>, vector<16xf32>,
          %add3A_410 = arith.constant 5 : i32
          %add3A_411 = arith.addi %mul3A_245, %add3A_410 : i32
          %add3A_412 = arith.constant 2 : i32
          %add3A_413 = arith.addi %add3A_411, %add3A_412 : i32
          %get3A_414 = arith.index_cast %select_n3A_115 : i32 to index
          %get3A_415 = arith.index_cast %add3A_413 : i32 to index
          %get3A_416 = arith.index_cast %mul3A_274 : i32 to index
          %get3A_417 = tpu.vector_load %arg9[%get3A_414, %get3A_415, %get3A_416] {strides = array<i32>} : memref<4x50x256xf32, #tpu.memory_space<vmem>>, vector<16xf32>,
          %add3A_418 = arith.constant 10 : i32
          %add3A_419 = arith.addi %mul3A_245, %add3A_418 : i32
          %add3A_420 = arith.constant 2 : i32
          %add3A_421 = arith.addi %add3A_419, %add3A_420 : i32
          %get3A_422 = arith.index_cast %select_n3A_115 : i32 to index
          %get3A_423 = arith.index_cast %add3A_421 : i32 to index
          %get3A_424 = arith.index_cast %mul3A_274 : i32 to index
          %get3A_425 = tpu.vector_load %arg9[%get3A_422, %get3A_423, %get3A_424] {strides = array<i32>} : memref<4x50x256xf32, #tpu.memory_space<vmem>>, vector<16xf32>,
          %add3A_426 = arith.constant 15 : i32
          %add3A_427 = arith.addi %mul3A_245, %add3A_426 : i32
          %add3A_428 = arith.constant 2 : i32
          %add3A_429 = arith.addi %add3A_427, %add3A_428 : i32
          %get3A_430 = arith.index_cast %select_n3A_115 : i32 to index
          %get3A_431 = arith.index_cast %add3A_429 : i32 to index
          %get3A_432 = arith.index_cast %mul3A_274 : i32 to index
          %get3A_433 = tpu.vector_load %arg9[%get3A_430, %get3A_431, %get3A_432] {strides = array<i32>} : memref<4x50x256xf32, #tpu.memory_space<vmem>>, vector<16xf32>,
          %add3A_434 = arith.constant 20 : i32
          %add3A_435 = arith.addi %mul3A_245, %add3A_434 : i32
          %add3A_436 = arith.constant 2 : i32
          %add3A_437 = arith.addi %add3A_435, %add3A_436 : i32
          %get3A_438 = arith.index_cast %select_n3A_115 : i32 to index
          %get3A_439 = arith.index_cast %add3A_437 : i32 to index
          %get3A_440 = arith.index_cast %mul3A_274 : i32 to index
          %get3A_441 = tpu.vector_load %arg9[%get3A_438, %get3A_439, %get3A_440] {strides = array<i32>} : memref<4x50x256xf32, #tpu.memory_space<vmem>>, vector<16xf32>,
          %mul3A_442 = arith.mulf %get3A_409, %mul3A_234 : vector<16xf32>
          %mul3A_443 = arith.mulf %get3A_417, %mul3A_237 : vector<16xf32>
          %add3A_444 = arith.addf %mul3A_442, %mul3A_443 : vector<16xf32>
          %mul3A_445 = arith.constant 8.000000e-01 : f32
          %mul3A_446 = vector.broadcast %mul3A_445 : f32 to vector<16xf32>
          %mul3A_447 = arith.mulf %get3A_417, %mul3A_446 : vector<16xf32>
          %mul3A_448 = arith.constant 2.000000e-01 : f32
          %mul3A_449 = vector.broadcast %mul3A_448 : f32 to vector<16xf32>
          %mul3A_450 = arith.mulf %get3A_425, %mul3A_449 : vector<16xf32>
          %add3A_451 = arith.addf %mul3A_447, %mul3A_450 : vector<16xf32>
          %mul3A_452 = arith.constant 2.000000e-01 : f32
          %mul3A_453 = vector.broadcast %mul3A_452 : f32 to vector<16xf32>
          %mul3A_454 = arith.mulf %get3A_425, %mul3A_453 : vector<16xf32>
          %mul3A_455 = arith.constant 8.000000e-01 : f32
          %mul3A_456 = vector.broadcast %mul3A_455 : f32 to vector<16xf32>
          %mul3A_457 = arith.mulf %get3A_433, %mul3A_456 : vector<16xf32>
          %add3A_458 = arith.addf %mul3A_454, %mul3A_457 : vector<16xf32>
          %mul3A_459 = arith.constant 4.000000e-01 : f32
          %mul3A_460 = vector.broadcast %mul3A_459 : f32 to vector<16xf32>
          %mul3A_461 = arith.mulf %get3A_433, %mul3A_460 : vector<16xf32>
          %mul3A_462 = arith.constant 6.000000e-01 : f32
          %mul3A_463 = vector.broadcast %mul3A_462 : f32 to vector<16xf32>
          %mul3A_464 = arith.mulf %get3A_441, %mul3A_463 : vector<16xf32>
          %add3A_465 = arith.addf %mul3A_461, %mul3A_464 : vector<16xf32>
          %add3A_466 = arith.constant 0 : i32
          %add3A_467 = arith.addi %mul3A_245, %add3A_466 : i32
          %add3A_468 = arith.constant 3 : i32
          %add3A_469 = arith.addi %add3A_467, %add3A_468 : i32
          %get3A_470 = arith.index_cast %select_n3A_115 : i32 to index
          %get3A_471 = arith.index_cast %add3A_469 : i32 to index
          %get3A_472 = arith.index_cast %mul3A_274 : i32 to index
          %get3A_473 = tpu.vector_load %arg9[%get3A_470, %get3A_471, %get3A_472] {strides = array<i32>} : memref<4x50x256xf32, #tpu.memory_space<vmem>>, vector<16xf32>,
          %add3A_474 = arith.constant 5 : i32
          %add3A_475 = arith.addi %mul3A_245, %add3A_474 : i32
          %add3A_476 = arith.constant 3 : i32
          %add3A_477 = arith.addi %add3A_475, %add3A_476 : i32
          %get3A_478 = arith.index_cast %select_n3A_115 : i32 to index
          %get3A_479 = arith.index_cast %add3A_477 : i32 to index
          %get3A_480 = arith.index_cast %mul3A_274 : i32 to index
          %get3A_481 = tpu.vector_load %arg9[%get3A_478, %get3A_479, %get3A_480] {strides = array<i32>} : memref<4x50x256xf32, #tpu.memory_space<vmem>>, vector<16xf32>,
          %add3A_482 = arith.constant 10 : i32
          %add3A_483 = arith.addi %mul3A_245, %add3A_482 : i32
          %add3A_484 = arith.constant 3 : i32
          %add3A_485 = arith.addi %add3A_483, %add3A_484 : i32
          %get3A_486 = arith.index_cast %select_n3A_115 : i32 to index
          %get3A_487 = arith.index_cast %add3A_485 : i32 to index
          %get3A_488 = arith.index_cast %mul3A_274 : i32 to index
          %get3A_489 = tpu.vector_load %arg9[%get3A_486, %get3A_487, %get3A_488] {strides = array<i32>} : memref<4x50x256xf32, #tpu.memory_space<vmem>>, vector<16xf32>,
          %add3A_490 = arith.constant 15 : i32
          %add3A_491 = arith.addi %mul3A_245, %add3A_490 : i32
          %add3A_492 = arith.constant 3 : i32
          %add3A_493 = arith.addi %add3A_491, %add3A_492 : i32
          %get3A_494 = arith.index_cast %select_n3A_115 : i32 to index
          %get3A_495 = arith.index_cast %add3A_493 : i32 to index
          %get3A_496 = arith.index_cast %mul3A_274 : i32 to index
          %get3A_497 = tpu.vector_load %arg9[%get3A_494, %get3A_495, %get3A_496] {strides = array<i32>} : memref<4x50x256xf32, #tpu.memory_space<vmem>>, vector<16xf32>,
          %add3A_498 = arith.constant 20 : i32
          %add3A_499 = arith.addi %mul3A_245, %add3A_498 : i32
          %add3A_500 = arith.constant 3 : i32
          %add3A_501 = arith.addi %add3A_499, %add3A_500 : i32
          %get3A_502 = arith.index_cast %select_n3A_115 : i32 to index
          %get3A_503 = arith.index_cast %add3A_501 : i32 to index
          %get3A_504 = arith.index_cast %mul3A_274 : i32 to index
          %get3A_505 = tpu.vector_load %arg9[%get3A_502, %get3A_503, %get3A_504] {strides = array<i32>} : memref<4x50x256xf32, #tpu.memory_space<vmem>>, vector<16xf32>,
          %mul3A_506 = arith.mulf %get3A_473, %mul3A_234 : vector<16xf32>
          %mul3A_507 = arith.mulf %get3A_481, %mul3A_237 : vector<16xf32>
          %add3A_508 = arith.addf %mul3A_506, %mul3A_507 : vector<16xf32>
          %mul3A_509 = arith.constant 8.000000e-01 : f32
          %mul3A_510 = vector.broadcast %mul3A_509 : f32 to vector<16xf32>
          %mul3A_511 = arith.mulf %get3A_481, %mul3A_510 : vector<16xf32>
          %mul3A_512 = arith.constant 2.000000e-01 : f32
          %mul3A_513 = vector.broadcast %mul3A_512 : f32 to vector<16xf32>
          %mul3A_514 = arith.mulf %get3A_489, %mul3A_513 : vector<16xf32>
          %add3A_515 = arith.addf %mul3A_511, %mul3A_514 : vector<16xf32>
          %mul3A_516 = arith.constant 2.000000e-01 : f32
          %mul3A_517 = vector.broadcast %mul3A_516 : f32 to vector<16xf32>
          %mul3A_518 = arith.mulf %get3A_489, %mul3A_517 : vector<16xf32>
          %mul3A_519 = arith.constant 8.000000e-01 : f32
          %mul3A_520 = vector.broadcast %mul3A_519 : f32 to vector<16xf32>
          %mul3A_521 = arith.mulf %get3A_497, %mul3A_520 : vector<16xf32>
          %add3A_522 = arith.addf %mul3A_518, %mul3A_521 : vector<16xf32>
          %mul3A_523 = arith.constant 4.000000e-01 : f32
          %mul3A_524 = vector.broadcast %mul3A_523 : f32 to vector<16xf32>
          %mul3A_525 = arith.mulf %get3A_497, %mul3A_524 : vector<16xf32>
          %mul3A_526 = arith.constant 6.000000e-01 : f32
          %mul3A_527 = vector.broadcast %mul3A_526 : f32 to vector<16xf32>
          %mul3A_528 = arith.mulf %get3A_505, %mul3A_527 : vector<16xf32>
          %add3A_529 = arith.addf %mul3A_525, %mul3A_528 : vector<16xf32>
          %add3A_530 = arith.constant 0 : i32
          %add3A_531 = arith.addi %mul3A_245, %add3A_530 : i32
          %add3A_532 = arith.constant 4 : i32
          %add3A_533 = arith.addi %add3A_531, %add3A_532 : i32
          %get3A_534 = arith.index_cast %select_n3A_115 : i32 to index
          %get3A_535 = arith.index_cast %add3A_533 : i32 to index
          %get3A_536 = arith.index_cast %mul3A_274 : i32 to index
          %get3A_537 = tpu.vector_load %arg9[%get3A_534, %get3A_535, %get3A_536] {strides = array<i32>} : memref<4x50x256xf32, #tpu.memory_space<vmem>>, vector<16xf32>,
          %add3A_538 = arith.constant 5 : i32
          %add3A_539 = arith.addi %mul3A_245, %add3A_538 : i32
          %add3A_540 = arith.constant 4 : i32
          %add3A_541 = arith.addi %add3A_539, %add3A_540 : i32
          %get3A_542 = arith.index_cast %select_n3A_115 : i32 to index
          %get3A_543 = arith.index_cast %add3A_541 : i32 to index
          %get3A_544 = arith.index_cast %mul3A_274 : i32 to index
          %get3A_545 = tpu.vector_load %arg9[%get3A_542, %get3A_543, %get3A_544] {strides = array<i32>} : memref<4x50x256xf32, #tpu.memory_space<vmem>>, vector<16xf32>,
          %add3A_546 = arith.constant 10 : i32
          %add3A_547 = arith.addi %mul3A_245, %add3A_546 : i32
          %add3A_548 = arith.constant 4 : i32
          %add3A_549 = arith.addi %add3A_547, %add3A_548 : i32
          %get3A_550 = arith.index_cast %select_n3A_115 : i32 to index
          %get3A_551 = arith.index_cast %add3A_549 : i32 to index
          %get3A_552 = arith.index_cast %mul3A_274 : i32 to index
          %get3A_553 = tpu.vector_load %arg9[%get3A_550, %get3A_551, %get3A_552] {strides = array<i32>} : memref<4x50x256xf32, #tpu.memory_space<vmem>>, vector<16xf32>,
          %add3A_554 = arith.constant 15 : i32
          %add3A_555 = arith.addi %mul3A_245, %add3A_554 : i32
          %add3A_556 = arith.constant 4 : i32
          %add3A_557 = arith.addi %add3A_555, %add3A_556 : i32
          %get3A_558 = arith.index_cast %select_n3A_115 : i32 to index
          %get3A_559 = arith.index_cast %add3A_557 : i32 to index
          %get3A_560 = arith.index_cast %mul3A_274 : i32 to index
          %get3A_561 = tpu.vector_load %arg9[%get3A_558, %get3A_559, %get3A_560] {strides = array<i32>} : memref<4x50x256xf32, #tpu.memory_space<vmem>>, vector<16xf32>,
          %add3A_562 = arith.constant 20 : i32
          %add3A_563 = arith.addi %mul3A_245, %add3A_562 : i32
          %add3A_564 = arith.constant 4 : i32
          %add3A_565 = arith.addi %add3A_563, %add3A_564 : i32
          %get3A_566 = arith.index_cast %select_n3A_115 : i32 to index
          %get3A_567 = arith.index_cast %add3A_565 : i32 to index
          %get3A_568 = arith.index_cast %mul3A_274 : i32 to index
          %get3A_569 = tpu.vector_load %arg9[%get3A_566, %get3A_567, %get3A_568] {strides = array<i32>} : memref<4x50x256xf32, #tpu.memory_space<vmem>>, vector<16xf32>,
          %mul3A_570 = arith.mulf %get3A_537, %mul3A_234 : vector<16xf32>
          %mul3A_571 = arith.mulf %get3A_545, %mul3A_237 : vector<16xf32>
          %add3A_572 = arith.addf %mul3A_570, %mul3A_571 : vector<16xf32>
          %mul3A_573 = arith.constant 8.000000e-01 : f32
          %mul3A_574 = vector.broadcast %mul3A_573 : f32 to vector<16xf32>
          %mul3A_575 = arith.mulf %get3A_545, %mul3A_574 : vector<16xf32>
          %mul3A_576 = arith.constant 2.000000e-01 : f32
          %mul3A_577 = vector.broadcast %mul3A_576 : f32 to vector<16xf32>
          %mul3A_578 = arith.mulf %get3A_553, %mul3A_577 : vector<16xf32>
          %add3A_579 = arith.addf %mul3A_575, %mul3A_578 : vector<16xf32>
          %mul3A_580 = arith.constant 2.000000e-01 : f32
          %mul3A_581 = vector.broadcast %mul3A_580 : f32 to vector<16xf32>
          %mul3A_582 = arith.mulf %get3A_553, %mul3A_581 : vector<16xf32>
          %mul3A_583 = arith.constant 8.000000e-01 : f32
          %mul3A_584 = vector.broadcast %mul3A_583 : f32 to vector<16xf32>
          %mul3A_585 = arith.mulf %get3A_561, %mul3A_584 : vector<16xf32>
          %add3A_586 = arith.addf %mul3A_582, %mul3A_585 : vector<16xf32>
          %mul3A_587 = arith.constant 4.000000e-01 : f32
          %mul3A_588 = vector.broadcast %mul3A_587 : f32 to vector<16xf32>
          %mul3A_589 = arith.mulf %get3A_561, %mul3A_588 : vector<16xf32>
          %mul3A_590 = arith.constant 6.000000e-01 : f32
          %mul3A_591 = vector.broadcast %mul3A_590 : f32 to vector<16xf32>
          %mul3A_592 = arith.mulf %get3A_569, %mul3A_591 : vector<16xf32>
          %add3A_593 = arith.addf %mul3A_589, %mul3A_592 : vector<16xf32>
          %mul3A_594 = arith.constant 25 : i32
          %mul3A_595 = arith.muli %mul3A_274, %mul3A_594 : i32
          %add3A_596 = vector.broadcast %mul3A_595 : i32 to vector<16xi32>
          %add3A_597 = arith.addi %mul3A_53, %add3A_596 : vector<16xi32>
          %mul3A_598 = arith.mulf %add3A_316, %mul3A_240 : vector<16xf32>
          %mul3A_599 = arith.mulf %add3A_380, %mul3A_243 : vector<16xf32>
          %add3A_600 = arith.addf %mul3A_598, %mul3A_599 : vector<16xf32>
          %add3A_601 = arith.constant 0 : i32
          %add3A_602 = vector.broadcast %add3A_601 : i32 to vector<16xi32>
          %add3A_603 = arith.addi %add3A_597, %add3A_602 : vector<16xi32>
          %scatter3A = arith.constant 0 : i32
          %scatter3A_604 = arith.constant 0 : i32
          %scatter3A_605 = tpu.memref_slice %arg10[%select_n3A_155, %scatter3A, %scatter3A_604] : memref<2x4x6400xf32, #tpu.memory_space<vmem>> -> memref<1x4x6400xf32, #tpu.memory_space<vmem>>
          %scatter3A_606 = tpu.memref_squeeze %scatter3A_605 : memref<1x4x6400xf32, #tpu.memory_space<vmem>> -> memref<4x6400xf32, #tpu.memory_space<vmem>>
          tpu.vector_store_idx %scatter3A_606[%broadcast_in_dim3A_265, %add3A_603], %add3A_600 : memref<4x6400xf32, #tpu.memory_space<vmem>>[vector<16xi32>, vector<16xi32>], vector<16xf32>,
          %mul3A_607 = arith.constant 8.000000e-01 : f32
          %mul3A_608 = vector.broadcast %mul3A_607 : f32 to vector<16xf32>
          %mul3A_609 = arith.mulf %add3A_380, %mul3A_608 : vector<16xf32>
          %mul3A_610 = arith.constant 2.000000e-01 : f32
          %mul3A_611 = vector.broadcast %mul3A_610 : f32 to vector<16xf32>
          %mul3A_612 = arith.mulf %add3A_444, %mul3A_611 : vector<16xf32>
          %add3A_613 = arith.addf %mul3A_609, %mul3A_612 : vector<16xf32>
          %add3A_614 = arith.constant 1 : i32
          %add3A_615 = vector.broadcast %add3A_614 : i32 to vector<16xi32>
          %add3A_616 = arith.addi %add3A_597, %add3A_615 : vector<16xi32>
          %scatter3A_617 = arith.constant 0 : i32
          %scatter3A_618 = arith.constant 0 : i32
          %scatter3A_619 = tpu.memref_slice %arg10[%select_n3A_155, %scatter3A_617, %scatter3A_618] : memref<2x4x6400xf32, #tpu.memory_space<vmem>> -> memref<1x4x6400xf32, #tpu.memory_space<vmem>>
          %scatter3A_620 = tpu.memref_squeeze %scatter3A_619 : memref<1x4x6400xf32, #tpu.memory_space<vmem>> -> memref<4x6400xf32, #tpu.memory_space<vmem>>
          tpu.vector_store_idx %scatter3A_620[%broadcast_in_dim3A_265, %add3A_616], %add3A_613 : memref<4x6400xf32, #tpu.memory_space<vmem>>[vector<16xi32>, vector<16xi32>], vector<16xf32>,
          %add3A_621 = arith.constant 2 : i32
          %add3A_622 = vector.broadcast %add3A_621 : i32 to vector<16xi32>
          %add3A_623 = arith.addi %add3A_597, %add3A_622 : vector<16xi32>
          %scatter3A_624 = arith.constant 0 : i32
          %scatter3A_625 = arith.constant 0 : i32
          %scatter3A_626 = tpu.memref_slice %arg10[%select_n3A_155, %scatter3A_624, %scatter3A_625] : memref<2x4x6400xf32, #tpu.memory_space<vmem>> -> memref<1x4x6400xf32, #tpu.memory_space<vmem>>
          %scatter3A_627 = tpu.memref_squeeze %scatter3A_626 : memref<1x4x6400xf32, #tpu.memory_space<vmem>> -> memref<4x6400xf32, #tpu.memory_space<vmem>>
          tpu.vector_store_idx %scatter3A_627[%broadcast_in_dim3A_265, %add3A_623], %add3A_444 : memref<4x6400xf32, #tpu.memory_space<vmem>>[vector<16xi32>, vector<16xi32>], vector<16xf32>,
          %mul3A_628 = arith.constant 2.000000e-01 : f32
          %mul3A_629 = vector.broadcast %mul3A_628 : f32 to vector<16xf32>
          %mul3A_630 = arith.mulf %add3A_444, %mul3A_629 : vector<16xf32>
          %mul3A_631 = arith.constant 8.000000e-01 : f32
          %mul3A_632 = vector.broadcast %mul3A_631 : f32 to vector<16xf32>
          %mul3A_633 = arith.mulf %add3A_508, %mul3A_632 : vector<16xf32>
          %add3A_634 = arith.addf %mul3A_630, %mul3A_633 : vector<16xf32>
          %add3A_635 = arith.constant 3 : i32
          %add3A_636 = vector.broadcast %add3A_635 : i32 to vector<16xi32>
          %add3A_637 = arith.addi %add3A_597, %add3A_636 : vector<16xi32>
          %scatter3A_638 = arith.constant 0 : i32
          %scatter3A_639 = arith.constant 0 : i32
          %scatter3A_640 = tpu.memref_slice %arg10[%select_n3A_155, %scatter3A_638, %scatter3A_639] : memref<2x4x6400xf32, #tpu.memory_space<vmem>> -> memref<1x4x6400xf32, #tpu.memory_space<vmem>>
          %scatter3A_641 = tpu.memref_squeeze %scatter3A_640 : memref<1x4x6400xf32, #tpu.memory_space<vmem>> -> memref<4x6400xf32, #tpu.memory_space<vmem>>
          tpu.vector_store_idx %scatter3A_641[%broadcast_in_dim3A_265, %add3A_637], %add3A_634 : memref<4x6400xf32, #tpu.memory_space<vmem>>[vector<16xi32>, vector<16xi32>], vector<16xf32>,
          %mul3A_642 = arith.constant 4.000000e-01 : f32
          %mul3A_643 = vector.broadcast %mul3A_642 : f32 to vector<16xf32>
          %mul3A_644 = arith.mulf %add3A_508, %mul3A_643 : vector<16xf32>
          %mul3A_645 = arith.constant 6.000000e-01 : f32
          %mul3A_646 = vector.broadcast %mul3A_645 : f32 to vector<16xf32>
          %mul3A_647 = arith.mulf %add3A_572, %mul3A_646 : vector<16xf32>
          %add3A_648 = arith.addf %mul3A_644, %mul3A_647 : vector<16xf32>
          %add3A_649 = arith.constant 4 : i32
          %add3A_650 = vector.broadcast %add3A_649 : i32 to vector<16xi32>
          %add3A_651 = arith.addi %add3A_597, %add3A_650 : vector<16xi32>
          %scatter3A_652 = arith.constant 0 : i32
          %scatter3A_653 = arith.constant 0 : i32
          %scatter3A_654 = tpu.memref_slice %arg10[%select_n3A_155, %scatter3A_652, %scatter3A_653] : memref<2x4x6400xf32, #tpu.memory_space<vmem>> -> memref<1x4x6400xf32, #tpu.memory_space<vmem>>
          %scatter3A_655 = tpu.memref_squeeze %scatter3A_654 : memref<1x4x6400xf32, #tpu.memory_space<vmem>> -> memref<4x6400xf32, #tpu.memory_space<vmem>>
          tpu.vector_store_idx %scatter3A_655[%broadcast_in_dim3A_265, %add3A_651], %add3A_648 : memref<4x6400xf32, #tpu.memory_space<vmem>>[vector<16xi32>, vector<16xi32>], vector<16xf32>,
          %mul3A_656 = arith.mulf %add3A_323, %mul3A_240 : vector<16xf32>
          %mul3A_657 = arith.mulf %add3A_387, %mul3A_243 : vector<16xf32>
          %add3A_658 = arith.addf %mul3A_656, %mul3A_657 : vector<16xf32>
          %add3A_659 = arith.constant 5 : i32
          %add3A_660 = vector.broadcast %add3A_659 : i32 to vector<16xi32>
          %add3A_661 = arith.addi %add3A_597, %add3A_660 : vector<16xi32>
          %scatter3A_662 = arith.constant 0 : i32
          %scatter3A_663 = arith.constant 0 : i32
          %scatter3A_664 = tpu.memref_slice %arg10[%select_n3A_155, %scatter3A_662, %scatter3A_663] : memref<2x4x6400xf32, #tpu.memory_space<vmem>> -> memref<1x4x6400xf32, #tpu.memory_space<vmem>>
          %scatter3A_665 = tpu.memref_squeeze %scatter3A_664 : memref<1x4x6400xf32, #tpu.memory_space<vmem>> -> memref<4x6400xf32, #tpu.memory_space<vmem>>
          tpu.vector_store_idx %scatter3A_665[%broadcast_in_dim3A_265, %add3A_661], %add3A_658 : memref<4x6400xf32, #tpu.memory_space<vmem>>[vector<16xi32>, vector<16xi32>], vector<16xf32>,
          %mul3A_666 = arith.constant 8.000000e-01 : f32
          %mul3A_667 = vector.broadcast %mul3A_666 : f32 to vector<16xf32>
          %mul3A_668 = arith.mulf %add3A_387, %mul3A_667 : vector<16xf32>
          %mul3A_669 = arith.constant 2.000000e-01 : f32
          %mul3A_670 = vector.broadcast %mul3A_669 : f32 to vector<16xf32>
          %mul3A_671 = arith.mulf %add3A_451, %mul3A_670 : vector<16xf32>
          %add3A_672 = arith.addf %mul3A_668, %mul3A_671 : vector<16xf32>
          %add3A_673 = arith.constant 6 : i32
          %add3A_674 = vector.broadcast %add3A_673 : i32 to vector<16xi32>
          %add3A_675 = arith.addi %add3A_597, %add3A_674 : vector<16xi32>
          %scatter3A_676 = arith.constant 0 : i32
          %scatter3A_677 = arith.constant 0 : i32
          %scatter3A_678 = tpu.memref_slice %arg10[%select_n3A_155, %scatter3A_676, %scatter3A_677] : memref<2x4x6400xf32, #tpu.memory_space<vmem>> -> memref<1x4x6400xf32, #tpu.memory_space<vmem>>
          %scatter3A_679 = tpu.memref_squeeze %scatter3A_678 : memref<1x4x6400xf32, #tpu.memory_space<vmem>> -> memref<4x6400xf32, #tpu.memory_space<vmem>>
          tpu.vector_store_idx %scatter3A_679[%broadcast_in_dim3A_265, %add3A_675], %add3A_672 : memref<4x6400xf32, #tpu.memory_space<vmem>>[vector<16xi32>, vector<16xi32>], vector<16xf32>,
          %add3A_680 = arith.constant 7 : i32
          %add3A_681 = vector.broadcast %add3A_680 : i32 to vector<16xi32>
          %add3A_682 = arith.addi %add3A_597, %add3A_681 : vector<16xi32>
          %scatter3A_683 = arith.constant 0 : i32
          %scatter3A_684 = arith.constant 0 : i32
          %scatter3A_685 = tpu.memref_slice %arg10[%select_n3A_155, %scatter3A_683, %scatter3A_684] : memref<2x4x6400xf32, #tpu.memory_space<vmem>> -> memref<1x4x6400xf32, #tpu.memory_space<vmem>>
          %scatter3A_686 = tpu.memref_squeeze %scatter3A_685 : memref<1x4x6400xf32, #tpu.memory_space<vmem>> -> memref<4x6400xf32, #tpu.memory_space<vmem>>
          tpu.vector_store_idx %scatter3A_686[%broadcast_in_dim3A_265, %add3A_682], %add3A_451 : memref<4x6400xf32, #tpu.memory_space<vmem>>[vector<16xi32>, vector<16xi32>], vector<16xf32>,
          %mul3A_687 = arith.constant 2.000000e-01 : f32
          %mul3A_688 = vector.broadcast %mul3A_687 : f32 to vector<16xf32>
          %mul3A_689 = arith.mulf %add3A_451, %mul3A_688 : vector<16xf32>
          %mul3A_690 = arith.constant 8.000000e-01 : f32
          %mul3A_691 = vector.broadcast %mul3A_690 : f32 to vector<16xf32>
          %mul3A_692 = arith.mulf %add3A_515, %mul3A_691 : vector<16xf32>
          %add3A_693 = arith.addf %mul3A_689, %mul3A_692 : vector<16xf32>
          %add3A_694 = arith.constant 8 : i32
          %add3A_695 = vector.broadcast %add3A_694 : i32 to vector<16xi32>
          %add3A_696 = arith.addi %add3A_597, %add3A_695 : vector<16xi32>
          %scatter3A_697 = arith.constant 0 : i32
          %scatter3A_698 = arith.constant 0 : i32
          %scatter3A_699 = tpu.memref_slice %arg10[%select_n3A_155, %scatter3A_697, %scatter3A_698] : memref<2x4x6400xf32, #tpu.memory_space<vmem>> -> memref<1x4x6400xf32, #tpu.memory_space<vmem>>
          %scatter3A_700 = tpu.memref_squeeze %scatter3A_699 : memref<1x4x6400xf32, #tpu.memory_space<vmem>> -> memref<4x6400xf32, #tpu.memory_space<vmem>>
          tpu.vector_store_idx %scatter3A_700[%broadcast_in_dim3A_265, %add3A_696], %add3A_693 : memref<4x6400xf32, #tpu.memory_space<vmem>>[vector<16xi32>, vector<16xi32>], vector<16xf32>,
          %mul3A_701 = arith.constant 4.000000e-01 : f32
          %mul3A_702 = vector.broadcast %mul3A_701 : f32 to vector<16xf32>
          %mul3A_703 = arith.mulf %add3A_515, %mul3A_702 : vector<16xf32>
          %mul3A_704 = arith.constant 6.000000e-01 : f32
          %mul3A_705 = vector.broadcast %mul3A_704 : f32 to vector<16xf32>
          %mul3A_706 = arith.mulf %add3A_579, %mul3A_705 : vector<16xf32>
          %add3A_707 = arith.addf %mul3A_703, %mul3A_706 : vector<16xf32>
          %add3A_708 = arith.constant 9 : i32
          %add3A_709 = vector.broadcast %add3A_708 : i32 to vector<16xi32>
          %add3A_710 = arith.addi %add3A_597, %add3A_709 : vector<16xi32>
          %scatter3A_711 = arith.constant 0 : i32
          %scatter3A_712 = arith.constant 0 : i32
          %scatter3A_713 = tpu.memref_slice %arg10[%select_n3A_155, %scatter3A_711, %scatter3A_712] : memref<2x4x6400xf32, #tpu.memory_space<vmem>> -> memref<1x4x6400xf32, #tpu.memory_space<vmem>>
          %scatter3A_714 = tpu.memref_squeeze %scatter3A_713 : memref<1x4x6400xf32, #tpu.memory_space<vmem>> -> memref<4x6400xf32, #tpu.memory_space<vmem>>
          tpu.vector_store_idx %scatter3A_714[%broadcast_in_dim3A_265, %add3A_710], %add3A_707 : memref<4x6400xf32, #tpu.memory_space<vmem>>[vector<16xi32>, vector<16xi32>], vector<16xf32>,
          %mul3A_715 = arith.mulf %get3A_297, %mul3A_240 : vector<16xf32>
          %mul3A_716 = arith.mulf %get3A_361, %mul3A_243 : vector<16xf32>
          %add3A_717 = arith.addf %mul3A_715, %mul3A_716 : vector<16xf32>
          %add3A_718 = arith.constant 10 : i32
          %add3A_719 = vector.broadcast %add3A_718 : i32 to vector<16xi32>
          %add3A_720 = arith.addi %add3A_597, %add3A_719 : vector<16xi32>
          %scatter3A_721 = arith.constant 0 : i32
          %scatter3A_722 = arith.constant 0 : i32
          %scatter3A_723 = tpu.memref_slice %arg10[%select_n3A_155, %scatter3A_721, %scatter3A_722] : memref<2x4x6400xf32, #tpu.memory_space<vmem>> -> memref<1x4x6400xf32, #tpu.memory_space<vmem>>
          %scatter3A_724 = tpu.memref_squeeze %scatter3A_723 : memref<1x4x6400xf32, #tpu.memory_space<vmem>> -> memref<4x6400xf32, #tpu.memory_space<vmem>>
          tpu.vector_store_idx %scatter3A_724[%broadcast_in_dim3A_265, %add3A_720], %add3A_717 : memref<4x6400xf32, #tpu.memory_space<vmem>>[vector<16xi32>, vector<16xi32>], vector<16xf32>,
          %mul3A_725 = arith.constant 8.000000e-01 : f32
          %mul3A_726 = vector.broadcast %mul3A_725 : f32 to vector<16xf32>
          %mul3A_727 = arith.mulf %get3A_361, %mul3A_726 : vector<16xf32>
          %mul3A_728 = arith.constant 2.000000e-01 : f32
          %mul3A_729 = vector.broadcast %mul3A_728 : f32 to vector<16xf32>
          %mul3A_730 = arith.mulf %get3A_425, %mul3A_729 : vector<16xf32>
          %add3A_731 = arith.addf %mul3A_727, %mul3A_730 : vector<16xf32>
          %add3A_732 = arith.constant 11 : i32
          %add3A_733 = vector.broadcast %add3A_732 : i32 to vector<16xi32>
          %add3A_734 = arith.addi %add3A_597, %add3A_733 : vector<16xi32>
          %scatter3A_735 = arith.constant 0 : i32
          %scatter3A_736 = arith.constant 0 : i32
          %scatter3A_737 = tpu.memref_slice %arg10[%select_n3A_155, %scatter3A_735, %scatter3A_736] : memref<2x4x6400xf32, #tpu.memory_space<vmem>> -> memref<1x4x6400xf32, #tpu.memory_space<vmem>>
          %scatter3A_738 = tpu.memref_squeeze %scatter3A_737 : memref<1x4x6400xf32, #tpu.memory_space<vmem>> -> memref<4x6400xf32, #tpu.memory_space<vmem>>
          tpu.vector_store_idx %scatter3A_738[%broadcast_in_dim3A_265, %add3A_734], %add3A_731 : memref<4x6400xf32, #tpu.memory_space<vmem>>[vector<16xi32>, vector<16xi32>], vector<16xf32>,
          %add3A_739 = arith.constant 12 : i32
          %add3A_740 = vector.broadcast %add3A_739 : i32 to vector<16xi32>
          %add3A_741 = arith.addi %add3A_597, %add3A_740 : vector<16xi32>
          %scatter3A_742 = arith.constant 0 : i32
          %scatter3A_743 = arith.constant 0 : i32
          %scatter3A_744 = tpu.memref_slice %arg10[%select_n3A_155, %scatter3A_742, %scatter3A_743] : memref<2x4x6400xf32, #tpu.memory_space<vmem>> -> memref<1x4x6400xf32, #tpu.memory_space<vmem>>
          %scatter3A_745 = tpu.memref_squeeze %scatter3A_744 : memref<1x4x6400xf32, #tpu.memory_space<vmem>> -> memref<4x6400xf32, #tpu.memory_space<vmem>>
          tpu.vector_store_idx %scatter3A_745[%broadcast_in_dim3A_265, %add3A_741], %get3A_425 : memref<4x6400xf32, #tpu.memory_space<vmem>>[vector<16xi32>, vector<16xi32>], vector<16xf32>,
          %mul3A_746 = arith.constant 2.000000e-01 : f32
          %mul3A_747 = vector.broadcast %mul3A_746 : f32 to vector<16xf32>
          %mul3A_748 = arith.mulf %get3A_425, %mul3A_747 : vector<16xf32>
          %mul3A_749 = arith.constant 8.000000e-01 : f32
          %mul3A_750 = vector.broadcast %mul3A_749 : f32 to vector<16xf32>
          %mul3A_751 = arith.mulf %get3A_489, %mul3A_750 : vector<16xf32>
          %add3A_752 = arith.addf %mul3A_748, %mul3A_751 : vector<16xf32>
          %add3A_753 = arith.constant 13 : i32
          %add3A_754 = vector.broadcast %add3A_753 : i32 to vector<16xi32>
          %add3A_755 = arith.addi %add3A_597, %add3A_754 : vector<16xi32>
          %scatter3A_756 = arith.constant 0 : i32
          %scatter3A_757 = arith.constant 0 : i32
          %scatter3A_758 = tpu.memref_slice %arg10[%select_n3A_155, %scatter3A_756, %scatter3A_757] : memref<2x4x6400xf32, #tpu.memory_space<vmem>> -> memref<1x4x6400xf32, #tpu.memory_space<vmem>>
          %scatter3A_759 = tpu.memref_squeeze %scatter3A_758 : memref<1x4x6400xf32, #tpu.memory_space<vmem>> -> memref<4x6400xf32, #tpu.memory_space<vmem>>
          tpu.vector_store_idx %scatter3A_759[%broadcast_in_dim3A_265, %add3A_755], %add3A_752 : memref<4x6400xf32, #tpu.memory_space<vmem>>[vector<16xi32>, vector<16xi32>], vector<16xf32>,
          %mul3A_760 = arith.constant 4.000000e-01 : f32
          %mul3A_761 = vector.broadcast %mul3A_760 : f32 to vector<16xf32>
          %mul3A_762 = arith.mulf %get3A_489, %mul3A_761 : vector<16xf32>
          %mul3A_763 = arith.constant 6.000000e-01 : f32
          %mul3A_764 = vector.broadcast %mul3A_763 : f32 to vector<16xf32>
          %mul3A_765 = arith.mulf %get3A_553, %mul3A_764 : vector<16xf32>
          %add3A_766 = arith.addf %mul3A_762, %mul3A_765 : vector<16xf32>
          %add3A_767 = arith.constant 14 : i32
          %add3A_768 = vector.broadcast %add3A_767 : i32 to vector<16xi32>
          %add3A_769 = arith.addi %add3A_597, %add3A_768 : vector<16xi32>
          %scatter3A_770 = arith.constant 0 : i32
          %scatter3A_771 = arith.constant 0 : i32
          %scatter3A_772 = tpu.memref_slice %arg10[%select_n3A_155, %scatter3A_770, %scatter3A_771] : memref<2x4x6400xf32, #tpu.memory_space<vmem>> -> memref<1x4x6400xf32, #tpu.memory_space<vmem>>
          %scatter3A_773 = tpu.memref_squeeze %scatter3A_772 : memref<1x4x6400xf32, #tpu.memory_space<vmem>> -> memref<4x6400xf32, #tpu.memory_space<vmem>>
          tpu.vector_store_idx %scatter3A_773[%broadcast_in_dim3A_265, %add3A_769], %add3A_766 : memref<4x6400xf32, #tpu.memory_space<vmem>>[vector<16xi32>, vector<16xi32>], vector<16xf32>,
          %mul3A_774 = arith.mulf %add3A_330, %mul3A_240 : vector<16xf32>
          %mul3A_775 = arith.mulf %add3A_394, %mul3A_243 : vector<16xf32>
          %add3A_776 = arith.addf %mul3A_774, %mul3A_775 : vector<16xf32>
          %add3A_777 = arith.constant 15 : i32
          %add3A_778 = vector.broadcast %add3A_777 : i32 to vector<16xi32>
          %add3A_779 = arith.addi %add3A_597, %add3A_778 : vector<16xi32>
          %scatter3A_780 = arith.constant 0 : i32
          %scatter3A_781 = arith.constant 0 : i32
          %scatter3A_782 = tpu.memref_slice %arg10[%select_n3A_155, %scatter3A_780, %scatter3A_781] : memref<2x4x6400xf32, #tpu.memory_space<vmem>> -> memref<1x4x6400xf32, #tpu.memory_space<vmem>>
          %scatter3A_783 = tpu.memref_squeeze %scatter3A_782 : memref<1x4x6400xf32, #tpu.memory_space<vmem>> -> memref<4x6400xf32, #tpu.memory_space<vmem>>
          tpu.vector_store_idx %scatter3A_783[%broadcast_in_dim3A_265, %add3A_779], %add3A_776 : memref<4x6400xf32, #tpu.memory_space<vmem>>[vector<16xi32>, vector<16xi32>], vector<16xf32>,
          %mul3A_784 = arith.constant 8.000000e-01 : f32
          %mul3A_785 = vector.broadcast %mul3A_784 : f32 to vector<16xf32>
          %mul3A_786 = arith.mulf %add3A_394, %mul3A_785 : vector<16xf32>
          %mul3A_787 = arith.constant 2.000000e-01 : f32
          %mul3A_788 = vector.broadcast %mul3A_787 : f32 to vector<16xf32>
          %mul3A_789 = arith.mulf %add3A_458, %mul3A_788 : vector<16xf32>
          %add3A_790 = arith.addf %mul3A_786, %mul3A_789 : vector<16xf32>
          %add3A_791 = arith.constant 16 : i32
          %add3A_792 = vector.broadcast %add3A_791 : i32 to vector<16xi32>
          %add3A_793 = arith.addi %add3A_597, %add3A_792 : vector<16xi32>
          %scatter3A_794 = arith.constant 0 : i32
          %scatter3A_795 = arith.constant 0 : i32
          %scatter3A_796 = tpu.memref_slice %arg10[%select_n3A_155, %scatter3A_794, %scatter3A_795] : memref<2x4x6400xf32, #tpu.memory_space<vmem>> -> memref<1x4x6400xf32, #tpu.memory_space<vmem>>
          %scatter3A_797 = tpu.memref_squeeze %scatter3A_796 : memref<1x4x6400xf32, #tpu.memory_space<vmem>> -> memref<4x6400xf32, #tpu.memory_space<vmem>>
          tpu.vector_store_idx %scatter3A_797[%broadcast_in_dim3A_265, %add3A_793], %add3A_790 : memref<4x6400xf32, #tpu.memory_space<vmem>>[vector<16xi32>, vector<16xi32>], vector<16xf32>,
          %add3A_798 = arith.constant 17 : i32
          %add3A_799 = vector.broadcast %add3A_798 : i32 to vector<16xi32>
          %add3A_800 = arith.addi %add3A_597, %add3A_799 : vector<16xi32>
          %scatter3A_801 = arith.constant 0 : i32
          %scatter3A_802 = arith.constant 0 : i32
          %scatter3A_803 = tpu.memref_slice %arg10[%select_n3A_155, %scatter3A_801, %scatter3A_802] : memref<2x4x6400xf32, #tpu.memory_space<vmem>> -> memref<1x4x6400xf32, #tpu.memory_space<vmem>>
          %scatter3A_804 = tpu.memref_squeeze %scatter3A_803 : memref<1x4x6400xf32, #tpu.memory_space<vmem>> -> memref<4x6400xf32, #tpu.memory_space<vmem>>
          tpu.vector_store_idx %scatter3A_804[%broadcast_in_dim3A_265, %add3A_800], %add3A_458 : memref<4x6400xf32, #tpu.memory_space<vmem>>[vector<16xi32>, vector<16xi32>], vector<16xf32>,
          %mul3A_805 = arith.constant 2.000000e-01 : f32
          %mul3A_806 = vector.broadcast %mul3A_805 : f32 to vector<16xf32>
          %mul3A_807 = arith.mulf %add3A_458, %mul3A_806 : vector<16xf32>
          %mul3A_808 = arith.constant 8.000000e-01 : f32
          %mul3A_809 = vector.broadcast %mul3A_808 : f32 to vector<16xf32>
          %mul3A_810 = arith.mulf %add3A_522, %mul3A_809 : vector<16xf32>
          %add3A_811 = arith.addf %mul3A_807, %mul3A_810 : vector<16xf32>
          %add3A_812 = arith.constant 18 : i32
          %add3A_813 = vector.broadcast %add3A_812 : i32 to vector<16xi32>
          %add3A_814 = arith.addi %add3A_597, %add3A_813 : vector<16xi32>
          %scatter3A_815 = arith.constant 0 : i32
          %scatter3A_816 = arith.constant 0 : i32
          %scatter3A_817 = tpu.memref_slice %arg10[%select_n3A_155, %scatter3A_815, %scatter3A_816] : memref<2x4x6400xf32, #tpu.memory_space<vmem>> -> memref<1x4x6400xf32, #tpu.memory_space<vmem>>
          %scatter3A_818 = tpu.memref_squeeze %scatter3A_817 : memref<1x4x6400xf32, #tpu.memory_space<vmem>> -> memref<4x6400xf32, #tpu.memory_space<vmem>>
          tpu.vector_store_idx %scatter3A_818[%broadcast_in_dim3A_265, %add3A_814], %add3A_811 : memref<4x6400xf32, #tpu.memory_space<vmem>>[vector<16xi32>, vector<16xi32>], vector<16xf32>,
          %mul3A_819 = arith.constant 4.000000e-01 : f32
          %mul3A_820 = vector.broadcast %mul3A_819 : f32 to vector<16xf32>
          %mul3A_821 = arith.mulf %add3A_522, %mul3A_820 : vector<16xf32>
          %mul3A_822 = arith.constant 6.000000e-01 : f32
          %mul3A_823 = vector.broadcast %mul3A_822 : f32 to vector<16xf32>
          %mul3A_824 = arith.mulf %add3A_586, %mul3A_823 : vector<16xf32>
          %add3A_825 = arith.addf %mul3A_821, %mul3A_824 : vector<16xf32>
          %add3A_826 = arith.constant 19 : i32
          %add3A_827 = vector.broadcast %add3A_826 : i32 to vector<16xi32>
          %add3A_828 = arith.addi %add3A_597, %add3A_827 : vector<16xi32>
          %scatter3A_829 = arith.constant 0 : i32
          %scatter3A_830 = arith.constant 0 : i32
          %scatter3A_831 = tpu.memref_slice %arg10[%select_n3A_155, %scatter3A_829, %scatter3A_830] : memref<2x4x6400xf32, #tpu.memory_space<vmem>> -> memref<1x4x6400xf32, #tpu.memory_space<vmem>>
          %scatter3A_832 = tpu.memref_squeeze %scatter3A_831 : memref<1x4x6400xf32, #tpu.memory_space<vmem>> -> memref<4x6400xf32, #tpu.memory_space<vmem>>
          tpu.vector_store_idx %scatter3A_832[%broadcast_in_dim3A_265, %add3A_828], %add3A_825 : memref<4x6400xf32, #tpu.memory_space<vmem>>[vector<16xi32>, vector<16xi32>], vector<16xf32>,
          %mul3A_833 = arith.mulf %add3A_337, %mul3A_240 : vector<16xf32>
          %mul3A_834 = arith.mulf %add3A_401, %mul3A_243 : vector<16xf32>
          %add3A_835 = arith.addf %mul3A_833, %mul3A_834 : vector<16xf32>
          %add3A_836 = arith.constant 20 : i32
          %add3A_837 = vector.broadcast %add3A_836 : i32 to vector<16xi32>
          %add3A_838 = arith.addi %add3A_597, %add3A_837 : vector<16xi32>
          %scatter3A_839 = arith.constant 0 : i32
          %scatter3A_840 = arith.constant 0 : i32
          %scatter3A_841 = tpu.memref_slice %arg10[%select_n3A_155, %scatter3A_839, %scatter3A_840] : memref<2x4x6400xf32, #tpu.memory_space<vmem>> -> memref<1x4x6400xf32, #tpu.memory_space<vmem>>
          %scatter3A_842 = tpu.memref_squeeze %scatter3A_841 : memref<1x4x6400xf32, #tpu.memory_space<vmem>> -> memref<4x6400xf32, #tpu.memory_space<vmem>>
          tpu.vector_store_idx %scatter3A_842[%broadcast_in_dim3A_265, %add3A_838], %add3A_835 : memref<4x6400xf32, #tpu.memory_space<vmem>>[vector<16xi32>, vector<16xi32>], vector<16xf32>,
          %mul3A_843 = arith.constant 8.000000e-01 : f32
          %mul3A_844 = vector.broadcast %mul3A_843 : f32 to vector<16xf32>
          %mul3A_845 = arith.mulf %add3A_401, %mul3A_844 : vector<16xf32>
          %mul3A_846 = arith.constant 2.000000e-01 : f32
          %mul3A_847 = vector.broadcast %mul3A_846 : f32 to vector<16xf32>
          %mul3A_848 = arith.mulf %add3A_465, %mul3A_847 : vector<16xf32>
          %add3A_849 = arith.addf %mul3A_845, %mul3A_848 : vector<16xf32>
          %add3A_850 = arith.constant 21 : i32
          %add3A_851 = vector.broadcast %add3A_850 : i32 to vector<16xi32>
          %add3A_852 = arith.addi %add3A_597, %add3A_851 : vector<16xi32>
          %scatter3A_853 = arith.constant 0 : i32
          %scatter3A_854 = arith.constant 0 : i32
          %scatter3A_855 = tpu.memref_slice %arg10[%select_n3A_155, %scatter3A_853, %scatter3A_854] : memref<2x4x6400xf32, #tpu.memory_space<vmem>> -> memref<1x4x6400xf32, #tpu.memory_space<vmem>>
          %scatter3A_856 = tpu.memref_squeeze %scatter3A_855 : memref<1x4x6400xf32, #tpu.memory_space<vmem>> -> memref<4x6400xf32, #tpu.memory_space<vmem>>
          tpu.vector_store_idx %scatter3A_856[%broadcast_in_dim3A_265, %add3A_852], %add3A_849 : memref<4x6400xf32, #tpu.memory_space<vmem>>[vector<16xi32>, vector<16xi32>], vector<16xf32>,
          %add3A_857 = arith.constant 22 : i32
          %add3A_858 = vector.broadcast %add3A_857 : i32 to vector<16xi32>
          %add3A_859 = arith.addi %add3A_597, %add3A_858 : vector<16xi32>
          %scatter3A_860 = arith.constant 0 : i32
          %scatter3A_861 = arith.constant 0 : i32
          %scatter3A_862 = tpu.memref_slice %arg10[%select_n3A_155, %scatter3A_860, %scatter3A_861] : memref<2x4x6400xf32, #tpu.memory_space<vmem>> -> memref<1x4x6400xf32, #tpu.memory_space<vmem>>
          %scatter3A_863 = tpu.memref_squeeze %scatter3A_862 : memref<1x4x6400xf32, #tpu.memory_space<vmem>> -> memref<4x6400xf32, #tpu.memory_space<vmem>>
          tpu.vector_store_idx %scatter3A_863[%broadcast_in_dim3A_265, %add3A_859], %add3A_465 : memref<4x6400xf32, #tpu.memory_space<vmem>>[vector<16xi32>, vector<16xi32>], vector<16xf32>,
          %mul3A_864 = arith.constant 2.000000e-01 : f32
          %mul3A_865 = vector.broadcast %mul3A_864 : f32 to vector<16xf32>
          %mul3A_866 = arith.mulf %add3A_465, %mul3A_865 : vector<16xf32>
          %mul3A_867 = arith.constant 8.000000e-01 : f32
          %mul3A_868 = vector.broadcast %mul3A_867 : f32 to vector<16xf32>
          %mul3A_869 = arith.mulf %add3A_529, %mul3A_868 : vector<16xf32>
          %add3A_870 = arith.addf %mul3A_866, %mul3A_869 : vector<16xf32>
          %add3A_871 = arith.constant 23 : i32
          %add3A_872 = vector.broadcast %add3A_871 : i32 to vector<16xi32>
          %add3A_873 = arith.addi %add3A_597, %add3A_872 : vector<16xi32>
          %scatter3A_874 = arith.constant 0 : i32
          %scatter3A_875 = arith.constant 0 : i32
          %scatter3A_876 = tpu.memref_slice %arg10[%select_n3A_155, %scatter3A_874, %scatter3A_875] : memref<2x4x6400xf32, #tpu.memory_space<vmem>> -> memref<1x4x6400xf32, #tpu.memory_space<vmem>>
          %scatter3A_877 = tpu.memref_squeeze %scatter3A_876 : memref<1x4x6400xf32, #tpu.memory_space<vmem>> -> memref<4x6400xf32, #tpu.memory_space<vmem>>
          tpu.vector_store_idx %scatter3A_877[%broadcast_in_dim3A_265, %add3A_873], %add3A_870 : memref<4x6400xf32, #tpu.memory_space<vmem>>[vector<16xi32>, vector<16xi32>], vector<16xf32>,
          %mul3A_878 = arith.constant 4.000000e-01 : f32
          %mul3A_879 = vector.broadcast %mul3A_878 : f32 to vector<16xf32>
          %mul3A_880 = arith.mulf %add3A_529, %mul3A_879 : vector<16xf32>
          %mul3A_881 = arith.constant 6.000000e-01 : f32
          %mul3A_882 = vector.broadcast %mul3A_881 : f32 to vector<16xf32>
          %mul3A_883 = arith.mulf %add3A_593, %mul3A_882 : vector<16xf32>
          %add3A_884 = arith.addf %mul3A_880, %mul3A_883 : vector<16xf32>
          %add3A_885 = arith.constant 24 : i32
          %add3A_886 = vector.broadcast %add3A_885 : i32 to vector<16xi32>
          %add3A_887 = arith.addi %add3A_597, %add3A_886 : vector<16xi32>
          %scatter3A_888 = arith.constant 0 : i32
          %scatter3A_889 = arith.constant 0 : i32
          %scatter3A_890 = tpu.memref_slice %arg10[%select_n3A_155, %scatter3A_888, %scatter3A_889] : memref<2x4x6400xf32, #tpu.memory_space<vmem>> -> memref<1x4x6400xf32, #tpu.memory_space<vmem>>
          %scatter3A_891 = tpu.memref_squeeze %scatter3A_890 : memref<1x4x6400xf32, #tpu.memory_space<vmem>> -> memref<4x6400xf32, #tpu.memory_space<vmem>>
          tpu.vector_store_idx %scatter3A_891[%broadcast_in_dim3A_265, %add3A_887], %add3A_884 : memref<4x6400xf32, #tpu.memory_space<vmem>>[vector<16xi32>, vector<16xi32>], vector<16xf32>,
        }
        %scan3A_271 = arith.constant 16 : i32
      }
      %scan3A_183 = arith.constant 2 : i32
      %jit3A_184 = arith.constant 2 : i32
      %eq3A_185 = arith.constant 0 : i32
      %eq3A_186 = arith.cmpi eq, %jit3A_184, %eq3A_185 : i32
      %jit3A_187 = arith.constant 1 : i32
      %select_n3A_188 = arith.select %eq3A_186, %jit3A_187, %jit3A_184 : i32
      %rem3A_189 = arith.remsi %while3A_74, %select_n3A_188 : i32
      %ne3A_190 = arith.constant 0 : i32
      %ne3A_191 = arith.cmpi ne, %rem3A_189, %ne3A_190 : i32
      %lt3A_192 = arith.constant 0 : i32
      %lt3A_193 = arith.cmpi slt, %rem3A_189, %lt3A_192 : i32
      %lt3A_194 = arith.constant 0 : i32
      %lt3A_195 = arith.cmpi slt, %select_n3A_188, %lt3A_194 : i32
      %ne3A_196 = arith.xori %lt3A_193, %lt3A_195 : i1
      %and3A_197 = arith.andi %ne3A_196, %ne3A_191 : i1
      %add3A_198 = arith.addi %rem3A_189, %select_n3A_188 : i32
      %select_n3A_199 = arith.select %and3A_197, %add3A_198, %rem3A_189 : i32
      %eq3A_200 = arith.constant 1 : i32
      %eq3A_201 = arith.cmpi eq, %select_n3A_199, %eq3A_200 : i32
      %convert_element_type3A_202 = arith.extui %eq3A_201 : i1 to i32
      %cond3A_203 = arith.constant 0 : i32
      %cond3A_204 = arith.cmpi ne, %convert_element_type3A_202, %cond3A_203 : i32
      scf.if %cond3A_204 {
        %jit3A_211 = arith.constant 2 : i32
        %div3A_212 = arith.divsi %while3A_74, %jit3A_211 : i32
        %sign3A_213 = arith.constant 0 : i32
        %sign3A_214 = arith.cmpi sgt, %while3A_74, %sign3A_213 : i32
        %sign3A_215 = arith.extui %sign3A_214 : i1 to i32
        %sign3A_216 = arith.constant 0 : i32
        %sign3A_217 = arith.cmpi slt, %while3A_74, %sign3A_216 : i32
        %sign3A_218 = arith.extui %sign3A_217 : i1 to i32
        %sign3A_219 = arith.subi %sign3A_215, %sign3A_218 : i32
        %sign3A_220 = arith.constant 0 : i32
        %sign3A_221 = arith.cmpi sgt, %jit3A_211, %sign3A_220 : i32
        %sign3A_222 = arith.extui %sign3A_221 : i1 to i32
        %sign3A_223 = arith.constant 0 : i32
        %sign3A_224 = arith.cmpi slt, %jit3A_211, %sign3A_223 : i32
        %sign3A_225 = arith.extui %sign3A_224 : i1 to i32
        %sign3A_226 = arith.subi %sign3A_222, %sign3A_225 : i32
        %ne3A_227 = arith.cmpi ne, %sign3A_219, %sign3A_226 : i32
        %rem3A_228 = arith.remsi %while3A_74, %jit3A_211 : i32
        %ne3A_229 = arith.constant 0 : i32
        %ne3A_230 = arith.cmpi ne, %rem3A_228, %ne3A_229 : i32
        %and3A_231 = arith.andi %ne3A_227, %ne3A_230 : i1
        %sub3A_232 = arith.constant 1 : i32
        %sub3A_233 = arith.subi %div3A_212, %sub3A_232 : i32
        %select_n3A_234 = arith.select %and3A_231, %sub3A_233, %div3A_212 : i32
        %jit3A_235 = arith.constant 2 : i32
        %eq3A_236 = arith.constant 0 : i32
        %eq3A_237 = arith.cmpi eq, %jit3A_235, %eq3A_236 : i32
        %jit3A_238 = arith.constant 1 : i32
        %select_n3A_239 = arith.select %eq3A_237, %jit3A_238, %jit3A_235 : i32
        %rem3A_240 = arith.remsi %select_n3A_234, %select_n3A_239 : i32
        %ne3A_241 = arith.constant 0 : i32
        %ne3A_242 = arith.cmpi ne, %rem3A_240, %ne3A_241 : i32
        %lt3A_243 = arith.constant 0 : i32
        %lt3A_244 = arith.cmpi slt, %rem3A_240, %lt3A_243 : i32
        %lt3A_245 = arith.constant 0 : i32
        %lt3A_246 = arith.cmpi slt, %select_n3A_239, %lt3A_245 : i32
        %ne3A_247 = arith.xori %lt3A_244, %lt3A_246 : i1
        %and3A_248 = arith.andi %ne3A_247, %ne3A_242 : i1
        %add3A_249 = arith.addi %rem3A_240, %select_n3A_239 : i32
        %select_n3A_250 = arith.select %and3A_248, %add3A_249, %rem3A_240 : i32
        %mul3A_251 = arith.constant 4 : i32
        %mul3A_252 = arith.muli %select_n3A_234, %mul3A_251 : i32
        %add3A_253 = arith.addi %mul3A_2, %mul3A_252 : i32
        %jit3A_254 = arith.constant 2 : i32
        %eq3A_255 = arith.constant 0 : i32
        %eq3A_256 = arith.cmpi eq, %jit3A_254, %eq3A_255 : i32
        %jit3A_257 = arith.constant 1 : i32
        %select_n3A_258 = arith.select %eq3A_256, %jit3A_257, %jit3A_254 : i32
        %rem3A_259 = arith.remsi %select_n3A_234, %select_n3A_258 : i32
        %ne3A_260 = arith.constant 0 : i32
        %ne3A_261 = arith.cmpi ne, %rem3A_259, %ne3A_260 : i32
        %lt3A_262 = arith.constant 0 : i32
        %lt3A_263 = arith.cmpi slt, %rem3A_259, %lt3A_262 : i32
        %lt3A_264 = arith.constant 0 : i32
        %lt3A_265 = arith.cmpi slt, %select_n3A_258, %lt3A_264 : i32
        %ne3A_266 = arith.xori %lt3A_263, %lt3A_265 : i1
        %and3A_267 = arith.andi %ne3A_266, %ne3A_261 : i1
        %add3A_268 = arith.addi %rem3A_259, %select_n3A_258 : i32
        %select_n3A_269 = arith.select %and3A_267, %add3A_268, %rem3A_259 : i32
        %dma_start3A = arith.constant 0 : i32
        %dma_start3A_270 = arith.constant 0 : i32
        %dma_start3A_271 = tpu.memref_slice %arg10[%select_n3A_250, %dma_start3A, %dma_start3A_270] : memref<2x4x6400xf32, #tpu.memory_space<vmem>> -> memref<1x4x6400xf32, #tpu.memory_space<vmem>>
        %dma_start3A_272 = tpu.memref_squeeze %dma_start3A_271 : memref<1x4x6400xf32, #tpu.memory_space<vmem>> -> memref<4x6400xf32, #tpu.memory_space<vmem>>
        %dma_start3A_273 = arith.constant 0 : i32
        %dma_start3A_274 = tpu.memref_slice %arg5[%add3A_253, %dma_start3A_273] : memref<4000x6400xf32, #tpu.memory_space<hbm>> -> memref<4x6400xf32, #tpu.memory_space<hbm>>
        %dma_start3A_275 = tpu.memref_slice %arg12[%select_n3A_269] : memref<2x!tpu.dma_semaphore, #tpu.memory_space<semaphore_mem>> -> memref<1x!tpu.dma_semaphore, #tpu.memory_space<semaphore_mem>>
        %dma_start3A_276 = tpu.memref_squeeze %dma_start3A_275 : memref<1x!tpu.dma_semaphore, #tpu.memory_space<semaphore_mem>> -> memref<!tpu.dma_semaphore, #tpu.memory_space<semaphore_mem>>
        %dma_start3A_277 = arith.constant 0 : i32
        %dma_start3A_278 = tpu.memref_slice %arg5[%add3A_253, %dma_start3A_277] : memref<4000x6400xf32, #tpu.memory_space<hbm>> -> memref<4x6400xf32, #tpu.memory_space<hbm>>
        %dma_start3A_279 = arith.constant 0 : i32
        %dma_start3A_280 = arith.constant 0 : i32
        %dma_start3A_281 = tpu.memref_slice %arg10[%select_n3A_250, %dma_start3A_279, %dma_start3A_280] : memref<2x4x6400xf32, #tpu.memory_space<vmem>> -> memref<1x4x6400xf32, #tpu.memory_space<vmem>>
        %dma_start3A_282 = tpu.memref_squeeze %dma_start3A_281 : memref<1x4x6400xf32, #tpu.memory_space<vmem>> -> memref<4x6400xf32, #tpu.memory_space<vmem>>
        tpu.enqueue_dma source(%dma_start3A_282 : memref<4x6400xf32, #tpu.memory_space<vmem>>) target(%dma_start3A_278 : memref<4x6400xf32, #tpu.memory_space<hbm>>) target_semaphore(%dma_start3A_276 : memref<!tpu.dma_semaphore, #tpu.memory_space<semaphore_mem>>)
      } else {
      }
      %add3A_205 = arith.constant 4 : i32
      %add3A_206 = arith.addi %while3A_74, %add3A_205 : i32
      %lt3A_207 = arith.cmpi slt, %add3A_206, %select_n3A : i32
      %convert_element_type3A_208 = arith.extui %lt3A_207 : i1 to i32
      %cond3A_209 = arith.constant 0 : i32
      %cond3A_210 = arith.cmpi ne, %convert_element_type3A_208, %cond3A_209 : i32
      scf.if %cond3A_210 {
        %add3A_211 = arith.constant 4 : i32
        %add3A_212 = arith.addi %while3A_74, %add3A_211 : i32
        %jit3A_213 = arith.constant 4 : i32
        %eq3A_214 = arith.constant 0 : i32
        %eq3A_215 = arith.cmpi eq, %jit3A_213, %eq3A_214 : i32
        %jit3A_216 = arith.constant 1 : i32
        %select_n3A_217 = arith.select %eq3A_215, %jit3A_216, %jit3A_213 : i32
        %rem3A_218 = arith.remsi %add3A_212, %select_n3A_217 : i32
        %ne3A_219 = arith.constant 0 : i32
        %ne3A_220 = arith.cmpi ne, %rem3A_218, %ne3A_219 : i32
        %lt3A_221 = arith.constant 0 : i32
        %lt3A_222 = arith.cmpi slt, %rem3A_218, %lt3A_221 : i32
        %lt3A_223 = arith.constant 0 : i32
        %lt3A_224 = arith.cmpi slt, %select_n3A_217, %lt3A_223 : i32
        %ne3A_225 = arith.xori %lt3A_222, %lt3A_224 : i1
        %and3A_226 = arith.andi %ne3A_225, %ne3A_220 : i1
        %add3A_227 = arith.addi %rem3A_218, %select_n3A_217 : i32
        %select_n3A_228 = arith.select %and3A_226, %add3A_227, %rem3A_218 : i32
        %dma_start3A = arith.constant 0 : i32
        %dma_start3A_229 = arith.constant 0 : i32
        %dma_start3A_230 = tpu.memref_slice %arg9[%select_n3A_228, %dma_start3A, %dma_start3A_229] : memref<4x50x256xf32, #tpu.memory_space<vmem>> -> memref<1x50x256xf32, #tpu.memory_space<vmem>>
        %dma_start3A_231 = tpu.memref_squeeze %dma_start3A_230 : memref<1x50x256xf32, #tpu.memory_space<vmem>> -> memref<50x256xf32, #tpu.memory_space<vmem>>
        %dma_start3A_232 = arith.constant 0 : i32
        %dma_start3A_233 = tpu.memref_slice %arg8[%add3A_212, %dma_start3A_232] : memref<64x50xi32, #tpu.memory_space<vmem>> -> memref<1x50xi32, #tpu.memory_space<vmem>>
        %dma_start3A_234 = tpu.memref_squeeze %dma_start3A_233 : memref<1x50xi32, #tpu.memory_space<vmem>> -> memref<50xi32, #tpu.memory_space<vmem>>
        %dma_start3A_235 = arith.constant 0 : i32
        %dma_start3A_236 = arith.constant 0 : i32
        %dma_start3A_237 = tpu.memref_slice %arg2[%dma_start3A_235, %dma_start3A_236] : memref<32768x256xf32, #tpu.memory_space<hbm>> -> memref<32768x256xf32, #tpu.memory_space<hbm>>
        %dma_start3A_238 = tpu.memref_slice %arg11[%select_n3A_228] : memref<4x!tpu.dma_semaphore, #tpu.memory_space<semaphore_mem>> -> memref<1x!tpu.dma_semaphore, #tpu.memory_space<semaphore_mem>>
        %dma_start3A_239 = tpu.memref_squeeze %dma_start3A_238 : memref<1x!tpu.dma_semaphore, #tpu.memory_space<semaphore_mem>> -> memref<!tpu.dma_semaphore, #tpu.memory_space<semaphore_mem>>
        tpu.enqueue_indirect_dma source(%dma_start3A_237 : memref<32768x256xf32, #tpu.memory_space<hbm>>) target(%dma_start3A_231 : memref<50x256xf32, #tpu.memory_space<vmem>>) offsets(%dma_start3A_234 : memref<50xi32, #tpu.memory_space<vmem>>) semaphore(%dma_start3A_239 : memref<!tpu.dma_semaphore, #tpu.memory_space<semaphore_mem>>)
      } else {
      }
    }
    %while3A_63 = arith.constant 1 : i32
    scf.for %while3A_74 = %while3A_61 to %while3A_57 step %while3A_63  : i32 {
      %jit3A_75 = arith.constant 4 : i32
      %eq3A = arith.constant 0 : i32
      %eq3A_76 = arith.cmpi eq, %jit3A_75, %eq3A : i32
      %jit3A_77 = arith.constant 1 : i32
      %select_n3A_78 = arith.select %eq3A_76, %jit3A_77, %jit3A_75 : i32
      %rem3A_79 = arith.remsi %while3A_74, %select_n3A_78 : i32
      %ne3A_80 = arith.constant 0 : i32
      %ne3A_81 = arith.cmpi ne, %rem3A_79, %ne3A_80 : i32
      %lt3A = arith.constant 0 : i32
      %lt3A_82 = arith.cmpi slt, %rem3A_79, %lt3A : i32
      %lt3A_83 = arith.constant 0 : i32
      %lt3A_84 = arith.cmpi slt, %select_n3A_78, %lt3A_83 : i32
      %ne3A_85 = arith.xori %lt3A_82, %lt3A_84 : i1
      %and3A_86 = arith.andi %ne3A_85, %ne3A_81 : i1
      %add3A_87 = arith.addi %rem3A_79, %select_n3A_78 : i32
      %select_n3A_88 = arith.select %and3A_86, %add3A_87, %rem3A_79 : i32
      %dma_wait3A = arith.constant 0 : i32
      %dma_wait3A_89 = arith.constant 0 : i32
      %dma_wait3A_90 = tpu.memref_slice %arg9[%select_n3A_88, %dma_wait3A, %dma_wait3A_89] : memref<4x50x256xf32, #tpu.memory_space<vmem>> -> memref<1x50x256xf32, #tpu.memory_space<vmem>>
      %dma_wait3A_91 = tpu.memref_squeeze %dma_wait3A_90 : memref<1x50x256xf32, #tpu.memory_space<vmem>> -> memref<50x256xf32, #tpu.memory_space<vmem>>
      %dma_wait3A_92 = arith.constant 0 : i32
      %dma_wait3A_93 = tpu.memref_slice %arg8[%while3A_74, %dma_wait3A_92] : memref<64x50xi32, #tpu.memory_space<vmem>> -> memref<1x50xi32, #tpu.memory_space<vmem>>
      %dma_wait3A_94 = tpu.memref_squeeze %dma_wait3A_93 : memref<1x50xi32, #tpu.memory_space<vmem>> -> memref<50xi32, #tpu.memory_space<vmem>>
      %dma_wait3A_95 = arith.constant 0 : i32
      %dma_wait3A_96 = arith.constant 0 : i32
      %dma_wait3A_97 = tpu.memref_slice %arg2[%dma_wait3A_95, %dma_wait3A_96] : memref<32768x256xf32, #tpu.memory_space<hbm>> -> memref<32768x256xf32, #tpu.memory_space<hbm>>
      %dma_wait3A_98 = tpu.memref_slice %arg11[%select_n3A_88] : memref<4x!tpu.dma_semaphore, #tpu.memory_space<semaphore_mem>> -> memref<1x!tpu.dma_semaphore, #tpu.memory_space<semaphore_mem>>
      %dma_wait3A_99 = tpu.memref_squeeze %dma_wait3A_98 : memref<1x!tpu.dma_semaphore, #tpu.memory_space<semaphore_mem>> -> memref<!tpu.dma_semaphore, #tpu.memory_space<semaphore_mem>>
      tpu.wait_indirect_dma semaphore(%dma_wait3A_99 : memref<!tpu.dma_semaphore, #tpu.memory_space<semaphore_mem>>) src(%dma_wait3A_97 : memref<32768x256xf32, #tpu.memory_space<hbm>>) dst(%dma_wait3A_91 : memref<50x256xf32, #tpu.memory_space<vmem>>)
      %jit3A_100 = arith.constant 4 : i32
      %eq3A_101 = arith.constant 0 : i32
      %eq3A_102 = arith.cmpi eq, %jit3A_100, %eq3A_101 : i32
      %jit3A_103 = arith.constant 1 : i32
      %select_n3A_104 = arith.select %eq3A_102, %jit3A_103, %jit3A_100 : i32
      %rem3A_105 = arith.remsi %while3A_74, %select_n3A_104 : i32
      %ne3A_106 = arith.constant 0 : i32
      %ne3A_107 = arith.cmpi ne, %rem3A_105, %ne3A_106 : i32
      %lt3A_108 = arith.constant 0 : i32
      %lt3A_109 = arith.cmpi slt, %rem3A_105, %lt3A_108 : i32
      %lt3A_110 = arith.constant 0 : i32
      %lt3A_111 = arith.cmpi slt, %select_n3A_104, %lt3A_110 : i32
      %ne3A_112 = arith.xori %lt3A_109, %lt3A_111 : i1
      %and3A_113 = arith.andi %ne3A_112, %ne3A_107 : i1
      %add3A_114 = arith.addi %rem3A_105, %select_n3A_104 : i32
      %select_n3A_115 = arith.select %and3A_113, %add3A_114, %rem3A_105 : i32
      %jit3A_116 = arith.constant 2 : i32
      %div3A_117 = arith.divsi %while3A_74, %jit3A_116 : i32
      %sign3A_118 = arith.constant 0 : i32
      %sign3A_119 = arith.cmpi sgt, %while3A_74, %sign3A_118 : i32
      %sign3A_120 = arith.extui %sign3A_119 : i1 to i32
      %sign3A_121 = arith.constant 0 : i32
      %sign3A_122 = arith.cmpi slt, %while3A_74, %sign3A_121 : i32
      %sign3A_123 = arith.extui %sign3A_122 : i1 to i32
      %sign3A_124 = arith.subi %sign3A_120, %sign3A_123 : i32
      %sign3A_125 = arith.constant 0 : i32
      %sign3A_126 = arith.cmpi sgt, %jit3A_116, %sign3A_125 : i32
      %sign3A_127 = arith.extui %sign3A_126 : i1 to i32
      %sign3A_128 = arith.constant 0 : i32
      %sign3A_129 = arith.cmpi slt, %jit3A_116, %sign3A_128 : i32
      %sign3A_130 = arith.extui %sign3A_129 : i1 to i32
      %sign3A_131 = arith.subi %sign3A_127, %sign3A_130 : i32
      %ne3A_132 = arith.cmpi ne, %sign3A_124, %sign3A_131 : i32
      %rem3A_133 = arith.remsi %while3A_74, %jit3A_116 : i32
      %ne3A_134 = arith.constant 0 : i32
      %ne3A_135 = arith.cmpi ne, %rem3A_133, %ne3A_134 : i32
      %and3A_136 = arith.andi %ne3A_132, %ne3A_135 : i1
      %sub3A_137 = arith.constant 1 : i32
      %sub3A_138 = arith.subi %div3A_117, %sub3A_137 : i32
      %select_n3A_139 = arith.select %and3A_136, %sub3A_138, %div3A_117 : i32
      %jit3A_140 = arith.constant 2 : i32
      %eq3A_141 = arith.constant 0 : i32
      %eq3A_142 = arith.cmpi eq, %jit3A_140, %eq3A_141 : i32
      %jit3A_143 = arith.constant 1 : i32
      %select_n3A_144 = arith.select %eq3A_142, %jit3A_143, %jit3A_140 : i32
      %rem3A_145 = arith.remsi %select_n3A_139, %select_n3A_144 : i32
      %ne3A_146 = arith.constant 0 : i32
      %ne3A_147 = arith.cmpi ne, %rem3A_145, %ne3A_146 : i32
      %lt3A_148 = arith.constant 0 : i32
      %lt3A_149 = arith.cmpi slt, %rem3A_145, %lt3A_148 : i32
      %lt3A_150 = arith.constant 0 : i32
      %lt3A_151 = arith.cmpi slt, %select_n3A_144, %lt3A_150 : i32
      %ne3A_152 = arith.xori %lt3A_149, %lt3A_151 : i1
      %and3A_153 = arith.andi %ne3A_152, %ne3A_147 : i1
      %add3A_154 = arith.addi %rem3A_145, %select_n3A_144 : i32
      %select_n3A_155 = arith.select %and3A_153, %add3A_154, %rem3A_145 : i32
      %jit3A_156 = arith.constant 2 : i32
      %eq3A_157 = arith.constant 0 : i32
      %eq3A_158 = arith.cmpi eq, %jit3A_156, %eq3A_157 : i32
      %jit3A_159 = arith.constant 1 : i32
      %select_n3A_160 = arith.select %eq3A_158, %jit3A_159, %jit3A_156 : i32
      %rem3A_161 = arith.remsi %while3A_74, %select_n3A_160 : i32
      %ne3A_162 = arith.constant 0 : i32
      %ne3A_163 = arith.cmpi ne, %rem3A_161, %ne3A_162 : i32
      %lt3A_164 = arith.constant 0 : i32
      %lt3A_165 = arith.cmpi slt, %rem3A_161, %lt3A_164 : i32
      %lt3A_166 = arith.constant 0 : i32
      %lt3A_167 = arith.cmpi slt, %select_n3A_160, %lt3A_166 : i32
      %ne3A_168 = arith.xori %lt3A_165, %lt3A_167 : i1
      %and3A_169 = arith.andi %ne3A_168, %ne3A_163 : i1
      %add3A_170 = arith.addi %rem3A_161, %select_n3A_160 : i32
      %select_n3A_171 = arith.select %and3A_169, %add3A_170, %rem3A_161 : i32
      %eq3A_172 = arith.constant 0 : i32
      %eq3A_173 = arith.cmpi eq, %select_n3A_171, %eq3A_172 : i32
      %ge3A = arith.constant 4 : i32
      %ge3A_174 = arith.cmpi sge, %while3A_74, %ge3A : i32
      %and3A_175 = arith.andi %eq3A_173, %ge3A_174 : i1
      %convert_element_type3A_176 = arith.extui %and3A_175 : i1 to i32
      %cond3A_177 = arith.constant 0 : i32
      %cond3A_178 = arith.cmpi ne, %convert_element_type3A_176, %cond3A_177 : i32
      scf.if %cond3A_178 {
        %jit3A_211 = arith.constant 2 : i32
        %div3A_212 = arith.divsi %while3A_74, %jit3A_211 : i32
        %sign3A_213 = arith.constant 0 : i32
        %sign3A_214 = arith.cmpi sgt, %while3A_74, %sign3A_213 : i32
        %sign3A_215 = arith.extui %sign3A_214 : i1 to i32
        %sign3A_216 = arith.constant 0 : i32
        %sign3A_217 = arith.cmpi slt, %while3A_74, %sign3A_216 : i32
        %sign3A_218 = arith.extui %sign3A_217 : i1 to i32
        %sign3A_219 = arith.subi %sign3A_215, %sign3A_218 : i32
        %sign3A_220 = arith.constant 0 : i32
        %sign3A_221 = arith.cmpi sgt, %jit3A_211, %sign3A_220 : i32
        %sign3A_222 = arith.extui %sign3A_221 : i1 to i32
        %sign3A_223 = arith.constant 0 : i32
        %sign3A_224 = arith.cmpi slt, %jit3A_211, %sign3A_223 : i32
        %sign3A_225 = arith.extui %sign3A_224 : i1 to i32
        %sign3A_226 = arith.subi %sign3A_222, %sign3A_225 : i32
        %ne3A_227 = arith.cmpi ne, %sign3A_219, %sign3A_226 : i32
        %rem3A_228 = arith.remsi %while3A_74, %jit3A_211 : i32
        %ne3A_229 = arith.constant 0 : i32
        %ne3A_230 = arith.cmpi ne, %rem3A_228, %ne3A_229 : i32
        %and3A_231 = arith.andi %ne3A_227, %ne3A_230 : i1
        %sub3A_232 = arith.constant 1 : i32
        %sub3A_233 = arith.subi %div3A_212, %sub3A_232 : i32
        %select_n3A_234 = arith.select %and3A_231, %sub3A_233, %div3A_212 : i32
        %sub3A_235 = arith.constant 2 : i32
        %sub3A_236 = arith.subi %select_n3A_234, %sub3A_235 : i32
        %jit3A_237 = arith.constant 2 : i32
        %eq3A_238 = arith.constant 0 : i32
        %eq3A_239 = arith.cmpi eq, %jit3A_237, %eq3A_238 : i32
        %jit3A_240 = arith.constant 1 : i32
        %select_n3A_241 = arith.select %eq3A_239, %jit3A_240, %jit3A_237 : i32
        %rem3A_242 = arith.remsi %sub3A_236, %select_n3A_241 : i32
        %ne3A_243 = arith.constant 0 : i32
        %ne3A_244 = arith.cmpi ne, %rem3A_242, %ne3A_243 : i32
        %lt3A_245 = arith.constant 0 : i32
        %lt3A_246 = arith.cmpi slt, %rem3A_242, %lt3A_245 : i32
        %lt3A_247 = arith.constant 0 : i32
        %lt3A_248 = arith.cmpi slt, %select_n3A_241, %lt3A_247 : i32
        %ne3A_249 = arith.xori %lt3A_246, %lt3A_248 : i1
        %and3A_250 = arith.andi %ne3A_249, %ne3A_244 : i1
        %add3A_251 = arith.addi %rem3A_242, %select_n3A_241 : i32
        %select_n3A_252 = arith.select %and3A_250, %add3A_251, %rem3A_242 : i32
        %mul3A_253 = arith.constant 4 : i32
        %mul3A_254 = arith.muli %sub3A_236, %mul3A_253 : i32
        %add3A_255 = arith.addi %mul3A_2, %mul3A_254 : i32
        %jit3A_256 = arith.constant 2 : i32
        %eq3A_257 = arith.constant 0 : i32
        %eq3A_258 = arith.cmpi eq, %jit3A_256, %eq3A_257 : i32
        %jit3A_259 = arith.constant 1 : i32
        %select_n3A_260 = arith.select %eq3A_258, %jit3A_259, %jit3A_256 : i32
        %rem3A_261 = arith.remsi %sub3A_236, %select_n3A_260 : i32
        %ne3A_262 = arith.constant 0 : i32
        %ne3A_263 = arith.cmpi ne, %rem3A_261, %ne3A_262 : i32
        %lt3A_264 = arith.constant 0 : i32
        %lt3A_265 = arith.cmpi slt, %rem3A_261, %lt3A_264 : i32
        %lt3A_266 = arith.constant 0 : i32
        %lt3A_267 = arith.cmpi slt, %select_n3A_260, %lt3A_266 : i32
        %ne3A_268 = arith.xori %lt3A_265, %lt3A_267 : i1
        %and3A_269 = arith.andi %ne3A_268, %ne3A_263 : i1
        %add3A_270 = arith.addi %rem3A_261, %select_n3A_260 : i32
        %select_n3A_271 = arith.select %and3A_269, %add3A_270, %rem3A_261 : i32
        %dma_wait3A_272 = arith.constant 0 : i32
        %dma_wait3A_273 = arith.constant 0 : i32
        %dma_wait3A_274 = tpu.memref_slice %arg10[%select_n3A_252, %dma_wait3A_272, %dma_wait3A_273] : memref<2x4x6400xf32, #tpu.memory_space<vmem>> -> memref<1x4x6400xf32, #tpu.memory_space<vmem>>
        %dma_wait3A_275 = tpu.memref_squeeze %dma_wait3A_274 : memref<1x4x6400xf32, #tpu.memory_space<vmem>> -> memref<4x6400xf32, #tpu.memory_space<vmem>>
        %dma_wait3A_276 = arith.constant 0 : i32
        %dma_wait3A_277 = tpu.memref_slice %arg5[%add3A_255, %dma_wait3A_276] : memref<4000x6400xf32, #tpu.memory_space<hbm>> -> memref<4x6400xf32, #tpu.memory_space<hbm>>
        %dma_wait3A_278 = tpu.memref_slice %arg12[%select_n3A_271] : memref<2x!tpu.dma_semaphore, #tpu.memory_space<semaphore_mem>> -> memref<1x!tpu.dma_semaphore, #tpu.memory_space<semaphore_mem>>
        %dma_wait3A_279 = tpu.memref_squeeze %dma_wait3A_278 : memref<1x!tpu.dma_semaphore, #tpu.memory_space<semaphore_mem>> -> memref<!tpu.dma_semaphore, #tpu.memory_space<semaphore_mem>>
        %dma_wait3A_280 = arith.constant 0 : i32
        %dma_wait3A_281 = tpu.memref_slice %arg5[%add3A_255, %dma_wait3A_280] : memref<4000x6400xf32, #tpu.memory_space<hbm>> -> memref<4x6400xf32, #tpu.memory_space<hbm>>
        %dma_wait3A_282 = arith.constant 0 : i32
        %dma_wait3A_283 = arith.constant 0 : i32
        %dma_wait3A_284 = tpu.memref_slice %arg10[%select_n3A_252, %dma_wait3A_282, %dma_wait3A_283] : memref<2x4x6400xf32, #tpu.memory_space<vmem>> -> memref<1x4x6400xf32, #tpu.memory_space<vmem>>
        %dma_wait3A_285 = tpu.memref_squeeze %dma_wait3A_284 : memref<1x4x6400xf32, #tpu.memory_space<vmem>> -> memref<4x6400xf32, #tpu.memory_space<vmem>>
        tpu.wait_dma2 semaphore(%dma_wait3A_279 : memref<!tpu.dma_semaphore, #tpu.memory_space<semaphore_mem>>) src(%dma_wait3A_285 : memref<4x6400xf32, #tpu.memory_space<vmem>>) dst(%dma_wait3A_281 : memref<4x6400xf32, #tpu.memory_space<hbm>>)
      } else {
      }
      %scan3A = arith.constant 0 : i32
      %scan3A_179 = arith.constant 0 : i32
      %scan3A_180 = arith.constant 2 : i32
      %scan3A_181 = arith.addi %scan3A_179, %scan3A_180 : i32
      %scan3A_182 = arith.constant 1 : i32
      scf.for %scan3A_211 = %scan3A_179 to %scan3A_181 step %scan3A_182  : i32 {
        %mul3A_212 = arith.constant 2 : i32
        %mul3A_213 = arith.muli %while3A_74, %mul3A_212 : i32
        %add3A_214 = arith.addi %mul3A_213, %scan3A_211 : i32
        %broadcast_in_dim3A = vector.broadcast %add3A_214 : i32 to vector<16xi32>
        %gather3A = tpu.vector_load_idx %arg7[%broadcast_in_dim3A] : memref<128xi32, #tpu.memory_space<vmem>>[vector<16xi32>], vector<16xi32>,
        %gather3A_215 = tpu.vector_load_idx %arg6[%broadcast_in_dim3A] : memref<128xi32, #tpu.memory_space<vmem>>[vector<16xi32>], vector<16xi32>,
        %eq3A_216 = arith.constant 0 : i32
        %eq3A_217 = vector.broadcast %eq3A_216 : i32 to vector<16xi32>
        %eq3A_218 = arith.cmpi eq, %gather3A, %eq3A_217 : vector<16xi32>
        %jit3A_219 = arith.constant 0.000000e+00 : f32
        %jit3A_220 = arith.constant 1.000000e+00 : f32
        %broadcast_in_dim3A_221 = vector.broadcast %jit3A_219 : f32 to vector<16xf32>
        %broadcast_in_dim3A_222 = vector.broadcast %jit3A_220 : f32 to vector<16xf32>
        %select_n3A_223 = arith.select %eq3A_218, %broadcast_in_dim3A_221, %broadcast_in_dim3A_222 : vector<16xi1>, vector<16xf32>
        %eq3A_224 = arith.constant 0 : i32
        %eq3A_225 = vector.broadcast %eq3A_224 : i32 to vector<16xi32>
        %eq3A_226 = arith.cmpi eq, %gather3A_215, %eq3A_225 : vector<16xi32>
        %jit3A_227 = arith.constant 0.000000e+00 : f32
        %jit3A_228 = arith.constant 1.000000e+00 : f32
        %broadcast_in_dim3A_229 = vector.broadcast %jit3A_227 : f32 to vector<16xf32>
        %broadcast_in_dim3A_230 = vector.broadcast %jit3A_228 : f32 to vector<16xf32>
        %select_n3A_231 = arith.select %eq3A_226, %broadcast_in_dim3A_229, %broadcast_in_dim3A_230 : vector<16xi1>, vector<16xf32>
        %mul3A_232 = arith.constant 6.000000e-01 : f32
        %mul3A_233 = vector.broadcast %mul3A_232 : f32 to vector<16xf32>
        %mul3A_234 = arith.mulf %select_n3A_223, %mul3A_233 : vector<16xf32>
        %mul3A_235 = arith.constant 4.000000e-01 : f32
        %mul3A_236 = vector.broadcast %mul3A_235 : f32 to vector<16xf32>
        %mul3A_237 = arith.mulf %select_n3A_223, %mul3A_236 : vector<16xf32>
        %mul3A_238 = arith.constant 6.000000e-01 : f32
        %mul3A_239 = vector.broadcast %mul3A_238 : f32 to vector<16xf32>
        %mul3A_240 = arith.mulf %select_n3A_231, %mul3A_239 : vector<16xf32>
        %mul3A_241 = arith.constant 4.000000e-01 : f32
        %mul3A_242 = vector.broadcast %mul3A_241 : f32 to vector<16xf32>
        %mul3A_243 = arith.mulf %select_n3A_231, %mul3A_242 : vector<16xf32>
        %mul3A_244 = arith.constant 25 : i32
        %mul3A_245 = arith.muli %scan3A_211, %mul3A_244 : i32
        %jit3A_246 = arith.constant 2 : i32
        %eq3A_247 = arith.constant 0 : i32
        %eq3A_248 = arith.cmpi eq, %jit3A_246, %eq3A_247 : i32
        %jit3A_249 = arith.constant 1 : i32
        %select_n3A_250 = arith.select %eq3A_248, %jit3A_249, %jit3A_246 : i32
        %rem3A_251 = arith.remsi %while3A_74, %select_n3A_250 : i32
        %ne3A_252 = arith.constant 0 : i32
        %ne3A_253 = arith.cmpi ne, %rem3A_251, %ne3A_252 : i32
        %lt3A_254 = arith.constant 0 : i32
        %lt3A_255 = arith.cmpi slt, %rem3A_251, %lt3A_254 : i32
        %lt3A_256 = arith.constant 0 : i32
        %lt3A_257 = arith.cmpi slt, %select_n3A_250, %lt3A_256 : i32
        %ne3A_258 = arith.xori %lt3A_255, %lt3A_257 : i1
        %and3A_259 = arith.andi %ne3A_258, %ne3A_253 : i1
        %add3A_260 = arith.addi %rem3A_251, %select_n3A_250 : i32
        %select_n3A_261 = arith.select %and3A_259, %add3A_260, %rem3A_251 : i32
        %mul3A_262 = arith.constant 2 : i32
        %mul3A_263 = arith.muli %select_n3A_261, %mul3A_262 : i32
        %add3A_264 = arith.addi %mul3A_263, %scan3A_211 : i32
        %broadcast_in_dim3A_265 = vector.broadcast %add3A_264 : i32 to vector<16xi32>
        %scan3A_266 = arith.constant 0 : i32
        %scan3A_267 = arith.constant 0 : i32
        %scan3A_268 = arith.constant 16 : i32
        %scan3A_269 = arith.addi %scan3A_267, %scan3A_268 : i32
        %scan3A_270 = arith.constant 1 : i32
        scf.for %scan3A_272 = %scan3A_267 to %scan3A_269 step %scan3A_270  : i32 {
          %mul3A_273 = arith.constant 16 : i32
          %mul3A_274 = arith.muli %scan3A_272, %mul3A_273 : i32
          %add3A_275 = arith.constant 0 : i32
          %add3A_276 = arith.addi %mul3A_245, %add3A_275 : i32
          %add3A_277 = arith.constant 0 : i32
          %add3A_278 = arith.addi %add3A_276, %add3A_277 : i32
          %get3A = arith.index_cast %select_n3A_115 : i32 to index
          %get3A_279 = arith.index_cast %add3A_278 : i32 to index
          %get3A_280 = arith.index_cast %mul3A_274 : i32 to index
          %get3A_281 = tpu.vector_load %arg9[%get3A, %get3A_279, %get3A_280] {strides = array<i32>} : memref<4x50x256xf32, #tpu.memory_space<vmem>>, vector<16xf32>,
          %add3A_282 = arith.constant 5 : i32
          %add3A_283 = arith.addi %mul3A_245, %add3A_282 : i32
          %add3A_284 = arith.constant 0 : i32
          %add3A_285 = arith.addi %add3A_283, %add3A_284 : i32
          %get3A_286 = arith.index_cast %select_n3A_115 : i32 to index
          %get3A_287 = arith.index_cast %add3A_285 : i32 to index
          %get3A_288 = arith.index_cast %mul3A_274 : i32 to index
          %get3A_289 = tpu.vector_load %arg9[%get3A_286, %get3A_287, %get3A_288] {strides = array<i32>} : memref<4x50x256xf32, #tpu.memory_space<vmem>>, vector<16xf32>,
          %add3A_290 = arith.constant 10 : i32
          %add3A_291 = arith.addi %mul3A_245, %add3A_290 : i32
          %add3A_292 = arith.constant 0 : i32
          %add3A_293 = arith.addi %add3A_291, %add3A_292 : i32
          %get3A_294 = arith.index_cast %select_n3A_115 : i32 to index
          %get3A_295 = arith.index_cast %add3A_293 : i32 to index
          %get3A_296 = arith.index_cast %mul3A_274 : i32 to index
          %get3A_297 = tpu.vector_load %arg9[%get3A_294, %get3A_295, %get3A_296] {strides = array<i32>} : memref<4x50x256xf32, #tpu.memory_space<vmem>>, vector<16xf32>,
          %add3A_298 = arith.constant 15 : i32
          %add3A_299 = arith.addi %mul3A_245, %add3A_298 : i32
          %add3A_300 = arith.constant 0 : i32
          %add3A_301 = arith.addi %add3A_299, %add3A_300 : i32
          %get3A_302 = arith.index_cast %select_n3A_115 : i32 to index
          %get3A_303 = arith.index_cast %add3A_301 : i32 to index
          %get3A_304 = arith.index_cast %mul3A_274 : i32 to index
          %get3A_305 = tpu.vector_load %arg9[%get3A_302, %get3A_303, %get3A_304] {strides = array<i32>} : memref<4x50x256xf32, #tpu.memory_space<vmem>>, vector<16xf32>,
          %add3A_306 = arith.constant 20 : i32
          %add3A_307 = arith.addi %mul3A_245, %add3A_306 : i32
          %add3A_308 = arith.constant 0 : i32
          %add3A_309 = arith.addi %add3A_307, %add3A_308 : i32
          %get3A_310 = arith.index_cast %select_n3A_115 : i32 to index
          %get3A_311 = arith.index_cast %add3A_309 : i32 to index
          %get3A_312 = arith.index_cast %mul3A_274 : i32 to index
          %get3A_313 = tpu.vector_load %arg9[%get3A_310, %get3A_311, %get3A_312] {strides = array<i32>} : memref<4x50x256xf32, #tpu.memory_space<vmem>>, vector<16xf32>,
          %mul3A_314 = arith.mulf %get3A_281, %mul3A_234 : vector<16xf32>
          %mul3A_315 = arith.mulf %get3A_289, %mul3A_237 : vector<16xf32>
          %add3A_316 = arith.addf %mul3A_314, %mul3A_315 : vector<16xf32>
          %mul3A_317 = arith.constant 8.000000e-01 : f32
          %mul3A_318 = vector.broadcast %mul3A_317 : f32 to vector<16xf32>
          %mul3A_319 = arith.mulf %get3A_289, %mul3A_318 : vector<16xf32>
          %mul3A_320 = arith.constant 2.000000e-01 : f32
          %mul3A_321 = vector.broadcast %mul3A_320 : f32 to vector<16xf32>
          %mul3A_322 = arith.mulf %get3A_297, %mul3A_321 : vector<16xf32>
          %add3A_323 = arith.addf %mul3A_319, %mul3A_322 : vector<16xf32>
          %mul3A_324 = arith.constant 2.000000e-01 : f32
          %mul3A_325 = vector.broadcast %mul3A_324 : f32 to vector<16xf32>
          %mul3A_326 = arith.mulf %get3A_297, %mul3A_325 : vector<16xf32>
          %mul3A_327 = arith.constant 8.000000e-01 : f32
          %mul3A_328 = vector.broadcast %mul3A_327 : f32 to vector<16xf32>
          %mul3A_329 = arith.mulf %get3A_305, %mul3A_328 : vector<16xf32>
          %add3A_330 = arith.addf %mul3A_326, %mul3A_329 : vector<16xf32>
          %mul3A_331 = arith.constant 4.000000e-01 : f32
          %mul3A_332 = vector.broadcast %mul3A_331 : f32 to vector<16xf32>
          %mul3A_333 = arith.mulf %get3A_305, %mul3A_332 : vector<16xf32>
          %mul3A_334 = arith.constant 6.000000e-01 : f32
          %mul3A_335 = vector.broadcast %mul3A_334 : f32 to vector<16xf32>
          %mul3A_336 = arith.mulf %get3A_313, %mul3A_335 : vector<16xf32>
          %add3A_337 = arith.addf %mul3A_333, %mul3A_336 : vector<16xf32>
          %add3A_338 = arith.constant 0 : i32
          %add3A_339 = arith.addi %mul3A_245, %add3A_338 : i32
          %add3A_340 = arith.constant 1 : i32
          %add3A_341 = arith.addi %add3A_339, %add3A_340 : i32
          %get3A_342 = arith.index_cast %select_n3A_115 : i32 to index
          %get3A_343 = arith.index_cast %add3A_341 : i32 to index
          %get3A_344 = arith.index_cast %mul3A_274 : i32 to index
          %get3A_345 = tpu.vector_load %arg9[%get3A_342, %get3A_343, %get3A_344] {strides = array<i32>} : memref<4x50x256xf32, #tpu.memory_space<vmem>>, vector<16xf32>,
          %add3A_346 = arith.constant 5 : i32
          %add3A_347 = arith.addi %mul3A_245, %add3A_346 : i32
          %add3A_348 = arith.constant 1 : i32
          %add3A_349 = arith.addi %add3A_347, %add3A_348 : i32
          %get3A_350 = arith.index_cast %select_n3A_115 : i32 to index
          %get3A_351 = arith.index_cast %add3A_349 : i32 to index
          %get3A_352 = arith.index_cast %mul3A_274 : i32 to index
          %get3A_353 = tpu.vector_load %arg9[%get3A_350, %get3A_351, %get3A_352] {strides = array<i32>} : memref<4x50x256xf32, #tpu.memory_space<vmem>>, vector<16xf32>,
          %add3A_354 = arith.constant 10 : i32
          %add3A_355 = arith.addi %mul3A_245, %add3A_354 : i32
          %add3A_356 = arith.constant 1 : i32
          %add3A_357 = arith.addi %add3A_355, %add3A_356 : i32
          %get3A_358 = arith.index_cast %select_n3A_115 : i32 to index
          %get3A_359 = arith.index_cast %add3A_357 : i32 to index
          %get3A_360 = arith.index_cast %mul3A_274 : i32 to index
          %get3A_361 = tpu.vector_load %arg9[%get3A_358, %get3A_359, %get3A_360] {strides = array<i32>} : memref<4x50x256xf32, #tpu.memory_space<vmem>>, vector<16xf32>,
          %add3A_362 = arith.constant 15 : i32
          %add3A_363 = arith.addi %mul3A_245, %add3A_362 : i32
          %add3A_364 = arith.constant 1 : i32
          %add3A_365 = arith.addi %add3A_363, %add3A_364 : i32
          %get3A_366 = arith.index_cast %select_n3A_115 : i32 to index
          %get3A_367 = arith.index_cast %add3A_365 : i32 to index
          %get3A_368 = arith.index_cast %mul3A_274 : i32 to index
          %get3A_369 = tpu.vector_load %arg9[%get3A_366, %get3A_367, %get3A_368] {strides = array<i32>} : memref<4x50x256xf32, #tpu.memory_space<vmem>>, vector<16xf32>,
          %add3A_370 = arith.constant 20 : i32
          %add3A_371 = arith.addi %mul3A_245, %add3A_370 : i32
          %add3A_372 = arith.constant 1 : i32
          %add3A_373 = arith.addi %add3A_371, %add3A_372 : i32
          %get3A_374 = arith.index_cast %select_n3A_115 : i32 to index
          %get3A_375 = arith.index_cast %add3A_373 : i32 to index
          %get3A_376 = arith.index_cast %mul3A_274 : i32 to index
          %get3A_377 = tpu.vector_load %arg9[%get3A_374, %get3A_375, %get3A_376] {strides = array<i32>} : memref<4x50x256xf32, #tpu.memory_space<vmem>>, vector<16xf32>,
          %mul3A_378 = arith.mulf %get3A_345, %mul3A_234 : vector<16xf32>
          %mul3A_379 = arith.mulf %get3A_353, %mul3A_237 : vector<16xf32>
          %add3A_380 = arith.addf %mul3A_378, %mul3A_379 : vector<16xf32>
          %mul3A_381 = arith.constant 8.000000e-01 : f32
          %mul3A_382 = vector.broadcast %mul3A_381 : f32 to vector<16xf32>
          %mul3A_383 = arith.mulf %get3A_353, %mul3A_382 : vector<16xf32>
          %mul3A_384 = arith.constant 2.000000e-01 : f32
          %mul3A_385 = vector.broadcast %mul3A_384 : f32 to vector<16xf32>
          %mul3A_386 = arith.mulf %get3A_361, %mul3A_385 : vector<16xf32>
          %add3A_387 = arith.addf %mul3A_383, %mul3A_386 : vector<16xf32>
          %mul3A_388 = arith.constant 2.000000e-01 : f32
          %mul3A_389 = vector.broadcast %mul3A_388 : f32 to vector<16xf32>
          %mul3A_390 = arith.mulf %get3A_361, %mul3A_389 : vector<16xf32>
          %mul3A_391 = arith.constant 8.000000e-01 : f32
          %mul3A_392 = vector.broadcast %mul3A_391 : f32 to vector<16xf32>
          %mul3A_393 = arith.mulf %get3A_369, %mul3A_392 : vector<16xf32>
          %add3A_394 = arith.addf %mul3A_390, %mul3A_393 : vector<16xf32>
          %mul3A_395 = arith.constant 4.000000e-01 : f32
          %mul3A_396 = vector.broadcast %mul3A_395 : f32 to vector<16xf32>
          %mul3A_397 = arith.mulf %get3A_369, %mul3A_396 : vector<16xf32>
          %mul3A_398 = arith.constant 6.000000e-01 : f32
          %mul3A_399 = vector.broadcast %mul3A_398 : f32 to vector<16xf32>
          %mul3A_400 = arith.mulf %get3A_377, %mul3A_399 : vector<16xf32>
          %add3A_401 = arith.addf %mul3A_397, %mul3A_400 : vector<16xf32>
          %add3A_402 = arith.constant 0 : i32
          %add3A_403 = arith.addi %mul3A_245, %add3A_402 : i32
          %add3A_404 = arith.constant 2 : i32
          %add3A_405 = arith.addi %add3A_403, %add3A_404 : i32
          %get3A_406 = arith.index_cast %select_n3A_115 : i32 to index
          %get3A_407 = arith.index_cast %add3A_405 : i32 to index
          %get3A_408 = arith.index_cast %mul3A_274 : i32 to index
          %get3A_409 = tpu.vector_load %arg9[%get3A_406, %get3A_407, %get3A_408] {strides = array<i32>} : memref<4x50x256xf32, #tpu.memory_space<vmem>>, vector<16xf32>,
          %add3A_410 = arith.constant 5 : i32
          %add3A_411 = arith.addi %mul3A_245, %add3A_410 : i32
          %add3A_412 = arith.constant 2 : i32
          %add3A_413 = arith.addi %add3A_411, %add3A_412 : i32
          %get3A_414 = arith.index_cast %select_n3A_115 : i32 to index
          %get3A_415 = arith.index_cast %add3A_413 : i32 to index
          %get3A_416 = arith.index_cast %mul3A_274 : i32 to index
          %get3A_417 = tpu.vector_load %arg9[%get3A_414, %get3A_415, %get3A_416] {strides = array<i32>} : memref<4x50x256xf32, #tpu.memory_space<vmem>>, vector<16xf32>,
          %add3A_418 = arith.constant 10 : i32
          %add3A_419 = arith.addi %mul3A_245, %add3A_418 : i32
          %add3A_420 = arith.constant 2 : i32
          %add3A_421 = arith.addi %add3A_419, %add3A_420 : i32
          %get3A_422 = arith.index_cast %select_n3A_115 : i32 to index
          %get3A_423 = arith.index_cast %add3A_421 : i32 to index
          %get3A_424 = arith.index_cast %mul3A_274 : i32 to index
          %get3A_425 = tpu.vector_load %arg9[%get3A_422, %get3A_423, %get3A_424] {strides = array<i32>} : memref<4x50x256xf32, #tpu.memory_space<vmem>>, vector<16xf32>,
          %add3A_426 = arith.constant 15 : i32
          %add3A_427 = arith.addi %mul3A_245, %add3A_426 : i32
          %add3A_428 = arith.constant 2 : i32
          %add3A_429 = arith.addi %add3A_427, %add3A_428 : i32
          %get3A_430 = arith.index_cast %select_n3A_115 : i32 to index
          %get3A_431 = arith.index_cast %add3A_429 : i32 to index
          %get3A_432 = arith.index_cast %mul3A_274 : i32 to index
          %get3A_433 = tpu.vector_load %arg9[%get3A_430, %get3A_431, %get3A_432] {strides = array<i32>} : memref<4x50x256xf32, #tpu.memory_space<vmem>>, vector<16xf32>,
          %add3A_434 = arith.constant 20 : i32
          %add3A_435 = arith.addi %mul3A_245, %add3A_434 : i32
          %add3A_436 = arith.constant 2 : i32
          %add3A_437 = arith.addi %add3A_435, %add3A_436 : i32
          %get3A_438 = arith.index_cast %select_n3A_115 : i32 to index
          %get3A_439 = arith.index_cast %add3A_437 : i32 to index
          %get3A_440 = arith.index_cast %mul3A_274 : i32 to index
          %get3A_441 = tpu.vector_load %arg9[%get3A_438, %get3A_439, %get3A_440] {strides = array<i32>} : memref<4x50x256xf32, #tpu.memory_space<vmem>>, vector<16xf32>,
          %mul3A_442 = arith.mulf %get3A_409, %mul3A_234 : vector<16xf32>
          %mul3A_443 = arith.mulf %get3A_417, %mul3A_237 : vector<16xf32>
          %add3A_444 = arith.addf %mul3A_442, %mul3A_443 : vector<16xf32>
          %mul3A_445 = arith.constant 8.000000e-01 : f32
          %mul3A_446 = vector.broadcast %mul3A_445 : f32 to vector<16xf32>
          %mul3A_447 = arith.mulf %get3A_417, %mul3A_446 : vector<16xf32>
          %mul3A_448 = arith.constant 2.000000e-01 : f32
          %mul3A_449 = vector.broadcast %mul3A_448 : f32 to vector<16xf32>
          %mul3A_450 = arith.mulf %get3A_425, %mul3A_449 : vector<16xf32>
          %add3A_451 = arith.addf %mul3A_447, %mul3A_450 : vector<16xf32>
          %mul3A_452 = arith.constant 2.000000e-01 : f32
          %mul3A_453 = vector.broadcast %mul3A_452 : f32 to vector<16xf32>
          %mul3A_454 = arith.mulf %get3A_425, %mul3A_453 : vector<16xf32>
          %mul3A_455 = arith.constant 8.000000e-01 : f32
          %mul3A_456 = vector.broadcast %mul3A_455 : f32 to vector<16xf32>
          %mul3A_457 = arith.mulf %get3A_433, %mul3A_456 : vector<16xf32>
          %add3A_458 = arith.addf %mul3A_454, %mul3A_457 : vector<16xf32>
          %mul3A_459 = arith.constant 4.000000e-01 : f32
          %mul3A_460 = vector.broadcast %mul3A_459 : f32 to vector<16xf32>
          %mul3A_461 = arith.mulf %get3A_433, %mul3A_460 : vector<16xf32>
          %mul3A_462 = arith.constant 6.000000e-01 : f32
          %mul3A_463 = vector.broadcast %mul3A_462 : f32 to vector<16xf32>
          %mul3A_464 = arith.mulf %get3A_441, %mul3A_463 : vector<16xf32>
          %add3A_465 = arith.addf %mul3A_461, %mul3A_464 : vector<16xf32>
          %add3A_466 = arith.constant 0 : i32
          %add3A_467 = arith.addi %mul3A_245, %add3A_466 : i32
          %add3A_468 = arith.constant 3 : i32
          %add3A_469 = arith.addi %add3A_467, %add3A_468 : i32
          %get3A_470 = arith.index_cast %select_n3A_115 : i32 to index
          %get3A_471 = arith.index_cast %add3A_469 : i32 to index
          %get3A_472 = arith.index_cast %mul3A_274 : i32 to index
          %get3A_473 = tpu.vector_load %arg9[%get3A_470, %get3A_471, %get3A_472] {strides = array<i32>} : memref<4x50x256xf32, #tpu.memory_space<vmem>>, vector<16xf32>,
          %add3A_474 = arith.constant 5 : i32
          %add3A_475 = arith.addi %mul3A_245, %add3A_474 : i32
          %add3A_476 = arith.constant 3 : i32
          %add3A_477 = arith.addi %add3A_475, %add3A_476 : i32
          %get3A_478 = arith.index_cast %select_n3A_115 : i32 to index
          %get3A_479 = arith.index_cast %add3A_477 : i32 to index
          %get3A_480 = arith.index_cast %mul3A_274 : i32 to index
          %get3A_481 = tpu.vector_load %arg9[%get3A_478, %get3A_479, %get3A_480] {strides = array<i32>} : memref<4x50x256xf32, #tpu.memory_space<vmem>>, vector<16xf32>,
          %add3A_482 = arith.constant 10 : i32
          %add3A_483 = arith.addi %mul3A_245, %add3A_482 : i32
          %add3A_484 = arith.constant 3 : i32
          %add3A_485 = arith.addi %add3A_483, %add3A_484 : i32
          %get3A_486 = arith.index_cast %select_n3A_115 : i32 to index
          %get3A_487 = arith.index_cast %add3A_485 : i32 to index
          %get3A_488 = arith.index_cast %mul3A_274 : i32 to index
          %get3A_489 = tpu.vector_load %arg9[%get3A_486, %get3A_487, %get3A_488] {strides = array<i32>} : memref<4x50x256xf32, #tpu.memory_space<vmem>>, vector<16xf32>,
          %add3A_490 = arith.constant 15 : i32
          %add3A_491 = arith.addi %mul3A_245, %add3A_490 : i32
          %add3A_492 = arith.constant 3 : i32
          %add3A_493 = arith.addi %add3A_491, %add3A_492 : i32
          %get3A_494 = arith.index_cast %select_n3A_115 : i32 to index
          %get3A_495 = arith.index_cast %add3A_493 : i32 to index
          %get3A_496 = arith.index_cast %mul3A_274 : i32 to index
          %get3A_497 = tpu.vector_load %arg9[%get3A_494, %get3A_495, %get3A_496] {strides = array<i32>} : memref<4x50x256xf32, #tpu.memory_space<vmem>>, vector<16xf32>,
          %add3A_498 = arith.constant 20 : i32
          %add3A_499 = arith.addi %mul3A_245, %add3A_498 : i32
          %add3A_500 = arith.constant 3 : i32
          %add3A_501 = arith.addi %add3A_499, %add3A_500 : i32
          %get3A_502 = arith.index_cast %select_n3A_115 : i32 to index
          %get3A_503 = arith.index_cast %add3A_501 : i32 to index
          %get3A_504 = arith.index_cast %mul3A_274 : i32 to index
          %get3A_505 = tpu.vector_load %arg9[%get3A_502, %get3A_503, %get3A_504] {strides = array<i32>} : memref<4x50x256xf32, #tpu.memory_space<vmem>>, vector<16xf32>,
          %mul3A_506 = arith.mulf %get3A_473, %mul3A_234 : vector<16xf32>
          %mul3A_507 = arith.mulf %get3A_481, %mul3A_237 : vector<16xf32>
          %add3A_508 = arith.addf %mul3A_506, %mul3A_507 : vector<16xf32>
          %mul3A_509 = arith.constant 8.000000e-01 : f32
          %mul3A_510 = vector.broadcast %mul3A_509 : f32 to vector<16xf32>
          %mul3A_511 = arith.mulf %get3A_481, %mul3A_510 : vector<16xf32>
          %mul3A_512 = arith.constant 2.000000e-01 : f32
          %mul3A_513 = vector.broadcast %mul3A_512 : f32 to vector<16xf32>
          %mul3A_514 = arith.mulf %get3A_489, %mul3A_513 : vector<16xf32>
          %add3A_515 = arith.addf %mul3A_511, %mul3A_514 : vector<16xf32>
          %mul3A_516 = arith.constant 2.000000e-01 : f32
          %mul3A_517 = vector.broadcast %mul3A_516 : f32 to vector<16xf32>
          %mul3A_518 = arith.mulf %get3A_489, %mul3A_517 : vector<16xf32>
          %mul3A_519 = arith.constant 8.000000e-01 : f32
          %mul3A_520 = vector.broadcast %mul3A_519 : f32 to vector<16xf32>
          %mul3A_521 = arith.mulf %get3A_497, %mul3A_520 : vector<16xf32>
          %add3A_522 = arith.addf %mul3A_518, %mul3A_521 : vector<16xf32>
          %mul3A_523 = arith.constant 4.000000e-01 : f32
          %mul3A_524 = vector.broadcast %mul3A_523 : f32 to vector<16xf32>
          %mul3A_525 = arith.mulf %get3A_497, %mul3A_524 : vector<16xf32>
          %mul3A_526 = arith.constant 6.000000e-01 : f32
          %mul3A_527 = vector.broadcast %mul3A_526 : f32 to vector<16xf32>
          %mul3A_528 = arith.mulf %get3A_505, %mul3A_527 : vector<16xf32>
          %add3A_529 = arith.addf %mul3A_525, %mul3A_528 : vector<16xf32>
          %add3A_530 = arith.constant 0 : i32
          %add3A_531 = arith.addi %mul3A_245, %add3A_530 : i32
          %add3A_532 = arith.constant 4 : i32
          %add3A_533 = arith.addi %add3A_531, %add3A_532 : i32
          %get3A_534 = arith.index_cast %select_n3A_115 : i32 to index
          %get3A_535 = arith.index_cast %add3A_533 : i32 to index
          %get3A_536 = arith.index_cast %mul3A_274 : i32 to index
          %get3A_537 = tpu.vector_load %arg9[%get3A_534, %get3A_535, %get3A_536] {strides = array<i32>} : memref<4x50x256xf32, #tpu.memory_space<vmem>>, vector<16xf32>,
          %add3A_538 = arith.constant 5 : i32
          %add3A_539 = arith.addi %mul3A_245, %add3A_538 : i32
          %add3A_540 = arith.constant 4 : i32
          %add3A_541 = arith.addi %add3A_539, %add3A_540 : i32
          %get3A_542 = arith.index_cast %select_n3A_115 : i32 to index
          %get3A_543 = arith.index_cast %add3A_541 : i32 to index
          %get3A_544 = arith.index_cast %mul3A_274 : i32 to index
          %get3A_545 = tpu.vector_load %arg9[%get3A_542, %get3A_543, %get3A_544] {strides = array<i32>} : memref<4x50x256xf32, #tpu.memory_space<vmem>>, vector<16xf32>,
          %add3A_546 = arith.constant 10 : i32
          %add3A_547 = arith.addi %mul3A_245, %add3A_546 : i32
          %add3A_548 = arith.constant 4 : i32
          %add3A_549 = arith.addi %add3A_547, %add3A_548 : i32
          %get3A_550 = arith.index_cast %select_n3A_115 : i32 to index
          %get3A_551 = arith.index_cast %add3A_549 : i32 to index
          %get3A_552 = arith.index_cast %mul3A_274 : i32 to index
          %get3A_553 = tpu.vector_load %arg9[%get3A_550, %get3A_551, %get3A_552] {strides = array<i32>} : memref<4x50x256xf32, #tpu.memory_space<vmem>>, vector<16xf32>,
          %add3A_554 = arith.constant 15 : i32
          %add3A_555 = arith.addi %mul3A_245, %add3A_554 : i32
          %add3A_556 = arith.constant 4 : i32
          %add3A_557 = arith.addi %add3A_555, %add3A_556 : i32
          %get3A_558 = arith.index_cast %select_n3A_115 : i32 to index
          %get3A_559 = arith.index_cast %add3A_557 : i32 to index
          %get3A_560 = arith.index_cast %mul3A_274 : i32 to index
          %get3A_561 = tpu.vector_load %arg9[%get3A_558, %get3A_559, %get3A_560] {strides = array<i32>} : memref<4x50x256xf32, #tpu.memory_space<vmem>>, vector<16xf32>,
          %add3A_562 = arith.constant 20 : i32
          %add3A_563 = arith.addi %mul3A_245, %add3A_562 : i32
          %add3A_564 = arith.constant 4 : i32
          %add3A_565 = arith.addi %add3A_563, %add3A_564 : i32
          %get3A_566 = arith.index_cast %select_n3A_115 : i32 to index
          %get3A_567 = arith.index_cast %add3A_565 : i32 to index
          %get3A_568 = arith.index_cast %mul3A_274 : i32 to index
          %get3A_569 = tpu.vector_load %arg9[%get3A_566, %get3A_567, %get3A_568] {strides = array<i32>} : memref<4x50x256xf32, #tpu.memory_space<vmem>>, vector<16xf32>,
          %mul3A_570 = arith.mulf %get3A_537, %mul3A_234 : vector<16xf32>
          %mul3A_571 = arith.mulf %get3A_545, %mul3A_237 : vector<16xf32>
          %add3A_572 = arith.addf %mul3A_570, %mul3A_571 : vector<16xf32>
          %mul3A_573 = arith.constant 8.000000e-01 : f32
          %mul3A_574 = vector.broadcast %mul3A_573 : f32 to vector<16xf32>
          %mul3A_575 = arith.mulf %get3A_545, %mul3A_574 : vector<16xf32>
          %mul3A_576 = arith.constant 2.000000e-01 : f32
          %mul3A_577 = vector.broadcast %mul3A_576 : f32 to vector<16xf32>
          %mul3A_578 = arith.mulf %get3A_553, %mul3A_577 : vector<16xf32>
          %add3A_579 = arith.addf %mul3A_575, %mul3A_578 : vector<16xf32>
          %mul3A_580 = arith.constant 2.000000e-01 : f32
          %mul3A_581 = vector.broadcast %mul3A_580 : f32 to vector<16xf32>
          %mul3A_582 = arith.mulf %get3A_553, %mul3A_581 : vector<16xf32>
          %mul3A_583 = arith.constant 8.000000e-01 : f32
          %mul3A_584 = vector.broadcast %mul3A_583 : f32 to vector<16xf32>
          %mul3A_585 = arith.mulf %get3A_561, %mul3A_584 : vector<16xf32>
          %add3A_586 = arith.addf %mul3A_582, %mul3A_585 : vector<16xf32>
          %mul3A_587 = arith.constant 4.000000e-01 : f32
          %mul3A_588 = vector.broadcast %mul3A_587 : f32 to vector<16xf32>
          %mul3A_589 = arith.mulf %get3A_561, %mul3A_588 : vector<16xf32>
          %mul3A_590 = arith.constant 6.000000e-01 : f32
          %mul3A_591 = vector.broadcast %mul3A_590 : f32 to vector<16xf32>
          %mul3A_592 = arith.mulf %get3A_569, %mul3A_591 : vector<16xf32>
          %add3A_593 = arith.addf %mul3A_589, %mul3A_592 : vector<16xf32>
          %mul3A_594 = arith.constant 25 : i32
          %mul3A_595 = arith.muli %mul3A_274, %mul3A_594 : i32
          %add3A_596 = vector.broadcast %mul3A_595 : i32 to vector<16xi32>
          %add3A_597 = arith.addi %mul3A_53, %add3A_596 : vector<16xi32>
          %mul3A_598 = arith.mulf %add3A_316, %mul3A_240 : vector<16xf32>
          %mul3A_599 = arith.mulf %add3A_380, %mul3A_243 : vector<16xf32>
          %add3A_600 = arith.addf %mul3A_598, %mul3A_599 : vector<16xf32>
          %add3A_601 = arith.constant 0 : i32
          %add3A_602 = vector.broadcast %add3A_601 : i32 to vector<16xi32>
          %add3A_603 = arith.addi %add3A_597, %add3A_602 : vector<16xi32>
          %scatter3A = arith.constant 0 : i32
          %scatter3A_604 = arith.constant 0 : i32
          %scatter3A_605 = tpu.memref_slice %arg10[%select_n3A_155, %scatter3A, %scatter3A_604] : memref<2x4x6400xf32, #tpu.memory_space<vmem>> -> memref<1x4x6400xf32, #tpu.memory_space<vmem>>
          %scatter3A_606 = tpu.memref_squeeze %scatter3A_605 : memref<1x4x6400xf32, #tpu.memory_space<vmem>> -> memref<4x6400xf32, #tpu.memory_space<vmem>>
          tpu.vector_store_idx %scatter3A_606[%broadcast_in_dim3A_265, %add3A_603], %add3A_600 : memref<4x6400xf32, #tpu.memory_space<vmem>>[vector<16xi32>, vector<16xi32>], vector<16xf32>,
          %mul3A_607 = arith.constant 8.000000e-01 : f32
          %mul3A_608 = vector.broadcast %mul3A_607 : f32 to vector<16xf32>
          %mul3A_609 = arith.mulf %add3A_380, %mul3A_608 : vector<16xf32>
          %mul3A_610 = arith.constant 2.000000e-01 : f32
          %mul3A_611 = vector.broadcast %mul3A_610 : f32 to vector<16xf32>
          %mul3A_612 = arith.mulf %add3A_444, %mul3A_611 : vector<16xf32>
          %add3A_613 = arith.addf %mul3A_609, %mul3A_612 : vector<16xf32>
          %add3A_614 = arith.constant 1 : i32
          %add3A_615 = vector.broadcast %add3A_614 : i32 to vector<16xi32>
          %add3A_616 = arith.addi %add3A_597, %add3A_615 : vector<16xi32>
          %scatter3A_617 = arith.constant 0 : i32
          %scatter3A_618 = arith.constant 0 : i32
          %scatter3A_619 = tpu.memref_slice %arg10[%select_n3A_155, %scatter3A_617, %scatter3A_618] : memref<2x4x6400xf32, #tpu.memory_space<vmem>> -> memref<1x4x6400xf32, #tpu.memory_space<vmem>>
          %scatter3A_620 = tpu.memref_squeeze %scatter3A_619 : memref<1x4x6400xf32, #tpu.memory_space<vmem>> -> memref<4x6400xf32, #tpu.memory_space<vmem>>
          tpu.vector_store_idx %scatter3A_620[%broadcast_in_dim3A_265, %add3A_616], %add3A_613 : memref<4x6400xf32, #tpu.memory_space<vmem>>[vector<16xi32>, vector<16xi32>], vector<16xf32>,
          %add3A_621 = arith.constant 2 : i32
          %add3A_622 = vector.broadcast %add3A_621 : i32 to vector<16xi32>
          %add3A_623 = arith.addi %add3A_597, %add3A_622 : vector<16xi32>
          %scatter3A_624 = arith.constant 0 : i32
          %scatter3A_625 = arith.constant 0 : i32
          %scatter3A_626 = tpu.memref_slice %arg10[%select_n3A_155, %scatter3A_624, %scatter3A_625] : memref<2x4x6400xf32, #tpu.memory_space<vmem>> -> memref<1x4x6400xf32, #tpu.memory_space<vmem>>
          %scatter3A_627 = tpu.memref_squeeze %scatter3A_626 : memref<1x4x6400xf32, #tpu.memory_space<vmem>> -> memref<4x6400xf32, #tpu.memory_space<vmem>>
          tpu.vector_store_idx %scatter3A_627[%broadcast_in_dim3A_265, %add3A_623], %add3A_444 : memref<4x6400xf32, #tpu.memory_space<vmem>>[vector<16xi32>, vector<16xi32>], vector<16xf32>,
          %mul3A_628 = arith.constant 2.000000e-01 : f32
          %mul3A_629 = vector.broadcast %mul3A_628 : f32 to vector<16xf32>
          %mul3A_630 = arith.mulf %add3A_444, %mul3A_629 : vector<16xf32>
          %mul3A_631 = arith.constant 8.000000e-01 : f32
          %mul3A_632 = vector.broadcast %mul3A_631 : f32 to vector<16xf32>
          %mul3A_633 = arith.mulf %add3A_508, %mul3A_632 : vector<16xf32>
          %add3A_634 = arith.addf %mul3A_630, %mul3A_633 : vector<16xf32>
          %add3A_635 = arith.constant 3 : i32
          %add3A_636 = vector.broadcast %add3A_635 : i32 to vector<16xi32>
          %add3A_637 = arith.addi %add3A_597, %add3A_636 : vector<16xi32>
          %scatter3A_638 = arith.constant 0 : i32
          %scatter3A_639 = arith.constant 0 : i32
          %scatter3A_640 = tpu.memref_slice %arg10[%select_n3A_155, %scatter3A_638, %scatter3A_639] : memref<2x4x6400xf32, #tpu.memory_space<vmem>> -> memref<1x4x6400xf32, #tpu.memory_space<vmem>>
          %scatter3A_641 = tpu.memref_squeeze %scatter3A_640 : memref<1x4x6400xf32, #tpu.memory_space<vmem>> -> memref<4x6400xf32, #tpu.memory_space<vmem>>
          tpu.vector_store_idx %scatter3A_641[%broadcast_in_dim3A_265, %add3A_637], %add3A_634 : memref<4x6400xf32, #tpu.memory_space<vmem>>[vector<16xi32>, vector<16xi32>], vector<16xf32>,
          %mul3A_642 = arith.constant 4.000000e-01 : f32
          %mul3A_643 = vector.broadcast %mul3A_642 : f32 to vector<16xf32>
          %mul3A_644 = arith.mulf %add3A_508, %mul3A_643 : vector<16xf32>
          %mul3A_645 = arith.constant 6.000000e-01 : f32
          %mul3A_646 = vector.broadcast %mul3A_645 : f32 to vector<16xf32>
          %mul3A_647 = arith.mulf %add3A_572, %mul3A_646 : vector<16xf32>
          %add3A_648 = arith.addf %mul3A_644, %mul3A_647 : vector<16xf32>
          %add3A_649 = arith.constant 4 : i32
          %add3A_650 = vector.broadcast %add3A_649 : i32 to vector<16xi32>
          %add3A_651 = arith.addi %add3A_597, %add3A_650 : vector<16xi32>
          %scatter3A_652 = arith.constant 0 : i32
          %scatter3A_653 = arith.constant 0 : i32
          %scatter3A_654 = tpu.memref_slice %arg10[%select_n3A_155, %scatter3A_652, %scatter3A_653] : memref<2x4x6400xf32, #tpu.memory_space<vmem>> -> memref<1x4x6400xf32, #tpu.memory_space<vmem>>
          %scatter3A_655 = tpu.memref_squeeze %scatter3A_654 : memref<1x4x6400xf32, #tpu.memory_space<vmem>> -> memref<4x6400xf32, #tpu.memory_space<vmem>>
          tpu.vector_store_idx %scatter3A_655[%broadcast_in_dim3A_265, %add3A_651], %add3A_648 : memref<4x6400xf32, #tpu.memory_space<vmem>>[vector<16xi32>, vector<16xi32>], vector<16xf32>,
          %mul3A_656 = arith.mulf %add3A_323, %mul3A_240 : vector<16xf32>
          %mul3A_657 = arith.mulf %add3A_387, %mul3A_243 : vector<16xf32>
          %add3A_658 = arith.addf %mul3A_656, %mul3A_657 : vector<16xf32>
          %add3A_659 = arith.constant 5 : i32
          %add3A_660 = vector.broadcast %add3A_659 : i32 to vector<16xi32>
          %add3A_661 = arith.addi %add3A_597, %add3A_660 : vector<16xi32>
          %scatter3A_662 = arith.constant 0 : i32
          %scatter3A_663 = arith.constant 0 : i32
          %scatter3A_664 = tpu.memref_slice %arg10[%select_n3A_155, %scatter3A_662, %scatter3A_663] : memref<2x4x6400xf32, #tpu.memory_space<vmem>> -> memref<1x4x6400xf32, #tpu.memory_space<vmem>>
          %scatter3A_665 = tpu.memref_squeeze %scatter3A_664 : memref<1x4x6400xf32, #tpu.memory_space<vmem>> -> memref<4x6400xf32, #tpu.memory_space<vmem>>
          tpu.vector_store_idx %scatter3A_665[%broadcast_in_dim3A_265, %add3A_661], %add3A_658 : memref<4x6400xf32, #tpu.memory_space<vmem>>[vector<16xi32>, vector<16xi32>], vector<16xf32>,
          %mul3A_666 = arith.constant 8.000000e-01 : f32
          %mul3A_667 = vector.broadcast %mul3A_666 : f32 to vector<16xf32>
          %mul3A_668 = arith.mulf %add3A_387, %mul3A_667 : vector<16xf32>
          %mul3A_669 = arith.constant 2.000000e-01 : f32
          %mul3A_670 = vector.broadcast %mul3A_669 : f32 to vector<16xf32>
          %mul3A_671 = arith.mulf %add3A_451, %mul3A_670 : vector<16xf32>
          %add3A_672 = arith.addf %mul3A_668, %mul3A_671 : vector<16xf32>
          %add3A_673 = arith.constant 6 : i32
          %add3A_674 = vector.broadcast %add3A_673 : i32 to vector<16xi32>
          %add3A_675 = arith.addi %add3A_597, %add3A_674 : vector<16xi32>
          %scatter3A_676 = arith.constant 0 : i32
          %scatter3A_677 = arith.constant 0 : i32
          %scatter3A_678 = tpu.memref_slice %arg10[%select_n3A_155, %scatter3A_676, %scatter3A_677] : memref<2x4x6400xf32, #tpu.memory_space<vmem>> -> memref<1x4x6400xf32, #tpu.memory_space<vmem>>
          %scatter3A_679 = tpu.memref_squeeze %scatter3A_678 : memref<1x4x6400xf32, #tpu.memory_space<vmem>> -> memref<4x6400xf32, #tpu.memory_space<vmem>>
          tpu.vector_store_idx %scatter3A_679[%broadcast_in_dim3A_265, %add3A_675], %add3A_672 : memref<4x6400xf32, #tpu.memory_space<vmem>>[vector<16xi32>, vector<16xi32>], vector<16xf32>,
          %add3A_680 = arith.constant 7 : i32
          %add3A_681 = vector.broadcast %add3A_680 : i32 to vector<16xi32>
          %add3A_682 = arith.addi %add3A_597, %add3A_681 : vector<16xi32>
          %scatter3A_683 = arith.constant 0 : i32
          %scatter3A_684 = arith.constant 0 : i32
          %scatter3A_685 = tpu.memref_slice %arg10[%select_n3A_155, %scatter3A_683, %scatter3A_684] : memref<2x4x6400xf32, #tpu.memory_space<vmem>> -> memref<1x4x6400xf32, #tpu.memory_space<vmem>>
          %scatter3A_686 = tpu.memref_squeeze %scatter3A_685 : memref<1x4x6400xf32, #tpu.memory_space<vmem>> -> memref<4x6400xf32, #tpu.memory_space<vmem>>
          tpu.vector_store_idx %scatter3A_686[%broadcast_in_dim3A_265, %add3A_682], %add3A_451 : memref<4x6400xf32, #tpu.memory_space<vmem>>[vector<16xi32>, vector<16xi32>], vector<16xf32>,
          %mul3A_687 = arith.constant 2.000000e-01 : f32
          %mul3A_688 = vector.broadcast %mul3A_687 : f32 to vector<16xf32>
          %mul3A_689 = arith.mulf %add3A_451, %mul3A_688 : vector<16xf32>
          %mul3A_690 = arith.constant 8.000000e-01 : f32
          %mul3A_691 = vector.broadcast %mul3A_690 : f32 to vector<16xf32>
          %mul3A_692 = arith.mulf %add3A_515, %mul3A_691 : vector<16xf32>
          %add3A_693 = arith.addf %mul3A_689, %mul3A_692 : vector<16xf32>
          %add3A_694 = arith.constant 8 : i32
          %add3A_695 = vector.broadcast %add3A_694 : i32 to vector<16xi32>
          %add3A_696 = arith.addi %add3A_597, %add3A_695 : vector<16xi32>
          %scatter3A_697 = arith.constant 0 : i32
          %scatter3A_698 = arith.constant 0 : i32
          %scatter3A_699 = tpu.memref_slice %arg10[%select_n3A_155, %scatter3A_697, %scatter3A_698] : memref<2x4x6400xf32, #tpu.memory_space<vmem>> -> memref<1x4x6400xf32, #tpu.memory_space<vmem>>
          %scatter3A_700 = tpu.memref_squeeze %scatter3A_699 : memref<1x4x6400xf32, #tpu.memory_space<vmem>> -> memref<4x6400xf32, #tpu.memory_space<vmem>>
          tpu.vector_store_idx %scatter3A_700[%broadcast_in_dim3A_265, %add3A_696], %add3A_693 : memref<4x6400xf32, #tpu.memory_space<vmem>>[vector<16xi32>, vector<16xi32>], vector<16xf32>,
          %mul3A_701 = arith.constant 4.000000e-01 : f32
          %mul3A_702 = vector.broadcast %mul3A_701 : f32 to vector<16xf32>
          %mul3A_703 = arith.mulf %add3A_515, %mul3A_702 : vector<16xf32>
          %mul3A_704 = arith.constant 6.000000e-01 : f32
          %mul3A_705 = vector.broadcast %mul3A_704 : f32 to vector<16xf32>
          %mul3A_706 = arith.mulf %add3A_579, %mul3A_705 : vector<16xf32>
          %add3A_707 = arith.addf %mul3A_703, %mul3A_706 : vector<16xf32>
          %add3A_708 = arith.constant 9 : i32
          %add3A_709 = vector.broadcast %add3A_708 : i32 to vector<16xi32>
          %add3A_710 = arith.addi %add3A_597, %add3A_709 : vector<16xi32>
          %scatter3A_711 = arith.constant 0 : i32
          %scatter3A_712 = arith.constant 0 : i32
          %scatter3A_713 = tpu.memref_slice %arg10[%select_n3A_155, %scatter3A_711, %scatter3A_712] : memref<2x4x6400xf32, #tpu.memory_space<vmem>> -> memref<1x4x6400xf32, #tpu.memory_space<vmem>>
          %scatter3A_714 = tpu.memref_squeeze %scatter3A_713 : memref<1x4x6400xf32, #tpu.memory_space<vmem>> -> memref<4x6400xf32, #tpu.memory_space<vmem>>
          tpu.vector_store_idx %scatter3A_714[%broadcast_in_dim3A_265, %add3A_710], %add3A_707 : memref<4x6400xf32, #tpu.memory_space<vmem>>[vector<16xi32>, vector<16xi32>], vector<16xf32>,
          %mul3A_715 = arith.mulf %get3A_297, %mul3A_240 : vector<16xf32>
          %mul3A_716 = arith.mulf %get3A_361, %mul3A_243 : vector<16xf32>
          %add3A_717 = arith.addf %mul3A_715, %mul3A_716 : vector<16xf32>
          %add3A_718 = arith.constant 10 : i32
          %add3A_719 = vector.broadcast %add3A_718 : i32 to vector<16xi32>
          %add3A_720 = arith.addi %add3A_597, %add3A_719 : vector<16xi32>
          %scatter3A_721 = arith.constant 0 : i32
          %scatter3A_722 = arith.constant 0 : i32
          %scatter3A_723 = tpu.memref_slice %arg10[%select_n3A_155, %scatter3A_721, %scatter3A_722] : memref<2x4x6400xf32, #tpu.memory_space<vmem>> -> memref<1x4x6400xf32, #tpu.memory_space<vmem>>
          %scatter3A_724 = tpu.memref_squeeze %scatter3A_723 : memref<1x4x6400xf32, #tpu.memory_space<vmem>> -> memref<4x6400xf32, #tpu.memory_space<vmem>>
          tpu.vector_store_idx %scatter3A_724[%broadcast_in_dim3A_265, %add3A_720], %add3A_717 : memref<4x6400xf32, #tpu.memory_space<vmem>>[vector<16xi32>, vector<16xi32>], vector<16xf32>,
          %mul3A_725 = arith.constant 8.000000e-01 : f32
          %mul3A_726 = vector.broadcast %mul3A_725 : f32 to vector<16xf32>
          %mul3A_727 = arith.mulf %get3A_361, %mul3A_726 : vector<16xf32>
          %mul3A_728 = arith.constant 2.000000e-01 : f32
          %mul3A_729 = vector.broadcast %mul3A_728 : f32 to vector<16xf32>
          %mul3A_730 = arith.mulf %get3A_425, %mul3A_729 : vector<16xf32>
          %add3A_731 = arith.addf %mul3A_727, %mul3A_730 : vector<16xf32>
          %add3A_732 = arith.constant 11 : i32
          %add3A_733 = vector.broadcast %add3A_732 : i32 to vector<16xi32>
          %add3A_734 = arith.addi %add3A_597, %add3A_733 : vector<16xi32>
          %scatter3A_735 = arith.constant 0 : i32
          %scatter3A_736 = arith.constant 0 : i32
          %scatter3A_737 = tpu.memref_slice %arg10[%select_n3A_155, %scatter3A_735, %scatter3A_736] : memref<2x4x6400xf32, #tpu.memory_space<vmem>> -> memref<1x4x6400xf32, #tpu.memory_space<vmem>>
          %scatter3A_738 = tpu.memref_squeeze %scatter3A_737 : memref<1x4x6400xf32, #tpu.memory_space<vmem>> -> memref<4x6400xf32, #tpu.memory_space<vmem>>
          tpu.vector_store_idx %scatter3A_738[%broadcast_in_dim3A_265, %add3A_734], %add3A_731 : memref<4x6400xf32, #tpu.memory_space<vmem>>[vector<16xi32>, vector<16xi32>], vector<16xf32>,
          %add3A_739 = arith.constant 12 : i32
          %add3A_740 = vector.broadcast %add3A_739 : i32 to vector<16xi32>
          %add3A_741 = arith.addi %add3A_597, %add3A_740 : vector<16xi32>
          %scatter3A_742 = arith.constant 0 : i32
          %scatter3A_743 = arith.constant 0 : i32
          %scatter3A_744 = tpu.memref_slice %arg10[%select_n3A_155, %scatter3A_742, %scatter3A_743] : memref<2x4x6400xf32, #tpu.memory_space<vmem>> -> memref<1x4x6400xf32, #tpu.memory_space<vmem>>
          %scatter3A_745 = tpu.memref_squeeze %scatter3A_744 : memref<1x4x6400xf32, #tpu.memory_space<vmem>> -> memref<4x6400xf32, #tpu.memory_space<vmem>>
          tpu.vector_store_idx %scatter3A_745[%broadcast_in_dim3A_265, %add3A_741], %get3A_425 : memref<4x6400xf32, #tpu.memory_space<vmem>>[vector<16xi32>, vector<16xi32>], vector<16xf32>,
          %mul3A_746 = arith.constant 2.000000e-01 : f32
          %mul3A_747 = vector.broadcast %mul3A_746 : f32 to vector<16xf32>
          %mul3A_748 = arith.mulf %get3A_425, %mul3A_747 : vector<16xf32>
          %mul3A_749 = arith.constant 8.000000e-01 : f32
          %mul3A_750 = vector.broadcast %mul3A_749 : f32 to vector<16xf32>
          %mul3A_751 = arith.mulf %get3A_489, %mul3A_750 : vector<16xf32>
          %add3A_752 = arith.addf %mul3A_748, %mul3A_751 : vector<16xf32>
          %add3A_753 = arith.constant 13 : i32
          %add3A_754 = vector.broadcast %add3A_753 : i32 to vector<16xi32>
          %add3A_755 = arith.addi %add3A_597, %add3A_754 : vector<16xi32>
          %scatter3A_756 = arith.constant 0 : i32
          %scatter3A_757 = arith.constant 0 : i32
          %scatter3A_758 = tpu.memref_slice %arg10[%select_n3A_155, %scatter3A_756, %scatter3A_757] : memref<2x4x6400xf32, #tpu.memory_space<vmem>> -> memref<1x4x6400xf32, #tpu.memory_space<vmem>>
          %scatter3A_759 = tpu.memref_squeeze %scatter3A_758 : memref<1x4x6400xf32, #tpu.memory_space<vmem>> -> memref<4x6400xf32, #tpu.memory_space<vmem>>
          tpu.vector_store_idx %scatter3A_759[%broadcast_in_dim3A_265, %add3A_755], %add3A_752 : memref<4x6400xf32, #tpu.memory_space<vmem>>[vector<16xi32>, vector<16xi32>], vector<16xf32>,
          %mul3A_760 = arith.constant 4.000000e-01 : f32
          %mul3A_761 = vector.broadcast %mul3A_760 : f32 to vector<16xf32>
          %mul3A_762 = arith.mulf %get3A_489, %mul3A_761 : vector<16xf32>
          %mul3A_763 = arith.constant 6.000000e-01 : f32
          %mul3A_764 = vector.broadcast %mul3A_763 : f32 to vector<16xf32>
          %mul3A_765 = arith.mulf %get3A_553, %mul3A_764 : vector<16xf32>
          %add3A_766 = arith.addf %mul3A_762, %mul3A_765 : vector<16xf32>
          %add3A_767 = arith.constant 14 : i32
          %add3A_768 = vector.broadcast %add3A_767 : i32 to vector<16xi32>
          %add3A_769 = arith.addi %add3A_597, %add3A_768 : vector<16xi32>
          %scatter3A_770 = arith.constant 0 : i32
          %scatter3A_771 = arith.constant 0 : i32
          %scatter3A_772 = tpu.memref_slice %arg10[%select_n3A_155, %scatter3A_770, %scatter3A_771] : memref<2x4x6400xf32, #tpu.memory_space<vmem>> -> memref<1x4x6400xf32, #tpu.memory_space<vmem>>
          %scatter3A_773 = tpu.memref_squeeze %scatter3A_772 : memref<1x4x6400xf32, #tpu.memory_space<vmem>> -> memref<4x6400xf32, #tpu.memory_space<vmem>>
          tpu.vector_store_idx %scatter3A_773[%broadcast_in_dim3A_265, %add3A_769], %add3A_766 : memref<4x6400xf32, #tpu.memory_space<vmem>>[vector<16xi32>, vector<16xi32>], vector<16xf32>,
          %mul3A_774 = arith.mulf %add3A_330, %mul3A_240 : vector<16xf32>
          %mul3A_775 = arith.mulf %add3A_394, %mul3A_243 : vector<16xf32>
          %add3A_776 = arith.addf %mul3A_774, %mul3A_775 : vector<16xf32>
          %add3A_777 = arith.constant 15 : i32
          %add3A_778 = vector.broadcast %add3A_777 : i32 to vector<16xi32>
          %add3A_779 = arith.addi %add3A_597, %add3A_778 : vector<16xi32>
          %scatter3A_780 = arith.constant 0 : i32
          %scatter3A_781 = arith.constant 0 : i32
          %scatter3A_782 = tpu.memref_slice %arg10[%select_n3A_155, %scatter3A_780, %scatter3A_781] : memref<2x4x6400xf32, #tpu.memory_space<vmem>> -> memref<1x4x6400xf32, #tpu.memory_space<vmem>>
          %scatter3A_783 = tpu.memref_squeeze %scatter3A_782 : memref<1x4x6400xf32, #tpu.memory_space<vmem>> -> memref<4x6400xf32, #tpu.memory_space<vmem>>
          tpu.vector_store_idx %scatter3A_783[%broadcast_in_dim3A_265, %add3A_779], %add3A_776 : memref<4x6400xf32, #tpu.memory_space<vmem>>[vector<16xi32>, vector<16xi32>], vector<16xf32>,
          %mul3A_784 = arith.constant 8.000000e-01 : f32
          %mul3A_785 = vector.broadcast %mul3A_784 : f32 to vector<16xf32>
          %mul3A_786 = arith.mulf %add3A_394, %mul3A_785 : vector<16xf32>
          %mul3A_787 = arith.constant 2.000000e-01 : f32
          %mul3A_788 = vector.broadcast %mul3A_787 : f32 to vector<16xf32>
          %mul3A_789 = arith.mulf %add3A_458, %mul3A_788 : vector<16xf32>
          %add3A_790 = arith.addf %mul3A_786, %mul3A_789 : vector<16xf32>
          %add3A_791 = arith.constant 16 : i32
          %add3A_792 = vector.broadcast %add3A_791 : i32 to vector<16xi32>
          %add3A_793 = arith.addi %add3A_597, %add3A_792 : vector<16xi32>
          %scatter3A_794 = arith.constant 0 : i32
          %scatter3A_795 = arith.constant 0 : i32
          %scatter3A_796 = tpu.memref_slice %arg10[%select_n3A_155, %scatter3A_794, %scatter3A_795] : memref<2x4x6400xf32, #tpu.memory_space<vmem>> -> memref<1x4x6400xf32, #tpu.memory_space<vmem>>
          %scatter3A_797 = tpu.memref_squeeze %scatter3A_796 : memref<1x4x6400xf32, #tpu.memory_space<vmem>> -> memref<4x6400xf32, #tpu.memory_space<vmem>>
          tpu.vector_store_idx %scatter3A_797[%broadcast_in_dim3A_265, %add3A_793], %add3A_790 : memref<4x6400xf32, #tpu.memory_space<vmem>>[vector<16xi32>, vector<16xi32>], vector<16xf32>,
          %add3A_798 = arith.constant 17 : i32
          %add3A_799 = vector.broadcast %add3A_798 : i32 to vector<16xi32>
          %add3A_800 = arith.addi %add3A_597, %add3A_799 : vector<16xi32>
          %scatter3A_801 = arith.constant 0 : i32
          %scatter3A_802 = arith.constant 0 : i32
          %scatter3A_803 = tpu.memref_slice %arg10[%select_n3A_155, %scatter3A_801, %scatter3A_802] : memref<2x4x6400xf32, #tpu.memory_space<vmem>> -> memref<1x4x6400xf32, #tpu.memory_space<vmem>>
          %scatter3A_804 = tpu.memref_squeeze %scatter3A_803 : memref<1x4x6400xf32, #tpu.memory_space<vmem>> -> memref<4x6400xf32, #tpu.memory_space<vmem>>
          tpu.vector_store_idx %scatter3A_804[%broadcast_in_dim3A_265, %add3A_800], %add3A_458 : memref<4x6400xf32, #tpu.memory_space<vmem>>[vector<16xi32>, vector<16xi32>], vector<16xf32>,
          %mul3A_805 = arith.constant 2.000000e-01 : f32
          %mul3A_806 = vector.broadcast %mul3A_805 : f32 to vector<16xf32>
          %mul3A_807 = arith.mulf %add3A_458, %mul3A_806 : vector<16xf32>
          %mul3A_808 = arith.constant 8.000000e-01 : f32
          %mul3A_809 = vector.broadcast %mul3A_808 : f32 to vector<16xf32>
          %mul3A_810 = arith.mulf %add3A_522, %mul3A_809 : vector<16xf32>
          %add3A_811 = arith.addf %mul3A_807, %mul3A_810 : vector<16xf32>
          %add3A_812 = arith.constant 18 : i32
          %add3A_813 = vector.broadcast %add3A_812 : i32 to vector<16xi32>
          %add3A_814 = arith.addi %add3A_597, %add3A_813 : vector<16xi32>
          %scatter3A_815 = arith.constant 0 : i32
          %scatter3A_816 = arith.constant 0 : i32
          %scatter3A_817 = tpu.memref_slice %arg10[%select_n3A_155, %scatter3A_815, %scatter3A_816] : memref<2x4x6400xf32, #tpu.memory_space<vmem>> -> memref<1x4x6400xf32, #tpu.memory_space<vmem>>
          %scatter3A_818 = tpu.memref_squeeze %scatter3A_817 : memref<1x4x6400xf32, #tpu.memory_space<vmem>> -> memref<4x6400xf32, #tpu.memory_space<vmem>>
          tpu.vector_store_idx %scatter3A_818[%broadcast_in_dim3A_265, %add3A_814], %add3A_811 : memref<4x6400xf32, #tpu.memory_space<vmem>>[vector<16xi32>, vector<16xi32>], vector<16xf32>,
          %mul3A_819 = arith.constant 4.000000e-01 : f32
          %mul3A_820 = vector.broadcast %mul3A_819 : f32 to vector<16xf32>
          %mul3A_821 = arith.mulf %add3A_522, %mul3A_820 : vector<16xf32>
          %mul3A_822 = arith.constant 6.000000e-01 : f32
          %mul3A_823 = vector.broadcast %mul3A_822 : f32 to vector<16xf32>
          %mul3A_824 = arith.mulf %add3A_586, %mul3A_823 : vector<16xf32>
          %add3A_825 = arith.addf %mul3A_821, %mul3A_824 : vector<16xf32>
          %add3A_826 = arith.constant 19 : i32
          %add3A_827 = vector.broadcast %add3A_826 : i32 to vector<16xi32>
          %add3A_828 = arith.addi %add3A_597, %add3A_827 : vector<16xi32>
          %scatter3A_829 = arith.constant 0 : i32
          %scatter3A_830 = arith.constant 0 : i32
          %scatter3A_831 = tpu.memref_slice %arg10[%select_n3A_155, %scatter3A_829, %scatter3A_830] : memref<2x4x6400xf32, #tpu.memory_space<vmem>> -> memref<1x4x6400xf32, #tpu.memory_space<vmem>>
          %scatter3A_832 = tpu.memref_squeeze %scatter3A_831 : memref<1x4x6400xf32, #tpu.memory_space<vmem>> -> memref<4x6400xf32, #tpu.memory_space<vmem>>
          tpu.vector_store_idx %scatter3A_832[%broadcast_in_dim3A_265, %add3A_828], %add3A_825 : memref<4x6400xf32, #tpu.memory_space<vmem>>[vector<16xi32>, vector<16xi32>], vector<16xf32>,
          %mul3A_833 = arith.mulf %add3A_337, %mul3A_240 : vector<16xf32>
          %mul3A_834 = arith.mulf %add3A_401, %mul3A_243 : vector<16xf32>
          %add3A_835 = arith.addf %mul3A_833, %mul3A_834 : vector<16xf32>
          %add3A_836 = arith.constant 20 : i32
          %add3A_837 = vector.broadcast %add3A_836 : i32 to vector<16xi32>
          %add3A_838 = arith.addi %add3A_597, %add3A_837 : vector<16xi32>
          %scatter3A_839 = arith.constant 0 : i32
          %scatter3A_840 = arith.constant 0 : i32
          %scatter3A_841 = tpu.memref_slice %arg10[%select_n3A_155, %scatter3A_839, %scatter3A_840] : memref<2x4x6400xf32, #tpu.memory_space<vmem>> -> memref<1x4x6400xf32, #tpu.memory_space<vmem>>
          %scatter3A_842 = tpu.memref_squeeze %scatter3A_841 : memref<1x4x6400xf32, #tpu.memory_space<vmem>> -> memref<4x6400xf32, #tpu.memory_space<vmem>>
          tpu.vector_store_idx %scatter3A_842[%broadcast_in_dim3A_265, %add3A_838], %add3A_835 : memref<4x6400xf32, #tpu.memory_space<vmem>>[vector<16xi32>, vector<16xi32>], vector<16xf32>,
          %mul3A_843 = arith.constant 8.000000e-01 : f32
          %mul3A_844 = vector.broadcast %mul3A_843 : f32 to vector<16xf32>
          %mul3A_845 = arith.mulf %add3A_401, %mul3A_844 : vector<16xf32>
          %mul3A_846 = arith.constant 2.000000e-01 : f32
          %mul3A_847 = vector.broadcast %mul3A_846 : f32 to vector<16xf32>
          %mul3A_848 = arith.mulf %add3A_465, %mul3A_847 : vector<16xf32>
          %add3A_849 = arith.addf %mul3A_845, %mul3A_848 : vector<16xf32>
          %add3A_850 = arith.constant 21 : i32
          %add3A_851 = vector.broadcast %add3A_850 : i32 to vector<16xi32>
          %add3A_852 = arith.addi %add3A_597, %add3A_851 : vector<16xi32>
          %scatter3A_853 = arith.constant 0 : i32
          %scatter3A_854 = arith.constant 0 : i32
          %scatter3A_855 = tpu.memref_slice %arg10[%select_n3A_155, %scatter3A_853, %scatter3A_854] : memref<2x4x6400xf32, #tpu.memory_space<vmem>> -> memref<1x4x6400xf32, #tpu.memory_space<vmem>>
          %scatter3A_856 = tpu.memref_squeeze %scatter3A_855 : memref<1x4x6400xf32, #tpu.memory_space<vmem>> -> memref<4x6400xf32, #tpu.memory_space<vmem>>
          tpu.vector_store_idx %scatter3A_856[%broadcast_in_dim3A_265, %add3A_852], %add3A_849 : memref<4x6400xf32, #tpu.memory_space<vmem>>[vector<16xi32>, vector<16xi32>], vector<16xf32>,
          %add3A_857 = arith.constant 22 : i32
          %add3A_858 = vector.broadcast %add3A_857 : i32 to vector<16xi32>
          %add3A_859 = arith.addi %add3A_597, %add3A_858 : vector<16xi32>
          %scatter3A_860 = arith.constant 0 : i32
          %scatter3A_861 = arith.constant 0 : i32
          %scatter3A_862 = tpu.memref_slice %arg10[%select_n3A_155, %scatter3A_860, %scatter3A_861] : memref<2x4x6400xf32, #tpu.memory_space<vmem>> -> memref<1x4x6400xf32, #tpu.memory_space<vmem>>
          %scatter3A_863 = tpu.memref_squeeze %scatter3A_862 : memref<1x4x6400xf32, #tpu.memory_space<vmem>> -> memref<4x6400xf32, #tpu.memory_space<vmem>>
          tpu.vector_store_idx %scatter3A_863[%broadcast_in_dim3A_265, %add3A_859], %add3A_465 : memref<4x6400xf32, #tpu.memory_space<vmem>>[vector<16xi32>, vector<16xi32>], vector<16xf32>,
          %mul3A_864 = arith.constant 2.000000e-01 : f32
          %mul3A_865 = vector.broadcast %mul3A_864 : f32 to vector<16xf32>
          %mul3A_866 = arith.mulf %add3A_465, %mul3A_865 : vector<16xf32>
          %mul3A_867 = arith.constant 8.000000e-01 : f32
          %mul3A_868 = vector.broadcast %mul3A_867 : f32 to vector<16xf32>
          %mul3A_869 = arith.mulf %add3A_529, %mul3A_868 : vector<16xf32>
          %add3A_870 = arith.addf %mul3A_866, %mul3A_869 : vector<16xf32>
          %add3A_871 = arith.constant 23 : i32
          %add3A_872 = vector.broadcast %add3A_871 : i32 to vector<16xi32>
          %add3A_873 = arith.addi %add3A_597, %add3A_872 : vector<16xi32>
          %scatter3A_874 = arith.constant 0 : i32
          %scatter3A_875 = arith.constant 0 : i32
          %scatter3A_876 = tpu.memref_slice %arg10[%select_n3A_155, %scatter3A_874, %scatter3A_875] : memref<2x4x6400xf32, #tpu.memory_space<vmem>> -> memref<1x4x6400xf32, #tpu.memory_space<vmem>>
          %scatter3A_877 = tpu.memref_squeeze %scatter3A_876 : memref<1x4x6400xf32, #tpu.memory_space<vmem>> -> memref<4x6400xf32, #tpu.memory_space<vmem>>
          tpu.vector_store_idx %scatter3A_877[%broadcast_in_dim3A_265, %add3A_873], %add3A_870 : memref<4x6400xf32, #tpu.memory_space<vmem>>[vector<16xi32>, vector<16xi32>], vector<16xf32>,
          %mul3A_878 = arith.constant 4.000000e-01 : f32
          %mul3A_879 = vector.broadcast %mul3A_878 : f32 to vector<16xf32>
          %mul3A_880 = arith.mulf %add3A_529, %mul3A_879 : vector<16xf32>
          %mul3A_881 = arith.constant 6.000000e-01 : f32
          %mul3A_882 = vector.broadcast %mul3A_881 : f32 to vector<16xf32>
          %mul3A_883 = arith.mulf %add3A_593, %mul3A_882 : vector<16xf32>
          %add3A_884 = arith.addf %mul3A_880, %mul3A_883 : vector<16xf32>
          %add3A_885 = arith.constant 24 : i32
          %add3A_886 = vector.broadcast %add3A_885 : i32 to vector<16xi32>
          %add3A_887 = arith.addi %add3A_597, %add3A_886 : vector<16xi32>
          %scatter3A_888 = arith.constant 0 : i32
          %scatter3A_889 = arith.constant 0 : i32
          %scatter3A_890 = tpu.memref_slice %arg10[%select_n3A_155, %scatter3A_888, %scatter3A_889] : memref<2x4x6400xf32, #tpu.memory_space<vmem>> -> memref<1x4x6400xf32, #tpu.memory_space<vmem>>
          %scatter3A_891 = tpu.memref_squeeze %scatter3A_890 : memref<1x4x6400xf32, #tpu.memory_space<vmem>> -> memref<4x6400xf32, #tpu.memory_space<vmem>>
          tpu.vector_store_idx %scatter3A_891[%broadcast_in_dim3A_265, %add3A_887], %add3A_884 : memref<4x6400xf32, #tpu.memory_space<vmem>>[vector<16xi32>, vector<16xi32>], vector<16xf32>,
        }
        %scan3A_271 = arith.constant 16 : i32
      }
      %scan3A_183 = arith.constant 2 : i32
      %jit3A_184 = arith.constant 2 : i32
      %eq3A_185 = arith.constant 0 : i32
      %eq3A_186 = arith.cmpi eq, %jit3A_184, %eq3A_185 : i32
      %jit3A_187 = arith.constant 1 : i32
      %select_n3A_188 = arith.select %eq3A_186, %jit3A_187, %jit3A_184 : i32
      %rem3A_189 = arith.remsi %while3A_74, %select_n3A_188 : i32
      %ne3A_190 = arith.constant 0 : i32
      %ne3A_191 = arith.cmpi ne, %rem3A_189, %ne3A_190 : i32
      %lt3A_192 = arith.constant 0 : i32
      %lt3A_193 = arith.cmpi slt, %rem3A_189, %lt3A_192 : i32
      %lt3A_194 = arith.constant 0 : i32
      %lt3A_195 = arith.cmpi slt, %select_n3A_188, %lt3A_194 : i32
      %ne3A_196 = arith.xori %lt3A_193, %lt3A_195 : i1
      %and3A_197 = arith.andi %ne3A_196, %ne3A_191 : i1
      %add3A_198 = arith.addi %rem3A_189, %select_n3A_188 : i32
      %select_n3A_199 = arith.select %and3A_197, %add3A_198, %rem3A_189 : i32
      %eq3A_200 = arith.constant 1 : i32
      %eq3A_201 = arith.cmpi eq, %select_n3A_199, %eq3A_200 : i32
      %convert_element_type3A_202 = arith.extui %eq3A_201 : i1 to i32
      %cond3A_203 = arith.constant 0 : i32
      %cond3A_204 = arith.cmpi ne, %convert_element_type3A_202, %cond3A_203 : i32
      scf.if %cond3A_204 {
        %jit3A_211 = arith.constant 2 : i32
        %div3A_212 = arith.divsi %while3A_74, %jit3A_211 : i32
        %sign3A_213 = arith.constant 0 : i32
        %sign3A_214 = arith.cmpi sgt, %while3A_74, %sign3A_213 : i32
        %sign3A_215 = arith.extui %sign3A_214 : i1 to i32
        %sign3A_216 = arith.constant 0 : i32
        %sign3A_217 = arith.cmpi slt, %while3A_74, %sign3A_216 : i32
        %sign3A_218 = arith.extui %sign3A_217 : i1 to i32
        %sign3A_219 = arith.subi %sign3A_215, %sign3A_218 : i32
        %sign3A_220 = arith.constant 0 : i32
        %sign3A_221 = arith.cmpi sgt, %jit3A_211, %sign3A_220 : i32
        %sign3A_222 = arith.extui %sign3A_221 : i1 to i32
        %sign3A_223 = arith.constant 0 : i32
        %sign3A_224 = arith.cmpi slt, %jit3A_211, %sign3A_223 : i32
        %sign3A_225 = arith.extui %sign3A_224 : i1 to i32
        %sign3A_226 = arith.subi %sign3A_222, %sign3A_225 : i32
        %ne3A_227 = arith.cmpi ne, %sign3A_219, %sign3A_226 : i32
        %rem3A_228 = arith.remsi %while3A_74, %jit3A_211 : i32
        %ne3A_229 = arith.constant 0 : i32
        %ne3A_230 = arith.cmpi ne, %rem3A_228, %ne3A_229 : i32
        %and3A_231 = arith.andi %ne3A_227, %ne3A_230 : i1
        %sub3A_232 = arith.constant 1 : i32
        %sub3A_233 = arith.subi %div3A_212, %sub3A_232 : i32
        %select_n3A_234 = arith.select %and3A_231, %sub3A_233, %div3A_212 : i32
        %jit3A_235 = arith.constant 2 : i32
        %eq3A_236 = arith.constant 0 : i32
        %eq3A_237 = arith.cmpi eq, %jit3A_235, %eq3A_236 : i32
        %jit3A_238 = arith.constant 1 : i32
        %select_n3A_239 = arith.select %eq3A_237, %jit3A_238, %jit3A_235 : i32
        %rem3A_240 = arith.remsi %select_n3A_234, %select_n3A_239 : i32
        %ne3A_241 = arith.constant 0 : i32
        %ne3A_242 = arith.cmpi ne, %rem3A_240, %ne3A_241 : i32
        %lt3A_243 = arith.constant 0 : i32
        %lt3A_244 = arith.cmpi slt, %rem3A_240, %lt3A_243 : i32
        %lt3A_245 = arith.constant 0 : i32
        %lt3A_246 = arith.cmpi slt, %select_n3A_239, %lt3A_245 : i32
        %ne3A_247 = arith.xori %lt3A_244, %lt3A_246 : i1
        %and3A_248 = arith.andi %ne3A_247, %ne3A_242 : i1
        %add3A_249 = arith.addi %rem3A_240, %select_n3A_239 : i32
        %select_n3A_250 = arith.select %and3A_248, %add3A_249, %rem3A_240 : i32
        %mul3A_251 = arith.constant 4 : i32
        %mul3A_252 = arith.muli %select_n3A_234, %mul3A_251 : i32
        %add3A_253 = arith.addi %mul3A_2, %mul3A_252 : i32
        %jit3A_254 = arith.constant 2 : i32
        %eq3A_255 = arith.constant 0 : i32
        %eq3A_256 = arith.cmpi eq, %jit3A_254, %eq3A_255 : i32
        %jit3A_257 = arith.constant 1 : i32
        %select_n3A_258 = arith.select %eq3A_256, %jit3A_257, %jit3A_254 : i32
        %rem3A_259 = arith.remsi %select_n3A_234, %select_n3A_258 : i32
        %ne3A_260 = arith.constant 0 : i32
        %ne3A_261 = arith.cmpi ne, %rem3A_259, %ne3A_260 : i32
        %lt3A_262 = arith.constant 0 : i32
        %lt3A_263 = arith.cmpi slt, %rem3A_259, %lt3A_262 : i32
        %lt3A_264 = arith.constant 0 : i32
        %lt3A_265 = arith.cmpi slt, %select_n3A_258, %lt3A_264 : i32
        %ne3A_266 = arith.xori %lt3A_263, %lt3A_265 : i1
        %and3A_267 = arith.andi %ne3A_266, %ne3A_261 : i1
        %add3A_268 = arith.addi %rem3A_259, %select_n3A_258 : i32
        %select_n3A_269 = arith.select %and3A_267, %add3A_268, %rem3A_259 : i32
        %dma_start3A = arith.constant 0 : i32
        %dma_start3A_270 = arith.constant 0 : i32
        %dma_start3A_271 = tpu.memref_slice %arg10[%select_n3A_250, %dma_start3A, %dma_start3A_270] : memref<2x4x6400xf32, #tpu.memory_space<vmem>> -> memref<1x4x6400xf32, #tpu.memory_space<vmem>>
        %dma_start3A_272 = tpu.memref_squeeze %dma_start3A_271 : memref<1x4x6400xf32, #tpu.memory_space<vmem>> -> memref<4x6400xf32, #tpu.memory_space<vmem>>
        %dma_start3A_273 = arith.constant 0 : i32
        %dma_start3A_274 = tpu.memref_slice %arg5[%add3A_253, %dma_start3A_273] : memref<4000x6400xf32, #tpu.memory_space<hbm>> -> memref<4x6400xf32, #tpu.memory_space<hbm>>
        %dma_start3A_275 = tpu.memref_slice %arg12[%select_n3A_269] : memref<2x!tpu.dma_semaphore, #tpu.memory_space<semaphore_mem>> -> memref<1x!tpu.dma_semaphore, #tpu.memory_space<semaphore_mem>>
        %dma_start3A_276 = tpu.memref_squeeze %dma_start3A_275 : memref<1x!tpu.dma_semaphore, #tpu.memory_space<semaphore_mem>> -> memref<!tpu.dma_semaphore, #tpu.memory_space<semaphore_mem>>
        %dma_start3A_277 = arith.constant 0 : i32
        %dma_start3A_278 = tpu.memref_slice %arg5[%add3A_253, %dma_start3A_277] : memref<4000x6400xf32, #tpu.memory_space<hbm>> -> memref<4x6400xf32, #tpu.memory_space<hbm>>
        %dma_start3A_279 = arith.constant 0 : i32
        %dma_start3A_280 = arith.constant 0 : i32
        %dma_start3A_281 = tpu.memref_slice %arg10[%select_n3A_250, %dma_start3A_279, %dma_start3A_280] : memref<2x4x6400xf32, #tpu.memory_space<vmem>> -> memref<1x4x6400xf32, #tpu.memory_space<vmem>>
        %dma_start3A_282 = tpu.memref_squeeze %dma_start3A_281 : memref<1x4x6400xf32, #tpu.memory_space<vmem>> -> memref<4x6400xf32, #tpu.memory_space<vmem>>
        tpu.enqueue_dma source(%dma_start3A_282 : memref<4x6400xf32, #tpu.memory_space<vmem>>) target(%dma_start3A_278 : memref<4x6400xf32, #tpu.memory_space<hbm>>) target_semaphore(%dma_start3A_276 : memref<!tpu.dma_semaphore, #tpu.memory_space<semaphore_mem>>)
      } else {
      }
      %add3A_205 = arith.constant 4 : i32
      %add3A_206 = arith.addi %while3A_74, %add3A_205 : i32
      %lt3A_207 = arith.cmpi slt, %add3A_206, %select_n3A : i32
      %convert_element_type3A_208 = arith.extui %lt3A_207 : i1 to i32
      %cond3A_209 = arith.constant 0 : i32
      %cond3A_210 = arith.cmpi ne, %convert_element_type3A_208, %cond3A_209 : i32
      scf.if %cond3A_210 {
        %add3A_211 = arith.constant 4 : i32
        %add3A_212 = arith.addi %while3A_74, %add3A_211 : i32
        %jit3A_213 = arith.constant 4 : i32
        %eq3A_214 = arith.constant 0 : i32
        %eq3A_215 = arith.cmpi eq, %jit3A_213, %eq3A_214 : i32
        %jit3A_216 = arith.constant 1 : i32
        %select_n3A_217 = arith.select %eq3A_215, %jit3A_216, %jit3A_213 : i32
        %rem3A_218 = arith.remsi %add3A_212, %select_n3A_217 : i32
        %ne3A_219 = arith.constant 0 : i32
        %ne3A_220 = arith.cmpi ne, %rem3A_218, %ne3A_219 : i32
        %lt3A_221 = arith.constant 0 : i32
        %lt3A_222 = arith.cmpi slt, %rem3A_218, %lt3A_221 : i32
        %lt3A_223 = arith.constant 0 : i32
        %lt3A_224 = arith.cmpi slt, %select_n3A_217, %lt3A_223 : i32
        %ne3A_225 = arith.xori %lt3A_222, %lt3A_224 : i1
        %and3A_226 = arith.andi %ne3A_225, %ne3A_220 : i1
        %add3A_227 = arith.addi %rem3A_218, %select_n3A_217 : i32
        %select_n3A_228 = arith.select %and3A_226, %add3A_227, %rem3A_218 : i32
        %dma_start3A = arith.constant 0 : i32
        %dma_start3A_229 = arith.constant 0 : i32
        %dma_start3A_230 = tpu.memref_slice %arg9[%select_n3A_228, %dma_start3A, %dma_start3A_229] : memref<4x50x256xf32, #tpu.memory_space<vmem>> -> memref<1x50x256xf32, #tpu.memory_space<vmem>>
        %dma_start3A_231 = tpu.memref_squeeze %dma_start3A_230 : memref<1x50x256xf32, #tpu.memory_space<vmem>> -> memref<50x256xf32, #tpu.memory_space<vmem>>
        %dma_start3A_232 = arith.constant 0 : i32
        %dma_start3A_233 = tpu.memref_slice %arg8[%add3A_212, %dma_start3A_232] : memref<64x50xi32, #tpu.memory_space<vmem>> -> memref<1x50xi32, #tpu.memory_space<vmem>>
        %dma_start3A_234 = tpu.memref_squeeze %dma_start3A_233 : memref<1x50xi32, #tpu.memory_space<vmem>> -> memref<50xi32, #tpu.memory_space<vmem>>
        %dma_start3A_235 = arith.constant 0 : i32
        %dma_start3A_236 = arith.constant 0 : i32
        %dma_start3A_237 = tpu.memref_slice %arg2[%dma_start3A_235, %dma_start3A_236] : memref<32768x256xf32, #tpu.memory_space<hbm>> -> memref<32768x256xf32, #tpu.memory_space<hbm>>
        %dma_start3A_238 = tpu.memref_slice %arg11[%select_n3A_228] : memref<4x!tpu.dma_semaphore, #tpu.memory_space<semaphore_mem>> -> memref<1x!tpu.dma_semaphore, #tpu.memory_space<semaphore_mem>>
        %dma_start3A_239 = tpu.memref_squeeze %dma_start3A_238 : memref<1x!tpu.dma_semaphore, #tpu.memory_space<semaphore_mem>> -> memref<!tpu.dma_semaphore, #tpu.memory_space<semaphore_mem>>
        tpu.enqueue_indirect_dma source(%dma_start3A_237 : memref<32768x256xf32, #tpu.memory_space<hbm>>) target(%dma_start3A_231 : memref<50x256xf32, #tpu.memory_space<vmem>>) offsets(%dma_start3A_234 : memref<50xi32, #tpu.memory_space<vmem>>) semaphore(%dma_start3A_239 : memref<!tpu.dma_semaphore, #tpu.memory_space<semaphore_mem>>)
      } else {
      }
    }
    %gt3A_64 = arith.constant 0 : i32
    %gt3A_65 = arith.cmpi sgt, %select_n3A, %gt3A_64 : i32
    %convert_element_type3A_66 = arith.extui %gt3A_65 : i1 to i32
    %cond3A_67 = arith.constant 0 : i32
    %cond3A_68 = arith.cmpi ne, %convert_element_type3A_66, %cond3A_67 : i32
    scf.if %cond3A_68 {
      %jit3A_74 = arith.constant 2 : i32
      %div3A_75 = arith.divsi %select_n3A, %jit3A_74 : i32
      %sign3A_76 = arith.constant 0 : i32
      %sign3A_77 = arith.cmpi sgt, %select_n3A, %sign3A_76 : i32
      %sign3A_78 = arith.extui %sign3A_77 : i1 to i32
      %sign3A_79 = arith.constant 0 : i32
      %sign3A_80 = arith.cmpi slt, %select_n3A, %sign3A_79 : i32
      %sign3A_81 = arith.extui %sign3A_80 : i1 to i32
      %sign3A_82 = arith.subi %sign3A_78, %sign3A_81 : i32
      %sign3A_83 = arith.constant 0 : i32
      %sign3A_84 = arith.cmpi sgt, %jit3A_74, %sign3A_83 : i32
      %sign3A_85 = arith.extui %sign3A_84 : i1 to i32
      %sign3A_86 = arith.constant 0 : i32
      %sign3A_87 = arith.cmpi slt, %jit3A_74, %sign3A_86 : i32
      %sign3A_88 = arith.extui %sign3A_87 : i1 to i32
      %sign3A_89 = arith.subi %sign3A_85, %sign3A_88 : i32
      %ne3A_90 = arith.cmpi ne, %sign3A_82, %sign3A_89 : i32
      %rem3A_91 = arith.remsi %select_n3A, %jit3A_74 : i32
      %ne3A_92 = arith.constant 0 : i32
      %ne3A_93 = arith.cmpi ne, %rem3A_91, %ne3A_92 : i32
      %and3A_94 = arith.andi %ne3A_90, %ne3A_93 : i1
      %sub3A_95 = arith.constant 1 : i32
      %sub3A_96 = arith.subi %div3A_75, %sub3A_95 : i32
      %select_n3A_97 = arith.select %and3A_94, %sub3A_96, %div3A_75 : i32
      %sub3A_98 = arith.constant 1 : i32
      %sub3A_99 = arith.subi %select_n3A_97, %sub3A_98 : i32
      %jit3A_100 = arith.constant 2 : i32
      %eq3A = arith.constant 0 : i32
      %eq3A_101 = arith.cmpi eq, %jit3A_100, %eq3A : i32
      %jit3A_102 = arith.constant 1 : i32
      %select_n3A_103 = arith.select %eq3A_101, %jit3A_102, %jit3A_100 : i32
      %rem3A_104 = arith.remsi %sub3A_99, %select_n3A_103 : i32
      %ne3A_105 = arith.constant 0 : i32
      %ne3A_106 = arith.cmpi ne, %rem3A_104, %ne3A_105 : i32
      %lt3A = arith.constant 0 : i32
      %lt3A_107 = arith.cmpi slt, %rem3A_104, %lt3A : i32
      %lt3A_108 = arith.constant 0 : i32
      %lt3A_109 = arith.cmpi slt, %select_n3A_103, %lt3A_108 : i32
      %ne3A_110 = arith.xori %lt3A_107, %lt3A_109 : i1
      %and3A_111 = arith.andi %ne3A_110, %ne3A_106 : i1
      %add3A_112 = arith.addi %rem3A_104, %select_n3A_103 : i32
      %select_n3A_113 = arith.select %and3A_111, %add3A_112, %rem3A_104 : i32
      %mul3A_114 = arith.constant 4 : i32
      %mul3A_115 = arith.muli %sub3A_99, %mul3A_114 : i32
      %add3A_116 = arith.addi %mul3A_2, %mul3A_115 : i32
      %jit3A_117 = arith.constant 2 : i32
      %eq3A_118 = arith.constant 0 : i32
      %eq3A_119 = arith.cmpi eq, %jit3A_117, %eq3A_118 : i32
      %jit3A_120 = arith.constant 1 : i32
      %select_n3A_121 = arith.select %eq3A_119, %jit3A_120, %jit3A_117 : i32
      %rem3A_122 = arith.remsi %sub3A_99, %select_n3A_121 : i32
      %ne3A_123 = arith.constant 0 : i32
      %ne3A_124 = arith.cmpi ne, %rem3A_122, %ne3A_123 : i32
      %lt3A_125 = arith.constant 0 : i32
      %lt3A_126 = arith.cmpi slt, %rem3A_122, %lt3A_125 : i32
      %lt3A_127 = arith.constant 0 : i32
      %lt3A_128 = arith.cmpi slt, %select_n3A_121, %lt3A_127 : i32
      %ne3A_129 = arith.xori %lt3A_126, %lt3A_128 : i1
      %and3A_130 = arith.andi %ne3A_129, %ne3A_124 : i1
      %add3A_131 = arith.addi %rem3A_122, %select_n3A_121 : i32
      %select_n3A_132 = arith.select %and3A_130, %add3A_131, %rem3A_122 : i32
      %dma_wait3A = arith.constant 0 : i32
      %dma_wait3A_133 = arith.constant 0 : i32
      %dma_wait3A_134 = tpu.memref_slice %arg10[%select_n3A_113, %dma_wait3A, %dma_wait3A_133] : memref<2x4x6400xf32, #tpu.memory_space<vmem>> -> memref<1x4x6400xf32, #tpu.memory_space<vmem>>
      %dma_wait3A_135 = tpu.memref_squeeze %dma_wait3A_134 : memref<1x4x6400xf32, #tpu.memory_space<vmem>> -> memref<4x6400xf32, #tpu.memory_space<vmem>>
      %dma_wait3A_136 = arith.constant 0 : i32
      %dma_wait3A_137 = tpu.memref_slice %arg5[%add3A_116, %dma_wait3A_136] : memref<4000x6400xf32, #tpu.memory_space<hbm>> -> memref<4x6400xf32, #tpu.memory_space<hbm>>
      %dma_wait3A_138 = tpu.memref_slice %arg12[%select_n3A_132] : memref<2x!tpu.dma_semaphore, #tpu.memory_space<semaphore_mem>> -> memref<1x!tpu.dma_semaphore, #tpu.memory_space<semaphore_mem>>
      %dma_wait3A_139 = tpu.memref_squeeze %dma_wait3A_138 : memref<1x!tpu.dma_semaphore, #tpu.memory_space<semaphore_mem>> -> memref<!tpu.dma_semaphore, #tpu.memory_space<semaphore_mem>>
      %dma_wait3A_140 = arith.constant 0 : i32
      %dma_wait3A_141 = tpu.memref_slice %arg5[%add3A_116, %dma_wait3A_140] : memref<4000x6400xf32, #tpu.memory_space<hbm>> -> memref<4x6400xf32, #tpu.memory_space<hbm>>
      %dma_wait3A_142 = arith.constant 0 : i32
      %dma_wait3A_143 = arith.constant 0 : i32
      %dma_wait3A_144 = tpu.memref_slice %arg10[%select_n3A_113, %dma_wait3A_142, %dma_wait3A_143] : memref<2x4x6400xf32, #tpu.memory_space<vmem>> -> memref<1x4x6400xf32, #tpu.memory_space<vmem>>
      %dma_wait3A_145 = tpu.memref_squeeze %dma_wait3A_144 : memref<1x4x6400xf32, #tpu.memory_space<vmem>> -> memref<4x6400xf32, #tpu.memory_space<vmem>>
      tpu.wait_dma2 semaphore(%dma_wait3A_139 : memref<!tpu.dma_semaphore, #tpu.memory_space<semaphore_mem>>) src(%dma_wait3A_145 : memref<4x6400xf32, #tpu.memory_space<vmem>>) dst(%dma_wait3A_141 : memref<4x6400xf32, #tpu.memory_space<hbm>>)
    } else {
    }
    %gt3A_69 = arith.constant 2 : i32
    %gt3A_70 = arith.cmpi sgt, %select_n3A, %gt3A_69 : i32
    %convert_element_type3A_71 = arith.extui %gt3A_70 : i1 to i32
    %cond3A_72 = arith.constant 0 : i32
    %cond3A_73 = arith.cmpi ne, %convert_element_type3A_71, %cond3A_72 : i32
    scf.if %cond3A_73 {
      %jit3A_74 = arith.constant 2 : i32
      %div3A_75 = arith.divsi %select_n3A, %jit3A_74 : i32
      %sign3A_76 = arith.constant 0 : i32
      %sign3A_77 = arith.cmpi sgt, %select_n3A, %sign3A_76 : i32
      %sign3A_78 = arith.extui %sign3A_77 : i1 to i32
      %sign3A_79 = arith.constant 0 : i32
      %sign3A_80 = arith.cmpi slt, %select_n3A, %sign3A_79 : i32
      %sign3A_81 = arith.extui %sign3A_80 : i1 to i32
      %sign3A_82 = arith.subi %sign3A_78, %sign3A_81 : i32
      %sign3A_83 = arith.constant 0 : i32
      %sign3A_84 = arith.cmpi sgt, %jit3A_74, %sign3A_83 : i32
      %sign3A_85 = arith.extui %sign3A_84 : i1 to i32
      %sign3A_86 = arith.constant 0 : i32
      %sign3A_87 = arith.cmpi slt, %jit3A_74, %sign3A_86 : i32
      %sign3A_88 = arith.extui %sign3A_87 : i1 to i32
      %sign3A_89 = arith.subi %sign3A_85, %sign3A_88 : i32
      %ne3A_90 = arith.cmpi ne, %sign3A_82, %sign3A_89 : i32
      %rem3A_91 = arith.remsi %select_n3A, %jit3A_74 : i32
      %ne3A_92 = arith.constant 0 : i32
      %ne3A_93 = arith.cmpi ne, %rem3A_91, %ne3A_92 : i32
      %and3A_94 = arith.andi %ne3A_90, %ne3A_93 : i1
      %sub3A_95 = arith.constant 1 : i32
      %sub3A_96 = arith.subi %div3A_75, %sub3A_95 : i32
      %select_n3A_97 = arith.select %and3A_94, %sub3A_96, %div3A_75 : i32
      %sub3A_98 = arith.constant 2 : i32
      %sub3A_99 = arith.subi %select_n3A_97, %sub3A_98 : i32
      %jit3A_100 = arith.constant 2 : i32
      %eq3A = arith.constant 0 : i32
      %eq3A_101 = arith.cmpi eq, %jit3A_100, %eq3A : i32
      %jit3A_102 = arith.constant 1 : i32
      %select_n3A_103 = arith.select %eq3A_101, %jit3A_102, %jit3A_100 : i32
      %rem3A_104 = arith.remsi %sub3A_99, %select_n3A_103 : i32
      %ne3A_105 = arith.constant 0 : i32
      %ne3A_106 = arith.cmpi ne, %rem3A_104, %ne3A_105 : i32
      %lt3A = arith.constant 0 : i32
      %lt3A_107 = arith.cmpi slt, %rem3A_104, %lt3A : i32
      %lt3A_108 = arith.constant 0 : i32
      %lt3A_109 = arith.cmpi slt, %select_n3A_103, %lt3A_108 : i32
      %ne3A_110 = arith.xori %lt3A_107, %lt3A_109 : i1
      %and3A_111 = arith.andi %ne3A_110, %ne3A_106 : i1
      %add3A_112 = arith.addi %rem3A_104, %select_n3A_103 : i32
      %select_n3A_113 = arith.select %and3A_111, %add3A_112, %rem3A_104 : i32
      %mul3A_114 = arith.constant 4 : i32
      %mul3A_115 = arith.muli %sub3A_99, %mul3A_114 : i32
      %add3A_116 = arith.addi %mul3A_2, %mul3A_115 : i32
      %jit3A_117 = arith.constant 2 : i32
      %eq3A_118 = arith.constant 0 : i32
      %eq3A_119 = arith.cmpi eq, %jit3A_117, %eq3A_118 : i32
      %jit3A_120 = arith.constant 1 : i32
      %select_n3A_121 = arith.select %eq3A_119, %jit3A_120, %jit3A_117 : i32
      %rem3A_122 = arith.remsi %sub3A_99, %select_n3A_121 : i32
      %ne3A_123 = arith.constant 0 : i32
      %ne3A_124 = arith.cmpi ne, %rem3A_122, %ne3A_123 : i32
      %lt3A_125 = arith.constant 0 : i32
      %lt3A_126 = arith.cmpi slt, %rem3A_122, %lt3A_125 : i32
      %lt3A_127 = arith.constant 0 : i32
      %lt3A_128 = arith.cmpi slt, %select_n3A_121, %lt3A_127 : i32
      %ne3A_129 = arith.xori %lt3A_126, %lt3A_128 : i1
      %and3A_130 = arith.andi %ne3A_129, %ne3A_124 : i1
      %add3A_131 = arith.addi %rem3A_122, %select_n3A_121 : i32
      %select_n3A_132 = arith.select %and3A_130, %add3A_131, %rem3A_122 : i32
      %dma_wait3A = arith.constant 0 : i32
      %dma_wait3A_133 = arith.constant 0 : i32
      %dma_wait3A_134 = tpu.memref_slice %arg10[%select_n3A_113, %dma_wait3A, %dma_wait3A_133] : memref<2x4x6400xf32, #tpu.memory_space<vmem>> -> memref<1x4x6400xf32, #tpu.memory_space<vmem>>
      %dma_wait3A_135 = tpu.memref_squeeze %dma_wait3A_134 : memref<1x4x6400xf32, #tpu.memory_space<vmem>> -> memref<4x6400xf32, #tpu.memory_space<vmem>>
      %dma_wait3A_136 = arith.constant 0 : i32
      %dma_wait3A_137 = tpu.memref_slice %arg5[%add3A_116, %dma_wait3A_136] : memref<4000x6400xf32, #tpu.memory_space<hbm>> -> memref<4x6400xf32, #tpu.memory_space<hbm>>
      %dma_wait3A_138 = tpu.memref_slice %arg12[%select_n3A_132] : memref<2x!tpu.dma_semaphore, #tpu.memory_space<semaphore_mem>> -> memref<1x!tpu.dma_semaphore, #tpu.memory_space<semaphore_mem>>
      %dma_wait3A_139 = tpu.memref_squeeze %dma_wait3A_138 : memref<1x!tpu.dma_semaphore, #tpu.memory_space<semaphore_mem>> -> memref<!tpu.dma_semaphore, #tpu.memory_space<semaphore_mem>>
      %dma_wait3A_140 = arith.constant 0 : i32
      %dma_wait3A_141 = tpu.memref_slice %arg5[%add3A_116, %dma_wait3A_140] : memref<4000x6400xf32, #tpu.memory_space<hbm>> -> memref<4x6400xf32, #tpu.memory_space<hbm>>
      %dma_wait3A_142 = arith.constant 0 : i32
      %dma_wait3A_143 = arith.constant 0 : i32
      %dma_wait3A_144 = tpu.memref_slice %arg10[%select_n3A_113, %dma_wait3A_142, %dma_wait3A_143] : memref<2x4x6400xf32, #tpu.memory_space<vmem>> -> memref<1x4x6400xf32, #tpu.memory_space<vmem>>
      %dma_wait3A_145 = tpu.memref_squeeze %dma_wait3A_144 : memref<1x4x6400xf32, #tpu.memory_space<vmem>> -> memref<4x6400xf32, #tpu.memory_space<vmem>>
      tpu.wait_dma2 semaphore(%dma_wait3A_139 : memref<!tpu.dma_semaphore, #tpu.memory_space<semaphore_mem>>) src(%dma_wait3A_145 : memref<4x6400xf32, #tpu.memory_space<vmem>>) dst(%dma_wait3A_141 : memref<4x6400xf32, #tpu.memory_space<hbm>>)
    } else {
    }
    return
  }
}

</mosaic_0001>

<sc_bundles>
// kernel: kernel.3.cloned.1.call-start
scs
__scs_entry_jumppad:
0x0: {  	(pc) =	sbr.rel $0x88, $3  }
0x1: {  	(tag) =	ssettag $0x0;
	lr =	simm.s32 $0x1  }
0x2: {  	[smem:$0x3F9F] =	sst lr;
	_ =	strace $0xD0000000  }
0x3: {  	_ = 	snop  }
0x4: {  	_ = 	snop  }
0x5: {  	_ = 	snop  }
0x6: {  	_ = 	snop  }
0x7: {  	_ = 	snop  }
__scs_overlays_trampoline_lowered:
0x8: {  	[smem:$0x3FAE] =	sst s0  }
0x9: {  	[smem:$0x3FAF] =	sst s1  }
0xa: {  	[smem:$0x3FB0] =	sst s2  }
0xb: {  	[smem:$0x3FB1] =	sst s3  }
0xc: {  	[smem:$0x3FB2] =	sst s4  }
0xd: {  	[smem:$0x3FB3] =	sst s5  }
0xe: {  	[smem:$0x3FB4] =	sst s6  }
0xf: {  	[smem:$0x3FB5] =	sst s7  }
0x10: {  	[smem:$0x3FB6] =	sst s8  }
0x11: {  	[smem:$0x3FB7] =	sst s9;
	s0 =	simm.s32 @!p0 $0x0  }
0x12: {  	s1 =	sld [smem:$0x3F9D];
	s0 =	simm.s32 @p0 $0x1  }
0x13: {  	[smem:$0x3FB8] =	sst s0;
	s0 =	simm.s32 @!p1 $0x0  }
0x14: {  	s2 =	sld [smem:$0x3F9C];
	s0 =	simm.s32 @p1 $0x1  }
0x15: {  	[smem:$0x3FB9] =	sst s0;
	s0 =	simm.s32 @!p2 $0x0  }
0x16: {  	s3 =	sld [smem:$0x3FDB];
	s0 =	simm.s32 @p2 $0x1  }
0x17: {  	s4 =	simm.s32 $0x1BF5;
	[smem:$0x3FBB] =	sst s0  }
0x18: {  	s0 =	sld [smem:$0x3F9E];
	_ =	swait.ge [sflag:s4], $0x0  }
0x19: {  	s7 =	sld [smem:$0x3F9F]  }
0x1a: {  	s8 =	sadd.s32 $0xFFFFE003, lr  }
0x1b: {  	s9 =	sadd.s32 $0xFFFFFEF7, lr;
	s5 =	simm.s32 $0xFFFFFFFF;
	p2 =	slt.u32 s8, $0xFFFFF086  }
0x1c: {  	p1 =	slt.u32 s9, $0xF7A;
	s5 =	simm.s32 @!p2 $0x0  }
0x1d: {  	s5 =	simm.s32 @p1 $0x1;
	p0 =	seq.s32 s7, s2  }
0x1e: {  	s7 =	smul.u32 @!p0 $0xF7A, s2;
	p2 =	seq.s32 @!p0 s5, $0x0  }
0x1f: {  	s9 =	smul.u32 $0xF7A, s1;
	s8 =	simm.s32 @!p0 $0x1BF5;
	p2 =	por !p2, p0  }
0x20: {  	[sflag:s8] =	ssyncset.s32 @!p0 $0xFFFFF086;
	s6 =	sadd.s32 @!p0 s3, s7;
	s7 =	simm.s32 @!p0 $0x108  }
0x21: {  	s3 =	sadd.s32 s3, s9;
	s6 =	sadd.s32 @!p0 $0x88, s6;
	s7 =	simm.s32 @p2 $0x1082  }
0x22: {  	[simem:s7], [sflag:s8] =	dma.local @!p0 [hbm:s6], $0xF7A  }
0x23: {  	s9 =	sor.u32 $0xD0000000, s2;
	s6 =	simm.s32 $0x108;
	_ =	swait.ge @!p0 [sflag:s8], $0x0  }
0x24: {  	s3 =	sadd.s32 $0x88, s3;
	s6 =	simm.s32 @!p1 $0x1082;
	[sflag:s4] =	ssyncset.s32 $0xFFFFF086  }
0x25: {  	[simem:s6], [sflag:s4] =	dma.local [hbm:s3], $0xF7A  }
0x26: {  	[smem:$0x3F9F] =	sst s1;
	(tag) =	ssettag s2;
	_ =	strace s9  }
0x27: {  	s1 =	sld [smem:$0x3FAF]  }
0x28: {  	s2 =	sld [smem:$0x3FB0]  }
0x29: {  	s4 =	sld [smem:$0x3FB2]  }
0x2a: {  	p0 =	seq.s32 s5, $0x0;
	s5 =	sld [smem:$0x3FB3]  }
0x2b: {  	s6 =	sld [smem:$0x3FB4]  }
0x2c: {  	s7 =	sld [smem:$0x3FB5]  }
0x2d: {  	s3 =	simm.s32 $0x108;
	s8 =	sld [smem:$0x3FB6]  }
0x2e: {  	s3 =	simm.s32 @!p0 $0x1082;
	s9 =	sld [smem:$0x3FB7]  }
0x2f: {  	lr =	sadd.s32 s0, s3;
	s0 =	sld [smem:$0x3FAE]  }
0x30: {  	s3 =	sld [smem:$0x3FB1]  }
0x31: {  	[smem:$0x3FBA] =	sst s10  }
0x32: {  	s10 =	sld [smem:$0x3FB8];
	_ =	sdelay $0x3  }
0x33: {  	p0 =	seq.s32 s10, $0x1;
	s10 =	sld [smem:$0x3FBA];
	_ =	sdelay $0x3  }
0x34: {  	[smem:$0x3FBA] =	sst s10  }
0x35: {  	s10 =	sld [smem:$0x3FB9];
	_ =	sdelay $0x3  }
0x36: {  	p1 =	seq.s32 s10, $0x1;
	s10 =	sld [smem:$0x3FBA];
	_ =	sdelay $0x3  }
0x37: {  	[smem:$0x3FBA] =	sst s10  }
0x38: {  	s10 =	sld [smem:$0x3FBB]  }
0x39: {  	_ = 	snop;
	(pc) =	sbr.ind lr, $3  }
0x3a: {  	_ = 	snop  }
0x3b: {  	_ = 	snop  }
0x3c: {  	p2 =	seq.s32 s10, $0x1;
	s10 =	sld [smem:$0x3FBA]  }
0x3d: {  	_ =	shalt  }
0x3e: {  	_ =	shalt  }
0x3f: {  	_ =	shalt  }
0x40: {  	_ =	shalt  }
0x41: {  	_ =	shalt  }
0x42: {  	_ =	shalt  }
0x43: {  	_ =	shalt  }
0x44: {  	_ =	shalt  }
0x45: {  	_ =	shalt  }
0x46: {  	_ =	shalt  }
0x47: {  	_ =	shalt  }
0x48: {  	_ =	shalt  }
0x49: {  	_ =	shalt  }
0x4a: {  	_ =	shalt  }
0x4b: {  	_ =	shalt  }
0x4c: {  	_ =	shalt  }
0x4d: {  	_ =	shalt  }
0x4e: {  	_ =	shalt  }
0x4f: {  	_ =	shalt  }
0x50: {  	_ =	shalt  }
0x51: {  	_ =	shalt  }
0x52: {  	_ =	shalt  }
0x53: {  	_ =	shalt  }
0x54: {  	_ =	shalt  }
0x55: {  	_ =	shalt  }
0x56: {  	_ =	shalt  }
0x57: {  	_ =	shalt  }
0x58: {  	_ =	shalt  }
0x59: {  	_ =	shalt  }
0x5a: {  	_ =	shalt  }
0x5b: {  	_ =	shalt  }
0x5c: {  	_ =	shalt  }
0x5d: {  	_ =	shalt  }
0x5e: {  	_ =	shalt  }
0x5f: {  	_ =	shalt  }
0x60: {  	_ =	shalt  }
0x61: {  	_ =	shalt  }
0x62: {  	_ =	shalt  }
0x63: {  	_ =	shalt  }
0x64: {  	_ =	shalt  }
0x65: {  	_ =	shalt  }
0x66: {  	_ =	shalt  }
0x67: {  	_ =	shalt  }
0x68: {  	_ =	shalt  }
0x69: {  	_ =	shalt  }
0x6a: {  	_ =	shalt  }
0x6b: {  	_ =	shalt  }
0x6c: {  	_ =	shalt  }
0x6d: {  	_ =	shalt  }
0x6e: {  	_ =	shalt  }
0x6f: {  	_ =	shalt  }
0x70: {  	_ =	shalt  }
0x71: {  	_ =	shalt  }
0x72: {  	_ =	shalt  }
0x73: {  	_ =	shalt  }
0x74: {  	_ =	shalt  }
0x75: {  	_ =	shalt  }
0x76: {  	_ =	shalt  }
0x77: {  	_ =	shalt  }
0x78: {  	_ =	shalt  }
0x79: {  	_ =	shalt  }
0x7a: {  	_ =	shalt  }
0x7b: {  	_ =	shalt  }
0x7c: {  	_ =	shalt  }
0x7d: {  	_ =	shalt  }
0x7e: {  	_ =	shalt  }
0x7f: {  	_ =	shalt  }
0x80: {  	_ =	shalt  }
0x81: {  	_ =	shalt  }
0x82: {  	_ =	shalt  }
0x83: {  	_ =	shalt  }
0x84: {  	_ =	shalt  }
0x85: {  	_ =	shalt  }
0x86: {  	_ =	shalt  }
0x87: {  	_ =	shalt  }
.Lfunc_end0:
.L_simem_size_0:
called_computation.2_lowered:
.L_overlay_start_0:
0x88: {  	s2 =	sld [smem:$0x3FD9]  }
0x89: {  	s3 =	sld [smem:$0x3FFE];
	_ =	sdelay $0x1  }
0x8a: {  	s1 =	srdreg.scid  }
0x8b: {  	s0 =	sand.u32 $0x1, s1  }
0x8c: {  	s17 =	sshll.u32 s0, $0xA;
	s2 =	sadd.s32 s3, s2  }
0x8d: {  	s2 =	sadd.s32 s2, s17  }
0x8e: {  	[smem:$0x3FC6] =	sst s2  }
0x8f: {  	_ = 	snop  }
0x90: {  	s2 =	sld [smem:$0x3FD0];
	(tm) =	ssettm $0x1  }
0x91: {  	s18 =	sld [smem:$0x3FFB];
	_ =	sdelay $0x3  }
0x92: {  	_ =	strace s18  }
0x93: {  	s3 =	sld [smem:$0x3FFC];
	_ =	sdelay $0x3  }
0x94: {  	_ =	strace s3  }
0x95: {  	s3 =	sld [smem:$0x3FFD];
	_ =	sdelay $0x3  }
0x96: {  	_ =	strace s3  }
0x97: {  	_ =	strace $0x8FFFFFFF  }
0x98: {  	s19 =	sld [smem:$0x3FDB];
	_ =	sdelay $0x1  }
0x99: {  	s4 =	simm.s32 $_scs_section_size  }
0x9a: {  	s5 =	simm.s32 $_size__tile_overlayer_lowered;
	s6 =	simm.s32 $_tile_overlayer_lowered  }
0x9b: {  	s22 =	simm.s32 $0x1BFF;
	s21 =	sshll.u32 s6, $0x1;
	s3 =	sadd.s32 s4, s19  }
0x9c: {  	s7 =	simm.s32 $0x0;
	s20 =	sshll.u32 s5, $0x1;
	s5 =	sadd.s32 s21, s3  }
0x9d: {  	[timem:s7], [sflag:s22] =	dma.local [hbm:s5], s20  }
0x9e: {  	_ =	swait.ge [sflag:s22], s20  }
0x9f: {  	s4 =	ssub.s32 $0x0, s20;
	[sflag:s22] =	ssyncset.done $0x0  }
0xa0: {  	[sflag:s22] =	ssyncadd.s32 s4;
	_ =	sdelay $0x1  }
0xa1: {  	s23 =	simm.s32 $0x1B8B  }
0xa2: {  	_ =	swait.ge [sflag:s23], $0x1  }
0xa3: {  	[sflag:s23] =	ssyncset.done $0x0  }
0xa4: {  	s25 =	simm.s32 $0x1B8E;
	s24 =	sld [smem:$0x3FFE];
	[sflag:s23] =	ssyncadd.s32 $0xFFFFFFFF  }
0xa5: {  	s26 =	simm.s32 $execute0_lowered;
	[smem:$0x3FD2] =	sst s25  }
0xa6: {  	s5 =	sshll.u32 s26, $0x1;
	_ =	strace $0x8000004C;
	[dreg:$0x1] =	wrdreg $0xFFFFFFFF  }
0xa7: {  	s28 =	simm.s32 $_size_execute0_lowered;
	s3 =	sadd.s32 s3, s5;
	[dreg:$0x0] =	wrdreg $0x0  }
0xa8: {  	s5 =	sshll.u32 s28, $0x1;
	[dreg:$0x2] =	wrdreg s3  }
0xa9: {  	[dreg:$0x3] =	wrdreg s5  }
0xaa: {  	[dreg:$0x4] =	wrdreg $0xC0  }
0xab: {  	_ =	task [dreg:s7], $0x5FFFF  }
0xac: {  	[dreg:$0x1] =	wrdreg $0xFFFFFFFF  }
0xad: {  	[dreg:$0x0] =	wrdreg $0x60  }
0xae: {  	[dreg:$0x2] =	wrdreg s2  }
0xaf: {  	[dreg:$0x3] =	wrdreg s24  }
0xb0: {  	[dreg:$0x4] =	wrdreg $0x9  }
0xb1: {  	_ =	task.clear_ibuf [dreg:s7], $0x5FFFF;
	_ =	strace $0x9000004C  }
0xb2: {  	s29 =	simm.s32 $0x9;
	_ =	strace $0x8000004E  }
0xb3: {  	_ =	swait.ge [sflag:s29], $0x1  }
0xb4: {  	[sflag:s29] =	ssyncadd.s32 $0xFFFFFFFF  }
0xb5: {  	_ =	strace $0x9000004E  }
0xb6: {  	_ =	sfence  }
0xb7: {  	s30 =	sld [smem:$0x0];
	_ =	sdelay $0x2  }
0xb8: {  	s31 =	sshll.u32 s1, $0xD;
	s1 =	sshrl.u32 s1, $0x2  }
0xb9: {  	s3 =	sand.u32 $0x4000, s31;
	s1 =	sadd.s32 s1, s30  }
0xba: {  	s0 =	sor.u32 s3, s0;
	s1 =	sshll.u32 s1, $0x11  }
0xbb: {  	s0 =	sor.u32 s1, s0  }
0xbc: {  	s0 =	sadd.s32 $0x8F2B, s0  }
0xbd: {  	[sflag:s0] =	ssyncadd.remote.s32 $0x1  }
0xbe: {  	_ =	sfence.sel $0xFFFF  }
0xbf: {  	[dreg:$0x0] =	wrdreg $0xFFFFFFFF;
	(pc) =	sbr.abs _section_cstart, $3  }
0xc0: {  	[dreg:$0x1] =	wrdreg $0xFFFFFFFF  }
0xc1: {  	_ =	task.clear_ibuf [dreg:s7], $0x2FFFF;
	_ =	strace $0x9FFFFFFF  }
0xc2: {  	(tm) =	ssettm $0x7FFFFFFF  }
0xc3: {  	_ =	shalt  }
tec
execute0_lowered:
.L_overlay_start_1:
0x0: {  	(tag) =	ssettag $0x1  }
0x1: {  	v3 =	vimm.s32 $0xECA86420;
	v5 =	vimm.s32 $0x7654321  }
0x2: {  	v1 =	vlaneseq.u32;
	v2 =	vimm.s32 $0x0;
	v7 =	vunpack.c.l.s4.s8 v5  }
0x3: {  	vm0 =	vcmask $0xB08;
	v8 =	vimm.s32 $0x10765432;
	v5 =	vand.u32 $0x7, v1  }
0x4: {  	s0 =	srdreg.scid;
	vm1 =	vcmask $0x1310;
	v8 =	vunpack.c.l.s4.s8 v8;
	[tilespmem:$0x1FEE0] =	vst v5;
	v5 =	vunpack.c.0.s8.s32 v7  }
0x5: {  	s2 =	stileid.u32;
	vm2 =	vcmask $0x1B18;
	vm3 =	vcmask $0x300;
	vm4 =	vcmask $0x2320;
	s0 =	sand.u32 $0x1, s0  }
0x6: {  	v9 =	vimm.s32 $0x21076543;
	s2 =	sshll.u32 s2, $0x7;
	v3 =	vunpack.c.l.s4.s8 v3;
	s1 =	sshll.u32 s0, $0xB;
	[tilespmem:$0x1FEF0] =	vst v5;
	v5 =	vunpack.c.0.s8.s32 v8  }
0x7: {  	vm5 =	vcmask $0x2B28;
	vm6 =	vcmask $0x3330;
	s16 =	simm.s32 $0x0;
	v9 =	vunpack.c.l.s4.s8 v9;
	s14 =	sor.u32 s2, s1  }
0x8: {  	v10 =	vimm.s32 $0x32107654;
	[smem:$0x7FF] =	sst s16;
	v3 =	vunpack.c.0.s8.s32 v3;
	v0 =	vmov s14;
	[tilespmem:$0x1FF00] =	vst v5  }
0x9: {  	vm7 =	vcmask $0x3B38;
	s26 =	rddreg [dreg:$0x1];
	v10 =	vunpack.c.l.s4.s8 v10;
	v5 =	vunpack.c.0.s8.s32 v9;
	_ =	strace $0x8000004D;
	[tilespmem:$0x1FFA0] =	vst v0  }
0xa: {  	vm8 =	vmmov $0xff;
	v11 =	vimm.s32 $0x43210765;
	v4 =	vmul.u32 $0x2, v1;
	[tilespmem:$0x1FFB0] =	vst v3  }
0xb: {  	v14 =	vunpack.c.l.s4.s8 v11;
	v17 =	vmul.u32 $0x19, v1;
	[tilespmem:$0x1FF10] =	vst v5;
	v5 =	vunpack.c.0.s8.s32 v10  }
0xc: {  	vm11 =	vcmask $0x704;
	vm12 =	vcmask $0xF0C;
	v12 =	vimm.s32 $0x54321076;
	[tilespmem:$0x1FFC0] =	vst v4  }
0xd: {  	v15 =	vunpack.c.l.s4.s8 v12;
	v63 =	vadd.s32 $0x17, v17;
	[tilespmem:$0x1FF20] =	vst v5;
	v5 =	vunpack.c.0.s8.s32 v14  }
0xe: {  	vm13 =	vcmask $0x1714;
	vm14 =	vcmask $0x1F1C;
	v13 =	vimm.s32 $0x65432107;
	s2 =	sshrl.u32 s14, $0x3;
	[tilespmem:$0x1FFD0] =	vst v63  }
0xf: {  	v16 =	vunpack.c.l.s4.s8 v13;
	s0 =	ssub.s32 $0x2, s0;
	v62 =	vadd.s32 $0x14, v17;
	s2 =	sadd.s32 s2, s26;
	[tilespmem:$0x1FF30] =	vst v5;
	v5 =	vunpack.c.0.s8.s32 v15  }
0x10: {  	vm15 =	vcmask $0x2724;
	s28 =	sshrl.u32 s0, $0x1;
	v18 =	vadd.s32 $0x2, v17;
	v19 =	vadd.s32 $0x3, v17;
	s3 =	sxor.u32 $0xFA0, s14;
	s29 =	sadd.s32 $0x101200, s2;
	[tilespmem:$0x1FFE0] =	vst v62  }
0x11: {  	v20 =	vadd.s32 $0x4, v17;
	s0 =	ssub.s32 s0, s28;
	s30 =	sadd.s32 $0x101000, s2;
	[smem:$0x7F8] =	sst s29;
	v15 =	vadd.s32 $0x15, v17;
	[tilespmem:$0x1FF40] =	vst v5;
	v5 =	vunpack.c.0.s8.s32 v16  }
0x12: {  	v21 =	vadd.s32 $0x5, v17;
	v22 =	vadd.s32 $0x6, v17;
	v23 =	vadd.s32 $0x7, v17;
	s3 =	smin.u32 s3, $0x80;
	s0 =	smax.u32 s0, $0x1;
	[smem:$0x7F9] =	sst s30;
	[tilespmem:$0x1FFF0] =	vst v15  }
0x13: {  	v31 =	vadd.s32 $0x8, v17;
	v26 =	vadd.s32 $0xD, v17;
	s31 =	sshll.u32 s3, $0x5;
	[smem:$0x7FA] =	sst s0;
	[tilespmem:$0x1FF50] =	vst v5;
	v5 =	vadd.s32 $0x9, v17  }
0x14: {  	s17 =	sadd.s32 $0x101400, s26;
	v38 =	vadd.s32 $0xE, v17;
	v27 =	vadd.s32 $0xF, v17;
	[dreg:$0x3] =	wrdreg s31;
	[tilespmem:$0x1FF60] =	vst v5;
	v5 =	vadd.s32 $0xA, v17  }
0x15: {  	v28 =	vadd.s32 $0x10, v17;
	v29 =	vadd.s32 $0x11, v17;
	[smem:$0x7FB] =	sst s14;
	[tilespmem:$0x1FF70] =	vst v5;
	v5 =	vadd.s32 $0xB, v17  }
0x16: {  	v36 =	vadd.s32 $0x12, v17;
	v33 =	vadd.s32 $0x13, v17;
	s18 =	sshrl.u32 s3, $0x1;
	[smem:$0x7FC] =	sst s17;
	[tilespmem:$0x1FF80] =	vst v5;
	v5 =	vadd.s32 $0xC, v17  }
0x17: {  	s19 =	simm.s32 $0x80;
	v34 =	vadd.s32 $0x16, v17;
	v32 =	vadd.s32 $0x18, v17;
	s2 =	simm.s32 $0x0;
	[smem:$0x7FD] =	sst s18;
	v16 =	vadd.s32 $0x1, v17;
	[tilespmem:$0x1FF90] =	vst v5  }
.LBB2_1:
0x18: {  	s0 =	sand.u32 $0x30, s16;
	s28 =	sld [smem:$0x7F8]  }
0x19: {  	v42 =	vmov s0  }
0x1a: {  	v5 =	vimm.s32 $0x0;
	vm9 =	veq.s32 v42, v1  }
0x1b: {  	[tilespmem:s16], [sflag:$0x7] =	stream.linear.gather [hbm4b:s28+s16], $0x80, $0x38;
	v5 =	vsel vm9, $0xFFFFFFFF, v5;
	[tilespmem:$0x19F00] =	vst v63  }
0x1c: {  	[smem:$0x7F7] =	sst s2;
	s29 =	simm.s32 $0x7;
	[tilespmem:$0x1FED0] =	vst v5  }
0x1d: {  	v39 =	vor.u32 s0, v1;
	_ =	swait.ge [sflag:s29], $0x80  }
0x1e: {  	v41 =	vmin.u32 v39, $0x31;
	v5 =	vld [tilespmem:$0x1FED0]  }
0x1f: {  	v39 =	vmulhi.u32 $0xA3D70A4, v41;
	_ =	sdelay $0x1  }
0x20: {  	v40 =	vmul.u32 $0xFFFFFFE7, v39  }
0x21: {  	v43 =	vsub.s32 $0x0, v41  }
0x22: {  	vm9 =	vne.s32 v40, v43;
	vm10 =	vnez.u8 v5  }
0x23: {  	s1 =	sld [smem:$0x7F9];
	vm9 =	vmand vm10, vm9  }
0x24: {  	[sflag:s29] =	ssyncset.done $0x0;
	v63 =	vsel vm9, $0xFFFFFFFF, v2  }
0x25: {  	s30 =	simm.s32 $0x0;
	[sflag:s29] =	ssyncadd.s32 $0xFFFFFF80;
	v47 =	vadd.s32 v63, v39  }
0x26: {  	[tilespmem:s19], [sflag:$0x7] =	stream.linear.gather [hbm4b:s1+s16], $0x80, $0x38;
	v39 =	vadd.s32 s30, v47;
	[tilespmem:$0x19F00] =	vst v63  }
0x27: {  	_ =	swait.ge [sflag:s29], $0x80;
	v42 =	vadd.s32 v0, v39  }
0x28: {  	(v2sf) =	vpush v42, $0xF  }
0x29: {  	(v2sf) =	vpush v42, $0xB  }
0x2a: {  	(v2sf) =	vpush v42, $0x6  }
0x2b: {  	(v2sf) =	vpush v42, $0xE  }
0x2c: {  	(v2sf) =	vpush v42, $0xA  }
0x2d: {  	s31 =	rddreg [dreg:$0x3];
	(v2sf) =	vpush v42, $0xD  }
0x2e: {  	p1 =	sne.s32 s31, $0x10;
	(v2sf) =	vpush v42, $0x9  }
.Ltmp0:
0x2f: {  	(v2sf) =	vpush v42, $0x5;
	(pc) =	sbr.rel @!p1 .LBB2_2-.Ltmp0, $4  }
0x30: {  	(v2sf) =	vpush v42, $0xC  }
0x31: {  	(v2sf) =	vpush v42, $0x8  }
0x32: {  	s4 =	simm.s32 $0x0;
	[sflag:s29] =	ssyncset.done $0x0;
	(v2sf) =	vpush v42, $0x4  }
0x33: {  	p0 =	por $0x0, $0x0;
	s0 =	simm.s32 $0x10;
	[sflag:s29] =	ssyncadd.s32 $0xFFFFFF80;
	(v2sf) =	vpush v42, $0x3  }
0x34: {  	_ =	sdelay $0x2  }
0x35: {  	s2 =	spop (v2sf)  }
0x36: {  	s22 =	rddreg [dreg:$0x3];
	s1 =	spop (v2sf)  }
0x37: {  	[smem:$0x7E4] =	sst s2;
	s2 =	smulhi.u32 $0x10624DD3, s2  }
0x38: {  	s7 =	spop (v2sf);
	[dreg:$0x19] =	wrdreg s1  }
0x39: {  	s1 =	smulhi.u32 $0x10624DD3, s1;
	[dreg:$0x1f] =	wrdreg s2  }
0x3a: {  	s6 =	spop (v2sf);
	[smem:$0x7E6] =	sst s7  }
0x3b: {  	(v2sf) =	vpush v42, $0x2;
	s11 =	smulhi.u32 $0x10624DD3, s7;
	[smem:$0x7E5] =	sst s1  }
0x3c: {  	(v2sf) =	vpush v42, $0x1;
	s3 =	spop (v2sf);
	[smem:$0x7E7] =	sst s6  }
0x3d: {  	v40 =	vmul.u32 $0xFFFFFFE7, v47;
	s6 =	smulhi.u32 $0x10624DD3, s6;
	s5 =	spop (v2sf)  }
0x3e: {  	(v2sf) =	vpush v42, $0x0;
	[dreg:$0x17] =	wrdreg s3;
	s3 =	smulhi.u32 $0x10624DD3, s3  }
0x3f: {  	v44 =	vadd.s32 v41, v40;
	(v2sf) =	vpush v42, $0x7;
	s25 =	spop (v2sf);
	[dreg:$0x18] =	wrdreg s6  }
0x40: {  	(v2sf) =	vpush v44, $0xF;
	[smem:$0x7E8] =	sst s5;
	s5 =	smulhi.u32 $0x10624DD3, s5  }
0x41: {  	s21 =	spop (v2sf);
	[dreg:$0x1a] =	wrdreg s3  }
0x42: {  	(v2sf) =	vpush v44, $0xB;
	[smem:$0x7E9] =	sst s25;
	s2 =	smulhi.u32 $0x10624DD3, s25  }
0x43: {  	(v2sf) =	vpush v44, $0x6;
	s26 =	spop (v2sf);
	[dreg:$0x1c] =	wrdreg s5  }
0x44: {  	(v2sf) =	vpush v44, $0xE;
	s29 =	smulhi.u32 $0x10624DD3, s21;
	[dreg:$0x1b] =	wrdreg s2  }
0x45: {  	s9 =	spop (v2sf);
	[smem:$0x7EA] =	sst s26  }
0x46: {  	(v2sf) =	vpush v44, $0xA;
	s1 =	smulhi.u32 $0x10624DD3, s26;
	s6 =	spop (v2sf)  }
0x47: {  	[smem:$0x7EB] =	sst s9;
	s9 =	smulhi.u32 $0x10624DD3, s9  }
0x48: {  	(v2sf) =	vpush v44, $0xD;
	s7 =	spop (v2sf);
	[dreg:$0x1d] =	wrdreg s1  }
0x49: {  	(v2sf) =	vpush v44, $0x9;
	[smem:$0x7EC] =	sst s6;
	s10 =	smulhi.u32 $0x10624DD3, s6  }
0x4a: {  	(v2sf) =	vpush v44, $0x5;
	s2 =	spop (v2sf);
	[dreg:$0x1e] =	wrdreg s9  }
0x4b: {  	(v2sf) =	vpush v44, $0xC;
	s12 =	smulhi.u32 $0x10624DD3, s7;
	s14 =	spop (v2sf)  }
0x4c: {  	s0 =	sand.u32 $0x30, s0;
	[dreg:$0x6] =	wrdreg s10;
	s5 =	smulhi.u32 $0x10624DD3, s2  }
0x4d: {  	v61 =	vor.u32 s0, v1;
	(v2sf) =	vpush v44, $0x8;
	s13 =	spop (v2sf);
	[dreg:$0x11] =	wrdreg s12  }
0x4e: {  	p1 =	sne.s32 s22, $0x20;
	v40 =	vmin.u32 v61, $0x31;
	s22 =	smulhi.u32 $0x10624DD3, s14;
	s26 =	spop (v2sf)  }
0x4f: {  	v43 =	vmulhi.u32 $0xA3D70A4, v40;
	(v2sf) =	vpush v44, $0x4;
	[smem:$0x7F1] =	sst s5;
	s9 =	spop (v2sf)  }
0x50: {  	[smem:$0x7F6] =	sst s22;
	s30 =	smov.u32 s26;
	s26 =	smulhi.u32 $0x10624DD3, s26  }
0x51: {  	v45 =	vmul.u32 $0xFFFFFFE7, v43;
	(v2sf) =	vpush v44, $0x3;
	s15 =	spop (v2sf);
	s16 =	smulhi.u32 $0x66666667, s9  }
0x52: {  	v46 =	vmov s0;
	v62 =	vsub.s32 $0x0, v40;
	(v2sf) =	vpush v44, $0x2;
	s18 =	spop (v2sf);
	s3 =	smulhi.u32 $0x66666667, s15  }
0x53: {  	s17 =	simm.s32 $0x0;
	vm10 =	veq.s32 v46, v1;
	vm9 =	vne.s32 v45, v62;
	(v2sf) =	vpush v44, $0x1;
	[smem:$0x7ED] =	sst s16;
	s19 =	spop (v2sf)  }
0x54: {  	p0 =	por $0x1, $0x1;
	vm9 =	vmand vm10, vm9;
	(v2sf) =	vpush v44, $0x0;
	s1 =	smulhi.u32 $0x66666667, s18;
	[smem:$0x7EE] =	sst s3  }
0x55: {  	s28 =	simm.s32 $0x20;
	v63 =	vsel vm9, $0xFFFFFFFF, v2;
	(v2sf) =	vpush v44, $0x7;
	s20 =	spop (v2sf);
	s0 =	smulhi.u32 $0x66666667, s19  }
0x56: {  	v47 =	vadd.s32 v63, v43;
	s8 =	smov.u32 s7;
	[dreg:$0xa] =	wrdreg s1;
	s1 =	smulhi.u32 $0x66666667, s20  }
0x57: {  	v46 =	vadd.s32 s17, v47;
	s5 =	smov.u32 s13;
	s24 =	spop (v2sf);
	[smem:$0x7EF] =	sst s0  }
0x58: {  	v43 =	vadd.s32 v0, v46;
	s6 =	smov.u32 s15;
	s7 =	spop (v2sf);
	[smem:$0x7F0] =	sst s1  }
0x59: {  	(v2sf) =	vpush v43, $0xF;
	s12 =	smov.u32 s24;
	s1 =	smulhi.u32 $0x66666667, s24;
	s24 =	spop (v2sf)  }
0x5a: {  	(v2sf) =	vpush v43, $0xB;
	s31 =	smov.u32 s18;
	s15 =	smulhi.u32 $0x66666667, s7;
	s16 =	spop (v2sf)  }
0x5b: {  	(v2sf) =	vpush v43, $0x6;
	s25 =	smov.u32 s19;
	s17 =	smulhi.u32 $0x66666667, s24;
	[smem:$0x7F2] =	sst s1  }
0x5c: {  	(v2sf) =	vpush v43, $0xE;
	s23 =	smov.u32 s20;
	[smem:$0x7F3] =	sst s15;
	s18 =	spop (v2sf)  }
0x5d: {  	(v2sf) =	vpush v43, $0xA;
	s10 =	smov.u32 s7;
	s1 =	smulhi.u32 $0x66666667, s16;
	[dreg:$0x12] =	wrdreg s17  }
0x5e: {  	(v2sf) =	vpush v43, $0xD;
	s7 =	smov.u32 s16;
	s19 =	spop (v2sf);
	s3 =	smulhi.u32 $0x66666667, s18  }
0x5f: {  	(v2sf) =	vpush v43, $0x9;
	s16 =	smov.u32 s14;
	[smem:$0x7F4] =	sst s1;
	s1 =	smulhi.u32 $0x66666667, s19  }
.Ltmp1:
0x60: {  	s20 =	smov.u32 s18;
	(v2sf) =	vpush v43, $0x5;
	s0 =	spop (v2sf);
	(pc) =	sbr.rel @!p1 .LBB2_4-.Ltmp1, $4  }
0x61: {  	(v2sf) =	vpush v43, $0xC;
	s18 =	smov.u32 s19;
	s19 =	smulhi.u32 $0x10624DD3, s13;
	s22 =	spop (v2sf)  }
0x62: {  	[smem:$0x7F5] =	sst s3;
	(v2sf) =	vpush v43, $0x8;
	s3 =	simm.s32 $0x1;
	s17 =	spop (v2sf)  }
0x63: {  	s13 =	smov.u32 s0;
	s14 =	smulhi.u32 $0x66666667, s0;
	(v2sf) =	vpush v43, $0x4;
	s15 =	spop (v2sf)  }
0x64: {  	s0 =	simm.s32 $0x0;
	[dreg:$0x16] =	wrdreg s1;
	(v2sf) =	vpush v43, $0x3;
	s1 =	spop (v2sf)  }
.LBB2_5:
0x65: {  	[dreg:$0x7] =	wrdreg s4  }
0x66: {  	[dreg:$0x4] =	wrdreg s11  }
0x67: {  	[smem:$0x7D6] =	sst s0  }
0x68: {  	s3 =	sadd.s32 $0x1, s3;
	[dreg:$0x5] =	wrdreg s29  }
0x69: {  	s0 =	smov.u32 s28;
	s28 =	sadd.s32 $0x10, s28;
	[dreg:$0x15] =	wrdreg s3  }
0x6a: {  	s11 =	smulhi.u32 $0x66666667, s22;
	[dreg:$0x14] =	wrdreg s28  }
0x6b: {  	s28 =	rddreg [dreg:$0x3]  }
0x6c: {  	s3 =	sshrl.u32 s3, $0x2;
	[smem:$0x7C8] =	sst s11  }
0x6d: {  	s4 =	smulhi.u32 $0x66666667, s17;
	[smem:$0x7D7] =	sst s3  }
0x6e: {  	[smem:$0x7D2] =	sst s28  }
0x6f: {  	[smem:$0x7C9] =	sst s4;
	s4 =	sshll.u32 s3, $0x1  }
0x70: {  	s11 =	smulhi.u32 $0x66666667, s15;
	[smem:$0x7C4] =	sst s4  }
0x71: {  	s3 =	smulhi.u32 $0x66666667, s1;
	s4 =	sld [smem:$0x7E4]  }
0x72: {  	[smem:$0x7C5] =	sst s11  }
0x73: {  	[smem:$0x7C6] =	sst s3  }
0x74: {  	s28 =	sand.u32 $0x30, s0;
	s11 =	spop (v2sf);
	s3 =	rddreg [dreg:$0x19]  }
0x75: {  	[smem:$0x7E4] =	sst s11;
	s0 =	sshra.s32 s4, $0x1F;
	s4 =	spop (v2sf)  }
0x76: {  	s0 =	smul.u32 $0x10624DD3, s0;
	[dreg:$0x19] =	wrdreg s4  }
0x77: {  	s11 =	spop (v2sf);
	s4 =	sld [smem:$0x7E7]  }
0x78: {  	[smem:$0x7D3] =	sst s11  }
0x79: {  	s11 =	spop (v2sf);
	[smem:$0x7BC] =	sst s0  }
0x7a: {  	s0 =	sshra.s32 s3, $0x1F;
	[smem:$0x7E7] =	sst s11;
	s11 =	spop (v2sf)  }
0x7b: {  	s3 =	sshra.s32 s4, $0x1F;
	s0 =	smul.u32 $0x10624DD3, s0;
	s4 =	rddreg [dreg:$0x17]  }
0x7c: {  	[dreg:$0x17] =	wrdreg s11  }
0x7d: {  	s3 =	smul.u32 $0x10624DD3, s3;
	[smem:$0x7BD] =	sst s0  }
0x7e: {  	s0 =	sshra.s32 s4, $0x1F;
	s4 =	sld [smem:$0x7E8]  }
0x7f: {  	[smem:$0x7BE] =	sst s3  }
0x80: {  	s0 =	smul.u32 $0x10624DD3, s0;
	s3 =	spop (v2sf)  }
0x81: {  	[smem:$0x7E8] =	sst s3  }
0x82: {  	[smem:$0x7BF] =	sst s0  }
0x83: {  	(v2sf) =	vpush v43, $0x2;
	s11 =	sshra.s32 s4, $0x1F;
	s4 =	sld [smem:$0x7E9]  }
0x84: {  	s29 =	smul.u32 $0x10624DD3, s11;
	s11 =	spop (v2sf)  }
0x85: {  	[smem:$0x7E9] =	sst s11;
	s11 =	spop (v2sf)  }
0x86: {  	(v2sf) =	vpush v43, $0x1;
	s0 =	sshra.s32 s4, $0x1F;
	[smem:$0x7D5] =	sst s11  }
0x87: {  	(v2sf) =	vpush v43, $0x0;
	s4 =	sshra.s32 s21, $0x1F;
	s21 =	sld [smem:$0x7EA];
	s11 =	spop (v2sf)  }
0x88: {  	s0 =	smul.u32 $0x10624DD3, s0;
	[smem:$0x7EA] =	sst s11  }
0x89: {  	v45 =	vmul.u32 $0xFFFFFFE7, v47;
	(v2sf) =	vpush v43, $0x7;
	s11 =	sld [smem:$0x7EC]  }
0x8a: {  	[smem:$0x7C1] =	sst s0  }
0x8b: {  	v45 =	vadd.s32 v40, v45;
	s3 =	sshra.s32 s21, $0x1F;
	s0 =	smul.u32 $0x10624DD3, s4;
	s4 =	spop (v2sf)  }
0x8c: {  	(v2sf) =	vpush v45, $0xF;
	s21 =	smul.u32 $0x10624DD3, s3;
	s3 =	sld [smem:$0x7EB]  }
0x8d: {  	[smem:$0x7EB] =	sst s4  }
0x8e: {  	(v2sf) =	vpush v45, $0xB;
	[smem:$0x7D0] =	sst s0  }
0x8f: {  	[smem:$0x7C0] =	sst s21;
	s21 =	spop (v2sf)  }
0x90: {  	(v2sf) =	vpush v45, $0x6;
	s0 =	sshra.s32 s3, $0x1F;
	[smem:$0x7EC] =	sst s21  }
0x91: {  	s3 =	sshra.s32 s8, $0x1F;
	s8 =	spop (v2sf);
	s0 =	smul.u32 $0x10624DD3, s0  }
0x92: {  	(v2sf) =	vpush v45, $0xE;
	[smem:$0x7C7] =	sst s8;
	s4 =	spop (v2sf)  }
0x93: {  	(v2sf) =	vpush v45, $0xA;
	s21 =	smul.u32 $0x10624DD3, s3;
	s8 =	sshra.s32 s6, $0x1F;
	[smem:$0x7D8] =	sst s4  }
0x94: {  	s3 =	smul.u32 $0x66666667, s8;
	[smem:$0x7C2] =	sst s0;
	s0 =	sshra.s32 s11, $0x1F  }
0x95: {  	(v2sf) =	vpush v45, $0xD;
	s11 =	sshra.s32 s9, $0x1F;
	[smem:$0x7CC] =	sst s21;
	s9 =	spop (v2sf)  }
0x96: {  	[smem:$0x7D9] =	sst s9;
	s21 =	spop (v2sf)  }
0x97: {  	(v2sf) =	vpush v45, $0x9;
	s0 =	smul.u32 $0x10624DD3, s0;
	s9 =	sshra.s32 s23, $0x1F;
	[smem:$0x7DA] =	sst s21  }
0x98: {  	s8 =	spop (v2sf);
	s6 =	smul.u32 $0x66666667, s9  }
0x99: {  	[smem:$0x7CE] =	sst s0;
	s0 =	smul.u32 $0x66666667, s11;
	s11 =	sshra.s32 s31, $0x1F  }
0x9a: {  	[smem:$0x7DB] =	sst s8;
	s4 =	smul.u32 $0x66666667, s11  }
0x9b: {  	s2 =	sshra.s32 s2, $0x1F;
	s11 =	spop (v2sf);
	[smem:$0x7C3] =	sst s0  }
0x9c: {  	(v2sf) =	vpush v45, $0x5;
	s8 =	smul.u32 $0x10624DD3, s2;
	[smem:$0x7D4] =	sst s11  }
0x9d: {  	(v2sf) =	vpush v45, $0xC;
	s23 =	sshra.s32 s12, $0x1F;
	s21 =	spop (v2sf);
	[smem:$0x7CF] =	sst s4  }
0x9e: {  	s9 =	sshra.s32 s10, $0x1F;
	[dreg:$0x13] =	wrdreg s21;
	s21 =	smul.u32 $0x66666667, s23  }
0x9f: {  	(v2sf) =	vpush v45, $0x8;
	s2 =	spop (v2sf);
	s4 =	smul.u32 $0x66666667, s9  }
0xa0: {  	s9 =	sshra.s32 s16, $0x1F;
	s16 =	sshra.s32 s18, $0x1F;
	[smem:$0x7DD] =	sst s2  }
0xa1: {  	(v2sf) =	vpush v45, $0x4;
	s23 =	sshra.s32 s20, $0x1F;
	s10 =	spop (v2sf);
	s20 =	smul.u32 $0x66666667, s16  }
0xa2: {  	[dreg:$0x8] =	wrdreg s10;
	s12 =	spop (v2sf)  }
0xa3: {  	(v2sf) =	vpush v45, $0x3;
	[dreg:$0x9] =	wrdreg s12  }
0xa4: {  	s11 =	sshra.s32 s7, $0x1F;
	s7 =	spop (v2sf);
	[smem:$0x7CD] =	sst s20  }
0xa5: {  	s2 =	sshra.s32 s5, $0x1F;
	[dreg:$0xb] =	wrdreg s7  }
0xa6: {  	s12 =	spop (v2sf);
	s7 =	smul.u32 $0x10624DD3, s2  }
0xa7: {  	s2 =	sshra.s32 s17, $0x1F;
	s17 =	sshra.s32 s24, $0x1F;
	s24 =	sld [smem:$0x7BC]  }
0xa8: {  	s16 =	sshra.s32 s30, $0x1F;
	s10 =	smul.u32 $0x66666667, s11;
	[dreg:$0xc] =	wrdreg s12  }
0xa9: {  	s12 =	smul.u32 $0x10624DD3, s16;
	s16 =	sld [smem:$0x7E6]  }
0xaa: {  	s11 =	smul.u32 $0x66666667, s23;
	[smem:$0x7CB] =	sst s17  }
0xab: {  	s18 =	spop (v2sf);
	s17 =	rddreg [dreg:$0x1a]  }
0xac: {  	[smem:$0x7DC] =	sst s18;
	s5 =	spop (v2sf)  }
0xad: {  	s23 =	smul.u32 $0x10624DD3, s9;
	[dreg:$0xd] =	wrdreg s5  }
0xae: {  	s9 =	sshra.s32 s13, $0x1F;
	s13 =	spop (v2sf);
	s5 =	sld [smem:$0x7BD]  }
0xaf: {  	[dreg:$0xe] =	wrdreg s13  }
0xb0: {  	s18 =	spop (v2sf);
	s0 =	sshra.s32 s16, $0x1F;
	s16 =	sld [smem:$0x7BE]  }
0xb1: {  	s13 =	sshra.s32 s15, $0x1F;
	s15 =	smul.u32 $0x66666667, s2;
	[dreg:$0x10] =	wrdreg s18  }
0xb2: {  	s20 =	sshra.s32 s22, $0x1F;
	s22 =	spop (v2sf);
	[smem:$0x7D1] =	sst s0  }
0xb3: {  	s30 =	smul.u32 $0x66666667, s13;
	s13 =	rddreg [dreg:$0x1c]  }
0xb4: {  	[dreg:$0xf] =	wrdreg s22  }
0xb5: {  	[smem:$0x7CA] =	sst s15  }
0xb6: {  	s22 =	rddreg [dreg:$0x1f]  }
0xb7: {  	s18 =	smul.u32 $0x66666667, s20;
	s20 =	sshra.s32 s1, $0x1F;
	s15 =	rddreg [dreg:$0x18]  }
0xb8: {  	s31 =	smul.u32 $0x66666667, s20;
	s20 =	sadd.s32 s24, s22;
	s22 =	sld [smem:$0x7BF]  }
0xb9: {  	s29 =	sadd.s32 s29, s13;
	s13 =	rddreg [dreg:$0x1d]  }
0xba: {  	s24 =	sadd.s32 s16, s15;
	s16 =	sld [smem:$0x7C0]  }
0xbb: {  	s15 =	sadd.s32 s22, s17;
	s22 =	sld [smem:$0x7C1]  }
0xbc: {  	s17 =	rddreg [dreg:$0x1b]  }
0xbd: {  	s0 =	sadd.s32 s16, s13;
	s16 =	sld [smem:$0x7C2]  }
0xbe: {  	s25 =	sshra.s32 s25, $0x1F;
	v62 =	vor.u32 s28, v1;
	v51 =	vmov s28;
	s28 =	sadd.s32 s22, s17;
	s17 =	sld [smem:$0x7EF]  }
0xbf: {  	s25 =	smul.u32 $0x66666667, s25;
	s2 =	sld [smem:$0x7E5]  }
0xc0: {  	s13 =	rddreg [dreg:$0x1e]  }
0xc1: {  	s13 =	sadd.s32 s16, s13;
	s16 =	sadd.s32 s25, s17;
	s17 =	sld [smem:$0x7EE]  }
0xc2: {  	_ = 	snop  }
0xc3: {  	s5 =	sadd.s32 s5, s2;
	s2 =	rddreg [dreg:$0x7]  }
0xc4: {  	v50 =	vmov s2;
	s2 =	sadd.s32 s3, s17;
	s3 =	sld [smem:$0x7F0]  }
0xc5: {  	s22 =	sld [smem:$0x7ED]  }
0xc6: {  	s25 =	sld [smem:$0x7C3]  }
0xc7: {  	s17 =	sadd.s32 s6, s3;
	s6 =	sld [smem:$0x7F1];
	_ =	sdelay $0x1  }
0xc8: {  	s25 =	sadd.s32 s25, s22;
	s22 =	sld [smem:$0x7F2]  }
0xc9: {  	s1 =	sadd.s32 s8, s6;
	s8 =	sld [smem:$0x7F4];
	_ =	sdelay $0x1  }
0xca: {  	v48 =	vmin.u32 v62, $0x31;
	s21 =	sadd.s32 s21, s22;
	s22 =	sld [smem:$0x7F3]  }
0xcb: {  	v47 =	vmulhi.u32 $0xA3D70A4, v48;
	s3 =	sadd.s32 s10, s8;
	s8 =	sld [smem:$0x7F5]  }
0xcc: {  	s9 =	smul.u32 $0x66666667, s9  }
0xcd: {  	v49 =	vmul.u32 $0xFFFFFFE7, v47;
	s22 =	sadd.s32 s4, s22;
	s10 =	sadd.s32 s7, s19;
	s19 =	sld [smem:$0x7C6]  }
0xce: {  	v52 =	vsub.s32 $0x0, v48;
	s4 =	sadd.s32 s11, s8;
	s8 =	sadd.s32 s9, s14;
	s9 =	sld [smem:$0x7F6]  }
0xcf: {  	vm9 =	veq.s32 v51, v1;
	vm10 =	vne.s32 v49, v52;
	s14 =	sld [smem:$0x7C5]  }
0xd0: {  	vm9 =	vmand vm9, vm10;
	s11 =	sld [smem:$0x7C4]  }
0xd1: {  	v8 =	vsel vm9, $0xFFFFFFFF, v2;
	v50 =	vmul.u32 $0x38, v50  }
0xd2: {  	v47 =	vadd.s32 v8, v47;
	s7 =	sadd.s32 s23, s9;
	s6 =	sadd.s32 s30, s14  }
0xd3: {  	v63 =	vbroadcast v50, $0x0;
	v50 =	vadd.s32 s11, v47;
	s11 =	sadd.s32 s31, s19;
	s31 =	sld [smem:$0x7C7];
	s9 =	sadd.s32 s12, s26  }
0xd4: {  	s23 =	sshrl.u32 s0, $0x1F;
	s26 =	sshrl.u32 s13, $0x1F;
	s0 =	sshra.s32 s0, $0x7  }
0xd5: {  	s30 =	sshrl.u32 s3, $0x1F;
	s14 =	sshrl.u32 s10, $0x1F;
	s19 =	sshra.s32 s13, $0x7  }
0xd6: {  	v9 =	vand.u32 $0x38, v41;
	s3 =	sshra.s32 s3, $0x1;
	s12 =	sshrl.u32 s29, $0x1F;
	v12 =	vmov s23;
	s23 =	rddreg [dreg:$0x13]  }
0xd7: {  	v10 =	vand.u32 $0x7, v41;
	s13 =	sshrl.u32 s28, $0x1F;
	v53 =	vmov s26;
	v55 =	vmov s30;
	s30 =	sld [smem:$0x7EC];
	s26 =	sshrl.u32 s4, $0x1F  }
0xd8: {  	v49 =	vadd.s32 v63, v9;
	s4 =	sshra.s32 s4, $0x1;
	v56 =	vmov s14;
	v57 =	vmov s19;
	s14 =	sshrl.u32 s6, $0x1F;
	s19 =	sshra.s32 s11, $0x1F  }
0xd9: {  	v54 =	vmov s0;
	v58 =	vmov s26;
	s26 =	sshra.s32 s9, $0x1F;
	v52 =	vsel vm0, s12, v12;
	s12 =	sshra.s32 s28, $0x7;
	s28 =	rddreg [dreg:$0x14]  }
0xda: {  	v61 =	vmov s14;
	v62 =	vmov s19;
	s14 =	sshra.s32 s29, $0x7;
	s19 =	sshrl.u32 s21, $0x1F;
	v63 =	vmov s26;
	s26 =	sld [smem:$0x7C8]  }
0xdb: {  	v53 =	vsel vm0, s13, v53;
	s13 =	sshrl.u32 s22, $0x1F;
	v54 =	vsel vm0, s14, v54;
	v55 =	vsel vm0, s19, v55;
	s14 =	sshra.s32 s21, $0x1;
	s19 =	sld [smem:$0x7C9]  }
0xdc: {  	v59 =	vmov s3;
	s21 =	simm.s32 $0x80;
	v57 =	vsel vm0, s12, v57;
	v58 =	vsel vm0, s13, v58;
	s13 =	sshra.s32 s6, $0x1;
	s12 =	sld [smem:$0x7EB]  }
0xdd: {  	v41 =	vmovc v40;
	v40 =	vmovc v48;
	v48 =	vor.u32 v10, v49;
	s6 =	sshra.s32 s6, $0x1F;
	v59 =	vsel vm0, s14, v59;
	s14 =	sshra.s32 s10, $0x7;
	v62 =	vsel vm3, s13, v62;
	v10 =	vld.idx.msk [tilespmem:v39+s21+$0x0], $0xffff;
	s21 =	sld [smem:$0x7D5]  }
0xde: {  	s10 =	sshra.s32 s10, $0x1F;
	s13 =	sshra.s32 s2, $0x1;
	v62 =	vsel vm11, s6, v62;
	s6 =	sld [smem:$0x7CC]  }
0xdf: {  	v60 =	vmov s4;
	s4 =	sadd.s32 s18, s26;
	s18 =	sshra.s32 s22, $0x1;
	s26 =	sld [smem:$0x7CA]  }
0xe0: {  	v63 =	vsel vm3, s14, v63;
	s14 =	sshrl.u32 s7, $0x1F;
	s22 =	sld [smem:$0x7EA];
	v60 =	vsel vm0, s18, v60;
	s18 =	sshrl.u32 s24, $0x1F  }
0xe1: {  	v63 =	vsel vm11, s10, v63;
	s10 =	sshra.s32 s25, $0x1;
	s24 =	sshra.s32 s24, $0x7;
	v52 =	vsel vm1, s18, v52;
	s18 =	sshra.s32 s15, $0x7  }
0xe2: {  	v54 =	vsel vm1, s24, v54;
	s24 =	sshra.s32 s16, $0x1;
	s0 =	sadd.s32 s26, s19;
	s19 =	sshrl.u32 s15, $0x1F  }
0xe3: {  	s26 =	sshrl.u32 s16, $0x1F;
	v57 =	vsel vm1, s18, v57;
	s18 =	simm.s32 $0x0;
	s15 =	sshrl.u32 s20, $0x1F  }
0xe4: {  	v59 =	vsel vm1, s24, v59;
	s16 =	sshrl.u32 s5, $0x1F;
	s24 =	sshra.s32 s5, $0x7;
	s5 =	sshrl.u32 s2, $0x1F  }
0xe5: {  	v56 =	vnsel vm3, $0x0, v56;
	s2 =	rddreg [dreg:$0x11];
	v53 =	vsel vm1, s19, v53;
	v55 =	vsel vm1, s26, v55;
	s19 =	sshrl.u32 s17, $0x1F;
	s26 =	sshra.s32 s17, $0x1  }
0xe6: {  	v56 =	vsel vm0, s14, v56;
	s14 =	sshrl.u32 s0, $0x1F;
	s17 =	sshra.s32 s20, $0x7;
	v59 =	vsel vm2, s10, v59;
	s10 =	rddreg [dreg:$0x17]  }
0xe7: {  	v61 =	vnsel vm3, $0x0, v61;
	v52 =	vsel vm2, s15, v52;
	s20 =	sshrl.u32 s1, $0x1F;
	v57 =	vsel vm2, s24, v57;
	s15 =	sshra.s32 s4, $0x1;
	s24 =	sld [smem:$0x7CB]  }
0xe8: {  	v58 =	vsel vm1, s19, v58;
	v60 =	vsel vm1, s26, v60;
	s19 =	sshra.s32 s0, $0x1;
	v54 =	vsel vm2, s17, v54;
	s26 =	sshrl.u32 s25, $0x1F;
	s17 =	sld [smem:$0x7E9]  }
0xe9: {  	v61 =	vsel vm0, s14, v61;
	v53 =	vsel vm2, s16, v53;
	s0 =	sshra.s32 s0, $0x1F;
	v56 =	vsel vm1, s20, v56;
	s14 =	sld [smem:$0x7E8];
	s16 =	sshrl.u32 s4, $0x1F  }
0xea: {  	s20 =	sshra.s32 s7, $0x7;
	v62 =	vsel vm0, s19, v62;
	v55 =	vsel vm2, s26, v55;
	v60 =	vsel vm2, s13, v60;
	s26 =	sshra.s32 s8, $0x1;
	s13 =	rddreg [dreg:$0x16]  }
0xeb: {  	v61 =	vsel vm1, s16, v61;
	v63 =	vsel vm0, s20, v63;
	s16 =	sshra.s32 s8, $0x1F;
	v13 =	vcombine.low v57, v54;
	s20 =	sshrl.u32 s8, $0x1F;
	s8 =	rddreg [dreg:$0x19]  }
0xec: {  	v58 =	vsel vm2, s5, v58;
	s19 =	sshra.s32 s4, $0x1F;
	v62 =	vsel vm12, s0, v62;
	s25 =	smul.u32 $0x66666667, s24;
	s24 =	rddreg [dreg:$0x12]  }
0xed: {  	s5 =	sadd.s32 s6, s2;
	v52 =	vcombine.low v53, v52;
	v62 =	vsel vm1, s15, v62;
	s15 =	sld [smem:$0x7CD];
	v53 =	vperm.xlane v13, v3;
	v13 =	vld.idx.msk [tilespmem:v39+s18+$0x0], $0xffff;
	s18 =	smulhi.u32 $0x66666667, s23  }
0xee: {  	v62 =	vsel vm13, s19, v62;
	s19 =	sshrl.u32 s5, $0x1F;
	s4 =	sadd.s32 s25, s24;
	s24 =	rddreg [dreg:$0xa]  }
0xef: {  	v37 =	vsel vm2, s20, v61;
	s20 =	sshra.s32 s1, $0x7;
	v56 =	vsel vm2, s19, v56;
	s19 =	sld [smem:$0x7CE]  }
0xf0: {  	s1 =	sshra.s32 s1, $0x1F;
	v62 =	vsel vm2, s26, v62;
	[smem:$0x7EE] =	sst s18;
	s2 =	sadd.s32 s15, s13  }
0xf1: {  	v35 =	vsel vm14, s16, v62;
	s13 =	sshra.s32 s7, $0x1F;
	s16 =	rddreg [dreg:$0x6];
	s25 =	sshra.s32 s2, $0x1  }
0xf2: {  	s26 =	sshrl.u32 s2, $0x1F;
	s6 =	sshra.s32 s2, $0x1F;
	s2 =	rddreg [dreg:$0x5]  }
0xf3: {  	v14 =	vcombine.low v58, v55;
	s15 =	sshra.s32 s4, $0x1;
	v61 =	vsel vm12, s13, v63;
	s13 =	sshra.s32 s5, $0x7;
	v55 =	vsel vm4, s25, v35;
	s25 =	sld [smem:$0x7CF]  }
0xf4: {  	v57 =	vsel vm4, s26, v37;
	s3 =	sadd.s32 s19, s16;
	s26 =	sshra.s32 s4, $0x1F;
	s19 =	sld [smem:$0x7E4]  }
0xf5: {  	v60 =	vcombine.low v60, v59;
	v59 =	vsel vm1, s20, v61;
	s4 =	sshrl.u32 s4, $0x1F;
	s20 =	sshra.s32 s5, $0x1F;
	s5 =	sld [smem:$0x7D1]  }
0xf6: {  	v59 =	vsel vm13, s1, v59;
	v57 =	vsel vm5, s4, v57;
	s4 =	sld [smem:$0x7D0]  }
0xf7: {  	v55 =	vsel vm15, s6, v55;
	v59 =	vsel vm2, s13, v59;
	s13 =	sld [smem:$0x7D2]  }
0xf8: {  	vm10 =	vcmask $0x2F2C;
	v55 =	vsel vm5, s15, v55;
	s6 =	sadd.s32 s25, s24;
	s24 =	sshrl.u32 s11, $0x1F;
	s25 =	sshra.s32 s11, $0x1  }
0xf9: {  	v55 =	vsel vm10, s26, v55;
	v59 =	vsel vm14, s20, v59;
	s26 =	sshra.s32 s3, $0x7;
	s11 =	sshra.s32 s3, $0x1F;
	s7 =	sshra.s32 s6, $0x1  }
0xfa: {  	s15 =	sshrl.u32 s6, $0x1F;
	s16 =	sshra.s32 s6, $0x1F;
	v59 =	vsel vm4, s26, v59;
	s26 =	sld [smem:$0x7D3]  }
0xfb: {  	v55 =	vsel vm6, s7, v55;
	s7 =	sld [smem:$0x7E7];
	p1 =	sne.s32 s13, s28;
	s13 =	smulhi.u32 $0x10624DD3, s10  }
0xfc: {  	vm2 =	vcmask $0x3734;
	s0 =	sadd.s32 s4, s2;
	s10 =	smulhi.u32 $0x10624DD3, s22;
	s22 =	rddreg [dreg:$0x9]  }
0xfd: {  	v57 =	vsel vm6, s15, v57;
	v59 =	vsel vm15, s11, v59;
	s15 =	sshra.s32 s0, $0x7;
	v55 =	vsel vm2, s16, v55;
	s16 =	smulhi.u32 $0x10624DD3, s19;
	s19 =	rddreg [dreg:$0x4]  }
0xfe: {  	v59 =	vsel vm5, s15, v59;
	s15 =	sld [smem:$0x7D6]  }
0xff: {  	s20 =	sshra.s32 s0, $0x1F;
	[dreg:$0x1a] =	wrdreg s13  }
0x100: {  	v62 =	vsel vm10, s20, v59;
	s11 =	smulhi.u32 $0x10624DD3, s26;
	s20 =	smov.u32 s26;
	s26 =	sld [smem:$0x7D9]  }
0x101: {  	[dreg:$0x1d] =	wrdreg s10  }
0x102: {  	v57 =	vsel vm7, s24, v57;
	s24 =	smulhi.u32 $0x10624DD3, s8;
	s10 =	rddreg [dreg:$0xb]  }
0x103: {  	[dreg:$0x1f] =	wrdreg s16  }
0x104: {  	s8 =	sshra.s32 s9, $0x7;
	[smem:$0x7E5] =	sst s24  }
0x105: {  	s6 =	smulhi.u32 $0x10624DD3, s7;
	s7 =	sshrl.u32 s9, $0x1F;
	s9 =	sld [smem:$0x7D4]  }
0x106: {  	s2 =	smul.u32 $0x10624DD3, s5;
	s16 =	sld [smem:$0x7D7]  }
0x107: {  	[smem:$0x7E6] =	sst s20  }
0x108: {  	(v2sf) =	vpush v45, $0x2;
	s2 =	sadd.s32 s2, s19;
	s19 =	smulhi.u32 $0x10624DD3, s14;
	s24 =	sld [smem:$0x7D8]  }
0x109: {  	(v2sf) =	vpush v45, $0x1;
	s14 =	smulhi.u32 $0x10624DD3, s12;
	s20 =	rddreg [dreg:$0x8]  }
0x10a: {  	v11 =	vsub.s32 $0x0, v44;
	vm9 =	vlt.s32 v44, $0x1;
	(v2sf) =	vpush v45, $0x0;
	[dreg:$0x1c] =	wrdreg s19  }
0x10b: {  	v54 =	vperm.xlane v14, v3;
	v58 =	vperm.xlane v60, v3;
	v55 =	vsel vm7, s25, v55;
	[dreg:$0x1e] =	wrdreg s14  }
0x10c: {  	(v2sf) =	vpush v45, $0x7;
	s3 =	sshrl.u32 s3, $0x1F;
	v57 =	vperm.xlane v57, v4;
	v55 =	vperm.xlane v55, v4;
	s19 =	sld [smem:$0x7DD]  }
0x10d: {  	v49 =	vadd.s32 v0, v50;
	v52 =	vperm.xlane v52, v3;
	v56 =	vsel vm4, s3, v56;
	s0 =	sshrl.u32 s0, $0x1F;
	s14 =	rddreg [dreg:$0xc]  }
0x10e: {  	v63 =	vsel vm5, s0, v56;
	s25 =	sshra.s32 s2, $0x7;
	s3 =	sshrl.u32 s2, $0x1F;
	v54 =	vsel vm8, v57, v54;
	v55 =	vsel vm8, v55, v58;
	[dreg:$0x18] =	wrdreg s6  }
0x10f: {  	v59 =	vsub.s32 $0x0, v42;
	s4 =	sshra.s32 s2, $0x1F;
	v8 =	vsel vm6, s25, v62;
	s25 =	smulhi.u32 $0x10624DD3, s17;
	s6 =	sld [smem:$0x7DA];
	v54 =	vadd.s32 v54, v55  }
0x110: {  	v56 =	vsel vm2, s4, v8;
	s4 =	smov.u32 s15;
	s15 =	smulhi.u32 $0x10624DD3, s30;
	vm2 =	vmmov vm1;
	s30 =	rddreg [dreg:$0xf];
	v9 =	vmul.u32 $0xFFFFFFFB, v54  }
0x111: {  	vm1 =	vmmov vm0;
	v55 =	vsel vm6, s3, v63;
	v56 =	vsel vm7, s8, v56;
	[dreg:$0x1b] =	wrdreg s25  }
0x112: {  	s8 =	sld [smem:$0x7DC];
	v55 =	vsel vm7, s7, v55;
	v12 =	vperm.xlane v56, v4;
	vm10 =	vne.s32 v9, v11  }
0x113: {  	vm0 =	vmmov vm8;
	s0 =	smov.u32 s16;
	s16 =	smulhi.u32 $0x10624DD3, s31;
	s7 =	sld [smem:$0x7DB];
	v11 =	vperm.xlane v55, v4;
	vm10 =	vmand vm9, vm10  }
0x114: {  	s17 =	smulhi.u32 $0x66666667, s9;
	[dreg:$0x6] =	wrdreg s15;
	v35 =	vsel vm8, v12, v53;
	vm9 =	vlt.s32 v42, $0x1;
	v14 =	vsel vm10, $0xFFFFFFFF, v2  }
0x115: {  	[dreg:$0x11] =	wrdreg s16;
	v51 =	vsel vm8, v11, v52;
	vm8 =	vmmov vm7;
	vm7 =	vmmov vm6  }
0x116: {  	s29 =	smulhi.u32 $0x10624DD3, s21;
	[smem:$0x7ED] =	sst s17;
	vm6 =	vmmov vm5;
	vm5 =	vmmov vm4;
	vm4 =	vmmov vm3  }
0x117: {  	s5 =	smov.u32 s26;
	s1 =	smulhi.u32 $0x66666667, s19;
	s16 =	rddreg [dreg:$0xd];
	v42 =	vmovc v43;
	v43 =	vmovc v49;
	vm3 =	vmmov vm15;
	vm15 =	vmmov vm14;
	vm14 =	vmmov vm13  }
0x118: {  	v39 =	vmovc v46;
	v46 =	vmovc v50;
	s12 =	smov.u32 s10;
	s18 =	smulhi.u32 $0x10624DD3, s5;
	s17 =	rddreg [dreg:$0xe];
	vm13 =	vmmov vm12;
	(v2sf) =	vpush v43, $0xF;
	v50 =	vadd.s32 v14, v54  }
0x119: {  	s3 =	simm.s32 $0x100;
	[dreg:$0xa] =	wrdreg s1;
	s1 =	smulhi.u32 $0x66666667, s20;
	v51 =	vadd.s32 v51, v35;
	(v2sf) =	vpush v43, $0xB;
	v37 =	vmul.u32 $0xFFFFFFFB, v50  }
0x11a: {  	s2 =	smov.u32 s24;
	s25 =	smov.u32 s20;
	[smem:$0x7F6] =	sst s18;
	v57 =	vmul.u32 $0xFFFFF830, v51;
	v50 =	vadd.s32 v10, v50;
	(v2sf) =	vpush v43, $0x6  }
0x11b: {  	s13 =	smov.u32 s6;
	vm12 =	vmmov vm11;
	[smem:$0x7EF] =	sst s1;
	s1 =	smulhi.u32 $0x66666667, s22;
	v60 =	vadd.s32 $0xFFFFFFFE, v50;
	(v2sf) =	vpush v43, $0xE  }
0x11c: {  	s24 =	smov.u32 s8;
	s26 =	smov.u32 s7;
	s7 =	smulhi.u32 $0x10624DD3, s2;
	v61 =	vadd.s32 v37, v44;
	vm10 =	vne.s32 v57, v59;
	vm11 =	vgt.s32 v60, $0x0  }
0x11d: {  	s8 =	smov.u32 s31;
	[smem:$0x7F0] =	sst s1;
	s1 =	smulhi.u32 $0x66666667, s10;
	(v2sf) =	vpush v43, $0xA;
	v62 =	vadd.s32 v13, v61;
	vm9 =	vmand vm9, vm10  }
0x11e: {  	s31 =	smov.u32 s19;
	s19 =	rddreg [dreg:$0x10];
	s15 =	smulhi.u32 $0x66666667, s24;
	v49 =	vnsel vm11, $0x0, v60;
	vm11 =	vmmov vm12;
	vm12 =	vmmov vm13  }
0x11f: {  	s6 =	smov.u32 s23;
	[smem:$0x7F2] =	sst s1;
	s1 =	smulhi.u32 $0x66666667, s14;
	vm13 =	vmmov vm14;
	vm14 =	vmmov vm15;
	vm15 =	vmmov vm3  }
0x120: {  	s23 =	smov.u32 s22;
	s22 =	spop (v2sf);
	[smem:$0x7F1] =	sst s7;
	vm3 =	vmmov vm4;
	vm4 =	vmmov vm5;
	vm5 =	vmmov vm6  }
0x121: {  	s20 =	smov.u32 s17;
	vm6 =	vmmov vm7;
	vm7 =	vmmov vm8;
	vm8 =	vmmov vm0;
	[smem:$0x7F3] =	sst s1;
	s1 =	smulhi.u32 $0x66666667, s16  }
0x122: {  	[dreg:$0x12] =	wrdreg s15;
	s10 =	smov.u32 s14;
	v44 =	vmovc v45;
	s14 =	smulhi.u32 $0x66666667, s30;
	(v2sf) =	vpush v43, $0xD;
	v45 =	vadd.s32 $0xFFFFFFFE, v62;
	v63 =	vsel vm9, $0xFFFFFFFF, v2  }
0x123: {  	s18 =	smov.u32 s19;
	v49 =	vmin.u32 v49, $0x7F;
	(v2sf) =	vpush v43, $0x9;
	vm9 =	vgt.s32 v45, $0x0;
	[smem:$0x7F4] =	sst s1;
	s1 =	smulhi.u32 $0x66666667, s17  }
.Ltmp2:
0x124: {  	s7 =	smov.u32 s16;
	v50 =	vadd.s32 v63, v51;
	v49 =	vshll.u32 v49, $0x7;
	(v2sf) =	vpush v43, $0x5;
	s17 =	spop (v2sf);
	(pc) =	sbr.rel @p1 .LBB2_5-.Ltmp2, $4  }
0x125: {  	s16 =	smov.u32 s5;
	v45 =	vnsel vm9, $0x0, v45;
	v50 =	vshll.u32 v50, $0xE;
	(v2sf) =	vpush v43, $0xC;
	[smem:$0x7F5] =	sst s1;
	s1 =	smulhi.u32 $0x66666667, s19  }
0x126: {  	s5 =	smov.u32 s13;
	v45 =	vmin.u32 v45, $0x7F;
	v49 =	vor.u32 v50, v49;
	s15 =	spop (v2sf);
	(v2sf) =	vpush v43, $0x8;
	s19 =	smulhi.u32 $0x10624DD3, s13  }
0x127: {  	vm0 =	vmmov vm1;
	v45 =	vor.u32 v45, v49;
	s13 =	smov.u32 s30;
	[dreg:$0x16] =	wrdreg s1;
	s1 =	spop (v2sf);
	(v2sf) =	vpush v43, $0x4  }
0x128: {  	vm1 =	vmmov vm2;
	vm2 =	vcmask $0x1B18;
	s30 =	smov.u32 s26;
	s26 =	smulhi.u32 $0x10624DD3, s26;
	[tilespmem:v48+s3+$0x0] =	vst.idx.msk $0xffff, v45;
	s3 =	rddreg [dreg:$0x15];
	(v2sf) =	vpush v43, $0x3  }
0x129: {  	[smem:$0x7DE] =	sst s14  }
0x12a: {  	[smem:$0x7DF] =	sst s19  }
0x12b: {  	[smem:$0x7E0] =	sst s30  }
0x12c: {  	[smem:$0x7E2] =	sst s24  }
0x12d: {  	[dreg:$0x5] =	wrdreg s29  }
0x12e: {  	[dreg:$0x4] =	wrdreg s11  }
0x12f: {  	[smem:$0x7E3] =	sst s4  }
0x130: {  	[dreg:$0x7] =	wrdreg s0  }
0x131: {  	s7 =	rddreg [dreg:$0x1f]  }
0x132: {  	s18 =	sld [smem:$0x7E5]  }
0x133: {  	s30 =	sld [smem:$0x7E6]  }
0x134: {  	s24 =	sld [smem:$0x7F1]  }
0x135: {  	s12 =	smov.u32 s9;
	s4 =	smov.u32 s31;
	s19 =	sld [smem:$0x7EF]  }
0x136: {  	s20 =	smov.u32 s5;
	s14 =	smov.u32 s16;
	[smem:$0x7E1] =	sst s26  }
0x137: {  	v0 =	vmov v39;
	v39 =	vmov v46;
	vm10 =	vcmask $0x2F2C;
	s5 =	smov.u32 s22;
	s16 =	smov.u32 s15;
	s26 =	sld [smem:$0x7F3]  }
.LBB2_7:
0x138: {  	s0 =	sld [smem:$0x7E4];
	_ =	sdelay $0x2  }
0x139: {  	s0 =	sshra.s32 @p0 s0, $0x1F  }
0x13a: {  	s9 =	smul.u32 @p0 $0x10624DD3, s0;
	s0 =	rddreg [dreg:$0x19]  }
0x13b: {  	s0 =	sshra.s32 @p0 s0, $0x1F  }
0x13c: {  	s13 =	smul.u32 @p0 $0x10624DD3, s0;
	s0 =	rddreg [dreg:$0x17]  }
0x13d: {  	s0 =	sshra.s32 @p0 s0, $0x1F  }
0x13e: {  	s31 =	smul.u32 @p0 $0x10624DD3, s0;
	s0 =	sld [smem:$0x7E9]  }
0x13f: {  	_ =	sdelay $0x1  }
0x140: {  	s0 =	sshra.s32 @p0 s0, $0x1F  }
0x141: {  	s23 =	smul.u32 @p0 $0x10624DD3, s0;
	s0 =	sshra.s32 @p0 s21, $0x1F  }
0x142: {  	s0 =	smul.u32 @p0 $0x10624DD3, s0  }
0x143: {  	s3 =	sld [smem:$0x7E7]  }
0x144: {  	[smem:$0x776] =	sst s0  }
0x145: {  	s0 =	sld [smem:$0x7EB]  }
0x146: {  	s3 =	sshra.s32 @p0 s3, $0x1F  }
0x147: {  	s28 =	smul.u32 @p0 $0x10624DD3, s3;
	s3 =	sld [smem:$0x7E8]  }
0x148: {  	s0 =	sshra.s32 @p0 s0, $0x1F  }
0x149: {  	s25 =	smul.u32 @p0 $0x10624DD3, s0;
	s0 =	sld [smem:$0x7EC]  }
0x14a: {  	s3 =	sshra.s32 @p0 s3, $0x1F  }
0x14b: {  	s29 =	smul.u32 @p0 $0x10624DD3, s3;
	s3 =	sld [smem:$0x7EA]  }
0x14c: {  	s0 =	sshra.s32 @p0 s0, $0x1F  }
0x14d: {  	s0 =	smul.u32 @p0 $0x10624DD3, s0  }
0x14e: {  	s3 =	sshra.s32 @p0 s3, $0x1F  }
0x14f: {  	s15 =	smul.u32 @p0 $0x10624DD3, s3;
	[smem:$0x774] =	sst s0;
	s0 =	sshra.s32 @p0 s12, $0x1F  }
0x150: {  	s3 =	sshra.s32 @p0 s8, $0x1F;
	s12 =	smul.u32 @p0 $0x66666667, s0;
	s0 =	rddreg [dreg:$0x13]  }
0x151: {  	s3 =	smul.u32 @p0 $0x10624DD3, s3;
	s0 =	sshra.s32 @p0 s0, $0x1F  }
0x152: {  	s10 =	smul.u32 @p0 $0x66666667, s0;
	s0 =	sshra.s32 @p0 s4, $0x1F  }
0x153: {  	[smem:$0x771] =	sst s3;
	s0 =	smul.u32 @p0 $0x66666667, s0  }
0x154: {  	s3 =	rddreg [dreg:$0x8]  }
0x155: {  	[smem:$0x775] =	sst s0  }
0x156: {  	s3 =	sshra.s32 @p0 s3, $0x1F;
	s0 =	rddreg [dreg:$0x9]  }
0x157: {  	s22 =	smul.u32 @p0 $0x66666667, s3;
	s4 =	sshra.s32 @p0 s14, $0x1F;
	s0 =	sshra.s32 @p0 s0, $0x1F  }
0x158: {  	s6 =	smul.u32 @p0 $0x66666667, s0;
	s0 =	sshra.s32 @p0 s2, $0x1F;
	s2 =	rddreg [dreg:$0xb]  }
0x159: {  	s2 =	sshra.s32 @p0 s2, $0x1F;
	s11 =	smul.u32 @p0 $0x10624DD3, s0;
	s0 =	rddreg [dreg:$0xc]  }
0x15a: {  	s8 =	smul.u32 @p0 $0x66666667, s2;
	s0 =	sshra.s32 @p0 s0, $0x1F;
	s2 =	rddreg [dreg:$0xd]  }
0x15b: {  	s3 =	sshra.s32 @p0 s2, $0x1F;
	s21 =	smul.u32 @p0 $0x66666667, s0;
	s2 =	rddreg [dreg:$0xe]  }
0x15c: {  	s0 =	smul.u32 @p0 $0x66666667, s3;
	s3 =	sshra.s32 @p0 s2, $0x1F;
	s2 =	rddreg [dreg:$0x10]  }
0x15d: {  	s14 =	sshra.s32 @p0 s2, $0x1F;
	s2 =	smul.u32 @p0 $0x10624DD3, s4;
	_ =	sdelay $0x1  }
0x15e: {  	[smem:$0x76B] =	sst s2;
	s2 =	smul.u32 @p0 $0x66666667, s14  }
0x15f: {  	_ = 	snop  }
0x160: {  	[smem:$0x772] =	sst s2  }
0x161: {  	s4 =	sshra.s32 @p0 s20, $0x1F;
	s2 =	rddreg [dreg:$0xf]  }
0x162: {  	s14 =	sshra.s32 @p0 s2, $0x1F;
	s2 =	smul.u32 @p0 $0x10624DD3, s4;
	_ =	sdelay $0x1  }
0x163: {  	[smem:$0x76A] =	sst s2  }
0x164: {  	s2 =	sld [smem:$0x7E0];
	_ =	sdelay $0x1  }
0x165: {  	s4 =	smul.u32 @p0 $0x66666667, s14  }
0x166: {  	s14 =	sshra.s32 @p0 s2, $0x1F;
	s2 =	smulhi.u32 @p0 $0x66666667, s5;
	_ =	sdelay $0x1  }
0x167: {  	[smem:$0x76D] =	sst s2;
	s2 =	smul.u32 @p0 $0x10624DD3, s14  }
0x168: {  	s5 =	sshra.s32 @p0 s5, $0x1F  }
0x169: {  	[smem:$0x76C] =	sst s2;
	s2 =	smul.u32 @p0 $0x66666667, s5  }
0x16a: {  	_ = 	snop  }
0x16b: {  	[smem:$0x76E] =	sst s2;
	s2 =	sadd.s32 @p0 s9, s7  }
0x16c: {  	[smem:$0x795] =	sst s2;
	s2 =	smulhi.u32 @p0 $0x66666667, s17  }
0x16d: {  	_ = 	snop  }
0x16e: {  	[smem:$0x76F] =	sst s2;
	s2 =	sadd.s32 @p0 s13, s18  }
0x16f: {  	[smem:$0x796] =	sst s2  }
0x170: {  	s2 =	rddreg [dreg:$0x1c]  }
0x171: {  	s5 =	sshra.s32 @p0 s17, $0x1F;
	s2 =	sadd.s32 @p0 s29, s2  }
0x172: {  	[smem:$0x78B] =	sst s2;
	s2 =	smul.u32 @p0 $0x66666667, s5  }
0x173: {  	_ = 	snop  }
0x174: {  	[smem:$0x770] =	sst s2  }
0x175: {  	s2 =	rddreg [dreg:$0x18]  }
0x176: {  	s2 =	sadd.s32 @p0 s28, s2  }
0x177: {  	[smem:$0x78F] =	sst s2  }
0x178: {  	s2 =	rddreg [dreg:$0x1a]  }
0x179: {  	s2 =	sadd.s32 @p0 s31, s2  }
0x17a: {  	[smem:$0x790] =	sst s2  }
0x17b: {  	s29 =	smulhi.u32 @p0 $0x66666667, s1;
	s1 =	sshra.s32 @p0 s1, $0x1F;
	s2 =	rddreg [dreg:$0x1d]  }
0x17c: {  	s14 =	smul.u32 @p0 $0x66666667, s1;
	s1 =	rddreg [dreg:$0x1e];
	s2 =	sadd.s32 @p0 s15, s2  }
0x17d: {  	[smem:$0x788] =	sst s2  }
0x17e: {  	s1 =	sadd.s32 @p0 s25, s1;
	s2 =	rddreg [dreg:$0x1b]  }
0x17f: {  	[smem:$0x789] =	sst s1;
	s1 =	sshra.s32 @p0 s30, $0x1F;
	s2 =	sadd.s32 @p0 s23, s2  }
0x180: {  	s1 =	smul.u32 @p0 $0x10624DD3, s1;
	[smem:$0x78C] =	sst s2  }
0x181: {  	s31 =	spop (v2sf);
	s2 =	sld [smem:$0x7E2]  }
0x182: {  	[smem:$0x777] =	sst s1;
	s1 =	sshra.s32 s31, $0x1F  }
0x183: {  	s1 =	smul.u32 $0x10624DD3, s1  }
0x184: {  	s3 =	smul.u32 @p0 $0x66666667, s3;
	s5 =	sshra.s32 @p0 s2, $0x1F  }
0x185: {  	s9 =	sshra.s32 @p0 s16, $0x1F;
	[smem:$0x779] =	sst s1;
	s2 =	smul.u32 @p0 $0x66666667, s5  }
0x186: {  	s18 =	smul.u32 @p0 $0x66666667, s9;
	s1 =	sld [smem:$0x7EE]  }
0x187: {  	s7 =	spop (v2sf);
	[smem:$0x773] =	sst s2;
	s2 =	sadd.s32 @p0 s22, s19  }
0x188: {  	s9 =	spop (v2sf);
	[smem:$0x791] =	sst s2  }
0x189: {  	s1 =	sadd.s32 @p0 s10, s1;
	s10 =	spop (v2sf);
	s2 =	sld [smem:$0x7ED]  }
0x18a: {  	[smem:$0x7BB] =	sst s9;
	s15 =	smulhi.u32 $0x10624DD3, s10  }
0x18b: {  	s20 =	smulhi.u32 @p0 $0x66666667, s16;
	[smem:$0x799] =	sst s1  }
0x18c: {  	s13 =	spop (v2sf);
	[smem:$0x77D] =	sst s15;
	s2 =	sadd.s32 @p0 s12, s2  }
0x18d: {  	s1 =	sshra.s32 s10, $0x1F;
	s5 =	smulhi.u32 $0x10624DD3, s31;
	[smem:$0x798] =	sst s2  }
0x18e: {  	s1 =	smul.u32 $0x10624DD3, s1;
	s2 =	sld [smem:$0x7F2]  }
0x18f: {  	s23 =	smulhi.u32 $0x10624DD3, s13;
	[smem:$0x778] =	sst s5  }
0x190: {  	s17 =	spop (v2sf);
	[smem:$0x77E] =	sst s1  }
0x191: {  	s25 =	sshra.s32 s13, $0x1F;
	[smem:$0x77F] =	sst s23;
	s2 =	sadd.s32 @p0 s8, s2  }
0x192: {  	(v2sf) =	vpush v43, $0x2;
	s30 =	smul.u32 $0x10624DD3, s25;
	[smem:$0x78D] =	sst s2  }
0x193: {  	s19 =	spop (v2sf);
	s2 =	sld [smem:$0x7F0]  }
0x194: {  	v46 =	vmul.u32 $0xFFFFFFE7, v47;
	(v2sf) =	vpush v43, $0x1;
	s22 =	spop (v2sf);
	[smem:$0x780] =	sst s30  }
0x195: {  	(v2sf) =	vpush v43, $0x0;
	s9 =	smulhi.u32 $0x10624DD3, s17;
	s1 =	sshra.s32 s19, $0x1F;
	[smem:$0x7BA] =	sst s22  }
0x196: {  	v57 =	vadd.s32 v40, v46;
	(v2sf) =	vpush v43, $0x7;
	s13 =	smul.u32 $0x10624DD3, s1;
	s1 =	sld [smem:$0x76A];
	s2 =	sadd.s32 @p0 s6, s2  }
0x197: {  	(v2sf) =	vpush v57, $0xF;
	s5 =	sshra.s32 s7, $0x1F;
	[smem:$0x794] =	sst s2;
	s2 =	sadd.s32 @p0 s11, s24  }
0x198: {  	s16 =	smul.u32 $0x10624DD3, s5;
	[smem:$0x79C] =	sst s2  }
0x199: {  	s28 =	spop (v2sf);
	s2 =	sld [smem:$0x7F4]  }
0x19a: {  	[smem:$0x77B] =	sst s16;
	s31 =	spop (v2sf)  }
0x19b: {  	(v2sf) =	vpush v57, $0xB;
	s5 =	sshra.s32 s17, $0x1F;
	s10 =	spop (v2sf);
	[smem:$0x784] =	sst s13  }
0x19c: {  	s17 =	smulhi.u32 $0x10624DD3, s28;
	[smem:$0x7A6] =	sst s10;
	s0 =	sadd.s32 @p0 s0, s2  }
0x19d: {  	(v2sf) =	vpush v57, $0x6;
	s12 =	smulhi.u32 $0x10624DD3, s7;
	[smem:$0x78A] =	sst s0;
	s0 =	sadd.s32 @p0 s21, s26  }
0x19e: {  	s7 =	smul.u32 $0x10624DD3, s5;
	[smem:$0x78E] =	sst s0  }
0x19f: {  	s23 =	smulhi.u32 $0x10624DD3, s31;
	s0 =	sld [smem:$0x7F5]  }
0x1a0: {  	[smem:$0x77A] =	sst s12;
	s12 =	spop (v2sf)  }
0x1a1: {  	[smem:$0x781] =	sst s17;
	s15 =	spop (v2sf)  }
0x1a2: {  	s24 =	sshra.s32 s31, $0x1F;
	s31 =	sadd.s32 @p0 s3, s0;
	s0 =	sld [smem:$0x7DE]  }
0x1a3: {  	[smem:$0x77C] =	sst s7;
	s2 =	spop (v2sf)  }
0x1a4: {  	[smem:$0x785] =	sst s23;
	s7 =	spop (v2sf)  }
0x1a5: {  	s11 =	smulhi.u32 $0x10624DD3, s19;
	s13 =	spop (v2sf);
	s0 =	sadd.s32 @p0 s4, s0  }
0x1a6: {  	(v2sf) =	vpush v57, $0xE;
	s26 =	spop (v2sf);
	[smem:$0x79A] =	sst s0  }
0x1a7: {  	s19 =	sshra.s32 s28, $0x1F;
	s28 =	smulhi.u32 $0x66666667, s26;
	s0 =	sld [smem:$0x7DF]  }
0x1a8: {  	[smem:$0x7A0] =	sst s12  }
0x1a9: {  	s30 =	sshra.s32 s26, $0x1F;
	[smem:$0x787] =	sst s28  }
0x1aa: {  	(v2sf) =	vpush v57, $0xA;
	s28 =	smul.u32 $0x66666667, s30;
	s23 =	sadd.s32 @p0 s1, s0;
	s0 =	spop (v2sf)  }
0x1ab: {  	[smem:$0x783] =	sst s11;
	s30 =	smulhi.u32 $0x66666667, s0  }
0x1ac: {  	s4 =	sshra.s32 s0, $0x1F;
	s1 =	spop (v2sf);
	s0 =	sld [smem:$0x7F6]  }
0x1ad: {  	s22 =	smul.u32 $0x10624DD3, s19;
	[smem:$0x7A2] =	sst s1  }
0x1ae: {  	s25 =	smul.u32 $0x10624DD3, s24;
	s1 =	sld [smem:$0x76B]  }
0x1af: {  	[smem:$0x782] =	sst s22  }
0x1b0: {  	[smem:$0x786] =	sst s25  }
0x1b1: {  	s0 =	sadd.s32 @p0 s1, s0;
	s1 =	sld [smem:$0x76C]  }
0x1b2: {  	[smem:$0x797] =	sst s0;
	s0 =	sadd.s32 @p0 s14, s29  }
0x1b3: {  	[smem:$0x792] =	sst s0  }
0x1b4: {  	s0 =	sld [smem:$0x7E1]  }
0x1b5: {  	s25 =	smul.u32 $0x66666667, s4;
	s3 =	spop (v2sf)  }
0x1b6: {  	s19 =	smulhi.u32 $0x66666667, s3;
	s4 =	sshra.s32 s3, $0x1F;
	s3 =	rddreg [dreg:$0x12]  }
0x1b7: {  	s0 =	sadd.s32 @p0 s1, s0;
	s1 =	sld [smem:$0x76E]  }
0x1b8: {  	(v2sf) =	vpush v57, $0xD;
	[smem:$0x793] =	sst s0  }
0x1b9: {  	s5 =	spop (v2sf);
	s0 =	sld [smem:$0x76D]  }
0x1ba: {  	s17 =	smul.u32 $0x66666667, s4;
	s4 =	sld [smem:$0x773]  }
0x1bb: {  	(v2sf) =	vpush v57, $0x9;
	s24 =	smulhi.u32 $0x66666667, s5;
	s6 =	sshra.s32 s5, $0x1F;
	s5 =	sld [smem:$0x778]  }
0x1bc: {  	s26 =	sadd.s32 @p0 s1, s0;
	s0 =	sld [smem:$0x76F]  }
0x1bd: {  	(v2sf) =	vpush v57, $0x5;
	s1 =	sld [smem:$0x770]  }
0x1be: {  	(v2sf) =	vpush v57, $0xC;
	s22 =	sadd.s32 @p0 s18, s20;
	s20 =	smul.u32 $0x66666667, s6;
	s6 =	sld [smem:$0x779]  }
0x1bf: {  	s3 =	sadd.s32 @p0 s4, s3;
	s4 =	sld [smem:$0x775]  }
0x1c0: {  	(v2sf) =	vpush v57, $0x8;
	s29 =	sadd.s32 @p0 s1, s0;
	s1 =	sld [smem:$0x771]  }
0x1c1: {  	[smem:$0x79D] =	sst s3  }
0x1c2: {  	s0 =	rddreg [dreg:$0x11]  }
0x1c3: {  	s0 =	sadd.s32 @p0 s1, s0;
	s1 =	sld [smem:$0x772]  }
0x1c4: {  	[smem:$0x79F] =	sst s0  }
0x1c5: {  	s16 =	sshra.s32 s15, $0x1F;
	s21 =	smulhi.u32 $0x10624DD3, s15;
	s0 =	rddreg [dreg:$0x16]  }
0x1c6: {  	s15 =	smul.u32 $0x10624DD3, s16;
	s3 =	sld [smem:$0x774];
	s0 =	sadd.s32 @p0 s1, s0  }
0x1c7: {  	s8 =	spop (v2sf);
	[smem:$0x79B] =	sst s0  }
0x1c8: {  	s12 =	smulhi.u32 $0x66666667, s8;
	s0 =	rddreg [dreg:$0x6]  }
0x1c9: {  	s10 =	sshra.s32 s8, $0x1F;
	s0 =	sadd.s32 @p0 s3, s0;
	s3 =	rddreg [dreg:$0xa]  }
0x1ca: {  	s11 =	spop (v2sf);
	s3 =	sadd.s32 @p0 s4, s3;
	s4 =	sld [smem:$0x776]  }
0x1cb: {  	s8 =	smul.u32 $0x66666667, s10;
	[smem:$0x79E] =	sst s3  }
0x1cc: {  	s14 =	spop (v2sf);
	s3 =	rddreg [dreg:$0x5]  }
0x1cd: {  	[smem:$0x7A7] =	sst s14;
	s16 =	spop (v2sf);
	s3 =	sadd.s32 @p0 s4, s3  }
0x1ce: {  	s14 =	smulhi.u32 $0x66666667, s11;
	[smem:$0x7A3] =	sst s3  }
0x1cf: {  	s18 =	spop (v2sf);
	s1 =	sshra.s32 s11, $0x1F;
	s3 =	sld [smem:$0x777]  }
0x1d0: {  	s10 =	smul.u32 $0x66666667, s1;
	s1 =	rddreg [dreg:$0x4]  }
0x1d1: {  	s11 =	smulhi.u32 $0x66666667, s16;
	[smem:$0x7A1] =	sst s0  }
0x1d2: {  	s0 =	sshra.s32 s16, $0x1F;
	s16 =	sld [smem:$0x77A];
	s1 =	sadd.s32 @p0 s3, s1  }
0x1d3: {  	s4 =	smul.u32 $0x66666667, s0;
	s0 =	sshra.s32 s18, $0x1F;
	[smem:$0x7A5] =	sst s1  }
0x1d4: {  	(v2sf) =	vpush v57, $0x4;
	s1 =	sadd.s32 s6, s5;
	s6 =	smulhi.u32 $0x66666667, s18;
	s18 =	sld [smem:$0x77B]  }
0x1d5: {  	s3 =	sld [smem:$0x77C]  }
0x1d6: {  	s5 =	sld [smem:$0x77D]  }
0x1d7: {  	[smem:$0x7B4] =	sst s1;
	s1 =	sadd.s32 s18, s16  }
0x1d8: {  	[smem:$0x7B5] =	sst s1  }
0x1d9: {  	s15 =	sadd.s32 s15, s21;
	(v2sf) =	vpush v57, $0x3;
	s1 =	sadd.s32 s3, s9;
	s9 =	sld [smem:$0x77E]  }
0x1da: {  	[smem:$0x7B6] =	sst s15  }
0x1db: {  	s16 =	sld [smem:$0x77F]  }
0x1dc: {  	s18 =	sld [smem:$0x780];
	s3 =	smul.u32 $0x66666667, s0;
	s0 =	sadd.s32 s9, s5  }
0x1dd: {  	s9 =	smulhi.u32 $0x10624DD3, s2;
	s2 =	sshra.s32 s2, $0x1F;
	[smem:$0x7AF] =	sst s0  }
0x1de: {  	s5 =	smul.u32 $0x10624DD3, s2;
	s2 =	sld [smem:$0x781]  }
0x1df: {  	s0 =	sadd.s32 s18, s16;
	s16 =	sld [smem:$0x782]  }
0x1e0: {  	(v2sf) =	vpush v57, $0x2;
	s18 =	sld [smem:$0x783]  }
0x1e1: {  	[smem:$0x7B0] =	sst s0  }
0x1e2: {  	(v2sf) =	vpush v57, $0x1;
	s0 =	sadd.s32 s16, s2;
	s16 =	sld [smem:$0x784]  }
0x1e3: {  	(v2sf) =	vpush v57, $0x0;
	[smem:$0x7AA] =	sst s1;
	s1 =	spop (v2sf)  }
0x1e4: {  	[smem:$0x7A4] =	sst s1  }
0x1e5: {  	s1 =	sadd.s32 s16, s18;
	s18 =	sld [smem:$0x785]  }
0x1e6: {  	s16 =	sld [smem:$0x786]  }
0x1e7: {  	[smem:$0x7A8] =	sst s0  }
0x1e8: {  	s0 =	spop (v2sf);
	[smem:$0x7AC] =	sst s1  }
0x1e9: {  	s1 =	smulhi.u32 $0x66666667, s0;
	s0 =	sshra.s32 s0, $0x1F;
	s18 =	sadd.s32 s16, s18  }
0x1ea: {  	s0 =	smul.u32 $0x66666667, s0;
	[smem:$0x7A9] =	sst s18  }
0x1eb: {  	s17 =	sadd.s32 s17, s19;
	s18 =	sld [smem:$0x787]  }
0x1ec: {  	[smem:$0x7B1] =	sst s17;
	s8 =	sadd.s32 s8, s12;
	s0 =	sadd.s32 s0, s1  }
0x1ed: {  	s2 =	smulhi.u32 $0x10624DD3, s7;
	s7 =	sshra.s32 s7, $0x1F;
	[smem:$0x7B9] =	sst s0  }
0x1ee: {  	s7 =	smul.u32 $0x10624DD3, s7;
	s0 =	sld [smem:$0x788];
	s19 =	sadd.s32 s28, s18  }
0x1ef: {  	(v2sf) =	vpush v57, $0x7;
	s28 =	sadd.s32 s25, s30;
	s30 =	spop (v2sf);
	[smem:$0x7B7] =	sst s19  }
0x1f0: {  	s16 =	sshra.s32 s13, $0x1F;
	[smem:$0x7B8] =	sst s28;
	s19 =	smulhi.u32 $0x10624DD3, s13  }
0x1f1: {  	s25 =	smulhi.u32 $0x66666667, s30;
	s18 =	sshra.s32 s30, $0x1F;
	s17 =	spop (v2sf)  }
0x1f2: {  	s28 =	sadd.s32 s20, s24;
	s30 =	spop (v2sf);
	s24 =	smulhi.u32 $0x66666667, s17  }
0x1f3: {  	s13 =	sadd.s32 s4, s11;
	s15 =	smulhi.u32 $0x66666667, s30;
	s12 =	sshra.s32 s30, $0x1F  }
0x1f4: {  	[smem:$0x7B2] =	sst s28;
	s28 =	sshra.s32 s17, $0x1F;
	s4 =	smul.u32 $0x66666667, s12  }
0x1f5: {  	s10 =	sadd.s32 s10, s14;
	s14 =	sadd.s32 s7, s2;
	s2 =	smul.u32 $0x66666667, s28  }
0x1f6: {  	[smem:$0x7AE] =	sst s10;
	s1 =	sshrl.u32 @p0 s0, $0x1F;
	s10 =	sadd.s32 s4, s15  }
0x1f7: {  	s15 =	sadd.s32 s2, s24;
	s2 =	sshra.s32 @p0 s0, $0x7;
	s0 =	sld [smem:$0x789]  }
0x1f8: {  	_ = 	snop  }
0x1f9: {  	s12 =	sadd.s32 s3, s6  }
0x1fa: {  	s3 =	sshrl.u32 @p0 s0, $0x1F;
	s4 =	sshra.s32 @p0 s0, $0x7;
	s0 =	sld [smem:$0x78A]  }
0x1fb: {  	[smem:$0x7AD] =	sst s8;
	s7 =	sadd.s32 s5, s9  }
0x1fc: {  	[smem:$0x7B3] =	sst s7;
	s8 =	smul.u32 $0x10624DD3, s16  }
0x1fd: {  	s5 =	sshrl.u32 @p0 s0, $0x1F;
	s6 =	sshra.s32 @p0 s0, $0x1;
	s0 =	sld [smem:$0x78B]  }
0x1fe: {  	s20 =	smul.u32 $0x66666667, s18;
	s16 =	spop (v2sf);
	s8 =	sadd.s32 s8, s19  }
0x1ff: {  	s7 =	sshrl.u32 @p0 s31, $0x1F;
	s18 =	smulhi.u32 $0x66666667, s16;
	[smem:$0x7AB] =	sst s8  }
0x200: {  	s9 =	sshrl.u32 @p0 s0, $0x1F;
	s11 =	sshra.s32 @p0 s0, $0x7;
	s0 =	sld [smem:$0x78C]  }
0x201: {  	s21 =	sshra.s32 s16, $0x1F;
	s8 =	sshra.s32 @p0 s31, $0x1;
	s31 =	sld [smem:$0x790]  }
0x202: {  	s30 =	smul.u32 $0x66666667, s21;
	v49 =	vmov @p0 s3;
	s3 =	sshrl.u32 @p0 s23, $0x1F  }
0x203: {  	s17 =	sshrl.u32 @p0 s0, $0x1F;
	s19 =	sshra.s32 @p0 s0, $0x7;
	s0 =	sld [smem:$0x78D]  }
0x204: {  	v52 =	vmov @p0 s3;
	s3 =	sshra.s32 @p0 s31, $0x7;
	v51 =	vmov @p0 s5;
	s5 =	sshrl.u32 @p0 s31, $0x1F;
	s31 =	sld [smem:$0x793]  }
0x205: {  	s28 =	sadd.s32 s20, s25;
	s24 =	sld [smem:$0x7E3];
	s30 =	sadd.s32 s30, s18  }
0x206: {  	v48 =	vmov @p0 s1;
	s20 =	sshrl.u32 @p0 s0, $0x1F;
	s21 =	sshra.s32 @p0 s0, $0x1;
	s0 =	sld [smem:$0x78E]  }
0x207: {  	v56 =	vmov @p0 s8;
	v50 =	vmov @p0 s2;
	s18 =	sld [smem:$0x797];
	v53 =	vmov @p0 s4;
	s4 =	sshrl.u32 @p0 s22, $0x1F;
	s8 =	sshra.s32 @p0 s31, $0x1F  }
0x208: {  	v48 =	vsel @p0 vm0, s9, v48;
	s9 =	sshra.s32 @p0 s22, $0x1;
	v50 =	vsel @p0 vm0, s11, v50;
	s11 =	sshra.s32 @p0 s22, $0x1F;
	s22 =	sld [smem:$0x796]  }
0x209: {  	v1 =	vmov @p0 s24;
	s1 =	sshrl.u32 @p0 s0, $0x1F;
	s24 =	sshra.s32 @p0 s0, $0x1;
	s0 =	sld [smem:$0x78F]  }
0x20a: {  	v59 =	vmov @p0 s8;
	s8 =	sld [smem:$0x794]  }
0x20b: {  	v49 =	vsel @p0 vm0, s17, v49;
	s17 =	sshra.s32 @p0 s23, $0x7;
	v53 =	vsel @p0 vm0, s19, v53;
	s19 =	sld [smem:$0x795]  }
0x20c: {  	v55 =	vmov @p0 s6;
	s25 =	sshrl.u32 @p0 s0, $0x1F;
	s2 =	sshra.s32 @p0 s0, $0x7;
	s0 =	sld [smem:$0x791]  }
0x20d: {  	v59 =	vsel @p0 vm3, s17, v59;
	s17 =	sshrl.u32 @p0 s29, $0x1F;
	v49 =	vsel @p0 vm1, s5, v49;
	s5 =	sshra.s32 @p0 s29, $0x1F;
	v51 =	vsel @p0 vm0, s20, v51;
	s20 =	sshra.s32 @p0 s23, $0x1F  }
0x20e: {  	v55 =	vsel @p0 vm0, s21, v55;
	s21 =	sshrl.u32 @p0 s22, $0x1F;
	s23 =	sshrl.u32 @p0 s18, $0x1F;
	v48 =	vsel @p0 vm1, s25, v48;
	s25 =	sld [smem:$0x798]  }
0x20f: {  	v54 =	vmov @p0 s7;
	v45 =	vmov @p0 s4;
	s7 =	sshrl.u32 @p0 s0, $0x1F;
	s4 =	sshra.s32 @p0 s0, $0x1;
	s0 =	sld [smem:$0x792]  }
0x210: {  	v6 =	vsel @p0 vm2, s21, v49;
	s21 =	sshra.s32 @p0 s18, $0x1F;
	v54 =	vsel @p0 vm0, s1, v54;
	s1 =	sshrl.u32 @p0 s19, $0x1F;
	s19 =	sshra.s32 @p0 s19, $0x7;
	v50 =	vsel @p0 vm1, s2, v50  }
0x211: {  	v52 =	vnsel @p0 vm3, $0x0, v52;
	v56 =	vsel @p0 vm0, s24, v56;
	v7 =	vsel @p0 vm2, s19, v50;
	s19 =	sshra.s32 @p0 s18, $0x7;
	s18 =	sld [smem:$0x79D];
	s24 =	sshrl.u32 @p0 s25, $0x1F  }
0x212: {  	v60 =	vsel @p0 vm1, s7, v51;
	v51 =	vsel @p0 vm0, s23, v52;
	s2 =	sshra.s32 @p0 s25, $0x1;
	s23 =	sld [smem:$0x799];
	s6 =	sshra.s32 @p0 s0, $0x1F  }
0x213: {  	v52 =	vsel @p0 vm1, s3, v53;
	s3 =	sshra.s32 @p0 s26, $0x1;
	s25 =	sshra.s32 @p0 s26, $0x1F;
	v58 =	vmov @p0 s6;
	s6 =	sshrl.u32 @p0 s8, $0x1F  }
0x214: {  	s8 =	sshra.s32 @p0 s8, $0x1;
	v53 =	vsel @p0 vm1, s6, v54;
	s6 =	sshrl.u32 @p0 s26, $0x1F;
	s26 =	sld [smem:$0x79C]  }
0x215: {  	v58 =	vsel @p0 vm3, s9, v58;
	s9 =	sshra.s32 @p0 s22, $0x7;
	s22 =	sshra.s32 @p0 s29, $0x1;
	v54 =	vnsel @p0 vm3, $0x0, v45;
	v45 =	vsel @p0 vm1, s8, v56;
	s29 =	sld [smem:$0x7A4]  }
0x216: {  	s7 =	sshrl.u32 @p0 s23, $0x1F;
	v54 =	vsel @p0 vm0, s17, v54;
	s17 =	sld [smem:$0x79A];
	v56 =	vsel @p0 vm11, s11, v58;
	v58 =	vsel @p0 vm11, s20, v59  }
0x217: {  	s23 =	sshra.s32 @p0 s23, $0x1;
	s11 =	sld [smem:$0x79B];
	v56 =	vsel @p0 vm0, s22, v56;
	v58 =	vsel @p0 vm0, s19, v58;
	s19 =	sshra.s32 @p0 s18, $0x1F  }
0x218: {  	v8 =	vsel @p0 vm2, s9, v52;
	s22 =	sshrl.u32 @p0 s26, $0x1F;
	v56 =	vsel @p0 vm12, s5, v56;
	s5 =	sshra.s32 @p0 s26, $0x7;
	s9 =	sshra.s32 @p0 s26, $0x1F  }
0x219: {  	v55 =	vsel @p0 vm1, s4, v55;
	s26 =	sld [smem:$0x7A2];
	s4 =	sshra.s32 @p0 s17, $0x1;
	s8 =	sshra.s32 @p0 s17, $0x1F  }
0x21a: {  	v5 =	vsel @p0 vm2, s1, v48;
	v58 =	vsel @p0 vm12, s21, v58;
	s17 =	sshrl.u32 @p0 s17, $0x1F;
	s1 =	sshra.s32 @p0 s11, $0x1;
	v56 =	vsel @p0 vm1, s3, v56;
	s3 =	sld [smem:$0x79E]  }
0x21b: {  	v9 =	vsel @p0 vm2, s24, v60;
	s20 =	sshrl.u32 @p0 s11, $0x1F;
	s11 =	sshra.s32 @p0 s11, $0x1F;
	v59 =	vsel @p0 vm1, s22, v51;
	s22 =	sshra.s32 @p0 s18, $0x1;
	v58 =	vsel @p0 vm1, s5, v58  }
0x21c: {  	v54 =	vsel @p0 vm1, s6, v54;
	s18 =	sshrl.u32 @p0 s18, $0x1F;
	v60 =	vsel @p0 vm13, s25, v56;
	s25 =	sshrl.u32 @p0 s0, $0x1F;
	v58 =	vsel @p0 vm13, s9, v58;
	s9 =	sld [smem:$0x7A0]  }
0x21d: {  	v56 =	vsel @p0 vm2, s23, v45;
	s23 =	sshra.s32 @p0 s0, $0x1;
	s0 =	sld [smem:$0x7A1];
	v54 =	vsel @p0 vm2, s17, v54;
	s24 =	sshra.s32 @p0 s3, $0x1  }
0x21e: {  	v12 =	vsel @p0 vm2, s2, v55;
	v55 =	vsel @p0 vm2, s4, v60;
	v54 =	vsel @p0 vm4, s20, v54;
	s21 =	sshrl.u32 @p0 s3, $0x1F;
	s16 =	sshra.s32 @p0 s3, $0x1F;
	s3 =	sld [smem:$0x79F]  }
0x21f: {  	s6 =	sshra.s32 s26, $0x1F;
	s20 =	sshrl.u32 @p0 s31, $0x1F;
	v55 =	vsel @p0 vm14, s8, v55;
	v54 =	vsel @p0 vm5, s18, v54;
	s4 =	sshra.s32 s9, $0x1F  }
0x220: {  	v55 =	vsel @p0 vm4, s1, v55;
	s1 =	sshra.s32 @p0 s0, $0x7;
	v54 =	vsel @p0 vm6, s21, v54;
	s21 =	sld [smem:$0x7A7];
	s4 =	smul.u32 $0x10624DD3, s4  }
0x221: {  	v55 =	vsel @p0 vm15, s11, v55;
	s11 =	smulhi.u32 $0x66666667, s26;
	v61 =	vsel @p0 vm7, s25, v54;
	s25 =	sld [smem:$0x7A9];
	s2 =	sshra.s32 @p0 s3, $0x7  }
0x222: {  	v10 =	vsel @p0 vm2, s7, v53;
	s7 =	sshrl.u32 @p0 s3, $0x1F;
	s5 =	sshra.s32 @p0 s3, $0x1F;
	s3 =	smulhi.u32 $0x10624DD3, s9;
	v55 =	vsel @p0 vm5, s22, v55;
	v58 =	vsel @p0 vm2, s2, v58  }
0x223: {  	s22 =	sld [smem:$0x7A8];
	s2 =	sshra.s32 @p0 s0, $0x1F;
	v55 =	vsel @p0 vm10, s19, v55;
	v58 =	vsel @p0 vm14, s5, v58;
	s5 =	sshrl.u32 @p0 s0, $0x1F  }
0x224: {  	vm9 =	vcmask $0x3734;
	s0 =	sld [smem:$0x7A3];
	v55 =	vsel @p0 vm6, s24, v55;
	s26 =	sshrl.u32 s25, $0x1F;
	v58 =	vsel @p0 vm4, s1, v58;
	s1 =	smul.u32 $0x66666667, s6  }
0x225: {  	s3 =	sadd.s32 s4, s3;
	s6 =	smulhi.u32 $0x66666667, s29;
	v55 =	vsel @p0 vm9, s16, v55;
	s16 =	sshra.s32 @p0 s31, $0x7  }
0x226: {  	s24 =	sshrl.u32 s22, $0x1F;
	s31 =	sshrl.u32 s14, $0x1F;
	v58 =	vsel @p0 vm15, s2, v58;
	s2 =	sld [smem:$0x7A5]  }
0x227: {  	v59 =	vsel @p0 vm2, s7, v59;
	v63 =	vsel @p0 vm7, s23, v55;
	v51 =	vmov s31;
	s23 =	sshrl.u32 s10, $0x1F;
	s31 =	sld [smem:$0x7AD];
	s7 =	sshra.s32 @p0 s0, $0x7  }
0x228: {  	s8 =	sshra.s32 @p0 s0, $0x1F;
	s9 =	sshrl.u32 @p0 s0, $0x1F;
	s0 =	sshra.s32 s29, $0x1F  }
0x229: {  	v59 =	vsel @p0 vm4, s5, v59;
	s29 =	sshrl.u32 s13, $0x1F;
	s13 =	sshra.s32 s13, $0x1;
	s1 =	sadd.s32 s1, s11  }
0x22a: {  	v58 =	vsel @p0 vm5, s7, v58;
	s7 =	smul.u32 $0x66666667, s0;
	v59 =	vsel @p0 vm5, s9, v59;
	s9 =	sshra.s32 s21, $0x1F;
	s0 =	sshrl.u32 s12, $0x1F  }
0x22b: {  	s12 =	sshra.s32 s12, $0x1;
	s17 =	sshra.s32 @p0 s2, $0x7;
	v58 =	vsel @p0 vm10, s8, v58;
	s8 =	sld [smem:$0x7A6]  }
0x22c: {  	v62 =	vmov s29;
	s18 =	sshrl.u32 @p0 s2, $0x1F;
	s19 =	sshra.s32 @p0 s2, $0x1F;
	v13 =	vmov s0;
	s0 =	sshrl.u32 s31, $0x1F;
	v58 =	vsel @p0 vm6, s17, v58  }
0x22d: {  	v54 =	vsel @p0 vm6, s18, v59;
	s18 =	sshra.s32 s22, $0x7;
	v59 =	vmov s26;
	s26 =	sld [smem:$0x7AC];
	v62 =	vsel vm0, s0, v62;
	s0 =	sshra.s32 s14, $0x7  }
0x22e: {  	v58 =	vsel @p0 vm9, s19, v58;
	v54 =	vsel @p0 vm7, s20, v54;
	s20 =	sld [smem:$0x7AB];
	s2 =	smulhi.u32 $0x10624DD3, s8;
	s5 =	sshra.s32 s8, $0x1F  }
0x22f: {  	s8 =	smulhi.u32 $0x66666667, s21;
	v55 =	vsel @p0 vm7, s16, v58;
	v58 =	vmov s24;
	s21 =	sld [smem:$0x7AA];
	s24 =	sshra.s32 s30, $0x1F  }
0x230: {  	v56 =	vcombine.low @p0 v56, v12;
	s19 =	sshra.s32 s25, $0x7;
	v53 =	vmov s24;
	s29 =	sshrl.u32 s26, $0x1F;
	s24 =	sld [smem:$0x7AF]  }
0x231: {  	v14 =	vmov s13;
	s13 =	sshra.s32 s26, $0x7;
	s26 =	sshra.s32 s10, $0x1;
	v59 =	vsel vm0, s29, v59;
	s29 =	sld [smem:$0x7B0]  }
0x232: {  	v56 =	vperm.xlane @p0 v56, v3;
	s25 =	sshra.s32 s20, $0x1F;
	v45 =	vsel vm3, s26, v53;
	s26 =	sld [smem:$0x7B4];
	s22 =	sshrl.u32 s21, $0x1F  }
0x233: {  	v61 =	vperm.xlane @p0 v61, v4;
	v60 =	vmov s18;
	s18 =	sshra.s32 s21, $0x7;
	s21 =	sshra.s32 s31, $0x1;
	v58 =	vsel vm0, s22, v58;
	s22 =	sld [smem:$0x7AE]  }
0x234: {  	v37 =	vmov s23;
	s14 =	sshra.s32 s14, $0x1F;
	v11 =	vmov s25;
	s25 =	sshrl.u32 s24, $0x1F;
	v50 =	vsel vm0, s21, v14;
	s21 =	sld [smem:$0x7B2]  }
0x235: {  	v51 =	vnsel vm3, $0x0, v51;
	v63 =	vperm.xlane @p0 v63, v4;
	v49 =	vmov s19;
	s16 =	sshra.s32 s24, $0x7;
	s24 =	sshra.s32 s10, $0x1F;
	s10 =	sld [smem:$0x7B3]  }
0x236: {  	v52 =	vnsel vm3, $0x0, v37;
	v49 =	vsel vm0, s13, v49;
	v47 =	vsel vm3, s0, v11;
	s31 =	sshrl.u32 s29, $0x1F;
	s17 =	sshra.s32 s29, $0x7;
	s29 =	sshrl.u32 s26, $0x1F  }
0x237: {  	v45 =	vsel vm11, s24, v45;
	s24 =	sshra.s32 s15, $0x1F;
	v47 =	vsel vm11, s14, v47;
	s14 =	sld [smem:$0x7B7];
	v49 =	vsel vm1, s17, v49;
	s17 =	sshra.s32 s26, $0x7  }
0x238: {  	v35 =	vmov s12;
	v60 =	vsel vm0, s18, v60;
	v59 =	vsel vm1, s31, v59;
	s31 =	sshrl.u32 s15, $0x1F;
	s26 =	sld [smem:$0x7B8];
	s23 =	sshrl.u32 s22, $0x1F  }
0x239: {  	v56 =	vsel @p0 vm8, v63, v56;
	v58 =	vsel vm1, s25, v58;
	v60 =	vsel vm1, s16, v60;
	s18 =	sshra.s32 s22, $0x1;
	s22 =	sshrl.u32 s21, $0x1F;
	s25 =	sshrl.u32 s10, $0x1F  }
0x23a: {  	v52 =	vsel vm0, s31, v52;
	s31 =	sshra.s32 s28, $0x1;
	s16 =	sshra.s32 s10, $0x1F;
	v46 =	vsel vm0, s23, v13;
	v48 =	vsel vm0, s18, v35;
	s18 =	sld [smem:$0x7B1]  }
0x23b: {  	v63 =	vmul.u32 @p0 $0x38, v1;
	v14 =	vsel vm2, s29, v58;
	s23 =	sshra.s32 s21, $0x1;
	v46 =	vsel vm1, s22, v46;
	s22 =	sshra.s32 s15, $0x1;
	s29 =	sshrl.u32 s26, $0x1F  }
0x23c: {  	v60 =	vsel vm2, s17, v60;
	s17 =	sshra.s32 s14, $0x1;
	v45 =	vsel vm0, s22, v45;
	s22 =	smul.u32 $0x66666667, s9;
	v58 =	vsel vm2, s29, v46;
	s29 =	sshrl.u32 s28, $0x1F  }
0x23d: {  	v54 =	vperm.xlane @p0 v54, v4;
	v55 =	vperm.xlane @p0 v55, v4;
	v51 =	vsel vm0, s25, v51;
	s19 =	sshrl.u32 s18, $0x1F;
	s13 =	sshra.s32 s18, $0x1;
	s18 =	sld [smem:$0x7B6]  }
0x23e: {  	s26 =	sshra.s32 s26, $0x1;
	v46 =	vcombine.low @p0 v10, v9;
	v45 =	vsel vm12, s24, v45;
	s24 =	sld [smem:$0x7B9];
	v52 =	vsel vm1, s29, v52;
	s29 =	sshra.s32 s3, $0x7  }
0x23f: {  	v48 =	vsel vm1, s23, v48;
	v62 =	vsel vm1, s19, v62;
	v50 =	vsel vm1, s13, v50;
	s13 =	sld [smem:$0x7B5];
	s19 =	sshrl.u32 s14, $0x1F;
	s0 =	sadd.s32 s22, s8  }
0x240: {  	s8 =	sshra.s32 s10, $0x7;
	v46 =	vperm.xlane @p0 v46, v3;
	v62 =	vsel vm2, s19, v62;
	v13 =	vsel vm2, s17, v50;
	s17 =	sshra.s32 s0, $0x1;
	s19 =	smul.u32 $0x10624DD3, s5  }
0x241: {  	v35 =	vsel vm2, s26, v48;
	v45 =	vsel vm1, s31, v45;
	v47 =	vsel vm0, s8, v47;
	s25 =	sshrl.u32 s18, $0x1F;
	s31 =	sshra.s32 s24, $0x1F;
	s14 =	sshrl.u32 s24, $0x1F  }
0x242: {  	v47 =	vsel vm12, s16, v47;
	v46 =	vsel @p0 vm8, v61, v46;
	s21 =	sshrl.u32 s13, $0x1F;
	s23 =	sshra.s32 s13, $0x7;
	v51 =	vsel vm1, s25, v51;
	s25 =	sshra.s32 s24, $0x1  }
0x243: {  	v61 =	vsub.s32 @p0 $0x0, v44;
	v1 =	vcombine.low v58, v62;
	s13 =	sshrl.u32 s3, $0x1F;
	s2 =	sadd.s32 s19, s2;
	v24 =	vsel vm2, s21, v59;
	s21 =	sshra.s32 s28, $0x1F  }
0x244: {  	v58 =	vsub.s32 $0x0, v43;
	s24 =	sld [smem:$0x7BA];
	v59 =	vsel vm2, s23, v49;
	s23 =	sadd.s32 s7, s6;
	s8 =	sshra.s32 s2, $0x7;
	v45 =	vsel vm13, s21, v45  }
0x245: {  	v52 =	vsel vm2, s14, v52;
	v48 =	vadd.s32 @p0 v46, v56;
	s11 =	sshra.s32 s2, $0x1F;
	s2 =	sshrl.u32 s2, $0x1F;
	s12 =	sshra.s32 s23, $0x1;
	v45 =	vsel vm2, s25, v45  }
0x246: {  	v51 =	vsel vm2, s13, v51;
	v56 =	vmul.u32 @p0 $0xFFFFFFFB, v48;
	s15 =	sshra.s32 s23, $0x1F;
	s4 =	sshrl.u32 s23, $0x1F;
	s21 =	sshra.s32 s18, $0x7;
	v45 =	vsel vm14, s31, v45  }
0x247: {  	s23 =	sshra.s32 s18, $0x1F;
	v51 =	vsel vm4, s2, v51;
	v47 =	vsel vm1, s21, v47;
	s25 =	smulhi.u32 $0x10624DD3, s24;
	s6 =	sshra.s32 s24, $0x1F;
	v45 =	vsel vm4, s12, v45  }
0x248: {  	s22 =	sshra.s32 s0, $0x1F;
	s0 =	sshrl.u32 s0, $0x1F;
	v52 =	vsel vm4, s4, v52;
	v47 =	vsel vm13, s23, v47;
	s28 =	smul.u32 $0x10624DD3, s6;
	v45 =	vsel vm15, s15, v45  }
0x249: {  	s26 =	sshra.s32 s1, $0x1;
	s3 =	sshra.s32 s3, $0x1F;
	v52 =	vsel vm5, s0, v52;
	s31 =	sshrl.u32 s1, $0x1F;
	v47 =	vsel vm2, s29, v47;
	v45 =	vsel vm5, s17, v45  }
0x24a: {  	s10 =	sshrl.u32 s30, $0x1F;
	s0 =	sld [smem:$0x7BB];
	v52 =	vsel vm6, s31, v52;
	v47 =	vsel vm14, s3, v47;
	s9 =	sadd.s32 s28, s25;
	v45 =	vsel vm10, s22, v45  }
0x24b: {  	s1 =	sshra.s32 s1, $0x1F;
	v52 =	vsel vm7, s10, v52;
	v47 =	vsel vm4, s8, v47;
	s16 =	sshrl.u32 s9, $0x1F;
	v45 =	vsel vm6, s26, v45  }
0x24c: {  	s13 =	sshra.s32 s30, $0x1;
	v47 =	vsel vm15, s11, v47;
	v51 =	vsel vm5, s16, v51;
	v45 =	vsel vm9, s1, v45  }
0x24d: {  	s7 =	smulhi.u32 $0x10624DD3, s0;
	s12 =	sshra.s32 s0, $0x1F;
	s14 =	sshra.s32 s9, $0x7;
	vm9 =	vne.s32 @p0 v56, v61;
	v37 =	vsel vm7, s13, v45;
	v45 =	vimm.s32 $0x0  }
0x24e: {  	s15 =	sshra.s32 s9, $0x1F;
	s4 =	smul.u32 $0x10624DD3, s12;
	v47 =	vsel vm5, s14, v47;
	v56 =	vcombine.low @p0 v6, v5;
	v9 =	vsel vm9, $0xFFFFFFFF, v45  }
0x24f: {  	v47 =	vsel vm10, s15, v47;
	v61 =	vcombine.low @p0 v8, v7;
	v5 =	vcombine.low v35, v13;
	[tilespmem:$0x1FEC0] =	vst v9  }
0x250: {  	s0 =	sadd.s32 s4, s7;
	vm10 =	vlt.s32 @p0 v44, $0x1;
	v6 =	vperm.xlane v52, v4;
	v7 =	vcombine.low v24, v14;
	v46 =	vld [tilespmem:$0x1FEC0]  }
0x251: {  	v8 =	vcombine.low v59, v60;
	v14 =	vsub.s32 $0x0, v57;
	s17 =	sshra.s32 s0, $0x7;
	s18 =	sshrl.u32 s0, $0x1F;
	v56 =	vperm.xlane @p0 v56, v3  }
0x252: {  	v61 =	vperm.xlane @p0 v61, v3;
	v47 =	vsel vm6, s17, v47;
	v51 =	vsel vm6, s18, v51  }
0x253: {  	s19 =	sshrl.u32 s20, $0x1F;
	s0 =	sshra.s32 s0, $0x1F;
	vm9 =	vcmask $0x3734;
	v49 =	vperm.xlane v37, v4;
	v12 =	vperm.xlane v8, v3  }
0x254: {  	v47 =	vsel vm9, s0, v47;
	v51 =	vsel vm7, s19, v51;
	s19 =	simm.s32 $0x80;
	v9 =	vperm.xlane v7, v3  }
0x255: {  	v54 =	vsel @p0 vm8, v54, v56;
	v56 =	vbroadcast @p0 v63, $0x0;
	vm9 =	vnez.u8 v46;
	v46 =	vld.idx.msk @p0 [tilespmem:v0+s19+$0x0], $0xffff  }
0x256: {  	s16 =	simm.s32 $0x0;
	v55 =	vsel @p0 vm8, v55, v61;
	v61 =	vand.u32 @p0 $0x38, v41;
	vm9 =	vmand @p0 vm10, vm9  }
0x257: {  	v63 =	vld.idx.msk @p0 [tilespmem:v0+s16+$0x0], $0xffff;
	v41 =	vand.u32 @p0 $0x7, v41;
	v54 =	vadd.s32 @p0 v54, v55;
	v45 =	vsel @p0 vm9, $0xFFFFFFFF, v2  }
0x258: {  	v55 =	vadd.s32 @p0 v56, v61;
	v45 =	vadd.s32 @p0 v45, v48;
	v48 =	vmul.u32 @p0 $0xFFFFF830, v54  }
0x259: {  	v61 =	vsub.s32 @p0 $0x0, v42;
	v41 =	vor.u32 @p0 v41, v55;
	v56 =	vmul.u32 @p0 $0xFFFFFFFB, v45  }
0x25a: {  	vm10 =	vlt.s32 @p0 v42, $0x1;
	vm9 =	vne.s32 @p0 v48, v61;
	v45 =	vadd.s32 @p0 v46, v45  }
0x25b: {  	v46 =	vperm.xlane v1, v3;
	v48 =	vperm.xlane v5, v3;
	v42 =	vadd.s32 @p0 v56, v44  }
0x25c: {  	v44 =	vadd.s32 @p0 $0xFFFFFFFE, v45;
	vm9 =	vmand @p0 vm10, vm9;
	v42 =	vadd.s32 @p0 v63, v42  }
0x25d: {  	vm10 =	vgt.s32 @p0 v44, $0x0;
	v45 =	vsel @p0 vm9, $0xFFFFFFFF, v2;
	v46 =	vsel vm8, v6, v46  }
0x25e: {  	v48 =	vsel vm8, v49, v48;
	v44 =	vnsel @p0 vm10, $0x0, v44;
	v42 =	vadd.s32 @p0 $0xFFFFFFFE, v42  }
0x25f: {  	v45 =	vadd.s32 @p0 v45, v54;
	vm9 =	vgt.s32 @p0 v42, $0x0;
	v44 =	vmin.u32 @p0 v44, $0x7F  }
0x260: {  	v45 =	vshll.u32 @p0 v45, $0xE;
	v42 =	vnsel @p0 vm9, $0x0, v42;
	v44 =	vshll.u32 @p0 v44, $0x7  }
0x261: {  	s21 =	sshra.s32 s20, $0x7;
	v10 =	vadd.s32 v46, v48;
	v42 =	vmin.u32 @p0 v42, $0x7F;
	v44 =	vor.u32 @p0 v45, v44  }
0x262: {  	s22 =	rddreg [dreg:$0x7];
	s1 =	simm.s32 $0x100;
	v13 =	vsel vm7, s21, v47;
	v11 =	vmul.u32 $0xFFFFFFFB, v10;
	v42 =	vor.u32 @p0 v42, v44  }
0x263: {  	v37 =	vperm.xlane v51, v4;
	v51 =	vmov s22;
	v46 =	vperm.xlane v13, v4;
	[tilespmem:v41+s1+$0x0] =	vst.idx.msk @p0 $0xffff, v42  }
0x264: {  	v53 =	vmul.u32 $0x38, v51;
	vm9 =	vlt.s32 v57, $0x1;
	vm10 =	vne.s32 v11, v14;
	v35 =	vld.idx.msk [tilespmem:v39+s19+$0x0], $0xffff  }
0x265: {  	v50 =	vsel vm8, v37, v9;
	vm9 =	vmand vm9, vm10;
	v42 =	vsel vm8, v46, v12  }
0x266: {  	v60 =	vand.u32 $0x38, v40;
	v52 =	vsel vm9, $0xFFFFFFFF, v2;
	v41 =	vadd.s32 v50, v42;
	v54 =	vld.idx.msk [tilespmem:v39+s16+$0x0], $0xffff  }
0x267: {  	v55 =	vadd.s32 v52, v10;
	v42 =	vbroadcast v53, $0x0;
	v56 =	vmul.u32 $0xFFFFF830, v41  }
0x268: {  	v61 =	vand.u32 $0x7, v40;
	vm9 =	vlt.s32 v43, $0x1;
	v44 =	vmul.u32 $0xFFFFFFFB, v55  }
0x269: {  	v42 =	vadd.s32 v42, v60;
	vm10 =	vne.s32 v56, v58;
	v46 =	vadd.s32 v35, v55  }
0x26a: {  	v44 =	vadd.s32 v44, v57;
	v40 =	vor.u32 v61, v42;
	v46 =	vadd.s32 $0xFFFFFFFE, v46  }
0x26b: {  	vm9 =	vmand vm9, vm10;
	v39 =	vadd.s32 v54, v44;
	vm10 =	vgt.s32 v46, $0x0  }
0x26c: {  	v62 =	vsel vm9, $0xFFFFFFFF, v2;
	v39 =	vadd.s32 $0xFFFFFFFE, v39;
	v59 =	vnsel vm10, $0x0, v46  }
0x26d: {  	v41 =	vadd.s32 v62, v41;
	vm9 =	vgt.s32 v39, $0x0;
	v43 =	vmin.u32 v59, $0x7F  }
0x26e: {  	v41 =	vshll.u32 v41, $0xE;
	v39 =	vnsel vm9, $0x0, v39;
	v63 =	vshll.u32 v43, $0x7  }
0x26f: {  	v39 =	vmin.u32 v39, $0x7F;
	v41 =	vor.u32 v41, v63  }
0x270: {  	s30 =	simm.s32 $0x1A8;
	s24 =	simm.s32 $0xF00;
	v39 =	vor.u32 v39, v41  }
0x271: {  	s23 =	simm.s32 $0x32;
	s29 =	simm.s32 $0x7300;
	s15 =	rddreg [dreg:$0x0];
	[tilespmem:v40+s1+$0x0] =	vst.idx.msk $0xffff, v39  }
0x272: {  	[tilespmem:s24], [sflag:$0x1] =	stream.indirect.gather [hbm4b:s15+s23], $0x100, s1, s23, $0xb8;
	[tilespmem:$0x19F00] =	vst v63  }
0x273: {  	s25 =	simm.s32 $0x138;
	s26 =	simm.s32 $0x4100;
	s14 =	sld [smem:$0x7FB]  }
0x274: {  	[tilespmem:s26], [sflag:$0x2] =	stream.indirect.gather [hbm4b:s15+s23], $0x100, s25, s23, $0xb8;
	[tilespmem:$0x19F00] =	vst v63  }
0x275: {  	s31 =	simm.s32 $0xA500;
	s28 =	simm.s32 $0x170;
	s17 =	sld [smem:$0x7FC]  }
0x276: {  	[tilespmem:s29], [sflag:$0x3] =	stream.indirect.gather [hbm4b:s15+s23], $0x100, s28, s23, $0xb8;
	[tilespmem:$0x19F00] =	vst v63  }
0x277: {  	s18 =	sld [smem:$0x7FD];
	s0 =	simm.s32 $0x0;
	s1 =	simm.s32 $0x0  }
0x278: {  	[tilespmem:s31], [sflag:$0x4] =	stream.indirect.gather [hbm4b:s15+s23], $0x100, s30, s23, $0xb8;
	[tilespmem:$0x19F00] =	vst v63  }
.LBB2_8:
0x279: {  	s6 =	sand.u32 $0x3, s1;
	s3 =	sand.u32 $0x1, s1  }
0x27a: {  	p0 =	slt.u32 s1, $0x4;
	s5 =	sshrl.u32 s1, $0x1;
	s8 =	sand.u32 $0x3, s0  }
0x27b: {  	s12 =	simm.s32 $0x0;
	s2 =	sadd.s32 $0x1, s6;
	s6 =	smul.u32 $0xC800, s6  }
0x27c: {  	p1 =	sne.s32 @!p0 s3, $0x0;
	s4 =	sand.u32 $0x1, s5;
	s11 =	smul.u32 $0xC800, s8  }
0x27d: {  	s8 =	sshll.u32 s1, $0x1;
	s9 =	sshll.u32 s3, $0x1;
	_ =	swait.ge [sflag:s2], $0x3200  }
0x27e: {  	p0 =	por p1, p0;
	s10 =	smul.u32 $0x19000, s4;
	[sflag:s2] =	ssyncset.done $0x0  }
0x27f: {  	p1 =	por $0x1, $0x1;
	s7 =	sadd.s32 @!p0 $0x5, s4;
	[sflag:s2] =	ssyncadd.s32 $0xFFFFCE00  }
0x280: {  	s6 =	sshrl.u32 s6, $0x2;
	s31 =	sshrl.u32 s11, $0x2;
	_ =	swait.ge @!p0 [sflag:s7], $0x6400  }
0x281: {  	s30 =	sshrl.u32 s10, $0x2;
	s6 =	sadd.s32 $0xF00, s6;
	[sflag:s7] =	ssyncset.done @!p0 $0x0  }
0x282: {  	s10 =	sadd.s32 $0x1B00, s31;
	[sflag:s7] =	ssyncadd.s32 @!p0 $0xFFFF9C00;
	s7 =	sadd.s32 $0xD700, s30  }
.LBB2_9:
0x283: {  	s11 =	sor.u32 s8, s12  }
0x284: {  	v39 =	vmov s11;
	_ =	sdelay $0x4  }
0x285: {  	s11 =	simm.s32 $0x0;
	v40 =	vld.idx.msk [tilespmem:v39+s19+$0x0], $0xffff  }
0x286: {  	s13 =	sor.u32 s9, s12;
	v39 =	vld.idx.msk [tilespmem:v39+s11+$0x0], $0xffff  }
0x287: {  	v56 =	vld [tilespmem:$0x1FEE0];
	v41 =	vmov s13  }
0x288: {  	v57 =	vld [tilespmem:$0x1FEF0];
	v54 =	vmul.u32 $0x1900, v41  }
0x289: {  	v58 =	vld [tilespmem:$0x1FF00]  }
0x28a: {  	v0 =	vimm.f32 $1.000000000e+00;
	v59 =	vld [tilespmem:$0x1FF10];
	v50 =	vbroadcast v54, $0x0;
	vm9 =	veq.s32 v40, $0x0  }
0x28b: {  	v60 =	vld [tilespmem:$0x1FF20];
	v55 =	vsel vm9, $0x0, v0;
	vm9 =	veq.s32 v39, $0x0  }
0x28c: {  	v61 =	vld [tilespmem:$0x1FF30];
	v42 =	vsel vm9, $0x0, v0;
	v0 =	vor.u32 v56, v50  }
0x28d: {  	v62 =	vld [tilespmem:$0x1FF40];
	[tilespmem:$0x1FE40] =	vst v0;
	v0 =	vor.u32 v57, v50  }
0x28e: {  	v63 =	vld [tilespmem:$0x1FF50];
	[tilespmem:$0x1FE50] =	vst v0;
	v0 =	vor.u32 v58, v50  }
0x28f: {  	[tilespmem:$0x1FE60] =	vst v0;
	v0 =	vor.u32 v59, v50  }
0x290: {  	[tilespmem:$0x1FE70] =	vst v0;
	v0 =	vor.u32 v60, v50  }
0x291: {  	s31 =	smul.u32 $0x6400, s12;
	[tilespmem:$0x1FE80] =	vst v0;
	v0 =	vor.u32 v61, v50  }
0x292: {  	[tilespmem:$0x1FE90] =	vst v0;
	v0 =	vor.u32 v62, v50  }
0x293: {  	s12 =	sshra.s32 s31, $0x2;
	v25 =	vmul.f32 $6.000000240e-01, v55;
	v40 =	vmul.f32 $4.000000060e-01, v55;
	[tilespmem:$0x1FEA0] =	vst v0;
	v0 =	vor.u32 v63, v50  }
0x294: {  	p0 =	por p1, p1;
	s12 =	sadd.s32 s12, s10;
	v41 =	vmul.f32 $6.000000240e-01, v42;
	v42 =	vmul.f32 $4.000000060e-01, v42;
	[tilespmem:$0x1FEB0] =	vst v0  }
.LBB2_10:
0x295: {  	v51 =	vld [tilespmem:s12+$0xFFFFF400]  }
0x296: {  	v52 =	vld [tilespmem:s12+$0xFFFFF900]  }
0x297: {  	v58 =	vld [tilespmem:s12+$0xFFFFFE00]  }
0x298: {  	v53 =	vld [tilespmem:s12+$0x300]  }
0x299: {  	v54 =	vld [tilespmem:s12+$0x800]  }
0x29a: {  	v55 =	vld [tilespmem:s12+$0xFFFFF500]  }
0x29b: {  	v56 =	vld [tilespmem:s12+$0xFFFFFA00]  }
0x29c: {  	v59 =	vld [tilespmem:s12+$0xFFFFFF00]  }
0x29d: {  	v57 =	vld [tilespmem:s12+$0x400]  }
0x29e: {  	v60 =	vld [tilespmem:s12+$0x900];
	v63 =	vmul.f32 v51, v25;
	v0 =	vmul.f32 v52, v40  }
0x29f: {  	v62 =	vld [tilespmem:s12+$0xFFFFFB00];
	v52 =	vmul.f32 $8.000000110e-01, v52;
	v1 =	vmul.f32 $2.000000030e-01, v58  }
0x2a0: {  	v2 =	vld [tilespmem:s12+$0x0];
	v39 =	vmul.f32 $8.000000110e-01, v53;
	v53 =	vmul.f32 $4.000000060e-01, v53  }
0x2a1: {  	v5 =	vld [tilespmem:s12+$0x500];
	v43 =	vmul.f32 $6.000000240e-01, v54;
	v44 =	vmul.f32 v55, v25  }
0x2a2: {  	v6 =	vld [tilespmem:s12+$0xA00];
	v45 =	vmul.f32 v56, v40;
	v56 =	vmul.f32 $8.000000110e-01, v56  }
0x2a3: {  	v8 =	vld [tilespmem:s12+$0xFFFFF700];
	v47 =	vmul.f32 $2.000000030e-01, v59;
	v9 =	vmul.f32 $8.000000110e-01, v57  }
0x2a4: {  	v50 =	vld [tilespmem:s12+$0x600];
	v48 =	vmul.f32 $4.000000060e-01, v57;
	v49 =	vmul.f32 $6.000000240e-01, v60  }
0x2a5: {  	v13 =	vld [tilespmem:s12+$0xB00];
	v4 =	vmul.f32 v62, v40;
	v35 =	vmul.f32 $8.000000110e-01, v62  }
0x2a6: {  	v14 =	vld [tilespmem:s12+$0xFFFFF800];
	v62 =	vmul.f32 $2.000000030e-01, v2;
	v37 =	vmul.f32 $8.000000110e-01, v5  }
0x2a7: {  	v46 =	vld [tilespmem:s12+$0xFFFFFC00];
	v5 =	vmul.f32 $4.000000060e-01, v5;
	v6 =	vmul.f32 $6.000000240e-01, v6;
	v0 =	vadd.f32 v0, v63  }
0x2a8: {  	v10 =	vld [tilespmem:s12+$0x100];
	v8 =	vmul.f32 v8, v25;
	v7 =	vadd.f32 v1, v52;
	v1 =	vadd.f32 v39, v1  }
0x2a9: {  	v11 =	vld [tilespmem:s12+$0x700];
	v57 =	vmul.f32 $4.000000060e-01, v50;
	v3 =	vadd.f32 v43, v53;
	v12 =	vadd.f32 v45, v44  }
0x2aa: {  	v61 =	vld [tilespmem:s12+$0xFFFFF600];
	v13 =	vmul.f32 $6.000000240e-01, v13;
	v60 =	vadd.f32 v47, v56;
	v9 =	vadd.f32 v9, v47  }
0x2ab: {  	[tilespmem:$0x1FE10] =	vst v2;
	v14 =	vmul.f32 v14, v25;
	v55 =	vadd.f32 v49, v48;
	v2 =	vadd.f32 v62, v35  }
0x2ac: {  	v54 =	vadd.f32 v37, v62;
	v53 =	vadd.f32 v6, v5;
	v43 =	vmul.f32 $8.000000110e-01, v46  }
0x2ad: {  	v44 =	vmul.f32 $2.000000030e-01, v10;
	v56 =	vadd.f32 v13, v57;
	v52 =	vadd.s32 s11, v17  }
0x2ae: {  	v39 =	vld [tilespmem:s12+$0xFFFFFD00];
	v49 =	vmul.f32 $8.000000110e-01, v11;
	v11 =	vmul.f32 $4.000000060e-01, v11;
	v37 =	vand.u32 $0x3FF8, v52  }
0x2af: {  	[tilespmem:$0x1FE20] =	vst v3;
	v3 =	vmul.f32 v61, v25;
	v5 =	vadd.f32 v44, v43;
	v0 =	vmul.f32 v0, v41  }
0x2b0: {  	v45 =	vld [tilespmem:s12+$0xC00];
	v51 =	vmul.f32 v12, v42;
	v12 =	vmul.f32 $8.000000110e-01, v12;
	v43 =	vadd.s32 s11, v20  }
0x2b1: {  	v7 =	vmul.f32 v7, v41;
	v52 =	vmovc v34;
	v34 =	vmovc v28;
	v28 =	vmov v20;
	v20 =	vadd.s32 s11, v21  }
0x2b2: {  	v61 =	vadd.f32 v4, v3;
	v4 =	vmul.f32 v46, v40;
	v46 =	vmul.f32 $8.000000110e-01, v50  }
0x2b3: {  	v3 =	vld [tilespmem:s12+$0x200];
	v0 =	vadd.f32 v51, v0;
	v20 =	vand.u32 $0x3FF8, v20;
	v47 =	vmul.f32 v39, v40  }
0x2b4: {  	v4 =	vadd.f32 v4, v8;
	v6 =	vadd.f32 v46, v44;
	v46 =	vand.u32 $0x3FF8, v43;
	v43 =	vld [tilespmem:$0x1FE80]  }
0x2b5: {  	v24 =	vld [tilespmem:$0x1FE40];
	v15 =	vmul.f32 $8.000000110e-01, v39;
	v50 =	vmul.f32 $6.000000240e-01, v45;
	v8 =	vadd.f32 v47, v14  }
0x2b6: {  	v13 =	vmovc v17;
	v39 =	vadd.s32 s11, v16;
	v35 =	vmul.f32 $2.000000030e-01, v61;
	v17 =	vmul.f32 $8.000000110e-01, v4  }
0x2b7: {  	v51 =	vmovc v16;
	v11 =	vadd.f32 v50, v11;
	v4 =	vmul.f32 $4.000000060e-01, v4;
	v8 =	vmul.f32 $6.000000240e-01, v8  }
0x2b8: {  	v16 =	vadd.s32 s11, v18;
	v44 =	vmovc v33;
	v33 =	vmovc v27;
	v14 =	vand.u32 $0x3FF8, v39;
	v12 =	vadd.f32 v35, v12  }
0x2b9: {  	v27 =	vmovc v19;
	v48 =	vmul.f32 $2.000000030e-01, v3;
	[tilespmem:$0x1FE30] =	vst v11;
	v4 =	vadd.f32 v8, v4;
	v8 =	vadd.s32 v43, v46;
	v46 =	vld [tilespmem:$0x1FE90]  }
0x2ba: {  	v11 =	vadd.s32 v24, v37;
	v37 =	vmovc v26;
	v26 =	vmovc v18;
	v18 =	vadd.s32 s11, v19;
	v19 =	vmul.f32 v60, v42  }
0x2bb: {  	v15 =	vadd.f32 v48, v15;
	v57 =	vadd.f32 v49, v48;
	v48 =	vadd.s32 s11, v22  }
0x2bc: {  	v17 =	vadd.f32 v17, v35;
	v35 =	vmovc v29;
	v29 =	vmovc v21;
	v21 =	vadd.s32 s11, v23;
	v49 =	vld [tilespmem:$0x1FE50];
	v7 =	vadd.f32 v19, v7  }
0x2bd: {  	v30 =	vmovc v22;
	v45 =	vld [tilespmem:$0x1FE60];
	v22 =	vmul.f32 $8.000000110e-01, v5;
	v5 =	vmul.f32 $4.000000060e-01, v5;
	v63 =	vand.u32 $0x3FF8, v48  }
0x2be: {  	v50 =	vld [tilespmem:$0x1FE70];
	v15 =	vmul.f32 $6.000000240e-01, v15;
	v48 =	vmovc v32;
	v19 =	vadd.s32 v46, v20;
	v20 =	vmul.f32 $8.000000110e-01, v60  }
0x2bf: {  	v39 =	vld [tilespmem:$0x1FEA0];
	v32 =	vmovc v31;
	v60 =	vadd.s32 s11, v31;
	v31 =	vmovc v23;
	v23 =	vmul.f32 v59, v42;
	v59 =	vmul.f32 $8.000000110e-01, v59  }
0x2c0: {  	v58 =	vmul.f32 v58, v41;
	v16 =	vand.u32 $0x3FF8, v16;
	v5 =	vadd.f32 v15, v5;
	v15 =	vld [tilespmem:$0x1FF60]  }
0x2c1: {  	v47 =	vmul.f32 $2.000000030e-01, v2;
	[tilespmem:v11+s7+$0x0] =	vst.idx.msk $0xffff, v0;
	v14 =	vadd.s32 v49, v14;
	v0 =	vadd.f32 v62, v59;
	v59 =	vld [tilespmem:$0x1FF80]  }
0x2c2: {  	v1 =	vmul.f32 v1, v41;
	v3 =	vmul.f32 $6.000000240e-01, v3;
	v16 =	vadd.s32 v45, v16  }
0x2c3: {  	v18 =	vand.u32 $0x3FF8, v18;
	v22 =	vadd.f32 v22, v47;
	v20 =	vadd.f32 v47, v20;
	v47 =	vld [tilespmem:$0x1FEB0]  }
0x2c4: {  	v21 =	vand.u32 $0x3FF8, v21;
	v18 =	vadd.s32 v50, v18;
	v23 =	vadd.f32 v23, v58;
	v58 =	vld [tilespmem:$0x1FF70]  }
0x2c5: {  	v63 =	vadd.s32 v39, v63;
	v60 =	vand.u32 $0x3FF8, v60;
	v15 =	vadd.s32 s11, v15  }
0x2c6: {  	v15 =	vand.u32 $0x3FF8, v15;
	[tilespmem:v14+s7+$0x0] =	vst.idx.msk $0xffff, v12;
	v11 =	vadd.s32 s11, v59;
	v59 =	vmul.f32 $8.000000110e-01, v10  }
0x2c7: {  	v60 =	vadd.s32 v24, v60;
	v15 =	vadd.s32 v49, v15;
	[tilespmem:v16+s7+$0x0] =	vst.idx.msk $0xffff, v61;
	v16 =	vadd.s32 s11, v37  }
0x2c8: {  	v21 =	vadd.s32 v47, v21;
	v10 =	vmul.f32 $4.000000060e-01, v10;
	v12 =	vadd.f32 v59, v62;
	v62 =	vld [tilespmem:$0x1FF90]  }
0x2c9: {  	v58 =	vadd.s32 s11, v58;
	[tilespmem:v18+s7+$0x0] =	vst.idx.msk $0xffff, v17;
	v17 =	vmul.f32 $8.000000110e-01, v6;
	v6 =	vmul.f32 $4.000000060e-01, v6  }
0x2ca: {  	v58 =	vand.u32 $0x3FF8, v58;
	v11 =	vand.u32 $0x3FF8, v11;
	[tilespmem:v8+s7+$0x0] =	vst.idx.msk $0xffff, v4;
	v59 =	vmul.f32 v9, v42  }
0x2cb: {  	v58 =	vadd.s32 v45, v58;
	v11 =	vadd.s32 v50, v11;
	v3 =	vadd.f32 v3, v10  }
0x2cc: {  	[tilespmem:v19+s7+$0x0] =	vst.idx.msk $0xffff, v7;
	v9 =	vmul.f32 $8.000000110e-01, v9;
	v1 =	vadd.f32 v59, v1;
	v59 =	vadd.s32 s11, v38  }
0x2cd: {  	v18 =	vmovc v26;
	v26 =	vmovc v37;
	[tilespmem:v63+s7+$0x0] =	vst.idx.msk $0xffff, v20;
	v37 =	vand.u32 $0x3FF8, v59;
	v59 =	vadd.s32 s11, v33;
	v10 =	vadd.s32 s11, v62  }
0x2ce: {  	[tilespmem:v21+s7+$0x0] =	vst.idx.msk $0xffff, v2;
	v7 =	vand.u32 $0x3FF8, v59;
	v62 =	vand.u32 $0x3FF8, v16;
	v61 =	vand.u32 $0x3FF8, v10  }
0x2cf: {  	[tilespmem:v60+s7+$0x0] =	vst.idx.msk $0xffff, v22;
	v16 =	vadd.s32 s11, v34;
	v4 =	vadd.s32 v43, v61;
	v61 =	vmul.f32 $2.000000030e-01, v54  }
0x2d0: {  	v59 =	vld [tilespmem:$0x1FFE0];
	v2 =	vadd.s32 v47, v7;
	[tilespmem:v15+s7+$0x0] =	vst.idx.msk $0xffff, v5;
	v8 =	vadd.s32 v46, v62;
	v62 =	vand.u32 $0x3FF8, v16  }
0x2d1: {  	v16 =	vadd.s32 s11, v35;
	[tilespmem:v58+s7+$0x0] =	vst.idx.msk $0xffff, v23;
	v58 =	vld [tilespmem:$0x1FE10];
	v14 =	vadd.f32 v17, v61;
	v17 =	vadd.s32 s11, v36  }
0x2d2: {  	v63 =	vand.u32 $0x3FF8, v16;
	v16 =	vadd.s32 s11, v44;
	v15 =	vand.u32 $0x3FF8, v17  }
0x2d3: {  	v10 =	vadd.s32 v39, v37;
	v7 =	vadd.f32 v61, v9;
	v9 =	vadd.s32 v45, v15;
	v15 =	vld [tilespmem:$0x1FFF0]  }
0x2d4: {  	v19 =	vmovc v27;
	v27 =	vmovc v33;
	v20 =	vmov v28;
	v28 =	vmov v34;
	v5 =	vadd.s32 v24, v62;
	v62 =	vld [tilespmem:$0x1FE20]  }
0x2d5: {  	v33 =	vmovc v44;
	v37 =	vmul.f32 $6.000000240e-01, v57;
	[tilespmem:v11+s7+$0x0] =	vst.idx.msk $0xffff, v0;
	v44 =	vmul.f32 $2.000000030e-01, v53;
	v57 =	vand.u32 $0x3FF8, v16;
	v16 =	vmovc v51;
	v51 =	vld [tilespmem:$0x1FFD0]  }
0x2d6: {  	v0 =	vadd.s32 v49, v63;
	v63 =	vmul.f32 v55, v42;
	v61 =	vadd.s32 s11, v59;
	[tilespmem:v4+s7+$0x0] =	vst.idx.msk $0xffff, v58  }
0x2d7: {  	v21 =	vmovc v29;
	v49 =	vadd.s32 s11, v52;
	v60 =	vadd.s32 v50, v57;
	v11 =	vand.u32 $0x3FF8, v61;
	[tilespmem:v8+s7+$0x0] =	vst.idx.msk $0xffff, v12  }
0x2d8: {  	v29 =	vmovc v35;
	v50 =	vand.u32 $0x3FF8, v49;
	v35 =	vadd.s32 v43, v11;
	[tilespmem:v10+s7+$0x0] =	vst.idx.msk $0xffff, v3;
	v43 =	vadd.s32 s11, v15  }
0x2d9: {  	v4 =	vadd.f32 v37, v6;
	v8 =	vmul.f32 v62, v41;
	v62 =	vld [tilespmem:$0x1FE30];
	[tilespmem:v2+s7+$0x0] =	vst.idx.msk $0xffff, v1;
	v45 =	vand.u32 $0x3FF8, v43  }
0x2da: {  	v34 =	vmovc v52;
	v37 =	vmul.f32 $8.000000110e-01, v55;
	v52 =	vadd.s32 s11, v51;
	[tilespmem:v5+s7+$0x0] =	vst.idx.msk $0xffff, v7;
	v2 =	vadd.s32 v46, v45  }
0x2db: {  	v55 =	vadd.s32 v39, v50;
	v58 =	vadd.s32 s11, v48;
	v57 =	vand.u32 $0x3FF8, v52;
	[tilespmem:v0+s7+$0x0] =	vst.idx.msk $0xffff, v54  }
0x2dc: {  	v8 =	vadd.f32 v63, v8;
	v7 =	vand.u32 $0x3FF8, v58;
	v5 =	vadd.s32 v47, v57;
	[tilespmem:v9+s7+$0x0] =	vst.idx.msk $0xffff, v14  }
0x2dd: {  	p1 =	sne.s32 s11, $0x1770;
	v59 =	vadd.f32 v44, v37;
	v7 =	vadd.s32 v24, v7;
	[tilespmem:v60+s7+$0x0] =	vst.idx.msk $0xffff, v4;
	v60 =	vmul.f32 $8.000000110e-01, v56  }
.Ltmp3:
0x2de: {  	v61 =	vmul.f32 $4.000000060e-01, v56;
	[tilespmem:v35+s7+$0x0] =	vst.idx.msk $0xffff, v8;
	v8 =	vmul.f32 $6.000000240e-01, v62;
	(pc) =	sbr.rel @p1 .LBB2_10-.Ltmp3, $4  }
0x2df: {  	v1 =	vadd.f32 v60, v44;
	[tilespmem:v2+s7+$0x0] =	vst.idx.msk $0xffff, v59  }
0x2e0: {  	v63 =	vadd.f32 v8, v61;
	[tilespmem:v55+s7+$0x0] =	vst.idx.msk $0xffff, v53  }
0x2e1: {  	[tilespmem:v5+s7+$0x0] =	vst.idx.msk $0xffff, v1  }
0x2e2: {  	s12 =	sadd.s32 $0x10, s12;
	v22 =	vmovc v30;
	v23 =	vmovc v31;
	v31 =	vmov v32;
	v32 =	vmov v48;
	v17 =	vmov v13;
	s11 =	sadd.s32 $0x190, s11;
	[tilespmem:v7+s7+$0x0] =	vst.idx.msk $0xffff, v63  }
.Ltmp4:
0x2e3: {  	(pc) =	sbr.rel @p0 .LBB2_9-.Ltmp4, $2  }
0x2e4: {  	_ =	sdelay $0x2  }
0x2e5: {  	s12 =	simm.s32 $0x1;
	p1 =	por $0x0, $0x0  }
0x2e6: {  	p0 =	seq.s32 s3, $0x0  }
0x2e7: {  	s3 =	sshll.u32 @!p0 s5, $0x2  }
0x2e8: {  	s3 =	sadd.s32 @!p0 s14, s3  }
0x2e9: {  	s3 =	smul.u32 @!p0 $0x1900, s3  }
0x2ea: {  	s5 =	sadd.s32 $0x4, s1  }
0x2eb: {  	s4 =	sadd.s32 @!p0 $0x5, s4;
	s8 =	simm.s32 @!p0 $0x0;
	s3 =	sshrl.u32 @!p0 s3, $0x3  }
0x2ec: {  	s1 =	sadd.s32 $0x1, s1;
	p1 =	sge.u32 s5, s18;
	s3 =	sadd.s32 @!p0 s17, s3  }
0x2ed: {  	[hbm4b:s3+s8] =	stream.linear.scatter @!p0 [tilespmem:s7], [sflag:s4], $0x6400, $0x38;
	[tilespmem:$0x19F00] =	vst v63  }
0x2ee: {  	s5 =	smul.u32 @!p1 $0xE0, s5;
	p0 =	sne.s32 s1, s18  }
.Ltmp5:
0x2ef: {  	_ = 	snop;
	(pc) =	sbr.rel @p0 .LBB2_8-.Ltmp5, $4  }
0x2f0: {  	_ = 	snop  }
0x2f1: {  	s3 =	sshra.s32 @!p1 s5, $0x2  }
0x2f2: {  	s0 =	sadd.s32 $0x1, s0;
	s4 =	simm.s32 @!p1 $0x32;
	s3 =	sadd.s32 @!p1 $0x100, s3  }
0x2f3: {  	[tilespmem:s6], [sflag:s2] =	stream.indirect.gather @!p1 [hbm4b:s15+s4], $0x100, s3, s4, $0xb8;
	[tilespmem:$0x19F00] =	vst v63  }
0x2f4: {  	s0 =	simm.s32 $0x6  }
0x2f5: {  	_ =	swait.ge [sflag:s0], $0x6400  }
0x2f6: {  	[sflag:s0] =	ssyncset.done $0x0  }
0x2f7: {  	s1 =	simm.s32 $0x5;
	[sflag:s0] =	ssyncadd.s32 $0xFFFF9C00  }
0x2f8: {  	_ =	swait.ge [sflag:s1], $0x6400  }
0x2f9: {  	s2 =	sld [smem:$0x7F7]  }
0x2fa: {  	s31 =	sld [smem:$0x7FA];
	_ =	sdelay $0x1  }
0x2fb: {  	s2 =	sadd.s32 $0x1, s2  }
0x2fc: {  	p0 =	sne.s32 s2, s31  }
.Ltmp6:
0x2fd: {  	_ = 	snop;
	(pc) =	sbr.rel @p0 .LBB2_1-.Ltmp6, $4  }
.Ltmp7:
0x2fe: {  	_ = 	snop;
	(pc) =	sbr.rel @!p0 .LBB2_14-.Ltmp7, $4  }
0x2ff: {  	v0 =	vld [tilespmem:$0x1FFA0]  }
0x300: {  	[sflag:s1] =	ssyncset.done $0x0;
	v3 =	vld [tilespmem:$0x1FFB0]  }
0x301: {  	v1 =	vlaneseq.u32;
	v2 =	vimm.s32 $0x0;
	v4 =	vld [tilespmem:$0x1FFC0];
	[sflag:s1] =	ssyncadd.s32 $0xFFFF9C00  }
0x302: {  	_ = 	snop  }
.LBB2_2:
0x303: {  	_ = 	snop  }
0x304: {  	_ = 	snop  }
0x305: {  	_ = 	snop  }
0x306: {  	_ = 	snop  }
0x307: {  	_ = 	snop  }
0x308: {  	_ = 	snop  }
0x309: {  	_ = 	snop  }
0x30a: {  	_ = 	snop  }
0x30b: {  	_ = 	snop  }
0x30c: {  	_ = 	snop  }
0x30d: {  	_ = 	snop  }
0x30e: {  	_ = 	snop  }
0x30f: {  	_ = 	snop  }
0x310: {  	_ = 	snop  }
0x311: {  	_ = 	snop  }
0x312: {  	_ = 	snop  }
0x313: {  	_ = 	snop  }
0x314: {  	_ = 	snop  }
0x315: {  	_ = 	snop  }
0x316: {  	_ = 	snop  }
0x317: {  	_ = 	snop  }
0x318: {  	_ = 	snop  }
0x319: {  	_ = 	snop  }
0x31a: {  	_ = 	snop  }
0x31b: {  	_ = 	snop  }
0x31c: {  	_ = 	snop  }
0x31d: {  	_ = 	snop  }
0x31e: {  	_ = 	snop  }
0x31f: {  	_ = 	snop  }
0x320: {  	_ = 	snop  }
0x321: {  	_ = 	snop  }
0x322: {  	_ = 	snop  }
0x323: {  	_ = 	snop  }
0x324: {  	_ = 	snop  }
0x325: {  	_ = 	snop  }
0x326: {  	_ = 	snop  }
0x327: {  	_ = 	snop  }
0x328: {  	_ = 	snop  }
0x329: {  	_ = 	snop  }
.Ltmp8:
0x32a: {  	(pc) =	sbr.rel .LBB2_7-.Ltmp8, $4  }
0x32b: {  	_ = 	snop  }
0x32c: {  	_ = 	snop  }
0x32d: {  	s31 =	simm.s32 $0x0  }
0x32e: {  	v43 =	vmov v42;
	v40 =	vmov v41;
	vm10 =	vcmask $0x2F2C;
	[dreg:$0x7] =	wrdreg s31  }
.LBB2_4:
0x32f: {  	[smem:$0x7DE] =	sst s14  }
0x330: {  	[smem:$0x7DF] =	sst s19  }
0x331: {  	[smem:$0x7E0] =	sst s30  }
0x332: {  	[smem:$0x7E1] =	sst s26  }
0x333: {  	[smem:$0x7E2] =	sst s24  }
0x334: {  	s26 =	sld [smem:$0x7F3]  }
0x335: {  	[dreg:$0x10] =	wrdreg s18  }
0x336: {  	[dreg:$0xf] =	wrdreg s13  }
0x337: {  	[dreg:$0xe] =	wrdreg s20  }
0x338: {  	[dreg:$0xd] =	wrdreg s7  }
0x339: {  	[dreg:$0xc] =	wrdreg s10  }
0x33a: {  	[dreg:$0xb] =	wrdreg s12  }
0x33b: {  	[dreg:$0x9] =	wrdreg s23  }
0x33c: {  	[dreg:$0x8] =	wrdreg s25  }
0x33d: {  	[dreg:$0x13] =	wrdreg s6  }
0x33e: {  	[dreg:$0x5] =	wrdreg s29  }
0x33f: {  	[dreg:$0x4] =	wrdreg s11  }
0x340: {  	s7 =	rddreg [dreg:$0x1f]  }
0x341: {  	s18 =	sld [smem:$0x7E5]  }
.Ltmp9:
0x342: {  	s30 =	sld [smem:$0x7E6];
	(pc) =	sbr.rel .LBB2_7-.Ltmp9, $4  }
0x343: {  	s12 =	smov.u32 s9;
	s0 =	simm.s32 $0x0;
	s24 =	sld [smem:$0x7F1]  }
0x344: {  	s29 =	simm.s32 $0x0;
	s4 =	smov.u32 s31;
	s19 =	sld [smem:$0x7EF]  }
0x345: {  	s20 =	smov.u32 s5;
	s14 =	smov.u32 s16;
	[smem:$0x7E3] =	sst s0  }
0x346: {  	v0 =	vmov v39;
	v39 =	vmov v46;
	vm10 =	vcmask $0x2F2C;
	s5 =	smov.u32 s22;
	s16 =	smov.u32 s15;
	[dreg:$0x7] =	wrdreg s29  }
.LBB2_14:
0x347: {  	_ =	sfence.sel $0x180000  }
0x348: {  	[bflag:$0x0] =	sbarrier.arrive $0xFFFF  }
0x349: {  	_ =	strace $0x9000004D  }
0x34a: {  	s0 =	stileid.u32;
	[bflag:$0x2] =	sbarrier.arrive $0xFFFF  }
0x34b: {  	p0 =	sne.s32 s0, $0x0;
	s0 =	rddreg [dreg:$0x2]  }
0x34c: {  	s0 =	sadd.s32 @!p0 $0x100000, s0  }
0x34d: {  	[sflag:s0] =	ssyncadd.tile.s32 @!p0 $0x1;
	_ =	shalt  }
.Lfunc_end2:
_tile_overlayer_lowered:
.L_overlay_start_2:
0x34e: {  	(tag) =	ssettag $0x2  }
0x34f: {  	s0 =	rddreg [dreg:$0x0];
	s2 =	stileid.u32  }
0x350: {  	s1 =	rddreg [dreg:$0x1];
	p0 =	sne.s32 s2, $0x0  }
0x351: {  	s3 =	rddreg [dreg:$0x2];
	[bflag:$0x3] =	sbarrier.arrive $0xFFFF;
	s2 =	simm.s32 @!p0 $0x1C07  }
0x352: {  	[timem:s3], [sflag:s2] =	dma.local @!p0 [hbm:s0], s1  }
0x353: {  	s0 =	simm.s32 @!p0 $0x7  }
0x354: {  	_ =	swait.ge @!p0 [sflag:s0], s1  }
0x355: {  	s1 =	ssub.s32 @!p0 $0x0, s1;
	[sflag:s0] =	ssyncset.done @!p0 $0x0  }
0x356: {  	[sflag:s0] =	ssyncadd.s32 @!p0 s1  }
0x357: {  	[bflag:$0x3] =	sbarrier.arrive $0xFFFF  }
0x358: {  	_ =	shalt  }

// kernel: sparse-core-data-format-call.1.cloned.1.call-start
scs
called_computation.1_lowered:
.L_overlay_start_0:
0x0: {  	s2 =	sld [smem:$0x3FD9]  }
0x1: {  	s3 =	sld [smem:$0x3FFE];
	_ =	sdelay $0x1  }
0x2: {  	s1 =	srdreg.scid  }
0x3: {  	s0 =	sand.u32 $0x1, s1  }
0x4: {  	s18 =	sshll.u32 s0, $0xA;
	s2 =	sadd.s32 s3, s2  }
0x5: {  	s2 =	sadd.s32 s2, s18  }
0x6: {  	[smem:$0x3FC6] =	sst s2  }
0x7: {  	_ = 	snop  }
0x8: {  	s2 =	sld [smem:$0x3FC9];
	(tm) =	ssettm $0x1  }
0x9: {  	s19 =	sld [smem:$0x3FFB];
	_ =	sdelay $0x3  }
0xa: {  	_ =	strace s19  }
0xb: {  	s3 =	sld [smem:$0x3FFC];
	_ =	sdelay $0x3  }
0xc: {  	_ =	strace s3  }
0xd: {  	s3 =	sld [smem:$0x3FFD];
	_ =	sdelay $0x3  }
0xe: {  	_ =	strace s3  }
0xf: {  	_ =	strace $0x8FFFFFFF  }
0x10: {  	s20 =	sld [smem:$0x3FDB];
	_ =	sdelay $0x1  }
0x11: {  	s4 =	simm.s32 $_scs_section_size  }
0x12: {  	s5 =	simm.s32 $_size__tile_overlayer_lowered;
	s6 =	simm.s32 $_tile_overlayer_lowered  }
0x13: {  	s23 =	simm.s32 $0x1BFF;
	s22 =	sshll.u32 s6, $0x1;
	s3 =	sadd.s32 s4, s20  }
0x14: {  	s7 =	simm.s32 $0x0;
	s21 =	sshll.u32 s5, $0x1;
	s5 =	sadd.s32 s22, s3  }
0x15: {  	[timem:s7], [sflag:s23] =	dma.local [hbm:s5], s21  }
0x16: {  	_ =	swait.ge [sflag:s23], s21  }
0x17: {  	s4 =	ssub.s32 $0x0, s21;
	[sflag:s23] =	ssyncset.done $0x0  }
0x18: {  	[sflag:s23] =	ssyncadd.s32 s4;
	_ =	sdelay $0x1  }
0x19: {  	s24 =	simm.s32 $0x1B8B  }
0x1a: {  	_ =	swait.ge [sflag:s24], $0x1  }
0x1b: {  	[sflag:s24] =	ssyncset.done $0x0  }
0x1c: {  	s26 =	simm.s32 $0x1B8E;
	s25 =	sld [smem:$0x3FFE];
	[sflag:s24] =	ssyncadd.s32 $0xFFFFFFFF  }
0x1d: {  	s27 =	simm.s32 $execute0_lowered;
	[smem:$0x3FD2] =	sst s26  }
0x1e: {  	s5 =	sshll.u32 s27, $0x1;
	_ =	strace $0x80000046;
	[dreg:$0x1] =	wrdreg $0xFFFFFFFF  }
0x1f: {  	s28 =	simm.s32 $_size_execute0_lowered;
	s3 =	sadd.s32 s3, s5;
	[dreg:$0x0] =	wrdreg $0x0  }
0x20: {  	s5 =	sshll.u32 s28, $0x1;
	[dreg:$0x2] =	wrdreg s3  }
0x21: {  	[dreg:$0x3] =	wrdreg s5  }
0x22: {  	[dreg:$0x4] =	wrdreg $0xC0  }
0x23: {  	_ =	task [dreg:s7], $0x5FFFF  }
0x24: {  	[dreg:$0x1] =	wrdreg $0xFFFFFFFF  }
0x25: {  	[dreg:$0x0] =	wrdreg $0x60  }
0x26: {  	[dreg:$0x2] =	wrdreg s2  }
0x27: {  	[dreg:$0x3] =	wrdreg s25  }
0x28: {  	[dreg:$0x4] =	wrdreg $0x9  }
0x29: {  	_ =	task.clear_ibuf [dreg:s7], $0x5FFFF;
	_ =	strace $0x90000046  }
0x2a: {  	s29 =	simm.s32 $0x9;
	_ =	strace $0x80000048  }
0x2b: {  	_ =	swait.ge [sflag:s29], $0x1  }
0x2c: {  	[sflag:s29] =	ssyncadd.s32 $0xFFFFFFFF  }
0x2d: {  	_ =	strace $0x90000048  }
0x2e: {  	_ =	sfence  }
0x2f: {  	s30 =	sld [smem:$0x0];
	_ =	sdelay $0x2  }
0x30: {  	s31 =	sshll.u32 s1, $0xD;
	s1 =	sshrl.u32 s1, $0x2  }
0x31: {  	s3 =	sand.u32 $0x4000, s31;
	s1 =	sadd.s32 s1, s30  }
0x32: {  	s0 =	sor.u32 s3, s0;
	s1 =	sshll.u32 s1, $0x11  }
0x33: {  	s0 =	sor.u32 s1, s0  }
0x34: {  	s0 =	sadd.s32 $0x8F2B, s0  }
0x35: {  	[sflag:s0] =	ssyncadd.remote.s32 $0x1  }
0x36: {  	_ =	sfence.sel $0xFFFF  }
0x37: {  	[dreg:$0x0] =	wrdreg $0xFFFFFFFF;
	(pc) =	sbr.abs _section_cstart, $3  }
0x38: {  	[dreg:$0x1] =	wrdreg $0xFFFFFFFF  }
0x39: {  	_ =	task.clear_ibuf [dreg:s7], $0x2FFFF;
	_ =	strace $0x9FFFFFFF  }
0x3a: {  	(tm) =	ssettm $0x7FFFFFFF  }
0x3b: {  	_ =	shalt  }
tec
execute0_lowered:
.L_overlay_start_1:
0x0: {  	(tag) =	ssettag $0x1  }
0x1: {  	s0 =	stileid.u32;
	s2 =	rddreg [dreg:$0x0]  }
0x2: {  	s5 =	rddreg [dreg:$0x1];
	s8 =	srdreg.scid  }
0x3: {  	s31 =	simm.s32 $0x2;
	s16 =	simm.s32 $0x0;
	p0 =	por $0x0, $0x0  }
0x4: {  	s15 =	simm.s32 $0x0;
	s17 =	simm.s32 $0x0;
	s14 =	simm.s32 $0x0  }
0x5: {  	s1 =	sshll.u32 s0, $0x6;
	s3 =	sand.u32 $0x1, s0;
	s8 =	sshll.u32 s8, $0x4  }
0x6: {  	s5 =	sadd.s32 $0x1000, s5;
	s4 =	sand.u32 $0x80, s1;
	s1 =	rddreg [dreg:$0x2]  }
0x7: {  	s6 =	ssub.s32 $0x2, s3;
	_ =	strace $0x80000047;
	s7 =	ssub.s32 $0x100, s4  }
0x8: {  	s8 =	sand.u32 $0x10, s8;
	s9 =	sshrl.u32 s6, $0x1;
	s10 =	sshrl.u32 s7, $0x7  }
0x9: {  	s6 =	sand.u32 $0x1, s6;
	s7 =	sshrl.u32 s7, $0x8;
	s10 =	sand.u32 $0x1, s10  }
.Ltmp0:
0xa: {  	s6 =	sadd.s32 s6, s9;
	s7 =	sadd.s32 s7, s10;
	(pc) =	sbr.rel .LBB1_1-.Ltmp0, $4  }
0xb: {  	s13 =	smov.u32 s3;
	s8 =	sor.u32 s0, s8;
	s7 =	smul.u32 s7, s6  }
0xc: {  	s12 =	smov.u32 s4;
	s8 =	sshrl.u32 s8, $0x2;
	s6 =	simm.s32 $0x1  }
0xd: {  	s11 =	smov.u32 s8;
	[sflag:s6] =	ssyncpa.u1 $0x0;
	s7 =	sshll.u32 s7, $0x4  }
0xe: {  	s10 =	simm.s32 $0x800;
	[sflag:s31] =	ssyncpa.u1 $0x0;
	s9 =	sor.u32 $0x1, s7  }
.LBB1_4:
0xf: {  	v5 =	vld [tilespmem:s21+$0xFFFFFFD0];
	[tilespmem:s20+$0x2040 ss:$0x81] =	vst.msk $0xffff, v1  }
0x10: {  	v58 =	vld [tilespmem:s21+$0xFFFFFFE0];
	[tilespmem:s20+$0x2850 ss:$0x81] =	vst.msk $0xffff, v2  }
0x11: {  	s22 =	sshra.s32 s22, $0x2;
	v59 =	vld [tilespmem:s21+$0xFFFFFFF0];
	[tilespmem:s20+$0x3060 ss:$0x81] =	vst.msk $0xffff, v3  }
0x12: {  	v60 =	vld [tilespmem:s21+$0x0];
	[tilespmem:s20+$0x0 ss:$0x81] =	vst.msk $0xffff, v0;
	s19 =	sadd.s32 s22, s19  }
0x13: {  	v61 =	vld [tilespmem:s21+$0x10];
	[tilespmem:s19+$0x3870 ss:$0x81] =	vst.msk $0xffff, v4  }
0x14: {  	v62 =	vld [tilespmem:s21+$0x20];
	[tilespmem:s19+$0x810 ss:$0x81] =	vst.msk $0xffff, v5  }
0x15: {  	v63 =	vld [tilespmem:s21+$0xFFFFFFC0];
	[tilespmem:s19+$0x1020 ss:$0x81] =	vst.msk $0xffff, v58  }
0x16: {  	s17 =	sshll.u32 s17, $0x13;
	[tilespmem:s19+$0x1830 ss:$0x81] =	vst.msk $0xffff, v59  }
0x17: {  	s28 =	sand.u32 $0xF80, s15;
	s16 =	sshll.u32 s16, $0xC;
	s17 =	sadd.s32 s5, s17;
	[tilespmem:s19+$0x2040 ss:$0x81] =	vst.msk $0xffff, v60  }
0x18: {  	s29 =	sshrl.u32 s15, $0x3;
	s30 =	sand.u32 $0x7, s15;
	s17 =	sadd.s32 s28, s17;
	[tilespmem:s19+$0x2850 ss:$0x81] =	vst.msk $0xffff, v61  }
0x19: {  	s31 =	sand.u32 $0xF, s29;
	s15 =	sshll.u32 s30, $0x12;
	s16 =	sadd.s32 s16, s17;
	[tilespmem:s19+$0x3060 ss:$0x81] =	vst.msk $0xffff, v62  }
0x1a: {  	s15 =	sor.u32 $0x400, s15;
	s16 =	sadd.s32 s31, s16;
	[tilespmem:s19+$0x0 ss:$0x81] =	vst.msk $0xffff, v63  }
0x1b: {  	[hbm4b:s16+s15] =	stream.strided.scatter [tilespmem:s18], [sflag:$0x2], $0x4000, s10, s15, $0x20;
	[tilespmem:$0x10100] =	vst v63  }
.LBB1_5:
0x1c: {  	s18 =	sadd.s32 $0x8, s11  }
0x1d: {  	s15 =	sadd.s32 $0x100, s12;
	s19 =	smov.u32 s12;
	p2 =	sgt.s32 s18, $0x7F  }
0x1e: {  	s19 =	smov.u32 @p2 s15  }
0x1f: {  	s21 =	smov.u32 s13;
	s15 =	sadd.s32 $0x2, s13;
	p3 =	sgt.s32 s19, $0xFF  }
0x20: {  	s21 =	smov.u32 @p3 s15  }
0x21: {  	s18 =	smov.u32 @p2 s8;
	p2 =	sgt.s32 s21, $0x1  }
0x22: {  	p1 =	slt.u32 s14, $0x2;
	s21 =	smov.u32 @p2 s3;
	p2 =	sne.s32 s14, s9  }
.Ltmp1:
0x23: {  	s20 =	simm.s32 @!p1 $0x2;
	(pc) =	sbr.rel @!p2 .LBB1_6-.Ltmp1, $4  }
0x24: {  	s16 =	smov.u32 s11;
	s17 =	smov.u32 s13;
	_ =	swait.ge @!p1 [sflag:s20], $0x4000  }
0x25: {  	p0 =	por !p0, !p0;
	[sflag:s20] =	ssyncset.done @!p1 $0x0;
	s11 =	smov.u32 s18  }
0x26: {  	s19 =	smov.u32 @p3 s4;
	s15 =	smov.u32 s12;
	[sflag:s20] =	ssyncadd.s32 @!p1 $0xFFFFC000  }
0x27: {  	s12 =	smov.u32 s19;
	s14 =	sadd.s32 $0x1, s14;
	s13 =	smov.u32 s21  }
.LBB1_1:
0x28: {  	p1 =	sge.u32 s14, s7;
	s31 =	sadd.s32 $0xFFFFFFFF, s14  }
0x29: {  	s18 =	sxor.u32 @!p1 $0xFFFFFFFF, s14;
	s19 =	sshll.u32 @!p1 s13, $0x13;
	s20 =	sshll.u32 @!p1 s12, $0xB  }
0x2a: {  	s21 =	sshll.u32 @!p1 s11, $0x4;
	s18 =	sshll.u32 @!p1 s18, $0xE;
	s19 =	sadd.s32 @!p1 s2, s19  }
0x2b: {  	s21 =	sand.u32 @!p1 $0x7F0, s21;
	s18 =	sand.u32 @!p1 $0x4000, s18;
	s19 =	sadd.s32 @!p1 s20, s19  }
0x2c: {  	s20 =	simm.s32 @!p1 $0x80;
	s19 =	sadd.s32 @!p1 s21, s19;
	s21 =	simm.s32 @!p1 $0x4000  }
0x2d: {  	[tilespmem:s18], [sflag:$0x1] =	stream.strided.gather @!p1 [hbm4b:s19+s20], $0x4000, s21, s20, $0x38;
	[tilespmem:$0x10100] =	vst v63  }
0x2e: {  	p1 =	sge.u32 s31, s7  }
.Ltmp2:
0x2f: {  	_ = 	snop;
	(pc) =	sbr.rel @p1 .LBB1_5-.Ltmp2, $1  }
0x30: {  	_ =	sdelay $0x3  }
0x31: {  	s18 =	simm.s32 $0x1  }
0x32: {  	_ =	swait.ge [sflag:s6], $0x4000;
	s18 =	simm.s32 @!p0 $0x0  }
0x33: {  	[sflag:s6] =	ssyncset.done $0x0;
	s19 =	sshll.u32 s18, $0xE  }
0x34: {  	[sflag:s6] =	ssyncadd.s32 $0xFFFFC000;
	s21 =	sor.u32 $0x40, s19  }
0x35: {  	s18 =	smul.u32 $0x10200, s18;
	v0 =	vld [tilespmem:s21+$0x30]  }
0x36: {  	v3 =	vld [tilespmem:s21+$0xFFFFFFD0]  }
0x37: {  	s18 =	sshrl.u32 s18, $0x2;
	v4 =	vld [tilespmem:s21+$0xFFFFFFE0]  }
0x38: {  	v5 =	vld [tilespmem:s21+$0xFFFFFFF0];
	s19 =	sor.u32 $0x8000, s18  }
0x39: {  	s31 =	sand.u32 $0x1, s14;
	v1 =	vld [tilespmem:s21+$0x0];
	s20 =	sadd.s32 $0x0, s19  }
0x3a: {  	v2 =	vld [tilespmem:s21+$0x10];
	s18 =	smul.u32 $0x10200, s31;
	[tilespmem:s20+$0x3870 ss:$0x81] =	vst.msk $0xffff, v0  }
0x3b: {  	[tilespmem:s20+$0x810 ss:$0x81] =	vst.msk $0xffff, v3;
	v3 =	vld [tilespmem:s21+$0x20]  }
0x3c: {  	s18 =	sshrl.u32 s18, $0x2;
	v0 =	vld [tilespmem:s21+$0xFFFFFFC0];
	[tilespmem:s20+$0x1020 ss:$0x81] =	vst.msk $0xffff, v4;
	s21 =	sadd.s32 $0x80, s21  }
0x3d: {  	s22 =	simm.s32 $0x4;
	s23 =	simm.s32 $0x8;
	s18 =	sor.u32 $0x8000, s18;
	[tilespmem:s20+$0x1830 ss:$0x81] =	vst.msk $0xffff, v5;
	v4 =	vld [tilespmem:s21+$0x30]  }
.LBB1_3:
0x3e: {  	p1 =	sne.s32 s23, $0x1FC;
	v5 =	vld [tilespmem:s21+$0xFFFFFFD0];
	[tilespmem:s20+$0x2040 ss:$0x81] =	vst.msk $0xffff, v1  }
0x3f: {  	v6 =	vld [tilespmem:s21+$0xFFFFFFE0];
	[tilespmem:s20+$0x2850 ss:$0x81] =	vst.msk $0xffff, v2  }
0x40: {  	s24 =	sshra.s32 s22, $0x2;
	s22 =	smov.u32 s23;
	v7 =	vld [tilespmem:s21+$0xFFFFFFF0];
	[tilespmem:s20+$0x3060 ss:$0x81] =	vst.msk $0xffff, v3  }
.Ltmp3:
0x41: {  	v1 =	vld [tilespmem:s21+$0x0];
	[tilespmem:s20+$0x0 ss:$0x81] =	vst.msk $0xffff, v0;
	s20 =	sadd.s32 s24, s19;
	(pc) =	sbr.rel @p1 .LBB1_3-.Ltmp3, $4  }
0x42: {  	v2 =	vld [tilespmem:s21+$0x10];
	[tilespmem:s20+$0x3870 ss:$0x81] =	vst.msk $0xffff, v4  }
0x43: {  	[tilespmem:s20+$0x810 ss:$0x81] =	vst.msk $0xffff, v5;
	v3 =	vld [tilespmem:s21+$0x20]  }
0x44: {  	v0 =	vld [tilespmem:s21+$0xFFFFFFC0];
	[tilespmem:s20+$0x1020 ss:$0x81] =	vst.msk $0xffff, v6;
	s21 =	sadd.s32 $0x80, s21  }
0x45: {  	s23 =	sadd.s32 $0x4, s23;
	v4 =	vld [tilespmem:s21+$0x30];
	[tilespmem:s20+$0x1830 ss:$0x81] =	vst.msk $0xffff, v7  }
.Ltmp4:
0x46: {  	_ = 	snop;
	(pc) =	sbr.rel .LBB1_4-.Ltmp4, $1  }
0x47: {  	_ =	sdelay $0x3  }
.LBB1_6:
0x48: {  	_ =	sfence.sel $0x180000  }
0x49: {  	s2 =	simm.s32 $0x1;
	[bflag:$0x0] =	sbarrier.arrive $0xFFFF  }
0x4a: {  	s31 =	simm.s32 $0x2;
	[sflag:s2] =	ssyncpa.u1 $0x1  }
0x4b: {  	[sflag:s31] =	ssyncpa.u1 $0x1  }
0x4c: {  	p0 =	sne.s32 s0, $0x0;
	_ =	strace $0x90000047  }
0x4d: {  	s0 =	sadd.s32 @!p0 $0x100000, s1;
	[bflag:$0x2] =	sbarrier.arrive $0xFFFF  }
0x4e: {  	[sflag:s0] =	ssyncadd.tile.s32 @!p0 $0x1;
	_ =	shalt  }
.Lfunc_end1:
_tile_overlayer_lowered:
.L_overlay_start_2:
0x4f: {  	(tag) =	ssettag $0x2  }
0x50: {  	s0 =	rddreg [dreg:$0x0];
	s2 =	stileid.u32  }
0x51: {  	s1 =	rddreg [dreg:$0x1];
	p0 =	sne.s32 s2, $0x0  }
0x52: {  	s3 =	rddreg [dreg:$0x2];
	[bflag:$0x3] =	sbarrier.arrive $0xFFFF;
	s2 =	simm.s32 @!p0 $0x1C01  }
0x53: {  	[timem:s3], [sflag:s2] =	dma.local @!p0 [hbm:s0], s1  }
0x54: {  	s0 =	simm.s32 @!p0 $0x1  }
0x55: {  	_ =	swait.ge @!p0 [sflag:s0], s1  }
0x56: {  	s1 =	ssub.s32 @!p0 $0x0, s1;
	[sflag:s0] =	ssyncset.done @!p0 $0x0  }
0x57: {  	[sflag:s0] =	ssyncadd.s32 @!p0 s1  }
0x58: {  	[bflag:$0x3] =	sbarrier.arrive $0xFFFF  }
0x59: {  	_ =	shalt  }

// kernel: sparse-core-data-format-call.cloned.1.call-start
scs
called_computation_lowered:
.L_overlay_start_0:
0x0: {  	s2 =	sld [smem:$0x3FD9]  }
0x1: {  	s3 =	sld [smem:$0x3FFE];
	_ =	sdelay $0x1  }
0x2: {  	s1 =	srdreg.scid  }
0x3: {  	s0 =	sand.u32 $0x1, s1  }
0x4: {  	s18 =	sshll.u32 s0, $0xA;
	s2 =	sadd.s32 s3, s2  }
0x5: {  	s2 =	sadd.s32 s2, s18  }
0x6: {  	[smem:$0x3FC6] =	sst s2  }
0x7: {  	_ = 	snop  }
0x8: {  	s2 =	sld [smem:$0x3FD0];
	(tm) =	ssettm $0x1  }
0x9: {  	s19 =	sld [smem:$0x3FFB];
	_ =	sdelay $0x3  }
0xa: {  	_ =	strace s19  }
0xb: {  	s3 =	sld [smem:$0x3FFC];
	_ =	sdelay $0x3  }
0xc: {  	_ =	strace s3  }
0xd: {  	s3 =	sld [smem:$0x3FFD];
	_ =	sdelay $0x3  }
0xe: {  	_ =	strace s3  }
0xf: {  	_ =	strace $0x8FFFFFFF  }
0x10: {  	s20 =	sld [smem:$0x3FDB];
	_ =	sdelay $0x1  }
0x11: {  	s4 =	simm.s32 $_scs_section_size  }
0x12: {  	s5 =	simm.s32 $_size__tile_overlayer_lowered;
	s6 =	simm.s32 $_tile_overlayer_lowered  }
0x13: {  	s23 =	simm.s32 $0x1BFF;
	s22 =	sshll.u32 s6, $0x1;
	s3 =	sadd.s32 s4, s20  }
0x14: {  	s7 =	simm.s32 $0x0;
	s21 =	sshll.u32 s5, $0x1;
	s5 =	sadd.s32 s22, s3  }
0x15: {  	[timem:s7], [sflag:s23] =	dma.local [hbm:s5], s21  }
0x16: {  	_ =	swait.ge [sflag:s23], s21  }
0x17: {  	s4 =	ssub.s32 $0x0, s21;
	[sflag:s23] =	ssyncset.done $0x0  }
0x18: {  	[sflag:s23] =	ssyncadd.s32 s4;
	_ =	sdelay $0x1  }
0x19: {  	s24 =	simm.s32 $0x1B8B  }
0x1a: {  	_ =	swait.ge [sflag:s24], $0x1  }
0x1b: {  	[sflag:s24] =	ssyncset.done $0x0  }
0x1c: {  	s26 =	simm.s32 $0x1B8E;
	s25 =	sld [smem:$0x3FFE];
	[sflag:s24] =	ssyncadd.s32 $0xFFFFFFFF  }
0x1d: {  	s27 =	simm.s32 $execute0_lowered;
	[smem:$0x3FD2] =	sst s26  }
0x1e: {  	s5 =	sshll.u32 s27, $0x1;
	_ =	strace $0x80000049;
	[dreg:$0x1] =	wrdreg $0xFFFFFFFF  }
0x1f: {  	s28 =	simm.s32 $_size_execute0_lowered;
	s3 =	sadd.s32 s3, s5;
	[dreg:$0x0] =	wrdreg $0x0  }
0x20: {  	s5 =	sshll.u32 s28, $0x1;
	[dreg:$0x2] =	wrdreg s3  }
0x21: {  	[dreg:$0x3] =	wrdreg s5  }
0x22: {  	[dreg:$0x4] =	wrdreg $0xC0  }
0x23: {  	_ =	task [dreg:s7], $0x5FFFF  }
0x24: {  	[dreg:$0x1] =	wrdreg $0xFFFFFFFF  }
0x25: {  	[dreg:$0x0] =	wrdreg $0x60  }
0x26: {  	[dreg:$0x2] =	wrdreg s25  }
0x27: {  	[dreg:$0x3] =	wrdreg s2  }
0x28: {  	[dreg:$0x4] =	wrdreg $0x9  }
0x29: {  	_ =	task.clear_ibuf [dreg:s7], $0x5FFFF;
	_ =	strace $0x90000049  }
0x2a: {  	s29 =	simm.s32 $0x9;
	_ =	strace $0x8000004B  }
0x2b: {  	_ =	swait.ge [sflag:s29], $0x1  }
0x2c: {  	[sflag:s29] =	ssyncadd.s32 $0xFFFFFFFF  }
0x2d: {  	_ =	strace $0x9000004B  }
0x2e: {  	_ =	sfence  }
0x2f: {  	s30 =	sld [smem:$0x0];
	_ =	sdelay $0x2  }
0x30: {  	s31 =	sshll.u32 s1, $0xD;
	s1 =	sshrl.u32 s1, $0x2  }
0x31: {  	s3 =	sand.u32 $0x4000, s31;
	s1 =	sadd.s32 s1, s30  }
0x32: {  	s0 =	sor.u32 s3, s0;
	s1 =	sshll.u32 s1, $0x11  }
0x33: {  	s0 =	sor.u32 s1, s0  }
0x34: {  	s0 =	sadd.s32 $0x8F2B, s0  }
0x35: {  	[sflag:s0] =	ssyncadd.remote.s32 $0x1  }
0x36: {  	_ =	sfence.sel $0xFFFF  }
0x37: {  	[dreg:$0x0] =	wrdreg $0xFFFFFFFF;
	(pc) =	sbr.abs _section_cstart, $3  }
0x38: {  	[dreg:$0x1] =	wrdreg $0xFFFFFFFF  }
0x39: {  	_ =	task.clear_ibuf [dreg:s7], $0x2FFFF;
	_ =	strace $0x9FFFFFFF  }
0x3a: {  	(tm) =	ssettm $0x7FFFFFFF  }
0x3b: {  	_ =	shalt  }
tec
execute0_lowered:
.L_overlay_start_1:
0x0: {  	(tag) =	ssettag $0x1  }
0x1: {  	s0 =	srdreg.scid  }
0x2: {  	s1 =	sshll.u32 s0, $0x4  }
0x3: {  	s4 =	rddreg [dreg:$0x0];
	s0 =	stileid.u32;
	s1 =	sand.u32 $0x10, s1  }
0x4: {  	s2 =	rddreg [dreg:$0x1];
	s7 =	simm.s32 $0x1;
	s1 =	sor.u32 s0, s1  }
0x5: {  	s8 =	simm.s32 $0x2;
	s9 =	simm.s32 $0x0;
	s3 =	sshll.u32 s1, $0x3  }
0x6: {  	s12 =	simm.s32 $0x0;
	s11 =	simm.s32 $0x0;
	s6 =	ssub.s32 $0x1000, s3  }
.Ltmp0:
0x7: {  	s4 =	sadd.s32 $0x1000, s4;
	s5 =	sand.u32 $0xF8, s6;
	(pc) =	sbr.rel .LBB1_1-.Ltmp0, $4  }
0x8: {  	s1 =	rddreg [dreg:$0x2];
	_ =	strace $0x8000004A;
	p0 =	sne.s32 s5, $0x0  }
0x9: {  	s6 =	sshrl.u32 s6, $0x8;
	s5 =	simm.s32 $0x1;
	s7 =	simm.s32 @!p0 $0x0  }
0xa: {  	s10 =	smov.u32 s3;
	[sflag:s5] =	ssyncpa.u1 $0x0;
	s6 =	sadd.s32 s7, s6  }
0xb: {  	[sflag:s8] =	ssyncpa.u1 $0x0;
	s8 =	simm.s32 $0x0;
	s7 =	sadd.s32 $0x1, s6  }
.LBB1_9:
0xc: {  	s14 =	sadd.s32 $0x100, s10  }
0xd: {  	p1 =	sgt.s32 s14, $0xFFF  }
0xe: {  	s14 =	smov.u32 @p1 s3;
	p1 =	sne.s32 s11, s7  }
.Ltmp1:
0xf: {  	p0 =	slt.u32 s11, $0x2;
	(pc) =	sbr.rel @!p1 .LBB1_10-.Ltmp1, $4  }
0x10: {  	s13 =	simm.s32 @!p0 $0x2  }
0x11: {  	s15 =	sadd.s32 $0x1, s11;
	_ =	swait.ge @!p0 [sflag:s13], $0x4000  }
0x12: {  	s12 =	smov.u32 s10;
	s9 =	sadd.s32 $0x4000, s9;
	[sflag:s13] =	ssyncset.done @!p0 $0x0  }
0x13: {  	s11 =	smov.u32 s15;
	s10 =	smov.u32 s14;
	[sflag:s13] =	ssyncadd.s32 @!p0 $0xFFFFC000  }
.LBB1_1:
0x14: {  	p0 =	sge.u32 s11, s6  }
0x15: {  	s13 =	sxor.u32 @!p0 $0xFFFFFFFF, s11  }
0x16: {  	s31 =	sadd.s32 $0xFFFFFFFF, s11;
	s14 =	sshll.u32 @!p0 s10, $0x8;
	s13 =	sshll.u32 @!p0 s13, $0xE  }
0x17: {  	s15 =	simm.s32 @!p0 $0x0;
	s14 =	sadd.s32 @!p0 s4, s14;
	s13 =	sand.u32 @!p0 $0x4000, s13  }
0x18: {  	[tilespmem:s13], [sflag:$0x1] =	stream.linear.gather @!p0 [hbm4b:s14+s15], $0x4000, $0x38;
	[tilespmem:$0x10000] =	vst v63  }
0x19: {  	p0 =	sge.u32 s31, s6  }
.Ltmp2:
0x1a: {  	_ = 	snop;
	(pc) =	sbr.rel @p0 .LBB1_9-.Ltmp2, $1  }
0x1b: {  	_ =	sdelay $0x3  }
0x1c: {  	s13 =	sshll.u32 s9, $0x2;
	_ =	swait.ge [sflag:s5], $0x4000;
	s14 =	sshll.u32 s11, $0xE  }
0x1d: {  	s16 =	simm.s32 $0x0;
	s17 =	simm.s32 $0x0;
	s15 =	sand.u32 $0x10000, s13  }
0x1e: {  	[sflag:s5] =	ssyncset.done $0x0;
	s31 =	sand.u32 $0x4000, s14;
	s14 =	sshrl.u32 s15, $0x2  }
0x1f: {  	[sflag:s5] =	ssyncadd.s32 $0xFFFFC000;
	s13 =	sor.u32 $0x8000, s31;
	s15 =	sor.u32 $0x8000, s14  }
.LBB1_3:
0x20: {  	s18 =	sshra.s32 s16, $0x2  }
0x21: {  	v0 =	vmov s18;
	_ =	sdelay $0x3  }
0x22: {  	p1 =	por $0x1, $0x1;
	s18 =	simm.s32 $0x0  }
.LBB1_4:
0x23: {  	_ = 	snop  }
0x24: {  	s19 =	sshll.u32 s18, $0xA  }
0x25: {  	s19 =	sand.u32 $0x3FFFFC00, s19  }
0x26: {  	s19 =	sadd.s32 s19, s14  }
0x27: {  	v5 =	vld.idx.msk [tilespmem:v0+s19+$0x70 ss:$0x1], $0xffff  }
0x28: {  	v6 =	vld.idx.msk [tilespmem:v0+s19+$0x10 ss:$0x1], $0xffff  }
0x29: {  	v7 =	vld.idx.msk [tilespmem:v0+s19+$0x20 ss:$0x1], $0xffff  }
0x2a: {  	s31 =	sshll.u32 s18, $0x7;
	v1 =	vld.idx.msk [tilespmem:v0+s19+$0x30 ss:$0x1], $0xffff  }
0x2b: {  	s18 =	sand.u32 $0x3FFFFF80, s31;
	v2 =	vld.idx.msk [tilespmem:v0+s19+$0x40 ss:$0x1], $0xffff  }
0x2c: {  	s18 =	sadd.s32 s18, s15;
	v3 =	vld.idx.msk [tilespmem:v0+s19+$0x50 ss:$0x1], $0xffff  }
0x2d: {  	v4 =	vld.idx.msk [tilespmem:v0+s19+$0x60 ss:$0x1], $0xffff;
	[tilespmem:v0+s18+$0x70 ss:$0x1] =	vst.idx.msk $0xffff, v5  }
0x2e: {  	v5 =	vld.idx.msk [tilespmem:v0+s19+$0x0 ss:$0x1], $0xffff;
	[tilespmem:v0+s18+$0x10 ss:$0x1] =	vst.idx.msk $0xffff, v6;
	s19 =	sadd.s32 $0x80, s19  }
0x2f: {  	p0 =	por p1, p1;
	s20 =	simm.s32 $0x6;
	[tilespmem:v0+s18+$0x20 ss:$0x1] =	vst.idx.msk $0xffff, v7;
	v6 =	vld.idx.msk [tilespmem:v0+s19+$0x70 ss:$0x1], $0xffff  }
.LBB1_5:
0x30: {  	p1 =	sne.s32 s20, $0x1;
	v7 =	vld.idx.msk [tilespmem:v0+s19+$0x10 ss:$0x1], $0xffff;
	[tilespmem:v0+s18+$0x30 ss:$0x1] =	vst.idx.msk $0xffff, v1  }
0x31: {  	v8 =	vld.idx.msk [tilespmem:v0+s19+$0x20 ss:$0x1], $0xffff;
	[tilespmem:v0+s18+$0x40 ss:$0x1] =	vst.idx.msk $0xffff, v2  }
0x32: {  	v1 =	vld.idx.msk [tilespmem:v0+s19+$0x30 ss:$0x1], $0xffff;
	[tilespmem:v0+s18+$0x50 ss:$0x1] =	vst.idx.msk $0xffff, v3  }
.Ltmp3:
0x33: {  	v2 =	vld.idx.msk [tilespmem:v0+s19+$0x40 ss:$0x1], $0xffff;
	[tilespmem:v0+s18+$0x60 ss:$0x1] =	vst.idx.msk $0xffff, v4;
	(pc) =	sbr.rel @p1 .LBB1_5-.Ltmp3, $4  }
0x34: {  	v3 =	vld.idx.msk [tilespmem:v0+s19+$0x50 ss:$0x1], $0xffff;
	[tilespmem:v0+s18+$0x0 ss:$0x1] =	vst.idx.msk $0xffff, v5;
	s18 =	sadd.s32 $0x100, s18  }
0x35: {  	v4 =	vld.idx.msk [tilespmem:v0+s19+$0x60 ss:$0x1], $0xffff;
	[tilespmem:v0+s18+$0x70 ss:$0x1] =	vst.idx.msk $0xffff, v6  }
0x36: {  	v5 =	vld.idx.msk [tilespmem:v0+s19+$0x0 ss:$0x1], $0xffff;
	[tilespmem:v0+s18+$0x10 ss:$0x1] =	vst.idx.msk $0xffff, v7;
	s19 =	sadd.s32 $0x80, s19  }
0x37: {  	s20 =	sadd.s32 $0xFFFFFFFF, s20;
	v6 =	vld.idx.msk [tilespmem:v0+s19+$0x70 ss:$0x1], $0xffff;
	[tilespmem:v0+s18+$0x20 ss:$0x1] =	vst.idx.msk $0xffff, v8  }
0x38: {  	_ =	sdelay $0x3  }
0x39: {  	[tilespmem:v0+s18+$0x30 ss:$0x1] =	vst.idx.msk $0xffff, v1  }
0x3a: {  	v1 =	vld.idx.msk [tilespmem:v0+s19+$0x10 ss:$0x1], $0xffff;
	[tilespmem:v0+s18+$0x40 ss:$0x1] =	vst.idx.msk $0xffff, v2  }
0x3b: {  	v2 =	vld.idx.msk [tilespmem:v0+s19+$0x20 ss:$0x1], $0xffff;
	[tilespmem:v0+s18+$0x50 ss:$0x1] =	vst.idx.msk $0xffff, v3  }
0x3c: {  	v61 =	vld.idx.msk [tilespmem:v0+s19+$0x40 ss:$0x1], $0xffff;
	[tilespmem:v0+s18+$0x60 ss:$0x1] =	vst.idx.msk $0xffff, v4  }
0x3d: {  	s31 =	sadd.s32 $0x100, s18;
	v62 =	vld.idx.msk [tilespmem:v0+s19+$0x50 ss:$0x1], $0xffff;
	[tilespmem:v0+s18+$0x0 ss:$0x1] =	vst.idx.msk $0xffff, v5  }
0x3e: {  	v63 =	vld.idx.msk [tilespmem:v0+s19+$0x60 ss:$0x1], $0xffff;
	[tilespmem:v0+s31+$0x70 ss:$0x1] =	vst.idx.msk $0xffff, v6  }
0x3f: {  	v3 =	vld.idx.msk [tilespmem:v0+s19+$0x30 ss:$0x1], $0xffff;
	[tilespmem:v0+s31+$0x10 ss:$0x1] =	vst.idx.msk $0xffff, v1  }
0x40: {  	v1 =	vld.idx.msk [tilespmem:v0+s19+$0x0 ss:$0x1], $0xffff;
	[tilespmem:v0+s31+$0x20 ss:$0x1] =	vst.idx.msk $0xffff, v2  }
.Ltmp4:
0x41: {  	[tilespmem:v0+s31+$0x40 ss:$0x1] =	vst.idx.msk $0xffff, v61;
	(pc) =	sbr.rel @p0 .LBB1_4-.Ltmp4, $4  }
0x42: {  	[tilespmem:v0+s31+$0x50 ss:$0x1] =	vst.idx.msk $0xffff, v62  }
0x43: {  	[tilespmem:v0+s31+$0x60 ss:$0x1] =	vst.idx.msk $0xffff, v63  }
0x44: {  	[tilespmem:v0+s31+$0x30 ss:$0x1] =	vst.idx.msk $0xffff, v3  }
0x45: {  	p1 =	por $0x0, $0x0;
	s18 =	simm.s32 $0x1;
	[tilespmem:v0+s31+$0x0 ss:$0x1] =	vst.idx.msk $0xffff, v1  }
0x46: {  	s17 =	sadd.s32 $0x1, s17  }
0x47: {  	p0 =	sne.s32 s17, $0x8  }
.Ltmp5:
0x48: {  	_ = 	snop;
	(pc) =	sbr.rel @p0 .LBB1_3-.Ltmp5, $2  }
0x49: {  	_ =	sdelay $0x2  }
0x4a: {  	s16 =	sadd.s32 $0x2000, s16  }
.Ltmp6:
0x4b: {  	(pc) =	sbr.rel .LBB1_9-.Ltmp6, $4  }
0x4c: {  	_ = 	snop  }
0x4d: {  	s12 =	sshll.u32 s12, $0x8  }
0x4e: {  	s12 =	sadd.s32 s2, s12  }
0x4f: {  	[hbm4b:s12+s8] =	stream.linear.scatter [tilespmem:s13], [sflag:$0x2], $0x4000, $0x38;
	[tilespmem:$0x10000] =	vst v63  }
.LBB1_10:
0x50: {  	_ =	sfence.sel $0x180000  }
0x51: {  	s2 =	simm.s32 $0x1;
	[bflag:$0x0] =	sbarrier.arrive $0xFFFF  }
0x52: {  	s31 =	simm.s32 $0x2;
	[sflag:s2] =	ssyncpa.u1 $0x1  }
0x53: {  	[sflag:s31] =	ssyncpa.u1 $0x1  }
0x54: {  	p0 =	sne.s32 s0, $0x0;
	_ =	strace $0x9000004A  }
0x55: {  	s0 =	sadd.s32 @!p0 $0x100000, s1;
	[bflag:$0x2] =	sbarrier.arrive $0xFFFF  }
0x56: {  	[sflag:s0] =	ssyncadd.tile.s32 @!p0 $0x1;
	_ =	shalt  }
.Lfunc_end1:
_tile_overlayer_lowered:
.L_overlay_start_2:
0x57: {  	(tag) =	ssettag $0x2  }
0x58: {  	s0 =	rddreg [dreg:$0x0];
	s2 =	stileid.u32  }
0x59: {  	s1 =	rddreg [dreg:$0x1];
	p0 =	sne.s32 s2, $0x0  }
0x5a: {  	s3 =	rddreg [dreg:$0x2];
	[bflag:$0x3] =	sbarrier.arrive $0xFFFF;
	s2 =	simm.s32 @!p0 $0x1C01  }
0x5b: {  	[timem:s3], [sflag:s2] =	dma.local @!p0 [hbm:s0], s1  }
0x5c: {  	s0 =	simm.s32 @!p0 $0x1  }
0x5d: {  	_ =	swait.ge @!p0 [sflag:s0], s1  }
0x5e: {  	s1 =	ssub.s32 @!p0 $0x0, s1;
	[sflag:s0] =	ssyncset.done @!p0 $0x0  }
0x5f: {  	[sflag:s0] =	ssyncadd.s32 @!p0 s1  }
0x60: {  	[bflag:$0x3] =	sbarrier.arrive $0xFFFF  }
0x61: {  	_ =	shalt  }

</sc_bundles>
